<compile_context>
chip_gen: v7x
topology: tpu7x:2x2x1
jax: 0.10.2.dev20260603
libtpu: 0.0.44.dev20260713+nightly
codegen_flags: <defaults>
</compile_context>

<pallas_src>
import functools

import jax
import jax.numpy as jnp
from jax import lax
from jax.experimental import pallas as pl
from jax.experimental.pallas import tpu as pltpu
from jax.experimental.pallas import tpu_sc as plsc

_B, _P, _F, _D = 16, 512, 2048, 512
_NC, _NS, _L = 2, 16, 16
_NW = _NC * _NS
_PER_W = (_B * _F) // _NW
_CH = 32
_NCH = _PER_W // _CH
_NBUF = 7


def _body(x_hbm, ind_hbm, out_hbm, mask_hbm,
          idx_v, mask_v, rows_v, gsem, osem):
    cid = lax.axis_index("c")
    sid = lax.axis_index("s")
    wid = sid * _NC + cid
    base = wid * _PER_W
    bb = base // _F

    pltpu.sync_copy(ind_hbm.at[pl.ds(base, _PER_W)], idx_v)

    gsems = [gsem.at[b] for b in range(_NBUF)]
    osems = [osem.at[b] for b in range(_NBUF)]
    gcp = [None] * _NBUF
    ocp = [None] * _NBUF
    la = _NBUF - 1

    def start_gather(c, b):
        return pltpu.async_copy(
            x_hbm.at[bb].at[idx_v.at[pl.ds(c * _CH, _CH)]],
            rows_v.at[b], gsems[b])

    for c in range(min(la, _NCH)):
        gcp[c % _NBUF] = start_gather(c, c % _NBUF)

    last_vec = jnp.full((_L,), _P - 1, dtype=jnp.int32)
    ones = jnp.full((_L,), 1, dtype=jnp.int32)
    zeros = jnp.full((_L,), 0, dtype=jnp.int32)

    def fix(j, carry):
        sl = pl.ds(j * _L, _L)
        mask_v[sl] = jnp.where(idx_v[sl] == last_vec, zeros, ones)
        return carry

    lax.fori_loop(0, _PER_W // _L, fix, 0)
    for c in range(_NCH):
        b = c % _NBUF
        if c + la < _NCH:
            tb = (c + la) % _NBUF
            if ocp[tb] is not None:
                ocp[tb].wait()
                ocp[tb] = None
            gcp[tb] = start_gather(c + la, tb)
        gcp[b].wait()
        ocp[b] = pltpu.async_copy(
            rows_v.at[b], out_hbm.at[pl.ds(base + c * _CH, _CH)], osems[b])
    pltpu.sync_copy(mask_v, mask_hbm.at[pl.ds(base, _PER_W)])
    for b in range(_NBUF):
        if ocp[b] is not None:
            ocp[b].wait()


_regulate = functools.partial(
    pl.kernel,
    out_type=[
        jax.ShapeDtypeStruct((_B * _F, _D), jnp.float32),
        jax.ShapeDtypeStruct((_B * _F,), jnp.int32),
    ],
    mesh=plsc.VectorSubcoreMesh(
        core_axis_name="c", subcore_axis_name="s",
        num_cores=_NC, num_subcores=_NS),
    scratch_types=[
        pltpu.VMEM((_PER_W,), jnp.int32),
        pltpu.VMEM((_PER_W,), jnp.int32),
        pltpu.VMEM((_NBUF, _CH, _D), jnp.float32),
        pltpu.SemaphoreType.DMA((_NBUF,)),
        pltpu.SemaphoreType.DMA((_NBUF,)),
    ],
)(_body)


def kernel(x, durations, val_ind):
    B, P, D = x.shape
    F = val_ind.shape[1]
    out, mask = _regulate(x, val_ind.reshape(B * F))
    return out.reshape(B, F, D), (mask.reshape(B, F, 1) != 0)

# --- scband reference (transcript-rebuilt; emitter-appended) ---
"""Pipeline reference for scband-length-regulator-12086037971108 (READ-ONLY COPY).

The authoritative reference and input builder live on the scoring server;
editing this copy changes nothing except your own understanding.
"""

import jax, jax.numpy as jnp
import numpy as np


def setup_inputs(seed: int = 0) -> dict:
    key = jax.random.key(seed)
    k1, k2, k3 = jax.random.split(key, 3)
    B, P, F, D = 16, 512, 2048, 512
    x = jax.random.normal(k1, (B, P, D), dtype=jnp.float32)
    durations = jax.random.randint(k2, (B, P), 0, 5, dtype=jnp.int32)
    val_ind = jnp.sort(jax.random.randint(k3, (B, F), 0, P, dtype=jnp.int32), axis=-1)
    return {"x": x, "durations": durations, "val_ind": val_ind}


def reference(x, durations, val_ind):
    # LengthRegulator.forward with val_ind provided (skips the data-dependent
    # duration-clipping python loop, as in the original when val_ind is not None).
    B, P, D = x.shape
    # ind = val_ind + MAX_PHONES * arange(BATCH_SIZE).unsqueeze(1)
    ind = val_ind + (P * jnp.arange(B, dtype=val_ind.dtype))[:, None]
    val = x.reshape((-1, D))
    # torch.nn.functional.embedding(ind, val) == gather rows of val by ind
    out = jnp.take(val, ind, axis=0)
    tgt_mask = (val_ind != P - 1)[..., None]
    return out, tgt_mask

if __name__ == "__main__":
    import jax
    _d = setup_inputs()
    print(jax.jit(kernel)(*tuple(_d.values())))

</pallas_src>

<mosaic_0001>
#map = affine_map<(d0, d1) -> (0, 0, 0)>
#map1 = affine_map<(d0, d1) -> (0)>
#map2 = affine_map<(d0, d1) -> (0, 0)>
module attributes {stable_mosaic.version = 14 : i64} {
  func.func @_body(%arg0: i32, %arg1: i32, %arg2: memref<16x512x512xf32, #tpu.memory_space<hbm>>, %arg3: memref<32768xi32, #tpu.memory_space<hbm>>, %arg4: memref<32768x512xf32, #tpu.memory_space<hbm>>, %arg5: memref<32768xi32, #tpu.memory_space<hbm>>, %arg6: memref<1024xi32, #tpu.memory_space<vmem>>, %arg7: memref<1024xi32, #tpu.memory_space<vmem>>, %arg8: memref<7x32x512xf32, #tpu.memory_space<vmem>>, %arg9: memref<7x!tpu.dma_semaphore, #tpu.memory_space<semaphore_mem>>, %arg10: memref<7x!tpu.dma_semaphore, #tpu.memory_space<semaphore_mem>>) attributes {dimension_semantics = [#tpu.dimension_semantics<core_parallel>, #tpu.dimension_semantics<subcore_parallel>], iteration_bounds = array<i64: 2, 16>, scalar_prefetch = 0 : i64, scratch_operands = 5 : i64, tpu.core_type = #tpu.core_type<sc_vector_subcore>, window_params = [{transform_indices = #map}, {transform_indices = #map1}, {transform_indices = #map2}, {transform_indices = #map1}]} {
    %mul3A = arith.constant 2 : i32
    %mul3A_0 = arith.muli %arg1, %mul3A : i32
    %add3A = arith.addi %mul3A_0, %arg0 : i32
    %mul3A_1 = arith.constant 1024 : i32
    %mul3A_2 = arith.muli %add3A, %mul3A_1 : i32
    %jit3A = arith.constant 2048 : i32
    %div3A = arith.divsi %mul3A_2, %jit3A : i32
    %sign3A = arith.constant 0 : i32
    %sign3A_3 = arith.cmpi sgt, %mul3A_2, %sign3A : i32
    %sign3A_4 = arith.extui %sign3A_3 : i1 to i32
    %sign3A_5 = arith.constant 0 : i32
    %sign3A_6 = arith.cmpi slt, %mul3A_2, %sign3A_5 : i32
    %sign3A_7 = arith.extui %sign3A_6 : i1 to i32
    %sign3A_8 = arith.subi %sign3A_4, %sign3A_7 : i32
    %sign3A_9 = arith.constant 0 : i32
    %sign3A_10 = arith.cmpi sgt, %jit3A, %sign3A_9 : i32
    %sign3A_11 = arith.extui %sign3A_10 : i1 to i32
    %sign3A_12 = arith.constant 0 : i32
    %sign3A_13 = arith.cmpi slt, %jit3A, %sign3A_12 : i32
    %sign3A_14 = arith.extui %sign3A_13 : i1 to i32
    %sign3A_15 = arith.subi %sign3A_11, %sign3A_14 : i32
    %ne3A = arith.cmpi ne, %sign3A_8, %sign3A_15 : i32
    %rem3A = arith.remsi %mul3A_2, %jit3A : i32
    %ne3A_16 = arith.constant 0 : i32
    %ne3A_17 = arith.cmpi ne, %rem3A, %ne3A_16 : i32
    %and3A = arith.andi %ne3A, %ne3A_17 : i1
    %sub3A = arith.constant 1 : i32
    %sub3A_18 = arith.subi %div3A, %sub3A : i32
    %select_n3A = arith.select %and3A, %sub3A_18, %div3A : i32
    "tpu.region"() ({
      %run_scoped3A = tpu.sem_alloc : memref<!tpu.dma_semaphore, #tpu.memory_space<semaphore_mem>>
      %dma_start3A_2203 = tpu.memref_slice %arg3[%mul3A_2] : memref<32768xi32, #tpu.memory_space<hbm>> -> memref<1024xi32, #tpu.memory_space<hbm>>
      %dma_start3A_2204 = tpu.memref_slice %arg3[%mul3A_2] : memref<32768xi32, #tpu.memory_space<hbm>> -> memref<1024xi32, #tpu.memory_space<hbm>>
      tpu.enqueue_dma source(%dma_start3A_2204 : memref<1024xi32, #tpu.memory_space<hbm>>) target(%arg6 : memref<1024xi32, #tpu.memory_space<vmem>>) target_semaphore(%run_scoped3A : memref<!tpu.dma_semaphore, #tpu.memory_space<semaphore_mem>>)
      %dma_wait3A_2205 = tpu.memref_slice %arg3[%mul3A_2] : memref<32768xi32, #tpu.memory_space<hbm>> -> memref<1024xi32, #tpu.memory_space<hbm>>
      %dma_wait3A_2206 = tpu.memref_slice %arg3[%mul3A_2] : memref<32768xi32, #tpu.memory_space<hbm>> -> memref<1024xi32, #tpu.memory_space<hbm>>
      tpu.wait_dma2 semaphore(%run_scoped3A : memref<!tpu.dma_semaphore, #tpu.memory_space<semaphore_mem>>) src(%dma_wait3A_2206 : memref<1024xi32, #tpu.memory_space<hbm>>) dst(%arg6 : memref<1024xi32, #tpu.memory_space<vmem>>)
      tpu.yield
    }) : () -> ()
    %dma_start3A = arith.constant 0 : i32
    %dma_start3A_19 = arith.constant 0 : i32
    %dma_start3A_20 = arith.constant 0 : i32
    %dma_start3A_21 = arith.constant 0 : i32
    %dma_start3A_22 = tpu.memref_slice %arg8[%dma_start3A, %dma_start3A_20, %dma_start3A_21] : memref<7x32x512xf32, #tpu.memory_space<vmem>> -> memref<1x32x512xf32, #tpu.memory_space<vmem>>
    %dma_start3A_23 = tpu.memref_squeeze %dma_start3A_22 : memref<1x32x512xf32, #tpu.memory_space<vmem>> -> memref<32x512xf32, #tpu.memory_space<vmem>>
    %dma_start3A_24 = arith.constant 0 : i32
    %dma_start3A_25 = tpu.memref_slice %arg6[%dma_start3A_24] : memref<1024xi32, #tpu.memory_space<vmem>> -> memref<32xi32, #tpu.memory_space<vmem>>
    %dma_start3A_26 = arith.constant 0 : i32
    %dma_start3A_27 = arith.constant 0 : i32
    %dma_start3A_28 = tpu.memref_slice %arg2[%select_n3A, %dma_start3A_26, %dma_start3A_27] : memref<16x512x512xf32, #tpu.memory_space<hbm>> -> memref<1x512x512xf32, #tpu.memory_space<hbm>>
    %dma_start3A_29 = tpu.memref_squeeze %dma_start3A_28 : memref<1x512x512xf32, #tpu.memory_space<hbm>> -> memref<512x512xf32, #tpu.memory_space<hbm>>
    %dma_start3A_30 = arith.constant 0 : i32
    %dma_start3A_31 = arith.constant 0 : i32
    %dma_start3A_32 = tpu.memref_slice %dma_start3A_29[%dma_start3A_30, %dma_start3A_31] : memref<512x512xf32, #tpu.memory_space<hbm>> -> memref<512x512xf32, #tpu.memory_space<hbm>>
    %dma_start3A_33 = tpu.memref_slice %arg9[%dma_start3A_19] : memref<7x!tpu.dma_semaphore, #tpu.memory_space<semaphore_mem>> -> memref<1x!tpu.dma_semaphore, #tpu.memory_space<semaphore_mem>>
    %dma_start3A_34 = tpu.memref_squeeze %dma_start3A_33 : memref<1x!tpu.dma_semaphore, #tpu.memory_space<semaphore_mem>> -> memref<!tpu.dma_semaphore, #tpu.memory_space<semaphore_mem>>
    tpu.enqueue_indirect_dma source(%dma_start3A_32 : memref<512x512xf32, #tpu.memory_space<hbm>>) target(%dma_start3A_23 : memref<32x512xf32, #tpu.memory_space<vmem>>) offsets(%dma_start3A_25 : memref<32xi32, #tpu.memory_space<vmem>>) semaphore(%dma_start3A_34 : memref<!tpu.dma_semaphore, #tpu.memory_space<semaphore_mem>>)
    %dma_start3A_35 = arith.constant 1 : i32
    %dma_start3A_36 = arith.constant 1 : i32
    %dma_start3A_37 = arith.constant 0 : i32
    %dma_start3A_38 = arith.constant 0 : i32
    %dma_start3A_39 = tpu.memref_slice %arg8[%dma_start3A_35, %dma_start3A_37, %dma_start3A_38] : memref<7x32x512xf32, #tpu.memory_space<vmem>> -> memref<1x32x512xf32, #tpu.memory_space<vmem>>
    %dma_start3A_40 = tpu.memref_squeeze %dma_start3A_39 : memref<1x32x512xf32, #tpu.memory_space<vmem>> -> memref<32x512xf32, #tpu.memory_space<vmem>>
    %dma_start3A_41 = arith.constant 32 : i32
    %dma_start3A_42 = tpu.memref_slice %arg6[%dma_start3A_41] : memref<1024xi32, #tpu.memory_space<vmem>> -> memref<32xi32, #tpu.memory_space<vmem>>
    %dma_start3A_43 = arith.constant 0 : i32
    %dma_start3A_44 = arith.constant 0 : i32
    %dma_start3A_45 = tpu.memref_slice %arg2[%select_n3A, %dma_start3A_43, %dma_start3A_44] : memref<16x512x512xf32, #tpu.memory_space<hbm>> -> memref<1x512x512xf32, #tpu.memory_space<hbm>>
    %dma_start3A_46 = tpu.memref_squeeze %dma_start3A_45 : memref<1x512x512xf32, #tpu.memory_space<hbm>> -> memref<512x512xf32, #tpu.memory_space<hbm>>
    %dma_start3A_47 = arith.constant 0 : i32
    %dma_start3A_48 = arith.constant 0 : i32
    %dma_start3A_49 = tpu.memref_slice %dma_start3A_46[%dma_start3A_47, %dma_start3A_48] : memref<512x512xf32, #tpu.memory_space<hbm>> -> memref<512x512xf32, #tpu.memory_space<hbm>>
    %dma_start3A_50 = tpu.memref_slice %arg9[%dma_start3A_36] : memref<7x!tpu.dma_semaphore, #tpu.memory_space<semaphore_mem>> -> memref<1x!tpu.dma_semaphore, #tpu.memory_space<semaphore_mem>>
    %dma_start3A_51 = tpu.memref_squeeze %dma_start3A_50 : memref<1x!tpu.dma_semaphore, #tpu.memory_space<semaphore_mem>> -> memref<!tpu.dma_semaphore, #tpu.memory_space<semaphore_mem>>
    tpu.enqueue_indirect_dma source(%dma_start3A_49 : memref<512x512xf32, #tpu.memory_space<hbm>>) target(%dma_start3A_40 : memref<32x512xf32, #tpu.memory_space<vmem>>) offsets(%dma_start3A_42 : memref<32xi32, #tpu.memory_space<vmem>>) semaphore(%dma_start3A_51 : memref<!tpu.dma_semaphore, #tpu.memory_space<semaphore_mem>>)
    %dma_start3A_52 = arith.constant 2 : i32
    %dma_start3A_53 = arith.constant 2 : i32
    %dma_start3A_54 = arith.constant 0 : i32
    %dma_start3A_55 = arith.constant 0 : i32
    %dma_start3A_56 = tpu.memref_slice %arg8[%dma_start3A_52, %dma_start3A_54, %dma_start3A_55] : memref<7x32x512xf32, #tpu.memory_space<vmem>> -> memref<1x32x512xf32, #tpu.memory_space<vmem>>
    %dma_start3A_57 = tpu.memref_squeeze %dma_start3A_56 : memref<1x32x512xf32, #tpu.memory_space<vmem>> -> memref<32x512xf32, #tpu.memory_space<vmem>>
    %dma_start3A_58 = arith.constant 64 : i32
    %dma_start3A_59 = tpu.memref_slice %arg6[%dma_start3A_58] : memref<1024xi32, #tpu.memory_space<vmem>> -> memref<32xi32, #tpu.memory_space<vmem>>
    %dma_start3A_60 = arith.constant 0 : i32
    %dma_start3A_61 = arith.constant 0 : i32
    %dma_start3A_62 = tpu.memref_slice %arg2[%select_n3A, %dma_start3A_60, %dma_start3A_61] : memref<16x512x512xf32, #tpu.memory_space<hbm>> -> memref<1x512x512xf32, #tpu.memory_space<hbm>>
    %dma_start3A_63 = tpu.memref_squeeze %dma_start3A_62 : memref<1x512x512xf32, #tpu.memory_space<hbm>> -> memref<512x512xf32, #tpu.memory_space<hbm>>
    %dma_start3A_64 = arith.constant 0 : i32
    %dma_start3A_65 = arith.constant 0 : i32
    %dma_start3A_66 = tpu.memref_slice %dma_start3A_63[%dma_start3A_64, %dma_start3A_65] : memref<512x512xf32, #tpu.memory_space<hbm>> -> memref<512x512xf32, #tpu.memory_space<hbm>>
    %dma_start3A_67 = tpu.memref_slice %arg9[%dma_start3A_53] : memref<7x!tpu.dma_semaphore, #tpu.memory_space<semaphore_mem>> -> memref<1x!tpu.dma_semaphore, #tpu.memory_space<semaphore_mem>>
    %dma_start3A_68 = tpu.memref_squeeze %dma_start3A_67 : memref<1x!tpu.dma_semaphore, #tpu.memory_space<semaphore_mem>> -> memref<!tpu.dma_semaphore, #tpu.memory_space<semaphore_mem>>
    tpu.enqueue_indirect_dma source(%dma_start3A_66 : memref<512x512xf32, #tpu.memory_space<hbm>>) target(%dma_start3A_57 : memref<32x512xf32, #tpu.memory_space<vmem>>) offsets(%dma_start3A_59 : memref<32xi32, #tpu.memory_space<vmem>>) semaphore(%dma_start3A_68 : memref<!tpu.dma_semaphore, #tpu.memory_space<semaphore_mem>>)
    %dma_start3A_69 = arith.constant 3 : i32
    %dma_start3A_70 = arith.constant 3 : i32
    %dma_start3A_71 = arith.constant 0 : i32
    %dma_start3A_72 = arith.constant 0 : i32
    %dma_start3A_73 = tpu.memref_slice %arg8[%dma_start3A_69, %dma_start3A_71, %dma_start3A_72] : memref<7x32x512xf32, #tpu.memory_space<vmem>> -> memref<1x32x512xf32, #tpu.memory_space<vmem>>
    %dma_start3A_74 = tpu.memref_squeeze %dma_start3A_73 : memref<1x32x512xf32, #tpu.memory_space<vmem>> -> memref<32x512xf32, #tpu.memory_space<vmem>>
    %dma_start3A_75 = arith.constant 96 : i32
    %dma_start3A_76 = tpu.memref_slice %arg6[%dma_start3A_75] : memref<1024xi32, #tpu.memory_space<vmem>> -> memref<32xi32, #tpu.memory_space<vmem>>
    %dma_start3A_77 = arith.constant 0 : i32
    %dma_start3A_78 = arith.constant 0 : i32
    %dma_start3A_79 = tpu.memref_slice %arg2[%select_n3A, %dma_start3A_77, %dma_start3A_78] : memref<16x512x512xf32, #tpu.memory_space<hbm>> -> memref<1x512x512xf32, #tpu.memory_space<hbm>>
    %dma_start3A_80 = tpu.memref_squeeze %dma_start3A_79 : memref<1x512x512xf32, #tpu.memory_space<hbm>> -> memref<512x512xf32, #tpu.memory_space<hbm>>
    %dma_start3A_81 = arith.constant 0 : i32
    %dma_start3A_82 = arith.constant 0 : i32
    %dma_start3A_83 = tpu.memref_slice %dma_start3A_80[%dma_start3A_81, %dma_start3A_82] : memref<512x512xf32, #tpu.memory_space<hbm>> -> memref<512x512xf32, #tpu.memory_space<hbm>>
    %dma_start3A_84 = tpu.memref_slice %arg9[%dma_start3A_70] : memref<7x!tpu.dma_semaphore, #tpu.memory_space<semaphore_mem>> -> memref<1x!tpu.dma_semaphore, #tpu.memory_space<semaphore_mem>>
    %dma_start3A_85 = tpu.memref_squeeze %dma_start3A_84 : memref<1x!tpu.dma_semaphore, #tpu.memory_space<semaphore_mem>> -> memref<!tpu.dma_semaphore, #tpu.memory_space<semaphore_mem>>
    tpu.enqueue_indirect_dma source(%dma_start3A_83 : memref<512x512xf32, #tpu.memory_space<hbm>>) target(%dma_start3A_74 : memref<32x512xf32, #tpu.memory_space<vmem>>) offsets(%dma_start3A_76 : memref<32xi32, #tpu.memory_space<vmem>>) semaphore(%dma_start3A_85 : memref<!tpu.dma_semaphore, #tpu.memory_space<semaphore_mem>>)
    %dma_start3A_86 = arith.constant 4 : i32
    %dma_start3A_87 = arith.constant 4 : i32
    %dma_start3A_88 = arith.constant 0 : i32
    %dma_start3A_89 = arith.constant 0 : i32
    %dma_start3A_90 = tpu.memref_slice %arg8[%dma_start3A_86, %dma_start3A_88, %dma_start3A_89] : memref<7x32x512xf32, #tpu.memory_space<vmem>> -> memref<1x32x512xf32, #tpu.memory_space<vmem>>
    %dma_start3A_91 = tpu.memref_squeeze %dma_start3A_90 : memref<1x32x512xf32, #tpu.memory_space<vmem>> -> memref<32x512xf32, #tpu.memory_space<vmem>>
    %dma_start3A_92 = arith.constant 128 : i32
    %dma_start3A_93 = tpu.memref_slice %arg6[%dma_start3A_92] : memref<1024xi32, #tpu.memory_space<vmem>> -> memref<32xi32, #tpu.memory_space<vmem>>
    %dma_start3A_94 = arith.constant 0 : i32
    %dma_start3A_95 = arith.constant 0 : i32
    %dma_start3A_96 = tpu.memref_slice %arg2[%select_n3A, %dma_start3A_94, %dma_start3A_95] : memref<16x512x512xf32, #tpu.memory_space<hbm>> -> memref<1x512x512xf32, #tpu.memory_space<hbm>>
    %dma_start3A_97 = tpu.memref_squeeze %dma_start3A_96 : memref<1x512x512xf32, #tpu.memory_space<hbm>> -> memref<512x512xf32, #tpu.memory_space<hbm>>
    %dma_start3A_98 = arith.constant 0 : i32
    %dma_start3A_99 = arith.constant 0 : i32
    %dma_start3A_100 = tpu.memref_slice %dma_start3A_97[%dma_start3A_98, %dma_start3A_99] : memref<512x512xf32, #tpu.memory_space<hbm>> -> memref<512x512xf32, #tpu.memory_space<hbm>>
    %dma_start3A_101 = tpu.memref_slice %arg9[%dma_start3A_87] : memref<7x!tpu.dma_semaphore, #tpu.memory_space<semaphore_mem>> -> memref<1x!tpu.dma_semaphore, #tpu.memory_space<semaphore_mem>>
    %dma_start3A_102 = tpu.memref_squeeze %dma_start3A_101 : memref<1x!tpu.dma_semaphore, #tpu.memory_space<semaphore_mem>> -> memref<!tpu.dma_semaphore, #tpu.memory_space<semaphore_mem>>
    tpu.enqueue_indirect_dma source(%dma_start3A_100 : memref<512x512xf32, #tpu.memory_space<hbm>>) target(%dma_start3A_91 : memref<32x512xf32, #tpu.memory_space<vmem>>) offsets(%dma_start3A_93 : memref<32xi32, #tpu.memory_space<vmem>>) semaphore(%dma_start3A_102 : memref<!tpu.dma_semaphore, #tpu.memory_space<semaphore_mem>>)
    %dma_start3A_103 = arith.constant 5 : i32
    %dma_start3A_104 = arith.constant 5 : i32
    %dma_start3A_105 = arith.constant 0 : i32
    %dma_start3A_106 = arith.constant 0 : i32
    %dma_start3A_107 = tpu.memref_slice %arg8[%dma_start3A_103, %dma_start3A_105, %dma_start3A_106] : memref<7x32x512xf32, #tpu.memory_space<vmem>> -> memref<1x32x512xf32, #tpu.memory_space<vmem>>
    %dma_start3A_108 = tpu.memref_squeeze %dma_start3A_107 : memref<1x32x512xf32, #tpu.memory_space<vmem>> -> memref<32x512xf32, #tpu.memory_space<vmem>>
    %dma_start3A_109 = arith.constant 160 : i32
    %dma_start3A_110 = tpu.memref_slice %arg6[%dma_start3A_109] : memref<1024xi32, #tpu.memory_space<vmem>> -> memref<32xi32, #tpu.memory_space<vmem>>
    %dma_start3A_111 = arith.constant 0 : i32
    %dma_start3A_112 = arith.constant 0 : i32
    %dma_start3A_113 = tpu.memref_slice %arg2[%select_n3A, %dma_start3A_111, %dma_start3A_112] : memref<16x512x512xf32, #tpu.memory_space<hbm>> -> memref<1x512x512xf32, #tpu.memory_space<hbm>>
    %dma_start3A_114 = tpu.memref_squeeze %dma_start3A_113 : memref<1x512x512xf32, #tpu.memory_space<hbm>> -> memref<512x512xf32, #tpu.memory_space<hbm>>
    %dma_start3A_115 = arith.constant 0 : i32
    %dma_start3A_116 = arith.constant 0 : i32
    %dma_start3A_117 = tpu.memref_slice %dma_start3A_114[%dma_start3A_115, %dma_start3A_116] : memref<512x512xf32, #tpu.memory_space<hbm>> -> memref<512x512xf32, #tpu.memory_space<hbm>>
    %dma_start3A_118 = tpu.memref_slice %arg9[%dma_start3A_104] : memref<7x!tpu.dma_semaphore, #tpu.memory_space<semaphore_mem>> -> memref<1x!tpu.dma_semaphore, #tpu.memory_space<semaphore_mem>>
    %dma_start3A_119 = tpu.memref_squeeze %dma_start3A_118 : memref<1x!tpu.dma_semaphore, #tpu.memory_space<semaphore_mem>> -> memref<!tpu.dma_semaphore, #tpu.memory_space<semaphore_mem>>
    tpu.enqueue_indirect_dma source(%dma_start3A_117 : memref<512x512xf32, #tpu.memory_space<hbm>>) target(%dma_start3A_108 : memref<32x512xf32, #tpu.memory_space<vmem>>) offsets(%dma_start3A_110 : memref<32xi32, #tpu.memory_space<vmem>>) semaphore(%dma_start3A_119 : memref<!tpu.dma_semaphore, #tpu.memory_space<semaphore_mem>>)
    %broadcast_in_dim3A = arith.constant 511 : i32
    %broadcast_in_dim3A_120 = vector.broadcast %broadcast_in_dim3A : i32 to vector<16xi32>
    %broadcast_in_dim3A_121 = arith.constant 1 : i32
    %broadcast_in_dim3A_122 = vector.broadcast %broadcast_in_dim3A_121 : i32 to vector<16xi32>
    %broadcast_in_dim3A_123 = arith.constant 0 : i32
    %broadcast_in_dim3A_124 = vector.broadcast %broadcast_in_dim3A_123 : i32 to vector<16xi32>
    %scan3A = arith.constant 0 : i32
    %scan3A_125 = arith.constant 0 : i32
    %scan3A_126 = arith.constant 64 : i32
    %scan3A_127 = arith.addi %scan3A_125, %scan3A_126 : i32
    %scan3A_128 = arith.constant 1 : i32
    scf.for %scan3A_2203 = %scan3A_125 to %scan3A_127 step %scan3A_128  : i32 {
      %mul3A_2204 = arith.constant 16 : i32
      %mul3A_2205 = arith.muli %scan3A_2203, %mul3A_2204 : i32
      %get3A = arith.index_cast %mul3A_2205 : i32 to index
      %get3A_2206 = tpu.vector_load %arg6[%get3A] {strides = array<i32>} : memref<1024xi32, #tpu.memory_space<vmem>>, vector<16xi32>,
      %get3A_2207 = vector.shape_cast %get3A_2206 : vector<16xi32> to vector<16xi32>
      %eq3A = arith.cmpi eq, %get3A_2207, %broadcast_in_dim3A_120 : vector<16xi32>
      %select_n3A_2208 = arith.select %eq3A, %broadcast_in_dim3A_124, %broadcast_in_dim3A_122 : vector<16xi1>, vector<16xi32>
      %swap3A = arith.index_cast %mul3A_2205 : i32 to index
      %swap3A_2209 = tpu.vector_load %arg7[%swap3A] {strides = array<i32>} : memref<1024xi32, #tpu.memory_space<vmem>>, vector<16xi32>,
      %swap3A_2210 = vector.shape_cast %swap3A_2209 : vector<16xi32> to vector<16xi32>
      %swap3A_2211 = vector.shape_cast %select_n3A_2208 : vector<16xi32> to vector<16xi32>
      tpu.vector_store %arg7[%swap3A], %swap3A_2211 {strides = array<i32>} : memref<1024xi32, #tpu.memory_space<vmem>>, vector<16xi32>,
    }
    %scan3A_129 = arith.constant 64 : i32
    %dma_start3A_130 = arith.constant 6 : i32
    %dma_start3A_131 = arith.constant 6 : i32
    %dma_start3A_132 = arith.constant 0 : i32
    %dma_start3A_133 = arith.constant 0 : i32
    %dma_start3A_134 = tpu.memref_slice %arg8[%dma_start3A_130, %dma_start3A_132, %dma_start3A_133] : memref<7x32x512xf32, #tpu.memory_space<vmem>> -> memref<1x32x512xf32, #tpu.memory_space<vmem>>
    %dma_start3A_135 = tpu.memref_squeeze %dma_start3A_134 : memref<1x32x512xf32, #tpu.memory_space<vmem>> -> memref<32x512xf32, #tpu.memory_space<vmem>>
    %dma_start3A_136 = arith.constant 192 : i32
    %dma_start3A_137 = tpu.memref_slice %arg6[%dma_start3A_136] : memref<1024xi32, #tpu.memory_space<vmem>> -> memref<32xi32, #tpu.memory_space<vmem>>
    %dma_start3A_138 = arith.constant 0 : i32
    %dma_start3A_139 = arith.constant 0 : i32
    %dma_start3A_140 = tpu.memref_slice %arg2[%select_n3A, %dma_start3A_138, %dma_start3A_139] : memref<16x512x512xf32, #tpu.memory_space<hbm>> -> memref<1x512x512xf32, #tpu.memory_space<hbm>>
    %dma_start3A_141 = tpu.memref_squeeze %dma_start3A_140 : memref<1x512x512xf32, #tpu.memory_space<hbm>> -> memref<512x512xf32, #tpu.memory_space<hbm>>
    %dma_start3A_142 = arith.constant 0 : i32
    %dma_start3A_143 = arith.constant 0 : i32
    %dma_start3A_144 = tpu.memref_slice %dma_start3A_141[%dma_start3A_142, %dma_start3A_143] : memref<512x512xf32, #tpu.memory_space<hbm>> -> memref<512x512xf32, #tpu.memory_space<hbm>>
    %dma_start3A_145 = tpu.memref_slice %arg9[%dma_start3A_131] : memref<7x!tpu.dma_semaphore, #tpu.memory_space<semaphore_mem>> -> memref<1x!tpu.dma_semaphore, #tpu.memory_space<semaphore_mem>>
    %dma_start3A_146 = tpu.memref_squeeze %dma_start3A_145 : memref<1x!tpu.dma_semaphore, #tpu.memory_space<semaphore_mem>> -> memref<!tpu.dma_semaphore, #tpu.memory_space<semaphore_mem>>
    tpu.enqueue_indirect_dma source(%dma_start3A_144 : memref<512x512xf32, #tpu.memory_space<hbm>>) target(%dma_start3A_135 : memref<32x512xf32, #tpu.memory_space<vmem>>) offsets(%dma_start3A_137 : memref<32xi32, #tpu.memory_space<vmem>>) semaphore(%dma_start3A_146 : memref<!tpu.dma_semaphore, #tpu.memory_space<semaphore_mem>>)
    %dma_wait3A = arith.constant 0 : i32
    %dma_wait3A_147 = arith.constant 0 : i32
    %dma_wait3A_148 = arith.constant 0 : i32
    %dma_wait3A_149 = arith.constant 0 : i32
    %dma_wait3A_150 = tpu.memref_slice %arg8[%dma_wait3A, %dma_wait3A_148, %dma_wait3A_149] : memref<7x32x512xf32, #tpu.memory_space<vmem>> -> memref<1x32x512xf32, #tpu.memory_space<vmem>>
    %dma_wait3A_151 = tpu.memref_squeeze %dma_wait3A_150 : memref<1x32x512xf32, #tpu.memory_space<vmem>> -> memref<32x512xf32, #tpu.memory_space<vmem>>
    %dma_wait3A_152 = arith.constant 0 : i32
    %dma_wait3A_153 = tpu.memref_slice %arg6[%dma_wait3A_152] : memref<1024xi32, #tpu.memory_space<vmem>> -> memref<32xi32, #tpu.memory_space<vmem>>
    %dma_wait3A_154 = arith.constant 0 : i32
    %dma_wait3A_155 = arith.constant 0 : i32
    %dma_wait3A_156 = tpu.memref_slice %arg2[%select_n3A, %dma_wait3A_154, %dma_wait3A_155] : memref<16x512x512xf32, #tpu.memory_space<hbm>> -> memref<1x512x512xf32, #tpu.memory_space<hbm>>
    %dma_wait3A_157 = tpu.memref_squeeze %dma_wait3A_156 : memref<1x512x512xf32, #tpu.memory_space<hbm>> -> memref<512x512xf32, #tpu.memory_space<hbm>>
    %dma_wait3A_158 = arith.constant 0 : i32
    %dma_wait3A_159 = arith.constant 0 : i32
    %dma_wait3A_160 = tpu.memref_slice %dma_wait3A_157[%dma_wait3A_158, %dma_wait3A_159] : memref<512x512xf32, #tpu.memory_space<hbm>> -> memref<512x512xf32, #tpu.memory_space<hbm>>
    %dma_wait3A_161 = tpu.memref_slice %arg9[%dma_wait3A_147] : memref<7x!tpu.dma_semaphore, #tpu.memory_space<semaphore_mem>> -> memref<1x!tpu.dma_semaphore, #tpu.memory_space<semaphore_mem>>
    %dma_wait3A_162 = tpu.memref_squeeze %dma_wait3A_161 : memref<1x!tpu.dma_semaphore, #tpu.memory_space<semaphore_mem>> -> memref<!tpu.dma_semaphore, #tpu.memory_space<semaphore_mem>>
    tpu.wait_indirect_dma semaphore(%dma_wait3A_162 : memref<!tpu.dma_semaphore, #tpu.memory_space<semaphore_mem>>) src(%dma_wait3A_160 : memref<512x512xf32, #tpu.memory_space<hbm>>) dst(%dma_wait3A_151 : memref<32x512xf32, #tpu.memory_space<vmem>>)
    %add3A_163 = arith.constant 0 : i32
    %add3A_164 = arith.addi %mul3A_2, %add3A_163 : i32
    %dma_start3A_165 = arith.constant 0 : i32
    %dma_start3A_166 = arith.constant 0 : i32
    %dma_start3A_167 = arith.constant 0 : i32
    %dma_start3A_168 = arith.constant 0 : i32
    %dma_start3A_169 = tpu.memref_slice %arg8[%dma_start3A_165, %dma_start3A_167, %dma_start3A_168] : memref<7x32x512xf32, #tpu.memory_space<vmem>> -> memref<1x32x512xf32, #tpu.memory_space<vmem>>
    %dma_start3A_170 = tpu.memref_squeeze %dma_start3A_169 : memref<1x32x512xf32, #tpu.memory_space<vmem>> -> memref<32x512xf32, #tpu.memory_space<vmem>>
    %dma_start3A_171 = arith.constant 0 : i32
    %dma_start3A_172 = tpu.memref_slice %arg4[%add3A_164, %dma_start3A_171] : memref<32768x512xf32, #tpu.memory_space<hbm>> -> memref<32x512xf32, #tpu.memory_space<hbm>>
    %dma_start3A_173 = tpu.memref_slice %arg10[%dma_start3A_166] : memref<7x!tpu.dma_semaphore, #tpu.memory_space<semaphore_mem>> -> memref<1x!tpu.dma_semaphore, #tpu.memory_space<semaphore_mem>>
    %dma_start3A_174 = tpu.memref_squeeze %dma_start3A_173 : memref<1x!tpu.dma_semaphore, #tpu.memory_space<semaphore_mem>> -> memref<!tpu.dma_semaphore, #tpu.memory_space<semaphore_mem>>
    %dma_start3A_175 = arith.constant 0 : i32
    %dma_start3A_176 = tpu.memref_slice %arg4[%add3A_164, %dma_start3A_175] : memref<32768x512xf32, #tpu.memory_space<hbm>> -> memref<32x512xf32, #tpu.memory_space<hbm>>
    %dma_start3A_177 = arith.constant 0 : i32
    %dma_start3A_178 = arith.constant 0 : i32
    %dma_start3A_179 = tpu.memref_slice %arg8[%dma_start3A_165, %dma_start3A_177, %dma_start3A_178] : memref<7x32x512xf32, #tpu.memory_space<vmem>> -> memref<1x32x512xf32, #tpu.memory_space<vmem>>
    %dma_start3A_180 = tpu.memref_squeeze %dma_start3A_179 : memref<1x32x512xf32, #tpu.memory_space<vmem>> -> memref<32x512xf32, #tpu.memory_space<vmem>>
    tpu.enqueue_dma source(%dma_start3A_180 : memref<32x512xf32, #tpu.memory_space<vmem>>) target(%dma_start3A_176 : memref<32x512xf32, #tpu.memory_space<hbm>>) target_semaphore(%dma_start3A_174 : memref<!tpu.dma_semaphore, #tpu.memory_space<semaphore_mem>>)
    %dma_wait3A_181 = arith.constant 0 : i32
    %dma_wait3A_182 = arith.constant 0 : i32
    %dma_wait3A_183 = arith.constant 0 : i32
    %dma_wait3A_184 = arith.constant 0 : i32
    %dma_wait3A_185 = tpu.memref_slice %arg8[%dma_wait3A_181, %dma_wait3A_183, %dma_wait3A_184] : memref<7x32x512xf32, #tpu.memory_space<vmem>> -> memref<1x32x512xf32, #tpu.memory_space<vmem>>
    %dma_wait3A_186 = tpu.memref_squeeze %dma_wait3A_185 : memref<1x32x512xf32, #tpu.memory_space<vmem>> -> memref<32x512xf32, #tpu.memory_space<vmem>>
    %dma_wait3A_187 = arith.constant 0 : i32
    %dma_wait3A_188 = tpu.memref_slice %arg4[%add3A_164, %dma_wait3A_187] : memref<32768x512xf32, #tpu.memory_space<hbm>> -> memref<32x512xf32, #tpu.memory_space<hbm>>
    %dma_wait3A_189 = tpu.memref_slice %arg10[%dma_wait3A_182] : memref<7x!tpu.dma_semaphore, #tpu.memory_space<semaphore_mem>> -> memref<1x!tpu.dma_semaphore, #tpu.memory_space<semaphore_mem>>
    %dma_wait3A_190 = tpu.memref_squeeze %dma_wait3A_189 : memref<1x!tpu.dma_semaphore, #tpu.memory_space<semaphore_mem>> -> memref<!tpu.dma_semaphore, #tpu.memory_space<semaphore_mem>>
    %dma_wait3A_191 = arith.constant 0 : i32
    %dma_wait3A_192 = tpu.memref_slice %arg4[%add3A_164, %dma_wait3A_191] : memref<32768x512xf32, #tpu.memory_space<hbm>> -> memref<32x512xf32, #tpu.memory_space<hbm>>
    %dma_wait3A_193 = arith.constant 0 : i32
    %dma_wait3A_194 = arith.constant 0 : i32
    %dma_wait3A_195 = tpu.memref_slice %arg8[%dma_wait3A_181, %dma_wait3A_193, %dma_wait3A_194] : memref<7x32x512xf32, #tpu.memory_space<vmem>> -> memref<1x32x512xf32, #tpu.memory_space<vmem>>
    %dma_wait3A_196 = tpu.memref_squeeze %dma_wait3A_195 : memref<1x32x512xf32, #tpu.memory_space<vmem>> -> memref<32x512xf32, #tpu.memory_space<vmem>>
    tpu.wait_dma2 semaphore(%dma_wait3A_190 : memref<!tpu.dma_semaphore, #tpu.memory_space<semaphore_mem>>) src(%dma_wait3A_196 : memref<32x512xf32, #tpu.memory_space<vmem>>) dst(%dma_wait3A_192 : memref<32x512xf32, #tpu.memory_space<hbm>>)
    %dma_start3A_197 = arith.constant 0 : i32
    %dma_start3A_198 = arith.constant 0 : i32
    %dma_start3A_199 = arith.constant 0 : i32
    %dma_start3A_200 = arith.constant 0 : i32
    %dma_start3A_201 = tpu.memref_slice %arg8[%dma_start3A_197, %dma_start3A_199, %dma_start3A_200] : memref<7x32x512xf32, #tpu.memory_space<vmem>> -> memref<1x32x512xf32, #tpu.memory_space<vmem>>
    %dma_start3A_202 = tpu.memref_squeeze %dma_start3A_201 : memref<1x32x512xf32, #tpu.memory_space<vmem>> -> memref<32x512xf32, #tpu.memory_space<vmem>>
    %dma_start3A_203 = arith.constant 224 : i32
    %dma_start3A_204 = tpu.memref_slice %arg6[%dma_start3A_203] : memref<1024xi32, #tpu.memory_space<vmem>> -> memref<32xi32, #tpu.memory_space<vmem>>
    %dma_start3A_205 = arith.constant 0 : i32
    %dma_start3A_206 = arith.constant 0 : i32
    %dma_start3A_207 = tpu.memref_slice %arg2[%select_n3A, %dma_start3A_205, %dma_start3A_206] : memref<16x512x512xf32, #tpu.memory_space<hbm>> -> memref<1x512x512xf32, #tpu.memory_space<hbm>>
    %dma_start3A_208 = tpu.memref_squeeze %dma_start3A_207 : memref<1x512x512xf32, #tpu.memory_space<hbm>> -> memref<512x512xf32, #tpu.memory_space<hbm>>
    %dma_start3A_209 = arith.constant 0 : i32
    %dma_start3A_210 = arith.constant 0 : i32
    %dma_start3A_211 = tpu.memref_slice %dma_start3A_208[%dma_start3A_209, %dma_start3A_210] : memref<512x512xf32, #tpu.memory_space<hbm>> -> memref<512x512xf32, #tpu.memory_space<hbm>>
    %dma_start3A_212 = tpu.memref_slice %arg9[%dma_start3A_198] : memref<7x!tpu.dma_semaphore, #tpu.memory_space<semaphore_mem>> -> memref<1x!tpu.dma_semaphore, #tpu.memory_space<semaphore_mem>>
    %dma_start3A_213 = tpu.memref_squeeze %dma_start3A_212 : memref<1x!tpu.dma_semaphore, #tpu.memory_space<semaphore_mem>> -> memref<!tpu.dma_semaphore, #tpu.memory_space<semaphore_mem>>
    tpu.enqueue_indirect_dma source(%dma_start3A_211 : memref<512x512xf32, #tpu.memory_space<hbm>>) target(%dma_start3A_202 : memref<32x512xf32, #tpu.memory_space<vmem>>) offsets(%dma_start3A_204 : memref<32xi32, #tpu.memory_space<vmem>>) semaphore(%dma_start3A_213 : memref<!tpu.dma_semaphore, #tpu.memory_space<semaphore_mem>>)
    %dma_wait3A_214 = arith.constant 1 : i32
    %dma_wait3A_215 = arith.constant 1 : i32
    %dma_wait3A_216 = arith.constant 0 : i32
    %dma_wait3A_217 = arith.constant 0 : i32
    %dma_wait3A_218 = tpu.memref_slice %arg8[%dma_wait3A_214, %dma_wait3A_216, %dma_wait3A_217] : memref<7x32x512xf32, #tpu.memory_space<vmem>> -> memref<1x32x512xf32, #tpu.memory_space<vmem>>
    %dma_wait3A_219 = tpu.memref_squeeze %dma_wait3A_218 : memref<1x32x512xf32, #tpu.memory_space<vmem>> -> memref<32x512xf32, #tpu.memory_space<vmem>>
    %dma_wait3A_220 = arith.constant 32 : i32
    %dma_wait3A_221 = tpu.memref_slice %arg6[%dma_wait3A_220] : memref<1024xi32, #tpu.memory_space<vmem>> -> memref<32xi32, #tpu.memory_space<vmem>>
    %dma_wait3A_222 = arith.constant 0 : i32
    %dma_wait3A_223 = arith.constant 0 : i32
    %dma_wait3A_224 = tpu.memref_slice %arg2[%select_n3A, %dma_wait3A_222, %dma_wait3A_223] : memref<16x512x512xf32, #tpu.memory_space<hbm>> -> memref<1x512x512xf32, #tpu.memory_space<hbm>>
    %dma_wait3A_225 = tpu.memref_squeeze %dma_wait3A_224 : memref<1x512x512xf32, #tpu.memory_space<hbm>> -> memref<512x512xf32, #tpu.memory_space<hbm>>
    %dma_wait3A_226 = arith.constant 0 : i32
    %dma_wait3A_227 = arith.constant 0 : i32
    %dma_wait3A_228 = tpu.memref_slice %dma_wait3A_225[%dma_wait3A_226, %dma_wait3A_227] : memref<512x512xf32, #tpu.memory_space<hbm>> -> memref<512x512xf32, #tpu.memory_space<hbm>>
    %dma_wait3A_229 = tpu.memref_slice %arg9[%dma_wait3A_215] : memref<7x!tpu.dma_semaphore, #tpu.memory_space<semaphore_mem>> -> memref<1x!tpu.dma_semaphore, #tpu.memory_space<semaphore_mem>>
    %dma_wait3A_230 = tpu.memref_squeeze %dma_wait3A_229 : memref<1x!tpu.dma_semaphore, #tpu.memory_space<semaphore_mem>> -> memref<!tpu.dma_semaphore, #tpu.memory_space<semaphore_mem>>
    tpu.wait_indirect_dma semaphore(%dma_wait3A_230 : memref<!tpu.dma_semaphore, #tpu.memory_space<semaphore_mem>>) src(%dma_wait3A_228 : memref<512x512xf32, #tpu.memory_space<hbm>>) dst(%dma_wait3A_219 : memref<32x512xf32, #tpu.memory_space<vmem>>)
    %add3A_231 = arith.constant 32 : i32
    %add3A_232 = arith.addi %mul3A_2, %add3A_231 : i32
    %dma_start3A_233 = arith.constant 1 : i32
    %dma_start3A_234 = arith.constant 1 : i32
    %dma_start3A_235 = arith.constant 0 : i32
    %dma_start3A_236 = arith.constant 0 : i32
    %dma_start3A_237 = tpu.memref_slice %arg8[%dma_start3A_233, %dma_start3A_235, %dma_start3A_236] : memref<7x32x512xf32, #tpu.memory_space<vmem>> -> memref<1x32x512xf32, #tpu.memory_space<vmem>>
    %dma_start3A_238 = tpu.memref_squeeze %dma_start3A_237 : memref<1x32x512xf32, #tpu.memory_space<vmem>> -> memref<32x512xf32, #tpu.memory_space<vmem>>
    %dma_start3A_239 = arith.constant 0 : i32
    %dma_start3A_240 = tpu.memref_slice %arg4[%add3A_232, %dma_start3A_239] : memref<32768x512xf32, #tpu.memory_space<hbm>> -> memref<32x512xf32, #tpu.memory_space<hbm>>
    %dma_start3A_241 = tpu.memref_slice %arg10[%dma_start3A_234] : memref<7x!tpu.dma_semaphore, #tpu.memory_space<semaphore_mem>> -> memref<1x!tpu.dma_semaphore, #tpu.memory_space<semaphore_mem>>
    %dma_start3A_242 = tpu.memref_squeeze %dma_start3A_241 : memref<1x!tpu.dma_semaphore, #tpu.memory_space<semaphore_mem>> -> memref<!tpu.dma_semaphore, #tpu.memory_space<semaphore_mem>>
    %dma_start3A_243 = arith.constant 0 : i32
    %dma_start3A_244 = tpu.memref_slice %arg4[%add3A_232, %dma_start3A_243] : memref<32768x512xf32, #tpu.memory_space<hbm>> -> memref<32x512xf32, #tpu.memory_space<hbm>>
    %dma_start3A_245 = arith.constant 0 : i32
    %dma_start3A_246 = arith.constant 0 : i32
    %dma_start3A_247 = tpu.memref_slice %arg8[%dma_start3A_233, %dma_start3A_245, %dma_start3A_246] : memref<7x32x512xf32, #tpu.memory_space<vmem>> -> memref<1x32x512xf32, #tpu.memory_space<vmem>>
    %dma_start3A_248 = tpu.memref_squeeze %dma_start3A_247 : memref<1x32x512xf32, #tpu.memory_space<vmem>> -> memref<32x512xf32, #tpu.memory_space<vmem>>
    tpu.enqueue_dma source(%dma_start3A_248 : memref<32x512xf32, #tpu.memory_space<vmem>>) target(%dma_start3A_244 : memref<32x512xf32, #tpu.memory_space<hbm>>) target_semaphore(%dma_start3A_242 : memref<!tpu.dma_semaphore, #tpu.memory_space<semaphore_mem>>)
    %dma_wait3A_249 = arith.constant 1 : i32
    %dma_wait3A_250 = arith.constant 1 : i32
    %dma_wait3A_251 = arith.constant 0 : i32
    %dma_wait3A_252 = arith.constant 0 : i32
    %dma_wait3A_253 = tpu.memref_slice %arg8[%dma_wait3A_249, %dma_wait3A_251, %dma_wait3A_252] : memref<7x32x512xf32, #tpu.memory_space<vmem>> -> memref<1x32x512xf32, #tpu.memory_space<vmem>>
    %dma_wait3A_254 = tpu.memref_squeeze %dma_wait3A_253 : memref<1x32x512xf32, #tpu.memory_space<vmem>> -> memref<32x512xf32, #tpu.memory_space<vmem>>
    %dma_wait3A_255 = arith.constant 0 : i32
    %dma_wait3A_256 = tpu.memref_slice %arg4[%add3A_232, %dma_wait3A_255] : memref<32768x512xf32, #tpu.memory_space<hbm>> -> memref<32x512xf32, #tpu.memory_space<hbm>>
    %dma_wait3A_257 = tpu.memref_slice %arg10[%dma_wait3A_250] : memref<7x!tpu.dma_semaphore, #tpu.memory_space<semaphore_mem>> -> memref<1x!tpu.dma_semaphore, #tpu.memory_space<semaphore_mem>>
    %dma_wait3A_258 = tpu.memref_squeeze %dma_wait3A_257 : memref<1x!tpu.dma_semaphore, #tpu.memory_space<semaphore_mem>> -> memref<!tpu.dma_semaphore, #tpu.memory_space<semaphore_mem>>
    %dma_wait3A_259 = arith.constant 0 : i32
    %dma_wait3A_260 = tpu.memref_slice %arg4[%add3A_232, %dma_wait3A_259] : memref<32768x512xf32, #tpu.memory_space<hbm>> -> memref<32x512xf32, #tpu.memory_space<hbm>>
    %dma_wait3A_261 = arith.constant 0 : i32
    %dma_wait3A_262 = arith.constant 0 : i32
    %dma_wait3A_263 = tpu.memref_slice %arg8[%dma_wait3A_249, %dma_wait3A_261, %dma_wait3A_262] : memref<7x32x512xf32, #tpu.memory_space<vmem>> -> memref<1x32x512xf32, #tpu.memory_space<vmem>>
    %dma_wait3A_264 = tpu.memref_squeeze %dma_wait3A_263 : memref<1x32x512xf32, #tpu.memory_space<vmem>> -> memref<32x512xf32, #tpu.memory_space<vmem>>
    tpu.wait_dma2 semaphore(%dma_wait3A_258 : memref<!tpu.dma_semaphore, #tpu.memory_space<semaphore_mem>>) src(%dma_wait3A_264 : memref<32x512xf32, #tpu.memory_space<vmem>>) dst(%dma_wait3A_260 : memref<32x512xf32, #tpu.memory_space<hbm>>)
    %dma_start3A_265 = arith.constant 1 : i32
    %dma_start3A_266 = arith.constant 1 : i32
    %dma_start3A_267 = arith.constant 0 : i32
    %dma_start3A_268 = arith.constant 0 : i32
    %dma_start3A_269 = tpu.memref_slice %arg8[%dma_start3A_265, %dma_start3A_267, %dma_start3A_268] : memref<7x32x512xf32, #tpu.memory_space<vmem>> -> memref<1x32x512xf32, #tpu.memory_space<vmem>>
    %dma_start3A_270 = tpu.memref_squeeze %dma_start3A_269 : memref<1x32x512xf32, #tpu.memory_space<vmem>> -> memref<32x512xf32, #tpu.memory_space<vmem>>
    %dma_start3A_271 = arith.constant 256 : i32
    %dma_start3A_272 = tpu.memref_slice %arg6[%dma_start3A_271] : memref<1024xi32, #tpu.memory_space<vmem>> -> memref<32xi32, #tpu.memory_space<vmem>>
    %dma_start3A_273 = arith.constant 0 : i32
    %dma_start3A_274 = arith.constant 0 : i32
    %dma_start3A_275 = tpu.memref_slice %arg2[%select_n3A, %dma_start3A_273, %dma_start3A_274] : memref<16x512x512xf32, #tpu.memory_space<hbm>> -> memref<1x512x512xf32, #tpu.memory_space<hbm>>
    %dma_start3A_276 = tpu.memref_squeeze %dma_start3A_275 : memref<1x512x512xf32, #tpu.memory_space<hbm>> -> memref<512x512xf32, #tpu.memory_space<hbm>>
    %dma_start3A_277 = arith.constant 0 : i32
    %dma_start3A_278 = arith.constant 0 : i32
    %dma_start3A_279 = tpu.memref_slice %dma_start3A_276[%dma_start3A_277, %dma_start3A_278] : memref<512x512xf32, #tpu.memory_space<hbm>> -> memref<512x512xf32, #tpu.memory_space<hbm>>
    %dma_start3A_280 = tpu.memref_slice %arg9[%dma_start3A_266] : memref<7x!tpu.dma_semaphore, #tpu.memory_space<semaphore_mem>> -> memref<1x!tpu.dma_semaphore, #tpu.memory_space<semaphore_mem>>
    %dma_start3A_281 = tpu.memref_squeeze %dma_start3A_280 : memref<1x!tpu.dma_semaphore, #tpu.memory_space<semaphore_mem>> -> memref<!tpu.dma_semaphore, #tpu.memory_space<semaphore_mem>>
    tpu.enqueue_indirect_dma source(%dma_start3A_279 : memref<512x512xf32, #tpu.memory_space<hbm>>) target(%dma_start3A_270 : memref<32x512xf32, #tpu.memory_space<vmem>>) offsets(%dma_start3A_272 : memref<32xi32, #tpu.memory_space<vmem>>) semaphore(%dma_start3A_281 : memref<!tpu.dma_semaphore, #tpu.memory_space<semaphore_mem>>)
    %dma_wait3A_282 = arith.constant 2 : i32
    %dma_wait3A_283 = arith.constant 2 : i32
    %dma_wait3A_284 = arith.constant 0 : i32
    %dma_wait3A_285 = arith.constant 0 : i32
    %dma_wait3A_286 = tpu.memref_slice %arg8[%dma_wait3A_282, %dma_wait3A_284, %dma_wait3A_285] : memref<7x32x512xf32, #tpu.memory_space<vmem>> -> memref<1x32x512xf32, #tpu.memory_space<vmem>>
    %dma_wait3A_287 = tpu.memref_squeeze %dma_wait3A_286 : memref<1x32x512xf32, #tpu.memory_space<vmem>> -> memref<32x512xf32, #tpu.memory_space<vmem>>
    %dma_wait3A_288 = arith.constant 64 : i32
    %dma_wait3A_289 = tpu.memref_slice %arg6[%dma_wait3A_288] : memref<1024xi32, #tpu.memory_space<vmem>> -> memref<32xi32, #tpu.memory_space<vmem>>
    %dma_wait3A_290 = arith.constant 0 : i32
    %dma_wait3A_291 = arith.constant 0 : i32
    %dma_wait3A_292 = tpu.memref_slice %arg2[%select_n3A, %dma_wait3A_290, %dma_wait3A_291] : memref<16x512x512xf32, #tpu.memory_space<hbm>> -> memref<1x512x512xf32, #tpu.memory_space<hbm>>
    %dma_wait3A_293 = tpu.memref_squeeze %dma_wait3A_292 : memref<1x512x512xf32, #tpu.memory_space<hbm>> -> memref<512x512xf32, #tpu.memory_space<hbm>>
    %dma_wait3A_294 = arith.constant 0 : i32
    %dma_wait3A_295 = arith.constant 0 : i32
    %dma_wait3A_296 = tpu.memref_slice %dma_wait3A_293[%dma_wait3A_294, %dma_wait3A_295] : memref<512x512xf32, #tpu.memory_space<hbm>> -> memref<512x512xf32, #tpu.memory_space<hbm>>
    %dma_wait3A_297 = tpu.memref_slice %arg9[%dma_wait3A_283] : memref<7x!tpu.dma_semaphore, #tpu.memory_space<semaphore_mem>> -> memref<1x!tpu.dma_semaphore, #tpu.memory_space<semaphore_mem>>
    %dma_wait3A_298 = tpu.memref_squeeze %dma_wait3A_297 : memref<1x!tpu.dma_semaphore, #tpu.memory_space<semaphore_mem>> -> memref<!tpu.dma_semaphore, #tpu.memory_space<semaphore_mem>>
    tpu.wait_indirect_dma semaphore(%dma_wait3A_298 : memref<!tpu.dma_semaphore, #tpu.memory_space<semaphore_mem>>) src(%dma_wait3A_296 : memref<512x512xf32, #tpu.memory_space<hbm>>) dst(%dma_wait3A_287 : memref<32x512xf32, #tpu.memory_space<vmem>>)
    %add3A_299 = arith.constant 64 : i32
    %add3A_300 = arith.addi %mul3A_2, %add3A_299 : i32
    %dma_start3A_301 = arith.constant 2 : i32
    %dma_start3A_302 = arith.constant 2 : i32
    %dma_start3A_303 = arith.constant 0 : i32
    %dma_start3A_304 = arith.constant 0 : i32
    %dma_start3A_305 = tpu.memref_slice %arg8[%dma_start3A_301, %dma_start3A_303, %dma_start3A_304] : memref<7x32x512xf32, #tpu.memory_space<vmem>> -> memref<1x32x512xf32, #tpu.memory_space<vmem>>
    %dma_start3A_306 = tpu.memref_squeeze %dma_start3A_305 : memref<1x32x512xf32, #tpu.memory_space<vmem>> -> memref<32x512xf32, #tpu.memory_space<vmem>>
    %dma_start3A_307 = arith.constant 0 : i32
    %dma_start3A_308 = tpu.memref_slice %arg4[%add3A_300, %dma_start3A_307] : memref<32768x512xf32, #tpu.memory_space<hbm>> -> memref<32x512xf32, #tpu.memory_space<hbm>>
    %dma_start3A_309 = tpu.memref_slice %arg10[%dma_start3A_302] : memref<7x!tpu.dma_semaphore, #tpu.memory_space<semaphore_mem>> -> memref<1x!tpu.dma_semaphore, #tpu.memory_space<semaphore_mem>>
    %dma_start3A_310 = tpu.memref_squeeze %dma_start3A_309 : memref<1x!tpu.dma_semaphore, #tpu.memory_space<semaphore_mem>> -> memref<!tpu.dma_semaphore, #tpu.memory_space<semaphore_mem>>
    %dma_start3A_311 = arith.constant 0 : i32
    %dma_start3A_312 = tpu.memref_slice %arg4[%add3A_300, %dma_start3A_311] : memref<32768x512xf32, #tpu.memory_space<hbm>> -> memref<32x512xf32, #tpu.memory_space<hbm>>
    %dma_start3A_313 = arith.constant 0 : i32
    %dma_start3A_314 = arith.constant 0 : i32
    %dma_start3A_315 = tpu.memref_slice %arg8[%dma_start3A_301, %dma_start3A_313, %dma_start3A_314] : memref<7x32x512xf32, #tpu.memory_space<vmem>> -> memref<1x32x512xf32, #tpu.memory_space<vmem>>
    %dma_start3A_316 = tpu.memref_squeeze %dma_start3A_315 : memref<1x32x512xf32, #tpu.memory_space<vmem>> -> memref<32x512xf32, #tpu.memory_space<vmem>>
    tpu.enqueue_dma source(%dma_start3A_316 : memref<32x512xf32, #tpu.memory_space<vmem>>) target(%dma_start3A_312 : memref<32x512xf32, #tpu.memory_space<hbm>>) target_semaphore(%dma_start3A_310 : memref<!tpu.dma_semaphore, #tpu.memory_space<semaphore_mem>>)
    %dma_wait3A_317 = arith.constant 2 : i32
    %dma_wait3A_318 = arith.constant 2 : i32
    %dma_wait3A_319 = arith.constant 0 : i32
    %dma_wait3A_320 = arith.constant 0 : i32
    %dma_wait3A_321 = tpu.memref_slice %arg8[%dma_wait3A_317, %dma_wait3A_319, %dma_wait3A_320] : memref<7x32x512xf32, #tpu.memory_space<vmem>> -> memref<1x32x512xf32, #tpu.memory_space<vmem>>
    %dma_wait3A_322 = tpu.memref_squeeze %dma_wait3A_321 : memref<1x32x512xf32, #tpu.memory_space<vmem>> -> memref<32x512xf32, #tpu.memory_space<vmem>>
    %dma_wait3A_323 = arith.constant 0 : i32
    %dma_wait3A_324 = tpu.memref_slice %arg4[%add3A_300, %dma_wait3A_323] : memref<32768x512xf32, #tpu.memory_space<hbm>> -> memref<32x512xf32, #tpu.memory_space<hbm>>
    %dma_wait3A_325 = tpu.memref_slice %arg10[%dma_wait3A_318] : memref<7x!tpu.dma_semaphore, #tpu.memory_space<semaphore_mem>> -> memref<1x!tpu.dma_semaphore, #tpu.memory_space<semaphore_mem>>
    %dma_wait3A_326 = tpu.memref_squeeze %dma_wait3A_325 : memref<1x!tpu.dma_semaphore, #tpu.memory_space<semaphore_mem>> -> memref<!tpu.dma_semaphore, #tpu.memory_space<semaphore_mem>>
    %dma_wait3A_327 = arith.constant 0 : i32
    %dma_wait3A_328 = tpu.memref_slice %arg4[%add3A_300, %dma_wait3A_327] : memref<32768x512xf32, #tpu.memory_space<hbm>> -> memref<32x512xf32, #tpu.memory_space<hbm>>
    %dma_wait3A_329 = arith.constant 0 : i32
    %dma_wait3A_330 = arith.constant 0 : i32
    %dma_wait3A_331 = tpu.memref_slice %arg8[%dma_wait3A_317, %dma_wait3A_329, %dma_wait3A_330] : memref<7x32x512xf32, #tpu.memory_space<vmem>> -> memref<1x32x512xf32, #tpu.memory_space<vmem>>
    %dma_wait3A_332 = tpu.memref_squeeze %dma_wait3A_331 : memref<1x32x512xf32, #tpu.memory_space<vmem>> -> memref<32x512xf32, #tpu.memory_space<vmem>>
    tpu.wait_dma2 semaphore(%dma_wait3A_326 : memref<!tpu.dma_semaphore, #tpu.memory_space<semaphore_mem>>) src(%dma_wait3A_332 : memref<32x512xf32, #tpu.memory_space<vmem>>) dst(%dma_wait3A_328 : memref<32x512xf32, #tpu.memory_space<hbm>>)
    %dma_start3A_333 = arith.constant 2 : i32
    %dma_start3A_334 = arith.constant 2 : i32
    %dma_start3A_335 = arith.constant 0 : i32
    %dma_start3A_336 = arith.constant 0 : i32
    %dma_start3A_337 = tpu.memref_slice %arg8[%dma_start3A_333, %dma_start3A_335, %dma_start3A_336] : memref<7x32x512xf32, #tpu.memory_space<vmem>> -> memref<1x32x512xf32, #tpu.memory_space<vmem>>
    %dma_start3A_338 = tpu.memref_squeeze %dma_start3A_337 : memref<1x32x512xf32, #tpu.memory_space<vmem>> -> memref<32x512xf32, #tpu.memory_space<vmem>>
    %dma_start3A_339 = arith.constant 288 : i32
    %dma_start3A_340 = tpu.memref_slice %arg6[%dma_start3A_339] : memref<1024xi32, #tpu.memory_space<vmem>> -> memref<32xi32, #tpu.memory_space<vmem>>
    %dma_start3A_341 = arith.constant 0 : i32
    %dma_start3A_342 = arith.constant 0 : i32
    %dma_start3A_343 = tpu.memref_slice %arg2[%select_n3A, %dma_start3A_341, %dma_start3A_342] : memref<16x512x512xf32, #tpu.memory_space<hbm>> -> memref<1x512x512xf32, #tpu.memory_space<hbm>>
    %dma_start3A_344 = tpu.memref_squeeze %dma_start3A_343 : memref<1x512x512xf32, #tpu.memory_space<hbm>> -> memref<512x512xf32, #tpu.memory_space<hbm>>
    %dma_start3A_345 = arith.constant 0 : i32
    %dma_start3A_346 = arith.constant 0 : i32
    %dma_start3A_347 = tpu.memref_slice %dma_start3A_344[%dma_start3A_345, %dma_start3A_346] : memref<512x512xf32, #tpu.memory_space<hbm>> -> memref<512x512xf32, #tpu.memory_space<hbm>>
    %dma_start3A_348 = tpu.memref_slice %arg9[%dma_start3A_334] : memref<7x!tpu.dma_semaphore, #tpu.memory_space<semaphore_mem>> -> memref<1x!tpu.dma_semaphore, #tpu.memory_space<semaphore_mem>>
    %dma_start3A_349 = tpu.memref_squeeze %dma_start3A_348 : memref<1x!tpu.dma_semaphore, #tpu.memory_space<semaphore_mem>> -> memref<!tpu.dma_semaphore, #tpu.memory_space<semaphore_mem>>
    tpu.enqueue_indirect_dma source(%dma_start3A_347 : memref<512x512xf32, #tpu.memory_space<hbm>>) target(%dma_start3A_338 : memref<32x512xf32, #tpu.memory_space<vmem>>) offsets(%dma_start3A_340 : memref<32xi32, #tpu.memory_space<vmem>>) semaphore(%dma_start3A_349 : memref<!tpu.dma_semaphore, #tpu.memory_space<semaphore_mem>>)
    %dma_wait3A_350 = arith.constant 3 : i32
    %dma_wait3A_351 = arith.constant 3 : i32
    %dma_wait3A_352 = arith.constant 0 : i32
    %dma_wait3A_353 = arith.constant 0 : i32
    %dma_wait3A_354 = tpu.memref_slice %arg8[%dma_wait3A_350, %dma_wait3A_352, %dma_wait3A_353] : memref<7x32x512xf32, #tpu.memory_space<vmem>> -> memref<1x32x512xf32, #tpu.memory_space<vmem>>
    %dma_wait3A_355 = tpu.memref_squeeze %dma_wait3A_354 : memref<1x32x512xf32, #tpu.memory_space<vmem>> -> memref<32x512xf32, #tpu.memory_space<vmem>>
    %dma_wait3A_356 = arith.constant 96 : i32
    %dma_wait3A_357 = tpu.memref_slice %arg6[%dma_wait3A_356] : memref<1024xi32, #tpu.memory_space<vmem>> -> memref<32xi32, #tpu.memory_space<vmem>>
    %dma_wait3A_358 = arith.constant 0 : i32
    %dma_wait3A_359 = arith.constant 0 : i32
    %dma_wait3A_360 = tpu.memref_slice %arg2[%select_n3A, %dma_wait3A_358, %dma_wait3A_359] : memref<16x512x512xf32, #tpu.memory_space<hbm>> -> memref<1x512x512xf32, #tpu.memory_space<hbm>>
    %dma_wait3A_361 = tpu.memref_squeeze %dma_wait3A_360 : memref<1x512x512xf32, #tpu.memory_space<hbm>> -> memref<512x512xf32, #tpu.memory_space<hbm>>
    %dma_wait3A_362 = arith.constant 0 : i32
    %dma_wait3A_363 = arith.constant 0 : i32
    %dma_wait3A_364 = tpu.memref_slice %dma_wait3A_361[%dma_wait3A_362, %dma_wait3A_363] : memref<512x512xf32, #tpu.memory_space<hbm>> -> memref<512x512xf32, #tpu.memory_space<hbm>>
    %dma_wait3A_365 = tpu.memref_slice %arg9[%dma_wait3A_351] : memref<7x!tpu.dma_semaphore, #tpu.memory_space<semaphore_mem>> -> memref<1x!tpu.dma_semaphore, #tpu.memory_space<semaphore_mem>>
    %dma_wait3A_366 = tpu.memref_squeeze %dma_wait3A_365 : memref<1x!tpu.dma_semaphore, #tpu.memory_space<semaphore_mem>> -> memref<!tpu.dma_semaphore, #tpu.memory_space<semaphore_mem>>
    tpu.wait_indirect_dma semaphore(%dma_wait3A_366 : memref<!tpu.dma_semaphore, #tpu.memory_space<semaphore_mem>>) src(%dma_wait3A_364 : memref<512x512xf32, #tpu.memory_space<hbm>>) dst(%dma_wait3A_355 : memref<32x512xf32, #tpu.memory_space<vmem>>)
    %add3A_367 = arith.constant 96 : i32
    %add3A_368 = arith.addi %mul3A_2, %add3A_367 : i32
    %dma_start3A_369 = arith.constant 3 : i32
    %dma_start3A_370 = arith.constant 3 : i32
    %dma_start3A_371 = arith.constant 0 : i32
    %dma_start3A_372 = arith.constant 0 : i32
    %dma_start3A_373 = tpu.memref_slice %arg8[%dma_start3A_369, %dma_start3A_371, %dma_start3A_372] : memref<7x32x512xf32, #tpu.memory_space<vmem>> -> memref<1x32x512xf32, #tpu.memory_space<vmem>>
    %dma_start3A_374 = tpu.memref_squeeze %dma_start3A_373 : memref<1x32x512xf32, #tpu.memory_space<vmem>> -> memref<32x512xf32, #tpu.memory_space<vmem>>
    %dma_start3A_375 = arith.constant 0 : i32
    %dma_start3A_376 = tpu.memref_slice %arg4[%add3A_368, %dma_start3A_375] : memref<32768x512xf32, #tpu.memory_space<hbm>> -> memref<32x512xf32, #tpu.memory_space<hbm>>
    %dma_start3A_377 = tpu.memref_slice %arg10[%dma_start3A_370] : memref<7x!tpu.dma_semaphore, #tpu.memory_space<semaphore_mem>> -> memref<1x!tpu.dma_semaphore, #tpu.memory_space<semaphore_mem>>
    %dma_start3A_378 = tpu.memref_squeeze %dma_start3A_377 : memref<1x!tpu.dma_semaphore, #tpu.memory_space<semaphore_mem>> -> memref<!tpu.dma_semaphore, #tpu.memory_space<semaphore_mem>>
    %dma_start3A_379 = arith.constant 0 : i32
    %dma_start3A_380 = tpu.memref_slice %arg4[%add3A_368, %dma_start3A_379] : memref<32768x512xf32, #tpu.memory_space<hbm>> -> memref<32x512xf32, #tpu.memory_space<hbm>>
    %dma_start3A_381 = arith.constant 0 : i32
    %dma_start3A_382 = arith.constant 0 : i32
    %dma_start3A_383 = tpu.memref_slice %arg8[%dma_start3A_369, %dma_start3A_381, %dma_start3A_382] : memref<7x32x512xf32, #tpu.memory_space<vmem>> -> memref<1x32x512xf32, #tpu.memory_space<vmem>>
    %dma_start3A_384 = tpu.memref_squeeze %dma_start3A_383 : memref<1x32x512xf32, #tpu.memory_space<vmem>> -> memref<32x512xf32, #tpu.memory_space<vmem>>
    tpu.enqueue_dma source(%dma_start3A_384 : memref<32x512xf32, #tpu.memory_space<vmem>>) target(%dma_start3A_380 : memref<32x512xf32, #tpu.memory_space<hbm>>) target_semaphore(%dma_start3A_378 : memref<!tpu.dma_semaphore, #tpu.memory_space<semaphore_mem>>)
    %dma_wait3A_385 = arith.constant 3 : i32
    %dma_wait3A_386 = arith.constant 3 : i32
    %dma_wait3A_387 = arith.constant 0 : i32
    %dma_wait3A_388 = arith.constant 0 : i32
    %dma_wait3A_389 = tpu.memref_slice %arg8[%dma_wait3A_385, %dma_wait3A_387, %dma_wait3A_388] : memref<7x32x512xf32, #tpu.memory_space<vmem>> -> memref<1x32x512xf32, #tpu.memory_space<vmem>>
    %dma_wait3A_390 = tpu.memref_squeeze %dma_wait3A_389 : memref<1x32x512xf32, #tpu.memory_space<vmem>> -> memref<32x512xf32, #tpu.memory_space<vmem>>
    %dma_wait3A_391 = arith.constant 0 : i32
    %dma_wait3A_392 = tpu.memref_slice %arg4[%add3A_368, %dma_wait3A_391] : memref<32768x512xf32, #tpu.memory_space<hbm>> -> memref<32x512xf32, #tpu.memory_space<hbm>>
    %dma_wait3A_393 = tpu.memref_slice %arg10[%dma_wait3A_386] : memref<7x!tpu.dma_semaphore, #tpu.memory_space<semaphore_mem>> -> memref<1x!tpu.dma_semaphore, #tpu.memory_space<semaphore_mem>>
    %dma_wait3A_394 = tpu.memref_squeeze %dma_wait3A_393 : memref<1x!tpu.dma_semaphore, #tpu.memory_space<semaphore_mem>> -> memref<!tpu.dma_semaphore, #tpu.memory_space<semaphore_mem>>
    %dma_wait3A_395 = arith.constant 0 : i32
    %dma_wait3A_396 = tpu.memref_slice %arg4[%add3A_368, %dma_wait3A_395] : memref<32768x512xf32, #tpu.memory_space<hbm>> -> memref<32x512xf32, #tpu.memory_space<hbm>>
    %dma_wait3A_397 = arith.constant 0 : i32
    %dma_wait3A_398 = arith.constant 0 : i32
    %dma_wait3A_399 = tpu.memref_slice %arg8[%dma_wait3A_385, %dma_wait3A_397, %dma_wait3A_398] : memref<7x32x512xf32, #tpu.memory_space<vmem>> -> memref<1x32x512xf32, #tpu.memory_space<vmem>>
    %dma_wait3A_400 = tpu.memref_squeeze %dma_wait3A_399 : memref<1x32x512xf32, #tpu.memory_space<vmem>> -> memref<32x512xf32, #tpu.memory_space<vmem>>
    tpu.wait_dma2 semaphore(%dma_wait3A_394 : memref<!tpu.dma_semaphore, #tpu.memory_space<semaphore_mem>>) src(%dma_wait3A_400 : memref<32x512xf32, #tpu.memory_space<vmem>>) dst(%dma_wait3A_396 : memref<32x512xf32, #tpu.memory_space<hbm>>)
    %dma_start3A_401 = arith.constant 3 : i32
    %dma_start3A_402 = arith.constant 3 : i32
    %dma_start3A_403 = arith.constant 0 : i32
    %dma_start3A_404 = arith.constant 0 : i32
    %dma_start3A_405 = tpu.memref_slice %arg8[%dma_start3A_401, %dma_start3A_403, %dma_start3A_404] : memref<7x32x512xf32, #tpu.memory_space<vmem>> -> memref<1x32x512xf32, #tpu.memory_space<vmem>>
    %dma_start3A_406 = tpu.memref_squeeze %dma_start3A_405 : memref<1x32x512xf32, #tpu.memory_space<vmem>> -> memref<32x512xf32, #tpu.memory_space<vmem>>
    %dma_start3A_407 = arith.constant 320 : i32
    %dma_start3A_408 = tpu.memref_slice %arg6[%dma_start3A_407] : memref<1024xi32, #tpu.memory_space<vmem>> -> memref<32xi32, #tpu.memory_space<vmem>>
    %dma_start3A_409 = arith.constant 0 : i32
    %dma_start3A_410 = arith.constant 0 : i32
    %dma_start3A_411 = tpu.memref_slice %arg2[%select_n3A, %dma_start3A_409, %dma_start3A_410] : memref<16x512x512xf32, #tpu.memory_space<hbm>> -> memref<1x512x512xf32, #tpu.memory_space<hbm>>
    %dma_start3A_412 = tpu.memref_squeeze %dma_start3A_411 : memref<1x512x512xf32, #tpu.memory_space<hbm>> -> memref<512x512xf32, #tpu.memory_space<hbm>>
    %dma_start3A_413 = arith.constant 0 : i32
    %dma_start3A_414 = arith.constant 0 : i32
    %dma_start3A_415 = tpu.memref_slice %dma_start3A_412[%dma_start3A_413, %dma_start3A_414] : memref<512x512xf32, #tpu.memory_space<hbm>> -> memref<512x512xf32, #tpu.memory_space<hbm>>
    %dma_start3A_416 = tpu.memref_slice %arg9[%dma_start3A_402] : memref<7x!tpu.dma_semaphore, #tpu.memory_space<semaphore_mem>> -> memref<1x!tpu.dma_semaphore, #tpu.memory_space<semaphore_mem>>
    %dma_start3A_417 = tpu.memref_squeeze %dma_start3A_416 : memref<1x!tpu.dma_semaphore, #tpu.memory_space<semaphore_mem>> -> memref<!tpu.dma_semaphore, #tpu.memory_space<semaphore_mem>>
    tpu.enqueue_indirect_dma source(%dma_start3A_415 : memref<512x512xf32, #tpu.memory_space<hbm>>) target(%dma_start3A_406 : memref<32x512xf32, #tpu.memory_space<vmem>>) offsets(%dma_start3A_408 : memref<32xi32, #tpu.memory_space<vmem>>) semaphore(%dma_start3A_417 : memref<!tpu.dma_semaphore, #tpu.memory_space<semaphore_mem>>)
    %dma_wait3A_418 = arith.constant 4 : i32
    %dma_wait3A_419 = arith.constant 4 : i32
    %dma_wait3A_420 = arith.constant 0 : i32
    %dma_wait3A_421 = arith.constant 0 : i32
    %dma_wait3A_422 = tpu.memref_slice %arg8[%dma_wait3A_418, %dma_wait3A_420, %dma_wait3A_421] : memref<7x32x512xf32, #tpu.memory_space<vmem>> -> memref<1x32x512xf32, #tpu.memory_space<vmem>>
    %dma_wait3A_423 = tpu.memref_squeeze %dma_wait3A_422 : memref<1x32x512xf32, #tpu.memory_space<vmem>> -> memref<32x512xf32, #tpu.memory_space<vmem>>
    %dma_wait3A_424 = arith.constant 128 : i32
    %dma_wait3A_425 = tpu.memref_slice %arg6[%dma_wait3A_424] : memref<1024xi32, #tpu.memory_space<vmem>> -> memref<32xi32, #tpu.memory_space<vmem>>
    %dma_wait3A_426 = arith.constant 0 : i32
    %dma_wait3A_427 = arith.constant 0 : i32
    %dma_wait3A_428 = tpu.memref_slice %arg2[%select_n3A, %dma_wait3A_426, %dma_wait3A_427] : memref<16x512x512xf32, #tpu.memory_space<hbm>> -> memref<1x512x512xf32, #tpu.memory_space<hbm>>
    %dma_wait3A_429 = tpu.memref_squeeze %dma_wait3A_428 : memref<1x512x512xf32, #tpu.memory_space<hbm>> -> memref<512x512xf32, #tpu.memory_space<hbm>>
    %dma_wait3A_430 = arith.constant 0 : i32
    %dma_wait3A_431 = arith.constant 0 : i32
    %dma_wait3A_432 = tpu.memref_slice %dma_wait3A_429[%dma_wait3A_430, %dma_wait3A_431] : memref<512x512xf32, #tpu.memory_space<hbm>> -> memref<512x512xf32, #tpu.memory_space<hbm>>
    %dma_wait3A_433 = tpu.memref_slice %arg9[%dma_wait3A_419] : memref<7x!tpu.dma_semaphore, #tpu.memory_space<semaphore_mem>> -> memref<1x!tpu.dma_semaphore, #tpu.memory_space<semaphore_mem>>
    %dma_wait3A_434 = tpu.memref_squeeze %dma_wait3A_433 : memref<1x!tpu.dma_semaphore, #tpu.memory_space<semaphore_mem>> -> memref<!tpu.dma_semaphore, #tpu.memory_space<semaphore_mem>>
    tpu.wait_indirect_dma semaphore(%dma_wait3A_434 : memref<!tpu.dma_semaphore, #tpu.memory_space<semaphore_mem>>) src(%dma_wait3A_432 : memref<512x512xf32, #tpu.memory_space<hbm>>) dst(%dma_wait3A_423 : memref<32x512xf32, #tpu.memory_space<vmem>>)
    %add3A_435 = arith.constant 128 : i32
    %add3A_436 = arith.addi %mul3A_2, %add3A_435 : i32
    %dma_start3A_437 = arith.constant 4 : i32
    %dma_start3A_438 = arith.constant 4 : i32
    %dma_start3A_439 = arith.constant 0 : i32
    %dma_start3A_440 = arith.constant 0 : i32
    %dma_start3A_441 = tpu.memref_slice %arg8[%dma_start3A_437, %dma_start3A_439, %dma_start3A_440] : memref<7x32x512xf32, #tpu.memory_space<vmem>> -> memref<1x32x512xf32, #tpu.memory_space<vmem>>
    %dma_start3A_442 = tpu.memref_squeeze %dma_start3A_441 : memref<1x32x512xf32, #tpu.memory_space<vmem>> -> memref<32x512xf32, #tpu.memory_space<vmem>>
    %dma_start3A_443 = arith.constant 0 : i32
    %dma_start3A_444 = tpu.memref_slice %arg4[%add3A_436, %dma_start3A_443] : memref<32768x512xf32, #tpu.memory_space<hbm>> -> memref<32x512xf32, #tpu.memory_space<hbm>>
    %dma_start3A_445 = tpu.memref_slice %arg10[%dma_start3A_438] : memref<7x!tpu.dma_semaphore, #tpu.memory_space<semaphore_mem>> -> memref<1x!tpu.dma_semaphore, #tpu.memory_space<semaphore_mem>>
    %dma_start3A_446 = tpu.memref_squeeze %dma_start3A_445 : memref<1x!tpu.dma_semaphore, #tpu.memory_space<semaphore_mem>> -> memref<!tpu.dma_semaphore, #tpu.memory_space<semaphore_mem>>
    %dma_start3A_447 = arith.constant 0 : i32
    %dma_start3A_448 = tpu.memref_slice %arg4[%add3A_436, %dma_start3A_447] : memref<32768x512xf32, #tpu.memory_space<hbm>> -> memref<32x512xf32, #tpu.memory_space<hbm>>
    %dma_start3A_449 = arith.constant 0 : i32
    %dma_start3A_450 = arith.constant 0 : i32
    %dma_start3A_451 = tpu.memref_slice %arg8[%dma_start3A_437, %dma_start3A_449, %dma_start3A_450] : memref<7x32x512xf32, #tpu.memory_space<vmem>> -> memref<1x32x512xf32, #tpu.memory_space<vmem>>
    %dma_start3A_452 = tpu.memref_squeeze %dma_start3A_451 : memref<1x32x512xf32, #tpu.memory_space<vmem>> -> memref<32x512xf32, #tpu.memory_space<vmem>>
    tpu.enqueue_dma source(%dma_start3A_452 : memref<32x512xf32, #tpu.memory_space<vmem>>) target(%dma_start3A_448 : memref<32x512xf32, #tpu.memory_space<hbm>>) target_semaphore(%dma_start3A_446 : memref<!tpu.dma_semaphore, #tpu.memory_space<semaphore_mem>>)
    %dma_wait3A_453 = arith.constant 4 : i32
    %dma_wait3A_454 = arith.constant 4 : i32
    %dma_wait3A_455 = arith.constant 0 : i32
    %dma_wait3A_456 = arith.constant 0 : i32
    %dma_wait3A_457 = tpu.memref_slice %arg8[%dma_wait3A_453, %dma_wait3A_455, %dma_wait3A_456] : memref<7x32x512xf32, #tpu.memory_space<vmem>> -> memref<1x32x512xf32, #tpu.memory_space<vmem>>
    %dma_wait3A_458 = tpu.memref_squeeze %dma_wait3A_457 : memref<1x32x512xf32, #tpu.memory_space<vmem>> -> memref<32x512xf32, #tpu.memory_space<vmem>>
    %dma_wait3A_459 = arith.constant 0 : i32
    %dma_wait3A_460 = tpu.memref_slice %arg4[%add3A_436, %dma_wait3A_459] : memref<32768x512xf32, #tpu.memory_space<hbm>> -> memref<32x512xf32, #tpu.memory_space<hbm>>
    %dma_wait3A_461 = tpu.memref_slice %arg10[%dma_wait3A_454] : memref<7x!tpu.dma_semaphore, #tpu.memory_space<semaphore_mem>> -> memref<1x!tpu.dma_semaphore, #tpu.memory_space<semaphore_mem>>
    %dma_wait3A_462 = tpu.memref_squeeze %dma_wait3A_461 : memref<1x!tpu.dma_semaphore, #tpu.memory_space<semaphore_mem>> -> memref<!tpu.dma_semaphore, #tpu.memory_space<semaphore_mem>>
    %dma_wait3A_463 = arith.constant 0 : i32
    %dma_wait3A_464 = tpu.memref_slice %arg4[%add3A_436, %dma_wait3A_463] : memref<32768x512xf32, #tpu.memory_space<hbm>> -> memref<32x512xf32, #tpu.memory_space<hbm>>
    %dma_wait3A_465 = arith.constant 0 : i32
    %dma_wait3A_466 = arith.constant 0 : i32
    %dma_wait3A_467 = tpu.memref_slice %arg8[%dma_wait3A_453, %dma_wait3A_465, %dma_wait3A_466] : memref<7x32x512xf32, #tpu.memory_space<vmem>> -> memref<1x32x512xf32, #tpu.memory_space<vmem>>
    %dma_wait3A_468 = tpu.memref_squeeze %dma_wait3A_467 : memref<1x32x512xf32, #tpu.memory_space<vmem>> -> memref<32x512xf32, #tpu.memory_space<vmem>>
    tpu.wait_dma2 semaphore(%dma_wait3A_462 : memref<!tpu.dma_semaphore, #tpu.memory_space<semaphore_mem>>) src(%dma_wait3A_468 : memref<32x512xf32, #tpu.memory_space<vmem>>) dst(%dma_wait3A_464 : memref<32x512xf32, #tpu.memory_space<hbm>>)
    %dma_start3A_469 = arith.constant 4 : i32
    %dma_start3A_470 = arith.constant 4 : i32
    %dma_start3A_471 = arith.constant 0 : i32
    %dma_start3A_472 = arith.constant 0 : i32
    %dma_start3A_473 = tpu.memref_slice %arg8[%dma_start3A_469, %dma_start3A_471, %dma_start3A_472] : memref<7x32x512xf32, #tpu.memory_space<vmem>> -> memref<1x32x512xf32, #tpu.memory_space<vmem>>
    %dma_start3A_474 = tpu.memref_squeeze %dma_start3A_473 : memref<1x32x512xf32, #tpu.memory_space<vmem>> -> memref<32x512xf32, #tpu.memory_space<vmem>>
    %dma_start3A_475 = arith.constant 352 : i32
    %dma_start3A_476 = tpu.memref_slice %arg6[%dma_start3A_475] : memref<1024xi32, #tpu.memory_space<vmem>> -> memref<32xi32, #tpu.memory_space<vmem>>
    %dma_start3A_477 = arith.constant 0 : i32
    %dma_start3A_478 = arith.constant 0 : i32
    %dma_start3A_479 = tpu.memref_slice %arg2[%select_n3A, %dma_start3A_477, %dma_start3A_478] : memref<16x512x512xf32, #tpu.memory_space<hbm>> -> memref<1x512x512xf32, #tpu.memory_space<hbm>>
    %dma_start3A_480 = tpu.memref_squeeze %dma_start3A_479 : memref<1x512x512xf32, #tpu.memory_space<hbm>> -> memref<512x512xf32, #tpu.memory_space<hbm>>
    %dma_start3A_481 = arith.constant 0 : i32
    %dma_start3A_482 = arith.constant 0 : i32
    %dma_start3A_483 = tpu.memref_slice %dma_start3A_480[%dma_start3A_481, %dma_start3A_482] : memref<512x512xf32, #tpu.memory_space<hbm>> -> memref<512x512xf32, #tpu.memory_space<hbm>>
    %dma_start3A_484 = tpu.memref_slice %arg9[%dma_start3A_470] : memref<7x!tpu.dma_semaphore, #tpu.memory_space<semaphore_mem>> -> memref<1x!tpu.dma_semaphore, #tpu.memory_space<semaphore_mem>>
    %dma_start3A_485 = tpu.memref_squeeze %dma_start3A_484 : memref<1x!tpu.dma_semaphore, #tpu.memory_space<semaphore_mem>> -> memref<!tpu.dma_semaphore, #tpu.memory_space<semaphore_mem>>
    tpu.enqueue_indirect_dma source(%dma_start3A_483 : memref<512x512xf32, #tpu.memory_space<hbm>>) target(%dma_start3A_474 : memref<32x512xf32, #tpu.memory_space<vmem>>) offsets(%dma_start3A_476 : memref<32xi32, #tpu.memory_space<vmem>>) semaphore(%dma_start3A_485 : memref<!tpu.dma_semaphore, #tpu.memory_space<semaphore_mem>>)
    %dma_wait3A_486 = arith.constant 5 : i32
    %dma_wait3A_487 = arith.constant 5 : i32
    %dma_wait3A_488 = arith.constant 0 : i32
    %dma_wait3A_489 = arith.constant 0 : i32
    %dma_wait3A_490 = tpu.memref_slice %arg8[%dma_wait3A_486, %dma_wait3A_488, %dma_wait3A_489] : memref<7x32x512xf32, #tpu.memory_space<vmem>> -> memref<1x32x512xf32, #tpu.memory_space<vmem>>
    %dma_wait3A_491 = tpu.memref_squeeze %dma_wait3A_490 : memref<1x32x512xf32, #tpu.memory_space<vmem>> -> memref<32x512xf32, #tpu.memory_space<vmem>>
    %dma_wait3A_492 = arith.constant 160 : i32
    %dma_wait3A_493 = tpu.memref_slice %arg6[%dma_wait3A_492] : memref<1024xi32, #tpu.memory_space<vmem>> -> memref<32xi32, #tpu.memory_space<vmem>>
    %dma_wait3A_494 = arith.constant 0 : i32
    %dma_wait3A_495 = arith.constant 0 : i32
    %dma_wait3A_496 = tpu.memref_slice %arg2[%select_n3A, %dma_wait3A_494, %dma_wait3A_495] : memref<16x512x512xf32, #tpu.memory_space<hbm>> -> memref<1x512x512xf32, #tpu.memory_space<hbm>>
    %dma_wait3A_497 = tpu.memref_squeeze %dma_wait3A_496 : memref<1x512x512xf32, #tpu.memory_space<hbm>> -> memref<512x512xf32, #tpu.memory_space<hbm>>
    %dma_wait3A_498 = arith.constant 0 : i32
    %dma_wait3A_499 = arith.constant 0 : i32
    %dma_wait3A_500 = tpu.memref_slice %dma_wait3A_497[%dma_wait3A_498, %dma_wait3A_499] : memref<512x512xf32, #tpu.memory_space<hbm>> -> memref<512x512xf32, #tpu.memory_space<hbm>>
    %dma_wait3A_501 = tpu.memref_slice %arg9[%dma_wait3A_487] : memref<7x!tpu.dma_semaphore, #tpu.memory_space<semaphore_mem>> -> memref<1x!tpu.dma_semaphore, #tpu.memory_space<semaphore_mem>>
    %dma_wait3A_502 = tpu.memref_squeeze %dma_wait3A_501 : memref<1x!tpu.dma_semaphore, #tpu.memory_space<semaphore_mem>> -> memref<!tpu.dma_semaphore, #tpu.memory_space<semaphore_mem>>
    tpu.wait_indirect_dma semaphore(%dma_wait3A_502 : memref<!tpu.dma_semaphore, #tpu.memory_space<semaphore_mem>>) src(%dma_wait3A_500 : memref<512x512xf32, #tpu.memory_space<hbm>>) dst(%dma_wait3A_491 : memref<32x512xf32, #tpu.memory_space<vmem>>)
    %add3A_503 = arith.constant 160 : i32
    %add3A_504 = arith.addi %mul3A_2, %add3A_503 : i32
    %dma_start3A_505 = arith.constant 5 : i32
    %dma_start3A_506 = arith.constant 5 : i32
    %dma_start3A_507 = arith.constant 0 : i32
    %dma_start3A_508 = arith.constant 0 : i32
    %dma_start3A_509 = tpu.memref_slice %arg8[%dma_start3A_505, %dma_start3A_507, %dma_start3A_508] : memref<7x32x512xf32, #tpu.memory_space<vmem>> -> memref<1x32x512xf32, #tpu.memory_space<vmem>>
    %dma_start3A_510 = tpu.memref_squeeze %dma_start3A_509 : memref<1x32x512xf32, #tpu.memory_space<vmem>> -> memref<32x512xf32, #tpu.memory_space<vmem>>
    %dma_start3A_511 = arith.constant 0 : i32
    %dma_start3A_512 = tpu.memref_slice %arg4[%add3A_504, %dma_start3A_511] : memref<32768x512xf32, #tpu.memory_space<hbm>> -> memref<32x512xf32, #tpu.memory_space<hbm>>
    %dma_start3A_513 = tpu.memref_slice %arg10[%dma_start3A_506] : memref<7x!tpu.dma_semaphore, #tpu.memory_space<semaphore_mem>> -> memref<1x!tpu.dma_semaphore, #tpu.memory_space<semaphore_mem>>
    %dma_start3A_514 = tpu.memref_squeeze %dma_start3A_513 : memref<1x!tpu.dma_semaphore, #tpu.memory_space<semaphore_mem>> -> memref<!tpu.dma_semaphore, #tpu.memory_space<semaphore_mem>>
    %dma_start3A_515 = arith.constant 0 : i32
    %dma_start3A_516 = tpu.memref_slice %arg4[%add3A_504, %dma_start3A_515] : memref<32768x512xf32, #tpu.memory_space<hbm>> -> memref<32x512xf32, #tpu.memory_space<hbm>>
    %dma_start3A_517 = arith.constant 0 : i32
    %dma_start3A_518 = arith.constant 0 : i32
    %dma_start3A_519 = tpu.memref_slice %arg8[%dma_start3A_505, %dma_start3A_517, %dma_start3A_518] : memref<7x32x512xf32, #tpu.memory_space<vmem>> -> memref<1x32x512xf32, #tpu.memory_space<vmem>>
    %dma_start3A_520 = tpu.memref_squeeze %dma_start3A_519 : memref<1x32x512xf32, #tpu.memory_space<vmem>> -> memref<32x512xf32, #tpu.memory_space<vmem>>
    tpu.enqueue_dma source(%dma_start3A_520 : memref<32x512xf32, #tpu.memory_space<vmem>>) target(%dma_start3A_516 : memref<32x512xf32, #tpu.memory_space<hbm>>) target_semaphore(%dma_start3A_514 : memref<!tpu.dma_semaphore, #tpu.memory_space<semaphore_mem>>)
    %dma_wait3A_521 = arith.constant 5 : i32
    %dma_wait3A_522 = arith.constant 5 : i32
    %dma_wait3A_523 = arith.constant 0 : i32
    %dma_wait3A_524 = arith.constant 0 : i32
    %dma_wait3A_525 = tpu.memref_slice %arg8[%dma_wait3A_521, %dma_wait3A_523, %dma_wait3A_524] : memref<7x32x512xf32, #tpu.memory_space<vmem>> -> memref<1x32x512xf32, #tpu.memory_space<vmem>>
    %dma_wait3A_526 = tpu.memref_squeeze %dma_wait3A_525 : memref<1x32x512xf32, #tpu.memory_space<vmem>> -> memref<32x512xf32, #tpu.memory_space<vmem>>
    %dma_wait3A_527 = arith.constant 0 : i32
    %dma_wait3A_528 = tpu.memref_slice %arg4[%add3A_504, %dma_wait3A_527] : memref<32768x512xf32, #tpu.memory_space<hbm>> -> memref<32x512xf32, #tpu.memory_space<hbm>>
    %dma_wait3A_529 = tpu.memref_slice %arg10[%dma_wait3A_522] : memref<7x!tpu.dma_semaphore, #tpu.memory_space<semaphore_mem>> -> memref<1x!tpu.dma_semaphore, #tpu.memory_space<semaphore_mem>>
    %dma_wait3A_530 = tpu.memref_squeeze %dma_wait3A_529 : memref<1x!tpu.dma_semaphore, #tpu.memory_space<semaphore_mem>> -> memref<!tpu.dma_semaphore, #tpu.memory_space<semaphore_mem>>
    %dma_wait3A_531 = arith.constant 0 : i32
    %dma_wait3A_532 = tpu.memref_slice %arg4[%add3A_504, %dma_wait3A_531] : memref<32768x512xf32, #tpu.memory_space<hbm>> -> memref<32x512xf32, #tpu.memory_space<hbm>>
    %dma_wait3A_533 = arith.constant 0 : i32
    %dma_wait3A_534 = arith.constant 0 : i32
    %dma_wait3A_535 = tpu.memref_slice %arg8[%dma_wait3A_521, %dma_wait3A_533, %dma_wait3A_534] : memref<7x32x512xf32, #tpu.memory_space<vmem>> -> memref<1x32x512xf32, #tpu.memory_space<vmem>>
    %dma_wait3A_536 = tpu.memref_squeeze %dma_wait3A_535 : memref<1x32x512xf32, #tpu.memory_space<vmem>> -> memref<32x512xf32, #tpu.memory_space<vmem>>
    tpu.wait_dma2 semaphore(%dma_wait3A_530 : memref<!tpu.dma_semaphore, #tpu.memory_space<semaphore_mem>>) src(%dma_wait3A_536 : memref<32x512xf32, #tpu.memory_space<vmem>>) dst(%dma_wait3A_532 : memref<32x512xf32, #tpu.memory_space<hbm>>)
    %dma_start3A_537 = arith.constant 5 : i32
    %dma_start3A_538 = arith.constant 5 : i32
    %dma_start3A_539 = arith.constant 0 : i32
    %dma_start3A_540 = arith.constant 0 : i32
    %dma_start3A_541 = tpu.memref_slice %arg8[%dma_start3A_537, %dma_start3A_539, %dma_start3A_540] : memref<7x32x512xf32, #tpu.memory_space<vmem>> -> memref<1x32x512xf32, #tpu.memory_space<vmem>>
    %dma_start3A_542 = tpu.memref_squeeze %dma_start3A_541 : memref<1x32x512xf32, #tpu.memory_space<vmem>> -> memref<32x512xf32, #tpu.memory_space<vmem>>
    %dma_start3A_543 = arith.constant 384 : i32
    %dma_start3A_544 = tpu.memref_slice %arg6[%dma_start3A_543] : memref<1024xi32, #tpu.memory_space<vmem>> -> memref<32xi32, #tpu.memory_space<vmem>>
    %dma_start3A_545 = arith.constant 0 : i32
    %dma_start3A_546 = arith.constant 0 : i32
    %dma_start3A_547 = tpu.memref_slice %arg2[%select_n3A, %dma_start3A_545, %dma_start3A_546] : memref<16x512x512xf32, #tpu.memory_space<hbm>> -> memref<1x512x512xf32, #tpu.memory_space<hbm>>
    %dma_start3A_548 = tpu.memref_squeeze %dma_start3A_547 : memref<1x512x512xf32, #tpu.memory_space<hbm>> -> memref<512x512xf32, #tpu.memory_space<hbm>>
    %dma_start3A_549 = arith.constant 0 : i32
    %dma_start3A_550 = arith.constant 0 : i32
    %dma_start3A_551 = tpu.memref_slice %dma_start3A_548[%dma_start3A_549, %dma_start3A_550] : memref<512x512xf32, #tpu.memory_space<hbm>> -> memref<512x512xf32, #tpu.memory_space<hbm>>
    %dma_start3A_552 = tpu.memref_slice %arg9[%dma_start3A_538] : memref<7x!tpu.dma_semaphore, #tpu.memory_space<semaphore_mem>> -> memref<1x!tpu.dma_semaphore, #tpu.memory_space<semaphore_mem>>
    %dma_start3A_553 = tpu.memref_squeeze %dma_start3A_552 : memref<1x!tpu.dma_semaphore, #tpu.memory_space<semaphore_mem>> -> memref<!tpu.dma_semaphore, #tpu.memory_space<semaphore_mem>>
    tpu.enqueue_indirect_dma source(%dma_start3A_551 : memref<512x512xf32, #tpu.memory_space<hbm>>) target(%dma_start3A_542 : memref<32x512xf32, #tpu.memory_space<vmem>>) offsets(%dma_start3A_544 : memref<32xi32, #tpu.memory_space<vmem>>) semaphore(%dma_start3A_553 : memref<!tpu.dma_semaphore, #tpu.memory_space<semaphore_mem>>)
    %dma_wait3A_554 = arith.constant 6 : i32
    %dma_wait3A_555 = arith.constant 6 : i32
    %dma_wait3A_556 = arith.constant 0 : i32
    %dma_wait3A_557 = arith.constant 0 : i32
    %dma_wait3A_558 = tpu.memref_slice %arg8[%dma_wait3A_554, %dma_wait3A_556, %dma_wait3A_557] : memref<7x32x512xf32, #tpu.memory_space<vmem>> -> memref<1x32x512xf32, #tpu.memory_space<vmem>>
    %dma_wait3A_559 = tpu.memref_squeeze %dma_wait3A_558 : memref<1x32x512xf32, #tpu.memory_space<vmem>> -> memref<32x512xf32, #tpu.memory_space<vmem>>
    %dma_wait3A_560 = arith.constant 192 : i32
    %dma_wait3A_561 = tpu.memref_slice %arg6[%dma_wait3A_560] : memref<1024xi32, #tpu.memory_space<vmem>> -> memref<32xi32, #tpu.memory_space<vmem>>
    %dma_wait3A_562 = arith.constant 0 : i32
    %dma_wait3A_563 = arith.constant 0 : i32
    %dma_wait3A_564 = tpu.memref_slice %arg2[%select_n3A, %dma_wait3A_562, %dma_wait3A_563] : memref<16x512x512xf32, #tpu.memory_space<hbm>> -> memref<1x512x512xf32, #tpu.memory_space<hbm>>
    %dma_wait3A_565 = tpu.memref_squeeze %dma_wait3A_564 : memref<1x512x512xf32, #tpu.memory_space<hbm>> -> memref<512x512xf32, #tpu.memory_space<hbm>>
    %dma_wait3A_566 = arith.constant 0 : i32
    %dma_wait3A_567 = arith.constant 0 : i32
    %dma_wait3A_568 = tpu.memref_slice %dma_wait3A_565[%dma_wait3A_566, %dma_wait3A_567] : memref<512x512xf32, #tpu.memory_space<hbm>> -> memref<512x512xf32, #tpu.memory_space<hbm>>
    %dma_wait3A_569 = tpu.memref_slice %arg9[%dma_wait3A_555] : memref<7x!tpu.dma_semaphore, #tpu.memory_space<semaphore_mem>> -> memref<1x!tpu.dma_semaphore, #tpu.memory_space<semaphore_mem>>
    %dma_wait3A_570 = tpu.memref_squeeze %dma_wait3A_569 : memref<1x!tpu.dma_semaphore, #tpu.memory_space<semaphore_mem>> -> memref<!tpu.dma_semaphore, #tpu.memory_space<semaphore_mem>>
    tpu.wait_indirect_dma semaphore(%dma_wait3A_570 : memref<!tpu.dma_semaphore, #tpu.memory_space<semaphore_mem>>) src(%dma_wait3A_568 : memref<512x512xf32, #tpu.memory_space<hbm>>) dst(%dma_wait3A_559 : memref<32x512xf32, #tpu.memory_space<vmem>>)
    %add3A_571 = arith.constant 192 : i32
    %add3A_572 = arith.addi %mul3A_2, %add3A_571 : i32
    %dma_start3A_573 = arith.constant 6 : i32
    %dma_start3A_574 = arith.constant 6 : i32
    %dma_start3A_575 = arith.constant 0 : i32
    %dma_start3A_576 = arith.constant 0 : i32
    %dma_start3A_577 = tpu.memref_slice %arg8[%dma_start3A_573, %dma_start3A_575, %dma_start3A_576] : memref<7x32x512xf32, #tpu.memory_space<vmem>> -> memref<1x32x512xf32, #tpu.memory_space<vmem>>
    %dma_start3A_578 = tpu.memref_squeeze %dma_start3A_577 : memref<1x32x512xf32, #tpu.memory_space<vmem>> -> memref<32x512xf32, #tpu.memory_space<vmem>>
    %dma_start3A_579 = arith.constant 0 : i32
    %dma_start3A_580 = tpu.memref_slice %arg4[%add3A_572, %dma_start3A_579] : memref<32768x512xf32, #tpu.memory_space<hbm>> -> memref<32x512xf32, #tpu.memory_space<hbm>>
    %dma_start3A_581 = tpu.memref_slice %arg10[%dma_start3A_574] : memref<7x!tpu.dma_semaphore, #tpu.memory_space<semaphore_mem>> -> memref<1x!tpu.dma_semaphore, #tpu.memory_space<semaphore_mem>>
    %dma_start3A_582 = tpu.memref_squeeze %dma_start3A_581 : memref<1x!tpu.dma_semaphore, #tpu.memory_space<semaphore_mem>> -> memref<!tpu.dma_semaphore, #tpu.memory_space<semaphore_mem>>
    %dma_start3A_583 = arith.constant 0 : i32
    %dma_start3A_584 = tpu.memref_slice %arg4[%add3A_572, %dma_start3A_583] : memref<32768x512xf32, #tpu.memory_space<hbm>> -> memref<32x512xf32, #tpu.memory_space<hbm>>
    %dma_start3A_585 = arith.constant 0 : i32
    %dma_start3A_586 = arith.constant 0 : i32
    %dma_start3A_587 = tpu.memref_slice %arg8[%dma_start3A_573, %dma_start3A_585, %dma_start3A_586] : memref<7x32x512xf32, #tpu.memory_space<vmem>> -> memref<1x32x512xf32, #tpu.memory_space<vmem>>
    %dma_start3A_588 = tpu.memref_squeeze %dma_start3A_587 : memref<1x32x512xf32, #tpu.memory_space<vmem>> -> memref<32x512xf32, #tpu.memory_space<vmem>>
    tpu.enqueue_dma source(%dma_start3A_588 : memref<32x512xf32, #tpu.memory_space<vmem>>) target(%dma_start3A_584 : memref<32x512xf32, #tpu.memory_space<hbm>>) target_semaphore(%dma_start3A_582 : memref<!tpu.dma_semaphore, #tpu.memory_space<semaphore_mem>>)
    %dma_wait3A_589 = arith.constant 6 : i32
    %dma_wait3A_590 = arith.constant 6 : i32
    %dma_wait3A_591 = arith.constant 0 : i32
    %dma_wait3A_592 = arith.constant 0 : i32
    %dma_wait3A_593 = tpu.memref_slice %arg8[%dma_wait3A_589, %dma_wait3A_591, %dma_wait3A_592] : memref<7x32x512xf32, #tpu.memory_space<vmem>> -> memref<1x32x512xf32, #tpu.memory_space<vmem>>
    %dma_wait3A_594 = tpu.memref_squeeze %dma_wait3A_593 : memref<1x32x512xf32, #tpu.memory_space<vmem>> -> memref<32x512xf32, #tpu.memory_space<vmem>>
    %dma_wait3A_595 = arith.constant 0 : i32
    %dma_wait3A_596 = tpu.memref_slice %arg4[%add3A_572, %dma_wait3A_595] : memref<32768x512xf32, #tpu.memory_space<hbm>> -> memref<32x512xf32, #tpu.memory_space<hbm>>
    %dma_wait3A_597 = tpu.memref_slice %arg10[%dma_wait3A_590] : memref<7x!tpu.dma_semaphore, #tpu.memory_space<semaphore_mem>> -> memref<1x!tpu.dma_semaphore, #tpu.memory_space<semaphore_mem>>
    %dma_wait3A_598 = tpu.memref_squeeze %dma_wait3A_597 : memref<1x!tpu.dma_semaphore, #tpu.memory_space<semaphore_mem>> -> memref<!tpu.dma_semaphore, #tpu.memory_space<semaphore_mem>>
    %dma_wait3A_599 = arith.constant 0 : i32
    %dma_wait3A_600 = tpu.memref_slice %arg4[%add3A_572, %dma_wait3A_599] : memref<32768x512xf32, #tpu.memory_space<hbm>> -> memref<32x512xf32, #tpu.memory_space<hbm>>
    %dma_wait3A_601 = arith.constant 0 : i32
    %dma_wait3A_602 = arith.constant 0 : i32
    %dma_wait3A_603 = tpu.memref_slice %arg8[%dma_wait3A_589, %dma_wait3A_601, %dma_wait3A_602] : memref<7x32x512xf32, #tpu.memory_space<vmem>> -> memref<1x32x512xf32, #tpu.memory_space<vmem>>
    %dma_wait3A_604 = tpu.memref_squeeze %dma_wait3A_603 : memref<1x32x512xf32, #tpu.memory_space<vmem>> -> memref<32x512xf32, #tpu.memory_space<vmem>>
    tpu.wait_dma2 semaphore(%dma_wait3A_598 : memref<!tpu.dma_semaphore, #tpu.memory_space<semaphore_mem>>) src(%dma_wait3A_604 : memref<32x512xf32, #tpu.memory_space<vmem>>) dst(%dma_wait3A_600 : memref<32x512xf32, #tpu.memory_space<hbm>>)
    %dma_start3A_605 = arith.constant 6 : i32
    %dma_start3A_606 = arith.constant 6 : i32
    %dma_start3A_607 = arith.constant 0 : i32
    %dma_start3A_608 = arith.constant 0 : i32
    %dma_start3A_609 = tpu.memref_slice %arg8[%dma_start3A_605, %dma_start3A_607, %dma_start3A_608] : memref<7x32x512xf32, #tpu.memory_space<vmem>> -> memref<1x32x512xf32, #tpu.memory_space<vmem>>
    %dma_start3A_610 = tpu.memref_squeeze %dma_start3A_609 : memref<1x32x512xf32, #tpu.memory_space<vmem>> -> memref<32x512xf32, #tpu.memory_space<vmem>>
    %dma_start3A_611 = arith.constant 416 : i32
    %dma_start3A_612 = tpu.memref_slice %arg6[%dma_start3A_611] : memref<1024xi32, #tpu.memory_space<vmem>> -> memref<32xi32, #tpu.memory_space<vmem>>
    %dma_start3A_613 = arith.constant 0 : i32
    %dma_start3A_614 = arith.constant 0 : i32
    %dma_start3A_615 = tpu.memref_slice %arg2[%select_n3A, %dma_start3A_613, %dma_start3A_614] : memref<16x512x512xf32, #tpu.memory_space<hbm>> -> memref<1x512x512xf32, #tpu.memory_space<hbm>>
    %dma_start3A_616 = tpu.memref_squeeze %dma_start3A_615 : memref<1x512x512xf32, #tpu.memory_space<hbm>> -> memref<512x512xf32, #tpu.memory_space<hbm>>
    %dma_start3A_617 = arith.constant 0 : i32
    %dma_start3A_618 = arith.constant 0 : i32
    %dma_start3A_619 = tpu.memref_slice %dma_start3A_616[%dma_start3A_617, %dma_start3A_618] : memref<512x512xf32, #tpu.memory_space<hbm>> -> memref<512x512xf32, #tpu.memory_space<hbm>>
    %dma_start3A_620 = tpu.memref_slice %arg9[%dma_start3A_606] : memref<7x!tpu.dma_semaphore, #tpu.memory_space<semaphore_mem>> -> memref<1x!tpu.dma_semaphore, #tpu.memory_space<semaphore_mem>>
    %dma_start3A_621 = tpu.memref_squeeze %dma_start3A_620 : memref<1x!tpu.dma_semaphore, #tpu.memory_space<semaphore_mem>> -> memref<!tpu.dma_semaphore, #tpu.memory_space<semaphore_mem>>
    tpu.enqueue_indirect_dma source(%dma_start3A_619 : memref<512x512xf32, #tpu.memory_space<hbm>>) target(%dma_start3A_610 : memref<32x512xf32, #tpu.memory_space<vmem>>) offsets(%dma_start3A_612 : memref<32xi32, #tpu.memory_space<vmem>>) semaphore(%dma_start3A_621 : memref<!tpu.dma_semaphore, #tpu.memory_space<semaphore_mem>>)
    %dma_wait3A_622 = arith.constant 0 : i32
    %dma_wait3A_623 = arith.constant 0 : i32
    %dma_wait3A_624 = arith.constant 0 : i32
    %dma_wait3A_625 = arith.constant 0 : i32
    %dma_wait3A_626 = tpu.memref_slice %arg8[%dma_wait3A_622, %dma_wait3A_624, %dma_wait3A_625] : memref<7x32x512xf32, #tpu.memory_space<vmem>> -> memref<1x32x512xf32, #tpu.memory_space<vmem>>
    %dma_wait3A_627 = tpu.memref_squeeze %dma_wait3A_626 : memref<1x32x512xf32, #tpu.memory_space<vmem>> -> memref<32x512xf32, #tpu.memory_space<vmem>>
    %dma_wait3A_628 = arith.constant 224 : i32
    %dma_wait3A_629 = tpu.memref_slice %arg6[%dma_wait3A_628] : memref<1024xi32, #tpu.memory_space<vmem>> -> memref<32xi32, #tpu.memory_space<vmem>>
    %dma_wait3A_630 = arith.constant 0 : i32
    %dma_wait3A_631 = arith.constant 0 : i32
    %dma_wait3A_632 = tpu.memref_slice %arg2[%select_n3A, %dma_wait3A_630, %dma_wait3A_631] : memref<16x512x512xf32, #tpu.memory_space<hbm>> -> memref<1x512x512xf32, #tpu.memory_space<hbm>>
    %dma_wait3A_633 = tpu.memref_squeeze %dma_wait3A_632 : memref<1x512x512xf32, #tpu.memory_space<hbm>> -> memref<512x512xf32, #tpu.memory_space<hbm>>
    %dma_wait3A_634 = arith.constant 0 : i32
    %dma_wait3A_635 = arith.constant 0 : i32
    %dma_wait3A_636 = tpu.memref_slice %dma_wait3A_633[%dma_wait3A_634, %dma_wait3A_635] : memref<512x512xf32, #tpu.memory_space<hbm>> -> memref<512x512xf32, #tpu.memory_space<hbm>>
    %dma_wait3A_637 = tpu.memref_slice %arg9[%dma_wait3A_623] : memref<7x!tpu.dma_semaphore, #tpu.memory_space<semaphore_mem>> -> memref<1x!tpu.dma_semaphore, #tpu.memory_space<semaphore_mem>>
    %dma_wait3A_638 = tpu.memref_squeeze %dma_wait3A_637 : memref<1x!tpu.dma_semaphore, #tpu.memory_space<semaphore_mem>> -> memref<!tpu.dma_semaphore, #tpu.memory_space<semaphore_mem>>
    tpu.wait_indirect_dma semaphore(%dma_wait3A_638 : memref<!tpu.dma_semaphore, #tpu.memory_space<semaphore_mem>>) src(%dma_wait3A_636 : memref<512x512xf32, #tpu.memory_space<hbm>>) dst(%dma_wait3A_627 : memref<32x512xf32, #tpu.memory_space<vmem>>)
    %add3A_639 = arith.constant 224 : i32
    %add3A_640 = arith.addi %mul3A_2, %add3A_639 : i32
    %dma_start3A_641 = arith.constant 0 : i32
    %dma_start3A_642 = arith.constant 0 : i32
    %dma_start3A_643 = arith.constant 0 : i32
    %dma_start3A_644 = arith.constant 0 : i32
    %dma_start3A_645 = tpu.memref_slice %arg8[%dma_start3A_641, %dma_start3A_643, %dma_start3A_644] : memref<7x32x512xf32, #tpu.memory_space<vmem>> -> memref<1x32x512xf32, #tpu.memory_space<vmem>>
    %dma_start3A_646 = tpu.memref_squeeze %dma_start3A_645 : memref<1x32x512xf32, #tpu.memory_space<vmem>> -> memref<32x512xf32, #tpu.memory_space<vmem>>
    %dma_start3A_647 = arith.constant 0 : i32
    %dma_start3A_648 = tpu.memref_slice %arg4[%add3A_640, %dma_start3A_647] : memref<32768x512xf32, #tpu.memory_space<hbm>> -> memref<32x512xf32, #tpu.memory_space<hbm>>
    %dma_start3A_649 = tpu.memref_slice %arg10[%dma_start3A_642] : memref<7x!tpu.dma_semaphore, #tpu.memory_space<semaphore_mem>> -> memref<1x!tpu.dma_semaphore, #tpu.memory_space<semaphore_mem>>
    %dma_start3A_650 = tpu.memref_squeeze %dma_start3A_649 : memref<1x!tpu.dma_semaphore, #tpu.memory_space<semaphore_mem>> -> memref<!tpu.dma_semaphore, #tpu.memory_space<semaphore_mem>>
    %dma_start3A_651 = arith.constant 0 : i32
    %dma_start3A_652 = tpu.memref_slice %arg4[%add3A_640, %dma_start3A_651] : memref<32768x512xf32, #tpu.memory_space<hbm>> -> memref<32x512xf32, #tpu.memory_space<hbm>>
    %dma_start3A_653 = arith.constant 0 : i32
    %dma_start3A_654 = arith.constant 0 : i32
    %dma_start3A_655 = tpu.memref_slice %arg8[%dma_start3A_641, %dma_start3A_653, %dma_start3A_654] : memref<7x32x512xf32, #tpu.memory_space<vmem>> -> memref<1x32x512xf32, #tpu.memory_space<vmem>>
    %dma_start3A_656 = tpu.memref_squeeze %dma_start3A_655 : memref<1x32x512xf32, #tpu.memory_space<vmem>> -> memref<32x512xf32, #tpu.memory_space<vmem>>
    tpu.enqueue_dma source(%dma_start3A_656 : memref<32x512xf32, #tpu.memory_space<vmem>>) target(%dma_start3A_652 : memref<32x512xf32, #tpu.memory_space<hbm>>) target_semaphore(%dma_start3A_650 : memref<!tpu.dma_semaphore, #tpu.memory_space<semaphore_mem>>)
    %dma_wait3A_657 = arith.constant 0 : i32
    %dma_wait3A_658 = arith.constant 0 : i32
    %dma_wait3A_659 = arith.constant 0 : i32
    %dma_wait3A_660 = arith.constant 0 : i32
    %dma_wait3A_661 = tpu.memref_slice %arg8[%dma_wait3A_657, %dma_wait3A_659, %dma_wait3A_660] : memref<7x32x512xf32, #tpu.memory_space<vmem>> -> memref<1x32x512xf32, #tpu.memory_space<vmem>>
    %dma_wait3A_662 = tpu.memref_squeeze %dma_wait3A_661 : memref<1x32x512xf32, #tpu.memory_space<vmem>> -> memref<32x512xf32, #tpu.memory_space<vmem>>
    %dma_wait3A_663 = arith.constant 0 : i32
    %dma_wait3A_664 = tpu.memref_slice %arg4[%add3A_640, %dma_wait3A_663] : memref<32768x512xf32, #tpu.memory_space<hbm>> -> memref<32x512xf32, #tpu.memory_space<hbm>>
    %dma_wait3A_665 = tpu.memref_slice %arg10[%dma_wait3A_658] : memref<7x!tpu.dma_semaphore, #tpu.memory_space<semaphore_mem>> -> memref<1x!tpu.dma_semaphore, #tpu.memory_space<semaphore_mem>>
    %dma_wait3A_666 = tpu.memref_squeeze %dma_wait3A_665 : memref<1x!tpu.dma_semaphore, #tpu.memory_space<semaphore_mem>> -> memref<!tpu.dma_semaphore, #tpu.memory_space<semaphore_mem>>
    %dma_wait3A_667 = arith.constant 0 : i32
    %dma_wait3A_668 = tpu.memref_slice %arg4[%add3A_640, %dma_wait3A_667] : memref<32768x512xf32, #tpu.memory_space<hbm>> -> memref<32x512xf32, #tpu.memory_space<hbm>>
    %dma_wait3A_669 = arith.constant 0 : i32
    %dma_wait3A_670 = arith.constant 0 : i32
    %dma_wait3A_671 = tpu.memref_slice %arg8[%dma_wait3A_657, %dma_wait3A_669, %dma_wait3A_670] : memref<7x32x512xf32, #tpu.memory_space<vmem>> -> memref<1x32x512xf32, #tpu.memory_space<vmem>>
    %dma_wait3A_672 = tpu.memref_squeeze %dma_wait3A_671 : memref<1x32x512xf32, #tpu.memory_space<vmem>> -> memref<32x512xf32, #tpu.memory_space<vmem>>
    tpu.wait_dma2 semaphore(%dma_wait3A_666 : memref<!tpu.dma_semaphore, #tpu.memory_space<semaphore_mem>>) src(%dma_wait3A_672 : memref<32x512xf32, #tpu.memory_space<vmem>>) dst(%dma_wait3A_668 : memref<32x512xf32, #tpu.memory_space<hbm>>)
    %dma_start3A_673 = arith.constant 0 : i32
    %dma_start3A_674 = arith.constant 0 : i32
    %dma_start3A_675 = arith.constant 0 : i32
    %dma_start3A_676 = arith.constant 0 : i32
    %dma_start3A_677 = tpu.memref_slice %arg8[%dma_start3A_673, %dma_start3A_675, %dma_start3A_676] : memref<7x32x512xf32, #tpu.memory_space<vmem>> -> memref<1x32x512xf32, #tpu.memory_space<vmem>>
    %dma_start3A_678 = tpu.memref_squeeze %dma_start3A_677 : memref<1x32x512xf32, #tpu.memory_space<vmem>> -> memref<32x512xf32, #tpu.memory_space<vmem>>
    %dma_start3A_679 = arith.constant 448 : i32
    %dma_start3A_680 = tpu.memref_slice %arg6[%dma_start3A_679] : memref<1024xi32, #tpu.memory_space<vmem>> -> memref<32xi32, #tpu.memory_space<vmem>>
    %dma_start3A_681 = arith.constant 0 : i32
    %dma_start3A_682 = arith.constant 0 : i32
    %dma_start3A_683 = tpu.memref_slice %arg2[%select_n3A, %dma_start3A_681, %dma_start3A_682] : memref<16x512x512xf32, #tpu.memory_space<hbm>> -> memref<1x512x512xf32, #tpu.memory_space<hbm>>
    %dma_start3A_684 = tpu.memref_squeeze %dma_start3A_683 : memref<1x512x512xf32, #tpu.memory_space<hbm>> -> memref<512x512xf32, #tpu.memory_space<hbm>>
    %dma_start3A_685 = arith.constant 0 : i32
    %dma_start3A_686 = arith.constant 0 : i32
    %dma_start3A_687 = tpu.memref_slice %dma_start3A_684[%dma_start3A_685, %dma_start3A_686] : memref<512x512xf32, #tpu.memory_space<hbm>> -> memref<512x512xf32, #tpu.memory_space<hbm>>
    %dma_start3A_688 = tpu.memref_slice %arg9[%dma_start3A_674] : memref<7x!tpu.dma_semaphore, #tpu.memory_space<semaphore_mem>> -> memref<1x!tpu.dma_semaphore, #tpu.memory_space<semaphore_mem>>
    %dma_start3A_689 = tpu.memref_squeeze %dma_start3A_688 : memref<1x!tpu.dma_semaphore, #tpu.memory_space<semaphore_mem>> -> memref<!tpu.dma_semaphore, #tpu.memory_space<semaphore_mem>>
    tpu.enqueue_indirect_dma source(%dma_start3A_687 : memref<512x512xf32, #tpu.memory_space<hbm>>) target(%dma_start3A_678 : memref<32x512xf32, #tpu.memory_space<vmem>>) offsets(%dma_start3A_680 : memref<32xi32, #tpu.memory_space<vmem>>) semaphore(%dma_start3A_689 : memref<!tpu.dma_semaphore, #tpu.memory_space<semaphore_mem>>)
    %dma_wait3A_690 = arith.constant 1 : i32
    %dma_wait3A_691 = arith.constant 1 : i32
    %dma_wait3A_692 = arith.constant 0 : i32
    %dma_wait3A_693 = arith.constant 0 : i32
    %dma_wait3A_694 = tpu.memref_slice %arg8[%dma_wait3A_690, %dma_wait3A_692, %dma_wait3A_693] : memref<7x32x512xf32, #tpu.memory_space<vmem>> -> memref<1x32x512xf32, #tpu.memory_space<vmem>>
    %dma_wait3A_695 = tpu.memref_squeeze %dma_wait3A_694 : memref<1x32x512xf32, #tpu.memory_space<vmem>> -> memref<32x512xf32, #tpu.memory_space<vmem>>
    %dma_wait3A_696 = arith.constant 256 : i32
    %dma_wait3A_697 = tpu.memref_slice %arg6[%dma_wait3A_696] : memref<1024xi32, #tpu.memory_space<vmem>> -> memref<32xi32, #tpu.memory_space<vmem>>
    %dma_wait3A_698 = arith.constant 0 : i32
    %dma_wait3A_699 = arith.constant 0 : i32
    %dma_wait3A_700 = tpu.memref_slice %arg2[%select_n3A, %dma_wait3A_698, %dma_wait3A_699] : memref<16x512x512xf32, #tpu.memory_space<hbm>> -> memref<1x512x512xf32, #tpu.memory_space<hbm>>
    %dma_wait3A_701 = tpu.memref_squeeze %dma_wait3A_700 : memref<1x512x512xf32, #tpu.memory_space<hbm>> -> memref<512x512xf32, #tpu.memory_space<hbm>>
    %dma_wait3A_702 = arith.constant 0 : i32
    %dma_wait3A_703 = arith.constant 0 : i32
    %dma_wait3A_704 = tpu.memref_slice %dma_wait3A_701[%dma_wait3A_702, %dma_wait3A_703] : memref<512x512xf32, #tpu.memory_space<hbm>> -> memref<512x512xf32, #tpu.memory_space<hbm>>
    %dma_wait3A_705 = tpu.memref_slice %arg9[%dma_wait3A_691] : memref<7x!tpu.dma_semaphore, #tpu.memory_space<semaphore_mem>> -> memref<1x!tpu.dma_semaphore, #tpu.memory_space<semaphore_mem>>
    %dma_wait3A_706 = tpu.memref_squeeze %dma_wait3A_705 : memref<1x!tpu.dma_semaphore, #tpu.memory_space<semaphore_mem>> -> memref<!tpu.dma_semaphore, #tpu.memory_space<semaphore_mem>>
    tpu.wait_indirect_dma semaphore(%dma_wait3A_706 : memref<!tpu.dma_semaphore, #tpu.memory_space<semaphore_mem>>) src(%dma_wait3A_704 : memref<512x512xf32, #tpu.memory_space<hbm>>) dst(%dma_wait3A_695 : memref<32x512xf32, #tpu.memory_space<vmem>>)
    %add3A_707 = arith.constant 256 : i32
    %add3A_708 = arith.addi %mul3A_2, %add3A_707 : i32
    %dma_start3A_709 = arith.constant 1 : i32
    %dma_start3A_710 = arith.constant 1 : i32
    %dma_start3A_711 = arith.constant 0 : i32
    %dma_start3A_712 = arith.constant 0 : i32
    %dma_start3A_713 = tpu.memref_slice %arg8[%dma_start3A_709, %dma_start3A_711, %dma_start3A_712] : memref<7x32x512xf32, #tpu.memory_space<vmem>> -> memref<1x32x512xf32, #tpu.memory_space<vmem>>
    %dma_start3A_714 = tpu.memref_squeeze %dma_start3A_713 : memref<1x32x512xf32, #tpu.memory_space<vmem>> -> memref<32x512xf32, #tpu.memory_space<vmem>>
    %dma_start3A_715 = arith.constant 0 : i32
    %dma_start3A_716 = tpu.memref_slice %arg4[%add3A_708, %dma_start3A_715] : memref<32768x512xf32, #tpu.memory_space<hbm>> -> memref<32x512xf32, #tpu.memory_space<hbm>>
    %dma_start3A_717 = tpu.memref_slice %arg10[%dma_start3A_710] : memref<7x!tpu.dma_semaphore, #tpu.memory_space<semaphore_mem>> -> memref<1x!tpu.dma_semaphore, #tpu.memory_space<semaphore_mem>>
    %dma_start3A_718 = tpu.memref_squeeze %dma_start3A_717 : memref<1x!tpu.dma_semaphore, #tpu.memory_space<semaphore_mem>> -> memref<!tpu.dma_semaphore, #tpu.memory_space<semaphore_mem>>
    %dma_start3A_719 = arith.constant 0 : i32
    %dma_start3A_720 = tpu.memref_slice %arg4[%add3A_708, %dma_start3A_719] : memref<32768x512xf32, #tpu.memory_space<hbm>> -> memref<32x512xf32, #tpu.memory_space<hbm>>
    %dma_start3A_721 = arith.constant 0 : i32
    %dma_start3A_722 = arith.constant 0 : i32
    %dma_start3A_723 = tpu.memref_slice %arg8[%dma_start3A_709, %dma_start3A_721, %dma_start3A_722] : memref<7x32x512xf32, #tpu.memory_space<vmem>> -> memref<1x32x512xf32, #tpu.memory_space<vmem>>
    %dma_start3A_724 = tpu.memref_squeeze %dma_start3A_723 : memref<1x32x512xf32, #tpu.memory_space<vmem>> -> memref<32x512xf32, #tpu.memory_space<vmem>>
    tpu.enqueue_dma source(%dma_start3A_724 : memref<32x512xf32, #tpu.memory_space<vmem>>) target(%dma_start3A_720 : memref<32x512xf32, #tpu.memory_space<hbm>>) target_semaphore(%dma_start3A_718 : memref<!tpu.dma_semaphore, #tpu.memory_space<semaphore_mem>>)
    %dma_wait3A_725 = arith.constant 1 : i32
    %dma_wait3A_726 = arith.constant 1 : i32
    %dma_wait3A_727 = arith.constant 0 : i32
    %dma_wait3A_728 = arith.constant 0 : i32
    %dma_wait3A_729 = tpu.memref_slice %arg8[%dma_wait3A_725, %dma_wait3A_727, %dma_wait3A_728] : memref<7x32x512xf32, #tpu.memory_space<vmem>> -> memref<1x32x512xf32, #tpu.memory_space<vmem>>
    %dma_wait3A_730 = tpu.memref_squeeze %dma_wait3A_729 : memref<1x32x512xf32, #tpu.memory_space<vmem>> -> memref<32x512xf32, #tpu.memory_space<vmem>>
    %dma_wait3A_731 = arith.constant 0 : i32
    %dma_wait3A_732 = tpu.memref_slice %arg4[%add3A_708, %dma_wait3A_731] : memref<32768x512xf32, #tpu.memory_space<hbm>> -> memref<32x512xf32, #tpu.memory_space<hbm>>
    %dma_wait3A_733 = tpu.memref_slice %arg10[%dma_wait3A_726] : memref<7x!tpu.dma_semaphore, #tpu.memory_space<semaphore_mem>> -> memref<1x!tpu.dma_semaphore, #tpu.memory_space<semaphore_mem>>
    %dma_wait3A_734 = tpu.memref_squeeze %dma_wait3A_733 : memref<1x!tpu.dma_semaphore, #tpu.memory_space<semaphore_mem>> -> memref<!tpu.dma_semaphore, #tpu.memory_space<semaphore_mem>>
    %dma_wait3A_735 = arith.constant 0 : i32
    %dma_wait3A_736 = tpu.memref_slice %arg4[%add3A_708, %dma_wait3A_735] : memref<32768x512xf32, #tpu.memory_space<hbm>> -> memref<32x512xf32, #tpu.memory_space<hbm>>
    %dma_wait3A_737 = arith.constant 0 : i32
    %dma_wait3A_738 = arith.constant 0 : i32
    %dma_wait3A_739 = tpu.memref_slice %arg8[%dma_wait3A_725, %dma_wait3A_737, %dma_wait3A_738] : memref<7x32x512xf32, #tpu.memory_space<vmem>> -> memref<1x32x512xf32, #tpu.memory_space<vmem>>
    %dma_wait3A_740 = tpu.memref_squeeze %dma_wait3A_739 : memref<1x32x512xf32, #tpu.memory_space<vmem>> -> memref<32x512xf32, #tpu.memory_space<vmem>>
    tpu.wait_dma2 semaphore(%dma_wait3A_734 : memref<!tpu.dma_semaphore, #tpu.memory_space<semaphore_mem>>) src(%dma_wait3A_740 : memref<32x512xf32, #tpu.memory_space<vmem>>) dst(%dma_wait3A_736 : memref<32x512xf32, #tpu.memory_space<hbm>>)
    %dma_start3A_741 = arith.constant 1 : i32
    %dma_start3A_742 = arith.constant 1 : i32
    %dma_start3A_743 = arith.constant 0 : i32
    %dma_start3A_744 = arith.constant 0 : i32
    %dma_start3A_745 = tpu.memref_slice %arg8[%dma_start3A_741, %dma_start3A_743, %dma_start3A_744] : memref<7x32x512xf32, #tpu.memory_space<vmem>> -> memref<1x32x512xf32, #tpu.memory_space<vmem>>
    %dma_start3A_746 = tpu.memref_squeeze %dma_start3A_745 : memref<1x32x512xf32, #tpu.memory_space<vmem>> -> memref<32x512xf32, #tpu.memory_space<vmem>>
    %dma_start3A_747 = arith.constant 480 : i32
    %dma_start3A_748 = tpu.memref_slice %arg6[%dma_start3A_747] : memref<1024xi32, #tpu.memory_space<vmem>> -> memref<32xi32, #tpu.memory_space<vmem>>
    %dma_start3A_749 = arith.constant 0 : i32
    %dma_start3A_750 = arith.constant 0 : i32
    %dma_start3A_751 = tpu.memref_slice %arg2[%select_n3A, %dma_start3A_749, %dma_start3A_750] : memref<16x512x512xf32, #tpu.memory_space<hbm>> -> memref<1x512x512xf32, #tpu.memory_space<hbm>>
    %dma_start3A_752 = tpu.memref_squeeze %dma_start3A_751 : memref<1x512x512xf32, #tpu.memory_space<hbm>> -> memref<512x512xf32, #tpu.memory_space<hbm>>
    %dma_start3A_753 = arith.constant 0 : i32
    %dma_start3A_754 = arith.constant 0 : i32
    %dma_start3A_755 = tpu.memref_slice %dma_start3A_752[%dma_start3A_753, %dma_start3A_754] : memref<512x512xf32, #tpu.memory_space<hbm>> -> memref<512x512xf32, #tpu.memory_space<hbm>>
    %dma_start3A_756 = tpu.memref_slice %arg9[%dma_start3A_742] : memref<7x!tpu.dma_semaphore, #tpu.memory_space<semaphore_mem>> -> memref<1x!tpu.dma_semaphore, #tpu.memory_space<semaphore_mem>>
    %dma_start3A_757 = tpu.memref_squeeze %dma_start3A_756 : memref<1x!tpu.dma_semaphore, #tpu.memory_space<semaphore_mem>> -> memref<!tpu.dma_semaphore, #tpu.memory_space<semaphore_mem>>
    tpu.enqueue_indirect_dma source(%dma_start3A_755 : memref<512x512xf32, #tpu.memory_space<hbm>>) target(%dma_start3A_746 : memref<32x512xf32, #tpu.memory_space<vmem>>) offsets(%dma_start3A_748 : memref<32xi32, #tpu.memory_space<vmem>>) semaphore(%dma_start3A_757 : memref<!tpu.dma_semaphore, #tpu.memory_space<semaphore_mem>>)
    %dma_wait3A_758 = arith.constant 2 : i32
    %dma_wait3A_759 = arith.constant 2 : i32
    %dma_wait3A_760 = arith.constant 0 : i32
    %dma_wait3A_761 = arith.constant 0 : i32
    %dma_wait3A_762 = tpu.memref_slice %arg8[%dma_wait3A_758, %dma_wait3A_760, %dma_wait3A_761] : memref<7x32x512xf32, #tpu.memory_space<vmem>> -> memref<1x32x512xf32, #tpu.memory_space<vmem>>
    %dma_wait3A_763 = tpu.memref_squeeze %dma_wait3A_762 : memref<1x32x512xf32, #tpu.memory_space<vmem>> -> memref<32x512xf32, #tpu.memory_space<vmem>>
    %dma_wait3A_764 = arith.constant 288 : i32
    %dma_wait3A_765 = tpu.memref_slice %arg6[%dma_wait3A_764] : memref<1024xi32, #tpu.memory_space<vmem>> -> memref<32xi32, #tpu.memory_space<vmem>>
    %dma_wait3A_766 = arith.constant 0 : i32
    %dma_wait3A_767 = arith.constant 0 : i32
    %dma_wait3A_768 = tpu.memref_slice %arg2[%select_n3A, %dma_wait3A_766, %dma_wait3A_767] : memref<16x512x512xf32, #tpu.memory_space<hbm>> -> memref<1x512x512xf32, #tpu.memory_space<hbm>>
    %dma_wait3A_769 = tpu.memref_squeeze %dma_wait3A_768 : memref<1x512x512xf32, #tpu.memory_space<hbm>> -> memref<512x512xf32, #tpu.memory_space<hbm>>
    %dma_wait3A_770 = arith.constant 0 : i32
    %dma_wait3A_771 = arith.constant 0 : i32
    %dma_wait3A_772 = tpu.memref_slice %dma_wait3A_769[%dma_wait3A_770, %dma_wait3A_771] : memref<512x512xf32, #tpu.memory_space<hbm>> -> memref<512x512xf32, #tpu.memory_space<hbm>>
    %dma_wait3A_773 = tpu.memref_slice %arg9[%dma_wait3A_759] : memref<7x!tpu.dma_semaphore, #tpu.memory_space<semaphore_mem>> -> memref<1x!tpu.dma_semaphore, #tpu.memory_space<semaphore_mem>>
    %dma_wait3A_774 = tpu.memref_squeeze %dma_wait3A_773 : memref<1x!tpu.dma_semaphore, #tpu.memory_space<semaphore_mem>> -> memref<!tpu.dma_semaphore, #tpu.memory_space<semaphore_mem>>
    tpu.wait_indirect_dma semaphore(%dma_wait3A_774 : memref<!tpu.dma_semaphore, #tpu.memory_space<semaphore_mem>>) src(%dma_wait3A_772 : memref<512x512xf32, #tpu.memory_space<hbm>>) dst(%dma_wait3A_763 : memref<32x512xf32, #tpu.memory_space<vmem>>)
    %add3A_775 = arith.constant 288 : i32
    %add3A_776 = arith.addi %mul3A_2, %add3A_775 : i32
    %dma_start3A_777 = arith.constant 2 : i32
    %dma_start3A_778 = arith.constant 2 : i32
    %dma_start3A_779 = arith.constant 0 : i32
    %dma_start3A_780 = arith.constant 0 : i32
    %dma_start3A_781 = tpu.memref_slice %arg8[%dma_start3A_777, %dma_start3A_779, %dma_start3A_780] : memref<7x32x512xf32, #tpu.memory_space<vmem>> -> memref<1x32x512xf32, #tpu.memory_space<vmem>>
    %dma_start3A_782 = tpu.memref_squeeze %dma_start3A_781 : memref<1x32x512xf32, #tpu.memory_space<vmem>> -> memref<32x512xf32, #tpu.memory_space<vmem>>
    %dma_start3A_783 = arith.constant 0 : i32
    %dma_start3A_784 = tpu.memref_slice %arg4[%add3A_776, %dma_start3A_783] : memref<32768x512xf32, #tpu.memory_space<hbm>> -> memref<32x512xf32, #tpu.memory_space<hbm>>
    %dma_start3A_785 = tpu.memref_slice %arg10[%dma_start3A_778] : memref<7x!tpu.dma_semaphore, #tpu.memory_space<semaphore_mem>> -> memref<1x!tpu.dma_semaphore, #tpu.memory_space<semaphore_mem>>
    %dma_start3A_786 = tpu.memref_squeeze %dma_start3A_785 : memref<1x!tpu.dma_semaphore, #tpu.memory_space<semaphore_mem>> -> memref<!tpu.dma_semaphore, #tpu.memory_space<semaphore_mem>>
    %dma_start3A_787 = arith.constant 0 : i32
    %dma_start3A_788 = tpu.memref_slice %arg4[%add3A_776, %dma_start3A_787] : memref<32768x512xf32, #tpu.memory_space<hbm>> -> memref<32x512xf32, #tpu.memory_space<hbm>>
    %dma_start3A_789 = arith.constant 0 : i32
    %dma_start3A_790 = arith.constant 0 : i32
    %dma_start3A_791 = tpu.memref_slice %arg8[%dma_start3A_777, %dma_start3A_789, %dma_start3A_790] : memref<7x32x512xf32, #tpu.memory_space<vmem>> -> memref<1x32x512xf32, #tpu.memory_space<vmem>>
    %dma_start3A_792 = tpu.memref_squeeze %dma_start3A_791 : memref<1x32x512xf32, #tpu.memory_space<vmem>> -> memref<32x512xf32, #tpu.memory_space<vmem>>
    tpu.enqueue_dma source(%dma_start3A_792 : memref<32x512xf32, #tpu.memory_space<vmem>>) target(%dma_start3A_788 : memref<32x512xf32, #tpu.memory_space<hbm>>) target_semaphore(%dma_start3A_786 : memref<!tpu.dma_semaphore, #tpu.memory_space<semaphore_mem>>)
    %dma_wait3A_793 = arith.constant 2 : i32
    %dma_wait3A_794 = arith.constant 2 : i32
    %dma_wait3A_795 = arith.constant 0 : i32
    %dma_wait3A_796 = arith.constant 0 : i32
    %dma_wait3A_797 = tpu.memref_slice %arg8[%dma_wait3A_793, %dma_wait3A_795, %dma_wait3A_796] : memref<7x32x512xf32, #tpu.memory_space<vmem>> -> memref<1x32x512xf32, #tpu.memory_space<vmem>>
    %dma_wait3A_798 = tpu.memref_squeeze %dma_wait3A_797 : memref<1x32x512xf32, #tpu.memory_space<vmem>> -> memref<32x512xf32, #tpu.memory_space<vmem>>
    %dma_wait3A_799 = arith.constant 0 : i32
    %dma_wait3A_800 = tpu.memref_slice %arg4[%add3A_776, %dma_wait3A_799] : memref<32768x512xf32, #tpu.memory_space<hbm>> -> memref<32x512xf32, #tpu.memory_space<hbm>>
    %dma_wait3A_801 = tpu.memref_slice %arg10[%dma_wait3A_794] : memref<7x!tpu.dma_semaphore, #tpu.memory_space<semaphore_mem>> -> memref<1x!tpu.dma_semaphore, #tpu.memory_space<semaphore_mem>>
    %dma_wait3A_802 = tpu.memref_squeeze %dma_wait3A_801 : memref<1x!tpu.dma_semaphore, #tpu.memory_space<semaphore_mem>> -> memref<!tpu.dma_semaphore, #tpu.memory_space<semaphore_mem>>
    %dma_wait3A_803 = arith.constant 0 : i32
    %dma_wait3A_804 = tpu.memref_slice %arg4[%add3A_776, %dma_wait3A_803] : memref<32768x512xf32, #tpu.memory_space<hbm>> -> memref<32x512xf32, #tpu.memory_space<hbm>>
    %dma_wait3A_805 = arith.constant 0 : i32
    %dma_wait3A_806 = arith.constant 0 : i32
    %dma_wait3A_807 = tpu.memref_slice %arg8[%dma_wait3A_793, %dma_wait3A_805, %dma_wait3A_806] : memref<7x32x512xf32, #tpu.memory_space<vmem>> -> memref<1x32x512xf32, #tpu.memory_space<vmem>>
    %dma_wait3A_808 = tpu.memref_squeeze %dma_wait3A_807 : memref<1x32x512xf32, #tpu.memory_space<vmem>> -> memref<32x512xf32, #tpu.memory_space<vmem>>
    tpu.wait_dma2 semaphore(%dma_wait3A_802 : memref<!tpu.dma_semaphore, #tpu.memory_space<semaphore_mem>>) src(%dma_wait3A_808 : memref<32x512xf32, #tpu.memory_space<vmem>>) dst(%dma_wait3A_804 : memref<32x512xf32, #tpu.memory_space<hbm>>)
    %dma_start3A_809 = arith.constant 2 : i32
    %dma_start3A_810 = arith.constant 2 : i32
    %dma_start3A_811 = arith.constant 0 : i32
    %dma_start3A_812 = arith.constant 0 : i32
    %dma_start3A_813 = tpu.memref_slice %arg8[%dma_start3A_809, %dma_start3A_811, %dma_start3A_812] : memref<7x32x512xf32, #tpu.memory_space<vmem>> -> memref<1x32x512xf32, #tpu.memory_space<vmem>>
    %dma_start3A_814 = tpu.memref_squeeze %dma_start3A_813 : memref<1x32x512xf32, #tpu.memory_space<vmem>> -> memref<32x512xf32, #tpu.memory_space<vmem>>
    %dma_start3A_815 = arith.constant 512 : i32
    %dma_start3A_816 = tpu.memref_slice %arg6[%dma_start3A_815] : memref<1024xi32, #tpu.memory_space<vmem>> -> memref<32xi32, #tpu.memory_space<vmem>>
    %dma_start3A_817 = arith.constant 0 : i32
    %dma_start3A_818 = arith.constant 0 : i32
    %dma_start3A_819 = tpu.memref_slice %arg2[%select_n3A, %dma_start3A_817, %dma_start3A_818] : memref<16x512x512xf32, #tpu.memory_space<hbm>> -> memref<1x512x512xf32, #tpu.memory_space<hbm>>
    %dma_start3A_820 = tpu.memref_squeeze %dma_start3A_819 : memref<1x512x512xf32, #tpu.memory_space<hbm>> -> memref<512x512xf32, #tpu.memory_space<hbm>>
    %dma_start3A_821 = arith.constant 0 : i32
    %dma_start3A_822 = arith.constant 0 : i32
    %dma_start3A_823 = tpu.memref_slice %dma_start3A_820[%dma_start3A_821, %dma_start3A_822] : memref<512x512xf32, #tpu.memory_space<hbm>> -> memref<512x512xf32, #tpu.memory_space<hbm>>
    %dma_start3A_824 = tpu.memref_slice %arg9[%dma_start3A_810] : memref<7x!tpu.dma_semaphore, #tpu.memory_space<semaphore_mem>> -> memref<1x!tpu.dma_semaphore, #tpu.memory_space<semaphore_mem>>
    %dma_start3A_825 = tpu.memref_squeeze %dma_start3A_824 : memref<1x!tpu.dma_semaphore, #tpu.memory_space<semaphore_mem>> -> memref<!tpu.dma_semaphore, #tpu.memory_space<semaphore_mem>>
    tpu.enqueue_indirect_dma source(%dma_start3A_823 : memref<512x512xf32, #tpu.memory_space<hbm>>) target(%dma_start3A_814 : memref<32x512xf32, #tpu.memory_space<vmem>>) offsets(%dma_start3A_816 : memref<32xi32, #tpu.memory_space<vmem>>) semaphore(%dma_start3A_825 : memref<!tpu.dma_semaphore, #tpu.memory_space<semaphore_mem>>)
    %dma_wait3A_826 = arith.constant 3 : i32
    %dma_wait3A_827 = arith.constant 3 : i32
    %dma_wait3A_828 = arith.constant 0 : i32
    %dma_wait3A_829 = arith.constant 0 : i32
    %dma_wait3A_830 = tpu.memref_slice %arg8[%dma_wait3A_826, %dma_wait3A_828, %dma_wait3A_829] : memref<7x32x512xf32, #tpu.memory_space<vmem>> -> memref<1x32x512xf32, #tpu.memory_space<vmem>>
    %dma_wait3A_831 = tpu.memref_squeeze %dma_wait3A_830 : memref<1x32x512xf32, #tpu.memory_space<vmem>> -> memref<32x512xf32, #tpu.memory_space<vmem>>
    %dma_wait3A_832 = arith.constant 320 : i32
    %dma_wait3A_833 = tpu.memref_slice %arg6[%dma_wait3A_832] : memref<1024xi32, #tpu.memory_space<vmem>> -> memref<32xi32, #tpu.memory_space<vmem>>
    %dma_wait3A_834 = arith.constant 0 : i32
    %dma_wait3A_835 = arith.constant 0 : i32
    %dma_wait3A_836 = tpu.memref_slice %arg2[%select_n3A, %dma_wait3A_834, %dma_wait3A_835] : memref<16x512x512xf32, #tpu.memory_space<hbm>> -> memref<1x512x512xf32, #tpu.memory_space<hbm>>
    %dma_wait3A_837 = tpu.memref_squeeze %dma_wait3A_836 : memref<1x512x512xf32, #tpu.memory_space<hbm>> -> memref<512x512xf32, #tpu.memory_space<hbm>>
    %dma_wait3A_838 = arith.constant 0 : i32
    %dma_wait3A_839 = arith.constant 0 : i32
    %dma_wait3A_840 = tpu.memref_slice %dma_wait3A_837[%dma_wait3A_838, %dma_wait3A_839] : memref<512x512xf32, #tpu.memory_space<hbm>> -> memref<512x512xf32, #tpu.memory_space<hbm>>
    %dma_wait3A_841 = tpu.memref_slice %arg9[%dma_wait3A_827] : memref<7x!tpu.dma_semaphore, #tpu.memory_space<semaphore_mem>> -> memref<1x!tpu.dma_semaphore, #tpu.memory_space<semaphore_mem>>
    %dma_wait3A_842 = tpu.memref_squeeze %dma_wait3A_841 : memref<1x!tpu.dma_semaphore, #tpu.memory_space<semaphore_mem>> -> memref<!tpu.dma_semaphore, #tpu.memory_space<semaphore_mem>>
    tpu.wait_indirect_dma semaphore(%dma_wait3A_842 : memref<!tpu.dma_semaphore, #tpu.memory_space<semaphore_mem>>) src(%dma_wait3A_840 : memref<512x512xf32, #tpu.memory_space<hbm>>) dst(%dma_wait3A_831 : memref<32x512xf32, #tpu.memory_space<vmem>>)
    %add3A_843 = arith.constant 320 : i32
    %add3A_844 = arith.addi %mul3A_2, %add3A_843 : i32
    %dma_start3A_845 = arith.constant 3 : i32
    %dma_start3A_846 = arith.constant 3 : i32
    %dma_start3A_847 = arith.constant 0 : i32
    %dma_start3A_848 = arith.constant 0 : i32
    %dma_start3A_849 = tpu.memref_slice %arg8[%dma_start3A_845, %dma_start3A_847, %dma_start3A_848] : memref<7x32x512xf32, #tpu.memory_space<vmem>> -> memref<1x32x512xf32, #tpu.memory_space<vmem>>
    %dma_start3A_850 = tpu.memref_squeeze %dma_start3A_849 : memref<1x32x512xf32, #tpu.memory_space<vmem>> -> memref<32x512xf32, #tpu.memory_space<vmem>>
    %dma_start3A_851 = arith.constant 0 : i32
    %dma_start3A_852 = tpu.memref_slice %arg4[%add3A_844, %dma_start3A_851] : memref<32768x512xf32, #tpu.memory_space<hbm>> -> memref<32x512xf32, #tpu.memory_space<hbm>>
    %dma_start3A_853 = tpu.memref_slice %arg10[%dma_start3A_846] : memref<7x!tpu.dma_semaphore, #tpu.memory_space<semaphore_mem>> -> memref<1x!tpu.dma_semaphore, #tpu.memory_space<semaphore_mem>>
    %dma_start3A_854 = tpu.memref_squeeze %dma_start3A_853 : memref<1x!tpu.dma_semaphore, #tpu.memory_space<semaphore_mem>> -> memref<!tpu.dma_semaphore, #tpu.memory_space<semaphore_mem>>
    %dma_start3A_855 = arith.constant 0 : i32
    %dma_start3A_856 = tpu.memref_slice %arg4[%add3A_844, %dma_start3A_855] : memref<32768x512xf32, #tpu.memory_space<hbm>> -> memref<32x512xf32, #tpu.memory_space<hbm>>
    %dma_start3A_857 = arith.constant 0 : i32
    %dma_start3A_858 = arith.constant 0 : i32
    %dma_start3A_859 = tpu.memref_slice %arg8[%dma_start3A_845, %dma_start3A_857, %dma_start3A_858] : memref<7x32x512xf32, #tpu.memory_space<vmem>> -> memref<1x32x512xf32, #tpu.memory_space<vmem>>
    %dma_start3A_860 = tpu.memref_squeeze %dma_start3A_859 : memref<1x32x512xf32, #tpu.memory_space<vmem>> -> memref<32x512xf32, #tpu.memory_space<vmem>>
    tpu.enqueue_dma source(%dma_start3A_860 : memref<32x512xf32, #tpu.memory_space<vmem>>) target(%dma_start3A_856 : memref<32x512xf32, #tpu.memory_space<hbm>>) target_semaphore(%dma_start3A_854 : memref<!tpu.dma_semaphore, #tpu.memory_space<semaphore_mem>>)
    %dma_wait3A_861 = arith.constant 3 : i32
    %dma_wait3A_862 = arith.constant 3 : i32
    %dma_wait3A_863 = arith.constant 0 : i32
    %dma_wait3A_864 = arith.constant 0 : i32
    %dma_wait3A_865 = tpu.memref_slice %arg8[%dma_wait3A_861, %dma_wait3A_863, %dma_wait3A_864] : memref<7x32x512xf32, #tpu.memory_space<vmem>> -> memref<1x32x512xf32, #tpu.memory_space<vmem>>
    %dma_wait3A_866 = tpu.memref_squeeze %dma_wait3A_865 : memref<1x32x512xf32, #tpu.memory_space<vmem>> -> memref<32x512xf32, #tpu.memory_space<vmem>>
    %dma_wait3A_867 = arith.constant 0 : i32
    %dma_wait3A_868 = tpu.memref_slice %arg4[%add3A_844, %dma_wait3A_867] : memref<32768x512xf32, #tpu.memory_space<hbm>> -> memref<32x512xf32, #tpu.memory_space<hbm>>
    %dma_wait3A_869 = tpu.memref_slice %arg10[%dma_wait3A_862] : memref<7x!tpu.dma_semaphore, #tpu.memory_space<semaphore_mem>> -> memref<1x!tpu.dma_semaphore, #tpu.memory_space<semaphore_mem>>
    %dma_wait3A_870 = tpu.memref_squeeze %dma_wait3A_869 : memref<1x!tpu.dma_semaphore, #tpu.memory_space<semaphore_mem>> -> memref<!tpu.dma_semaphore, #tpu.memory_space<semaphore_mem>>
    %dma_wait3A_871 = arith.constant 0 : i32
    %dma_wait3A_872 = tpu.memref_slice %arg4[%add3A_844, %dma_wait3A_871] : memref<32768x512xf32, #tpu.memory_space<hbm>> -> memref<32x512xf32, #tpu.memory_space<hbm>>
    %dma_wait3A_873 = arith.constant 0 : i32
    %dma_wait3A_874 = arith.constant 0 : i32
    %dma_wait3A_875 = tpu.memref_slice %arg8[%dma_wait3A_861, %dma_wait3A_873, %dma_wait3A_874] : memref<7x32x512xf32, #tpu.memory_space<vmem>> -> memref<1x32x512xf32, #tpu.memory_space<vmem>>
    %dma_wait3A_876 = tpu.memref_squeeze %dma_wait3A_875 : memref<1x32x512xf32, #tpu.memory_space<vmem>> -> memref<32x512xf32, #tpu.memory_space<vmem>>
    tpu.wait_dma2 semaphore(%dma_wait3A_870 : memref<!tpu.dma_semaphore, #tpu.memory_space<semaphore_mem>>) src(%dma_wait3A_876 : memref<32x512xf32, #tpu.memory_space<vmem>>) dst(%dma_wait3A_872 : memref<32x512xf32, #tpu.memory_space<hbm>>)
    %dma_start3A_877 = arith.constant 3 : i32
    %dma_start3A_878 = arith.constant 3 : i32
    %dma_start3A_879 = arith.constant 0 : i32
    %dma_start3A_880 = arith.constant 0 : i32
    %dma_start3A_881 = tpu.memref_slice %arg8[%dma_start3A_877, %dma_start3A_879, %dma_start3A_880] : memref<7x32x512xf32, #tpu.memory_space<vmem>> -> memref<1x32x512xf32, #tpu.memory_space<vmem>>
    %dma_start3A_882 = tpu.memref_squeeze %dma_start3A_881 : memref<1x32x512xf32, #tpu.memory_space<vmem>> -> memref<32x512xf32, #tpu.memory_space<vmem>>
    %dma_start3A_883 = arith.constant 544 : i32
    %dma_start3A_884 = tpu.memref_slice %arg6[%dma_start3A_883] : memref<1024xi32, #tpu.memory_space<vmem>> -> memref<32xi32, #tpu.memory_space<vmem>>
    %dma_start3A_885 = arith.constant 0 : i32
    %dma_start3A_886 = arith.constant 0 : i32
    %dma_start3A_887 = tpu.memref_slice %arg2[%select_n3A, %dma_start3A_885, %dma_start3A_886] : memref<16x512x512xf32, #tpu.memory_space<hbm>> -> memref<1x512x512xf32, #tpu.memory_space<hbm>>
    %dma_start3A_888 = tpu.memref_squeeze %dma_start3A_887 : memref<1x512x512xf32, #tpu.memory_space<hbm>> -> memref<512x512xf32, #tpu.memory_space<hbm>>
    %dma_start3A_889 = arith.constant 0 : i32
    %dma_start3A_890 = arith.constant 0 : i32
    %dma_start3A_891 = tpu.memref_slice %dma_start3A_888[%dma_start3A_889, %dma_start3A_890] : memref<512x512xf32, #tpu.memory_space<hbm>> -> memref<512x512xf32, #tpu.memory_space<hbm>>
    %dma_start3A_892 = tpu.memref_slice %arg9[%dma_start3A_878] : memref<7x!tpu.dma_semaphore, #tpu.memory_space<semaphore_mem>> -> memref<1x!tpu.dma_semaphore, #tpu.memory_space<semaphore_mem>>
    %dma_start3A_893 = tpu.memref_squeeze %dma_start3A_892 : memref<1x!tpu.dma_semaphore, #tpu.memory_space<semaphore_mem>> -> memref<!tpu.dma_semaphore, #tpu.memory_space<semaphore_mem>>
    tpu.enqueue_indirect_dma source(%dma_start3A_891 : memref<512x512xf32, #tpu.memory_space<hbm>>) target(%dma_start3A_882 : memref<32x512xf32, #tpu.memory_space<vmem>>) offsets(%dma_start3A_884 : memref<32xi32, #tpu.memory_space<vmem>>) semaphore(%dma_start3A_893 : memref<!tpu.dma_semaphore, #tpu.memory_space<semaphore_mem>>)
    %dma_wait3A_894 = arith.constant 4 : i32
    %dma_wait3A_895 = arith.constant 4 : i32
    %dma_wait3A_896 = arith.constant 0 : i32
    %dma_wait3A_897 = arith.constant 0 : i32
    %dma_wait3A_898 = tpu.memref_slice %arg8[%dma_wait3A_894, %dma_wait3A_896, %dma_wait3A_897] : memref<7x32x512xf32, #tpu.memory_space<vmem>> -> memref<1x32x512xf32, #tpu.memory_space<vmem>>
    %dma_wait3A_899 = tpu.memref_squeeze %dma_wait3A_898 : memref<1x32x512xf32, #tpu.memory_space<vmem>> -> memref<32x512xf32, #tpu.memory_space<vmem>>
    %dma_wait3A_900 = arith.constant 352 : i32
    %dma_wait3A_901 = tpu.memref_slice %arg6[%dma_wait3A_900] : memref<1024xi32, #tpu.memory_space<vmem>> -> memref<32xi32, #tpu.memory_space<vmem>>
    %dma_wait3A_902 = arith.constant 0 : i32
    %dma_wait3A_903 = arith.constant 0 : i32
    %dma_wait3A_904 = tpu.memref_slice %arg2[%select_n3A, %dma_wait3A_902, %dma_wait3A_903] : memref<16x512x512xf32, #tpu.memory_space<hbm>> -> memref<1x512x512xf32, #tpu.memory_space<hbm>>
    %dma_wait3A_905 = tpu.memref_squeeze %dma_wait3A_904 : memref<1x512x512xf32, #tpu.memory_space<hbm>> -> memref<512x512xf32, #tpu.memory_space<hbm>>
    %dma_wait3A_906 = arith.constant 0 : i32
    %dma_wait3A_907 = arith.constant 0 : i32
    %dma_wait3A_908 = tpu.memref_slice %dma_wait3A_905[%dma_wait3A_906, %dma_wait3A_907] : memref<512x512xf32, #tpu.memory_space<hbm>> -> memref<512x512xf32, #tpu.memory_space<hbm>>
    %dma_wait3A_909 = tpu.memref_slice %arg9[%dma_wait3A_895] : memref<7x!tpu.dma_semaphore, #tpu.memory_space<semaphore_mem>> -> memref<1x!tpu.dma_semaphore, #tpu.memory_space<semaphore_mem>>
    %dma_wait3A_910 = tpu.memref_squeeze %dma_wait3A_909 : memref<1x!tpu.dma_semaphore, #tpu.memory_space<semaphore_mem>> -> memref<!tpu.dma_semaphore, #tpu.memory_space<semaphore_mem>>
    tpu.wait_indirect_dma semaphore(%dma_wait3A_910 : memref<!tpu.dma_semaphore, #tpu.memory_space<semaphore_mem>>) src(%dma_wait3A_908 : memref<512x512xf32, #tpu.memory_space<hbm>>) dst(%dma_wait3A_899 : memref<32x512xf32, #tpu.memory_space<vmem>>)
    %add3A_911 = arith.constant 352 : i32
    %add3A_912 = arith.addi %mul3A_2, %add3A_911 : i32
    %dma_start3A_913 = arith.constant 4 : i32
    %dma_start3A_914 = arith.constant 4 : i32
    %dma_start3A_915 = arith.constant 0 : i32
    %dma_start3A_916 = arith.constant 0 : i32
    %dma_start3A_917 = tpu.memref_slice %arg8[%dma_start3A_913, %dma_start3A_915, %dma_start3A_916] : memref<7x32x512xf32, #tpu.memory_space<vmem>> -> memref<1x32x512xf32, #tpu.memory_space<vmem>>
    %dma_start3A_918 = tpu.memref_squeeze %dma_start3A_917 : memref<1x32x512xf32, #tpu.memory_space<vmem>> -> memref<32x512xf32, #tpu.memory_space<vmem>>
    %dma_start3A_919 = arith.constant 0 : i32
    %dma_start3A_920 = tpu.memref_slice %arg4[%add3A_912, %dma_start3A_919] : memref<32768x512xf32, #tpu.memory_space<hbm>> -> memref<32x512xf32, #tpu.memory_space<hbm>>
    %dma_start3A_921 = tpu.memref_slice %arg10[%dma_start3A_914] : memref<7x!tpu.dma_semaphore, #tpu.memory_space<semaphore_mem>> -> memref<1x!tpu.dma_semaphore, #tpu.memory_space<semaphore_mem>>
    %dma_start3A_922 = tpu.memref_squeeze %dma_start3A_921 : memref<1x!tpu.dma_semaphore, #tpu.memory_space<semaphore_mem>> -> memref<!tpu.dma_semaphore, #tpu.memory_space<semaphore_mem>>
    %dma_start3A_923 = arith.constant 0 : i32
    %dma_start3A_924 = tpu.memref_slice %arg4[%add3A_912, %dma_start3A_923] : memref<32768x512xf32, #tpu.memory_space<hbm>> -> memref<32x512xf32, #tpu.memory_space<hbm>>
    %dma_start3A_925 = arith.constant 0 : i32
    %dma_start3A_926 = arith.constant 0 : i32
    %dma_start3A_927 = tpu.memref_slice %arg8[%dma_start3A_913, %dma_start3A_925, %dma_start3A_926] : memref<7x32x512xf32, #tpu.memory_space<vmem>> -> memref<1x32x512xf32, #tpu.memory_space<vmem>>
    %dma_start3A_928 = tpu.memref_squeeze %dma_start3A_927 : memref<1x32x512xf32, #tpu.memory_space<vmem>> -> memref<32x512xf32, #tpu.memory_space<vmem>>
    tpu.enqueue_dma source(%dma_start3A_928 : memref<32x512xf32, #tpu.memory_space<vmem>>) target(%dma_start3A_924 : memref<32x512xf32, #tpu.memory_space<hbm>>) target_semaphore(%dma_start3A_922 : memref<!tpu.dma_semaphore, #tpu.memory_space<semaphore_mem>>)
    %dma_wait3A_929 = arith.constant 4 : i32
    %dma_wait3A_930 = arith.constant 4 : i32
    %dma_wait3A_931 = arith.constant 0 : i32
    %dma_wait3A_932 = arith.constant 0 : i32
    %dma_wait3A_933 = tpu.memref_slice %arg8[%dma_wait3A_929, %dma_wait3A_931, %dma_wait3A_932] : memref<7x32x512xf32, #tpu.memory_space<vmem>> -> memref<1x32x512xf32, #tpu.memory_space<vmem>>
    %dma_wait3A_934 = tpu.memref_squeeze %dma_wait3A_933 : memref<1x32x512xf32, #tpu.memory_space<vmem>> -> memref<32x512xf32, #tpu.memory_space<vmem>>
    %dma_wait3A_935 = arith.constant 0 : i32
    %dma_wait3A_936 = tpu.memref_slice %arg4[%add3A_912, %dma_wait3A_935] : memref<32768x512xf32, #tpu.memory_space<hbm>> -> memref<32x512xf32, #tpu.memory_space<hbm>>
    %dma_wait3A_937 = tpu.memref_slice %arg10[%dma_wait3A_930] : memref<7x!tpu.dma_semaphore, #tpu.memory_space<semaphore_mem>> -> memref<1x!tpu.dma_semaphore, #tpu.memory_space<semaphore_mem>>
    %dma_wait3A_938 = tpu.memref_squeeze %dma_wait3A_937 : memref<1x!tpu.dma_semaphore, #tpu.memory_space<semaphore_mem>> -> memref<!tpu.dma_semaphore, #tpu.memory_space<semaphore_mem>>
    %dma_wait3A_939 = arith.constant 0 : i32
    %dma_wait3A_940 = tpu.memref_slice %arg4[%add3A_912, %dma_wait3A_939] : memref<32768x512xf32, #tpu.memory_space<hbm>> -> memref<32x512xf32, #tpu.memory_space<hbm>>
    %dma_wait3A_941 = arith.constant 0 : i32
    %dma_wait3A_942 = arith.constant 0 : i32
    %dma_wait3A_943 = tpu.memref_slice %arg8[%dma_wait3A_929, %dma_wait3A_941, %dma_wait3A_942] : memref<7x32x512xf32, #tpu.memory_space<vmem>> -> memref<1x32x512xf32, #tpu.memory_space<vmem>>
    %dma_wait3A_944 = tpu.memref_squeeze %dma_wait3A_943 : memref<1x32x512xf32, #tpu.memory_space<vmem>> -> memref<32x512xf32, #tpu.memory_space<vmem>>
    tpu.wait_dma2 semaphore(%dma_wait3A_938 : memref<!tpu.dma_semaphore, #tpu.memory_space<semaphore_mem>>) src(%dma_wait3A_944 : memref<32x512xf32, #tpu.memory_space<vmem>>) dst(%dma_wait3A_940 : memref<32x512xf32, #tpu.memory_space<hbm>>)
    %dma_start3A_945 = arith.constant 4 : i32
    %dma_start3A_946 = arith.constant 4 : i32
    %dma_start3A_947 = arith.constant 0 : i32
    %dma_start3A_948 = arith.constant 0 : i32
    %dma_start3A_949 = tpu.memref_slice %arg8[%dma_start3A_945, %dma_start3A_947, %dma_start3A_948] : memref<7x32x512xf32, #tpu.memory_space<vmem>> -> memref<1x32x512xf32, #tpu.memory_space<vmem>>
    %dma_start3A_950 = tpu.memref_squeeze %dma_start3A_949 : memref<1x32x512xf32, #tpu.memory_space<vmem>> -> memref<32x512xf32, #tpu.memory_space<vmem>>
    %dma_start3A_951 = arith.constant 576 : i32
    %dma_start3A_952 = tpu.memref_slice %arg6[%dma_start3A_951] : memref<1024xi32, #tpu.memory_space<vmem>> -> memref<32xi32, #tpu.memory_space<vmem>>
    %dma_start3A_953 = arith.constant 0 : i32
    %dma_start3A_954 = arith.constant 0 : i32
    %dma_start3A_955 = tpu.memref_slice %arg2[%select_n3A, %dma_start3A_953, %dma_start3A_954] : memref<16x512x512xf32, #tpu.memory_space<hbm>> -> memref<1x512x512xf32, #tpu.memory_space<hbm>>
    %dma_start3A_956 = tpu.memref_squeeze %dma_start3A_955 : memref<1x512x512xf32, #tpu.memory_space<hbm>> -> memref<512x512xf32, #tpu.memory_space<hbm>>
    %dma_start3A_957 = arith.constant 0 : i32
    %dma_start3A_958 = arith.constant 0 : i32
    %dma_start3A_959 = tpu.memref_slice %dma_start3A_956[%dma_start3A_957, %dma_start3A_958] : memref<512x512xf32, #tpu.memory_space<hbm>> -> memref<512x512xf32, #tpu.memory_space<hbm>>
    %dma_start3A_960 = tpu.memref_slice %arg9[%dma_start3A_946] : memref<7x!tpu.dma_semaphore, #tpu.memory_space<semaphore_mem>> -> memref<1x!tpu.dma_semaphore, #tpu.memory_space<semaphore_mem>>
    %dma_start3A_961 = tpu.memref_squeeze %dma_start3A_960 : memref<1x!tpu.dma_semaphore, #tpu.memory_space<semaphore_mem>> -> memref<!tpu.dma_semaphore, #tpu.memory_space<semaphore_mem>>
    tpu.enqueue_indirect_dma source(%dma_start3A_959 : memref<512x512xf32, #tpu.memory_space<hbm>>) target(%dma_start3A_950 : memref<32x512xf32, #tpu.memory_space<vmem>>) offsets(%dma_start3A_952 : memref<32xi32, #tpu.memory_space<vmem>>) semaphore(%dma_start3A_961 : memref<!tpu.dma_semaphore, #tpu.memory_space<semaphore_mem>>)
    %dma_wait3A_962 = arith.constant 5 : i32
    %dma_wait3A_963 = arith.constant 5 : i32
    %dma_wait3A_964 = arith.constant 0 : i32
    %dma_wait3A_965 = arith.constant 0 : i32
    %dma_wait3A_966 = tpu.memref_slice %arg8[%dma_wait3A_962, %dma_wait3A_964, %dma_wait3A_965] : memref<7x32x512xf32, #tpu.memory_space<vmem>> -> memref<1x32x512xf32, #tpu.memory_space<vmem>>
    %dma_wait3A_967 = tpu.memref_squeeze %dma_wait3A_966 : memref<1x32x512xf32, #tpu.memory_space<vmem>> -> memref<32x512xf32, #tpu.memory_space<vmem>>
    %dma_wait3A_968 = arith.constant 384 : i32
    %dma_wait3A_969 = tpu.memref_slice %arg6[%dma_wait3A_968] : memref<1024xi32, #tpu.memory_space<vmem>> -> memref<32xi32, #tpu.memory_space<vmem>>
    %dma_wait3A_970 = arith.constant 0 : i32
    %dma_wait3A_971 = arith.constant 0 : i32
    %dma_wait3A_972 = tpu.memref_slice %arg2[%select_n3A, %dma_wait3A_970, %dma_wait3A_971] : memref<16x512x512xf32, #tpu.memory_space<hbm>> -> memref<1x512x512xf32, #tpu.memory_space<hbm>>
    %dma_wait3A_973 = tpu.memref_squeeze %dma_wait3A_972 : memref<1x512x512xf32, #tpu.memory_space<hbm>> -> memref<512x512xf32, #tpu.memory_space<hbm>>
    %dma_wait3A_974 = arith.constant 0 : i32
    %dma_wait3A_975 = arith.constant 0 : i32
    %dma_wait3A_976 = tpu.memref_slice %dma_wait3A_973[%dma_wait3A_974, %dma_wait3A_975] : memref<512x512xf32, #tpu.memory_space<hbm>> -> memref<512x512xf32, #tpu.memory_space<hbm>>
    %dma_wait3A_977 = tpu.memref_slice %arg9[%dma_wait3A_963] : memref<7x!tpu.dma_semaphore, #tpu.memory_space<semaphore_mem>> -> memref<1x!tpu.dma_semaphore, #tpu.memory_space<semaphore_mem>>
    %dma_wait3A_978 = tpu.memref_squeeze %dma_wait3A_977 : memref<1x!tpu.dma_semaphore, #tpu.memory_space<semaphore_mem>> -> memref<!tpu.dma_semaphore, #tpu.memory_space<semaphore_mem>>
    tpu.wait_indirect_dma semaphore(%dma_wait3A_978 : memref<!tpu.dma_semaphore, #tpu.memory_space<semaphore_mem>>) src(%dma_wait3A_976 : memref<512x512xf32, #tpu.memory_space<hbm>>) dst(%dma_wait3A_967 : memref<32x512xf32, #tpu.memory_space<vmem>>)
    %add3A_979 = arith.constant 384 : i32
    %add3A_980 = arith.addi %mul3A_2, %add3A_979 : i32
    %dma_start3A_981 = arith.constant 5 : i32
    %dma_start3A_982 = arith.constant 5 : i32
    %dma_start3A_983 = arith.constant 0 : i32
    %dma_start3A_984 = arith.constant 0 : i32
    %dma_start3A_985 = tpu.memref_slice %arg8[%dma_start3A_981, %dma_start3A_983, %dma_start3A_984] : memref<7x32x512xf32, #tpu.memory_space<vmem>> -> memref<1x32x512xf32, #tpu.memory_space<vmem>>
    %dma_start3A_986 = tpu.memref_squeeze %dma_start3A_985 : memref<1x32x512xf32, #tpu.memory_space<vmem>> -> memref<32x512xf32, #tpu.memory_space<vmem>>
    %dma_start3A_987 = arith.constant 0 : i32
    %dma_start3A_988 = tpu.memref_slice %arg4[%add3A_980, %dma_start3A_987] : memref<32768x512xf32, #tpu.memory_space<hbm>> -> memref<32x512xf32, #tpu.memory_space<hbm>>
    %dma_start3A_989 = tpu.memref_slice %arg10[%dma_start3A_982] : memref<7x!tpu.dma_semaphore, #tpu.memory_space<semaphore_mem>> -> memref<1x!tpu.dma_semaphore, #tpu.memory_space<semaphore_mem>>
    %dma_start3A_990 = tpu.memref_squeeze %dma_start3A_989 : memref<1x!tpu.dma_semaphore, #tpu.memory_space<semaphore_mem>> -> memref<!tpu.dma_semaphore, #tpu.memory_space<semaphore_mem>>
    %dma_start3A_991 = arith.constant 0 : i32
    %dma_start3A_992 = tpu.memref_slice %arg4[%add3A_980, %dma_start3A_991] : memref<32768x512xf32, #tpu.memory_space<hbm>> -> memref<32x512xf32, #tpu.memory_space<hbm>>
    %dma_start3A_993 = arith.constant 0 : i32
    %dma_start3A_994 = arith.constant 0 : i32
    %dma_start3A_995 = tpu.memref_slice %arg8[%dma_start3A_981, %dma_start3A_993, %dma_start3A_994] : memref<7x32x512xf32, #tpu.memory_space<vmem>> -> memref<1x32x512xf32, #tpu.memory_space<vmem>>
    %dma_start3A_996 = tpu.memref_squeeze %dma_start3A_995 : memref<1x32x512xf32, #tpu.memory_space<vmem>> -> memref<32x512xf32, #tpu.memory_space<vmem>>
    tpu.enqueue_dma source(%dma_start3A_996 : memref<32x512xf32, #tpu.memory_space<vmem>>) target(%dma_start3A_992 : memref<32x512xf32, #tpu.memory_space<hbm>>) target_semaphore(%dma_start3A_990 : memref<!tpu.dma_semaphore, #tpu.memory_space<semaphore_mem>>)
    %dma_wait3A_997 = arith.constant 5 : i32
    %dma_wait3A_998 = arith.constant 5 : i32
    %dma_wait3A_999 = arith.constant 0 : i32
    %dma_wait3A_1000 = arith.constant 0 : i32
    %dma_wait3A_1001 = tpu.memref_slice %arg8[%dma_wait3A_997, %dma_wait3A_999, %dma_wait3A_1000] : memref<7x32x512xf32, #tpu.memory_space<vmem>> -> memref<1x32x512xf32, #tpu.memory_space<vmem>>
    %dma_wait3A_1002 = tpu.memref_squeeze %dma_wait3A_1001 : memref<1x32x512xf32, #tpu.memory_space<vmem>> -> memref<32x512xf32, #tpu.memory_space<vmem>>
    %dma_wait3A_1003 = arith.constant 0 : i32
    %dma_wait3A_1004 = tpu.memref_slice %arg4[%add3A_980, %dma_wait3A_1003] : memref<32768x512xf32, #tpu.memory_space<hbm>> -> memref<32x512xf32, #tpu.memory_space<hbm>>
    %dma_wait3A_1005 = tpu.memref_slice %arg10[%dma_wait3A_998] : memref<7x!tpu.dma_semaphore, #tpu.memory_space<semaphore_mem>> -> memref<1x!tpu.dma_semaphore, #tpu.memory_space<semaphore_mem>>
    %dma_wait3A_1006 = tpu.memref_squeeze %dma_wait3A_1005 : memref<1x!tpu.dma_semaphore, #tpu.memory_space<semaphore_mem>> -> memref<!tpu.dma_semaphore, #tpu.memory_space<semaphore_mem>>
    %dma_wait3A_1007 = arith.constant 0 : i32
    %dma_wait3A_1008 = tpu.memref_slice %arg4[%add3A_980, %dma_wait3A_1007] : memref<32768x512xf32, #tpu.memory_space<hbm>> -> memref<32x512xf32, #tpu.memory_space<hbm>>
    %dma_wait3A_1009 = arith.constant 0 : i32
    %dma_wait3A_1010 = arith.constant 0 : i32
    %dma_wait3A_1011 = tpu.memref_slice %arg8[%dma_wait3A_997, %dma_wait3A_1009, %dma_wait3A_1010] : memref<7x32x512xf32, #tpu.memory_space<vmem>> -> memref<1x32x512xf32, #tpu.memory_space<vmem>>
    %dma_wait3A_1012 = tpu.memref_squeeze %dma_wait3A_1011 : memref<1x32x512xf32, #tpu.memory_space<vmem>> -> memref<32x512xf32, #tpu.memory_space<vmem>>
    tpu.wait_dma2 semaphore(%dma_wait3A_1006 : memref<!tpu.dma_semaphore, #tpu.memory_space<semaphore_mem>>) src(%dma_wait3A_1012 : memref<32x512xf32, #tpu.memory_space<vmem>>) dst(%dma_wait3A_1008 : memref<32x512xf32, #tpu.memory_space<hbm>>)
    %dma_start3A_1013 = arith.constant 5 : i32
    %dma_start3A_1014 = arith.constant 5 : i32
    %dma_start3A_1015 = arith.constant 0 : i32
    %dma_start3A_1016 = arith.constant 0 : i32
    %dma_start3A_1017 = tpu.memref_slice %arg8[%dma_start3A_1013, %dma_start3A_1015, %dma_start3A_1016] : memref<7x32x512xf32, #tpu.memory_space<vmem>> -> memref<1x32x512xf32, #tpu.memory_space<vmem>>
    %dma_start3A_1018 = tpu.memref_squeeze %dma_start3A_1017 : memref<1x32x512xf32, #tpu.memory_space<vmem>> -> memref<32x512xf32, #tpu.memory_space<vmem>>
    %dma_start3A_1019 = arith.constant 608 : i32
    %dma_start3A_1020 = tpu.memref_slice %arg6[%dma_start3A_1019] : memref<1024xi32, #tpu.memory_space<vmem>> -> memref<32xi32, #tpu.memory_space<vmem>>
    %dma_start3A_1021 = arith.constant 0 : i32
    %dma_start3A_1022 = arith.constant 0 : i32
    %dma_start3A_1023 = tpu.memref_slice %arg2[%select_n3A, %dma_start3A_1021, %dma_start3A_1022] : memref<16x512x512xf32, #tpu.memory_space<hbm>> -> memref<1x512x512xf32, #tpu.memory_space<hbm>>
    %dma_start3A_1024 = tpu.memref_squeeze %dma_start3A_1023 : memref<1x512x512xf32, #tpu.memory_space<hbm>> -> memref<512x512xf32, #tpu.memory_space<hbm>>
    %dma_start3A_1025 = arith.constant 0 : i32
    %dma_start3A_1026 = arith.constant 0 : i32
    %dma_start3A_1027 = tpu.memref_slice %dma_start3A_1024[%dma_start3A_1025, %dma_start3A_1026] : memref<512x512xf32, #tpu.memory_space<hbm>> -> memref<512x512xf32, #tpu.memory_space<hbm>>
    %dma_start3A_1028 = tpu.memref_slice %arg9[%dma_start3A_1014] : memref<7x!tpu.dma_semaphore, #tpu.memory_space<semaphore_mem>> -> memref<1x!tpu.dma_semaphore, #tpu.memory_space<semaphore_mem>>
    %dma_start3A_1029 = tpu.memref_squeeze %dma_start3A_1028 : memref<1x!tpu.dma_semaphore, #tpu.memory_space<semaphore_mem>> -> memref<!tpu.dma_semaphore, #tpu.memory_space<semaphore_mem>>
    tpu.enqueue_indirect_dma source(%dma_start3A_1027 : memref<512x512xf32, #tpu.memory_space<hbm>>) target(%dma_start3A_1018 : memref<32x512xf32, #tpu.memory_space<vmem>>) offsets(%dma_start3A_1020 : memref<32xi32, #tpu.memory_space<vmem>>) semaphore(%dma_start3A_1029 : memref<!tpu.dma_semaphore, #tpu.memory_space<semaphore_mem>>)
    %dma_wait3A_1030 = arith.constant 6 : i32
    %dma_wait3A_1031 = arith.constant 6 : i32
    %dma_wait3A_1032 = arith.constant 0 : i32
    %dma_wait3A_1033 = arith.constant 0 : i32
    %dma_wait3A_1034 = tpu.memref_slice %arg8[%dma_wait3A_1030, %dma_wait3A_1032, %dma_wait3A_1033] : memref<7x32x512xf32, #tpu.memory_space<vmem>> -> memref<1x32x512xf32, #tpu.memory_space<vmem>>
    %dma_wait3A_1035 = tpu.memref_squeeze %dma_wait3A_1034 : memref<1x32x512xf32, #tpu.memory_space<vmem>> -> memref<32x512xf32, #tpu.memory_space<vmem>>
    %dma_wait3A_1036 = arith.constant 416 : i32
    %dma_wait3A_1037 = tpu.memref_slice %arg6[%dma_wait3A_1036] : memref<1024xi32, #tpu.memory_space<vmem>> -> memref<32xi32, #tpu.memory_space<vmem>>
    %dma_wait3A_1038 = arith.constant 0 : i32
    %dma_wait3A_1039 = arith.constant 0 : i32
    %dma_wait3A_1040 = tpu.memref_slice %arg2[%select_n3A, %dma_wait3A_1038, %dma_wait3A_1039] : memref<16x512x512xf32, #tpu.memory_space<hbm>> -> memref<1x512x512xf32, #tpu.memory_space<hbm>>
    %dma_wait3A_1041 = tpu.memref_squeeze %dma_wait3A_1040 : memref<1x512x512xf32, #tpu.memory_space<hbm>> -> memref<512x512xf32, #tpu.memory_space<hbm>>
    %dma_wait3A_1042 = arith.constant 0 : i32
    %dma_wait3A_1043 = arith.constant 0 : i32
    %dma_wait3A_1044 = tpu.memref_slice %dma_wait3A_1041[%dma_wait3A_1042, %dma_wait3A_1043] : memref<512x512xf32, #tpu.memory_space<hbm>> -> memref<512x512xf32, #tpu.memory_space<hbm>>
    %dma_wait3A_1045 = tpu.memref_slice %arg9[%dma_wait3A_1031] : memref<7x!tpu.dma_semaphore, #tpu.memory_space<semaphore_mem>> -> memref<1x!tpu.dma_semaphore, #tpu.memory_space<semaphore_mem>>
    %dma_wait3A_1046 = tpu.memref_squeeze %dma_wait3A_1045 : memref<1x!tpu.dma_semaphore, #tpu.memory_space<semaphore_mem>> -> memref<!tpu.dma_semaphore, #tpu.memory_space<semaphore_mem>>
    tpu.wait_indirect_dma semaphore(%dma_wait3A_1046 : memref<!tpu.dma_semaphore, #tpu.memory_space<semaphore_mem>>) src(%dma_wait3A_1044 : memref<512x512xf32, #tpu.memory_space<hbm>>) dst(%dma_wait3A_1035 : memref<32x512xf32, #tpu.memory_space<vmem>>)
    %add3A_1047 = arith.constant 416 : i32
    %add3A_1048 = arith.addi %mul3A_2, %add3A_1047 : i32
    %dma_start3A_1049 = arith.constant 6 : i32
    %dma_start3A_1050 = arith.constant 6 : i32
    %dma_start3A_1051 = arith.constant 0 : i32
    %dma_start3A_1052 = arith.constant 0 : i32
    %dma_start3A_1053 = tpu.memref_slice %arg8[%dma_start3A_1049, %dma_start3A_1051, %dma_start3A_1052] : memref<7x32x512xf32, #tpu.memory_space<vmem>> -> memref<1x32x512xf32, #tpu.memory_space<vmem>>
    %dma_start3A_1054 = tpu.memref_squeeze %dma_start3A_1053 : memref<1x32x512xf32, #tpu.memory_space<vmem>> -> memref<32x512xf32, #tpu.memory_space<vmem>>
    %dma_start3A_1055 = arith.constant 0 : i32
    %dma_start3A_1056 = tpu.memref_slice %arg4[%add3A_1048, %dma_start3A_1055] : memref<32768x512xf32, #tpu.memory_space<hbm>> -> memref<32x512xf32, #tpu.memory_space<hbm>>
    %dma_start3A_1057 = tpu.memref_slice %arg10[%dma_start3A_1050] : memref<7x!tpu.dma_semaphore, #tpu.memory_space<semaphore_mem>> -> memref<1x!tpu.dma_semaphore, #tpu.memory_space<semaphore_mem>>
    %dma_start3A_1058 = tpu.memref_squeeze %dma_start3A_1057 : memref<1x!tpu.dma_semaphore, #tpu.memory_space<semaphore_mem>> -> memref<!tpu.dma_semaphore, #tpu.memory_space<semaphore_mem>>
    %dma_start3A_1059 = arith.constant 0 : i32
    %dma_start3A_1060 = tpu.memref_slice %arg4[%add3A_1048, %dma_start3A_1059] : memref<32768x512xf32, #tpu.memory_space<hbm>> -> memref<32x512xf32, #tpu.memory_space<hbm>>
    %dma_start3A_1061 = arith.constant 0 : i32
    %dma_start3A_1062 = arith.constant 0 : i32
    %dma_start3A_1063 = tpu.memref_slice %arg8[%dma_start3A_1049, %dma_start3A_1061, %dma_start3A_1062] : memref<7x32x512xf32, #tpu.memory_space<vmem>> -> memref<1x32x512xf32, #tpu.memory_space<vmem>>
    %dma_start3A_1064 = tpu.memref_squeeze %dma_start3A_1063 : memref<1x32x512xf32, #tpu.memory_space<vmem>> -> memref<32x512xf32, #tpu.memory_space<vmem>>
    tpu.enqueue_dma source(%dma_start3A_1064 : memref<32x512xf32, #tpu.memory_space<vmem>>) target(%dma_start3A_1060 : memref<32x512xf32, #tpu.memory_space<hbm>>) target_semaphore(%dma_start3A_1058 : memref<!tpu.dma_semaphore, #tpu.memory_space<semaphore_mem>>)
    %dma_wait3A_1065 = arith.constant 6 : i32
    %dma_wait3A_1066 = arith.constant 6 : i32
    %dma_wait3A_1067 = arith.constant 0 : i32
    %dma_wait3A_1068 = arith.constant 0 : i32
    %dma_wait3A_1069 = tpu.memref_slice %arg8[%dma_wait3A_1065, %dma_wait3A_1067, %dma_wait3A_1068] : memref<7x32x512xf32, #tpu.memory_space<vmem>> -> memref<1x32x512xf32, #tpu.memory_space<vmem>>
    %dma_wait3A_1070 = tpu.memref_squeeze %dma_wait3A_1069 : memref<1x32x512xf32, #tpu.memory_space<vmem>> -> memref<32x512xf32, #tpu.memory_space<vmem>>
    %dma_wait3A_1071 = arith.constant 0 : i32
    %dma_wait3A_1072 = tpu.memref_slice %arg4[%add3A_1048, %dma_wait3A_1071] : memref<32768x512xf32, #tpu.memory_space<hbm>> -> memref<32x512xf32, #tpu.memory_space<hbm>>
    %dma_wait3A_1073 = tpu.memref_slice %arg10[%dma_wait3A_1066] : memref<7x!tpu.dma_semaphore, #tpu.memory_space<semaphore_mem>> -> memref<1x!tpu.dma_semaphore, #tpu.memory_space<semaphore_mem>>
    %dma_wait3A_1074 = tpu.memref_squeeze %dma_wait3A_1073 : memref<1x!tpu.dma_semaphore, #tpu.memory_space<semaphore_mem>> -> memref<!tpu.dma_semaphore, #tpu.memory_space<semaphore_mem>>
    %dma_wait3A_1075 = arith.constant 0 : i32
    %dma_wait3A_1076 = tpu.memref_slice %arg4[%add3A_1048, %dma_wait3A_1075] : memref<32768x512xf32, #tpu.memory_space<hbm>> -> memref<32x512xf32, #tpu.memory_space<hbm>>
    %dma_wait3A_1077 = arith.constant 0 : i32
    %dma_wait3A_1078 = arith.constant 0 : i32
    %dma_wait3A_1079 = tpu.memref_slice %arg8[%dma_wait3A_1065, %dma_wait3A_1077, %dma_wait3A_1078] : memref<7x32x512xf32, #tpu.memory_space<vmem>> -> memref<1x32x512xf32, #tpu.memory_space<vmem>>
    %dma_wait3A_1080 = tpu.memref_squeeze %dma_wait3A_1079 : memref<1x32x512xf32, #tpu.memory_space<vmem>> -> memref<32x512xf32, #tpu.memory_space<vmem>>
    tpu.wait_dma2 semaphore(%dma_wait3A_1074 : memref<!tpu.dma_semaphore, #tpu.memory_space<semaphore_mem>>) src(%dma_wait3A_1080 : memref<32x512xf32, #tpu.memory_space<vmem>>) dst(%dma_wait3A_1076 : memref<32x512xf32, #tpu.memory_space<hbm>>)
    %dma_start3A_1081 = arith.constant 6 : i32
    %dma_start3A_1082 = arith.constant 6 : i32
    %dma_start3A_1083 = arith.constant 0 : i32
    %dma_start3A_1084 = arith.constant 0 : i32
    %dma_start3A_1085 = tpu.memref_slice %arg8[%dma_start3A_1081, %dma_start3A_1083, %dma_start3A_1084] : memref<7x32x512xf32, #tpu.memory_space<vmem>> -> memref<1x32x512xf32, #tpu.memory_space<vmem>>
    %dma_start3A_1086 = tpu.memref_squeeze %dma_start3A_1085 : memref<1x32x512xf32, #tpu.memory_space<vmem>> -> memref<32x512xf32, #tpu.memory_space<vmem>>
    %dma_start3A_1087 = arith.constant 640 : i32
    %dma_start3A_1088 = tpu.memref_slice %arg6[%dma_start3A_1087] : memref<1024xi32, #tpu.memory_space<vmem>> -> memref<32xi32, #tpu.memory_space<vmem>>
    %dma_start3A_1089 = arith.constant 0 : i32
    %dma_start3A_1090 = arith.constant 0 : i32
    %dma_start3A_1091 = tpu.memref_slice %arg2[%select_n3A, %dma_start3A_1089, %dma_start3A_1090] : memref<16x512x512xf32, #tpu.memory_space<hbm>> -> memref<1x512x512xf32, #tpu.memory_space<hbm>>
    %dma_start3A_1092 = tpu.memref_squeeze %dma_start3A_1091 : memref<1x512x512xf32, #tpu.memory_space<hbm>> -> memref<512x512xf32, #tpu.memory_space<hbm>>
    %dma_start3A_1093 = arith.constant 0 : i32
    %dma_start3A_1094 = arith.constant 0 : i32
    %dma_start3A_1095 = tpu.memref_slice %dma_start3A_1092[%dma_start3A_1093, %dma_start3A_1094] : memref<512x512xf32, #tpu.memory_space<hbm>> -> memref<512x512xf32, #tpu.memory_space<hbm>>
    %dma_start3A_1096 = tpu.memref_slice %arg9[%dma_start3A_1082] : memref<7x!tpu.dma_semaphore, #tpu.memory_space<semaphore_mem>> -> memref<1x!tpu.dma_semaphore, #tpu.memory_space<semaphore_mem>>
    %dma_start3A_1097 = tpu.memref_squeeze %dma_start3A_1096 : memref<1x!tpu.dma_semaphore, #tpu.memory_space<semaphore_mem>> -> memref<!tpu.dma_semaphore, #tpu.memory_space<semaphore_mem>>
    tpu.enqueue_indirect_dma source(%dma_start3A_1095 : memref<512x512xf32, #tpu.memory_space<hbm>>) target(%dma_start3A_1086 : memref<32x512xf32, #tpu.memory_space<vmem>>) offsets(%dma_start3A_1088 : memref<32xi32, #tpu.memory_space<vmem>>) semaphore(%dma_start3A_1097 : memref<!tpu.dma_semaphore, #tpu.memory_space<semaphore_mem>>)
    %dma_wait3A_1098 = arith.constant 0 : i32
    %dma_wait3A_1099 = arith.constant 0 : i32
    %dma_wait3A_1100 = arith.constant 0 : i32
    %dma_wait3A_1101 = arith.constant 0 : i32
    %dma_wait3A_1102 = tpu.memref_slice %arg8[%dma_wait3A_1098, %dma_wait3A_1100, %dma_wait3A_1101] : memref<7x32x512xf32, #tpu.memory_space<vmem>> -> memref<1x32x512xf32, #tpu.memory_space<vmem>>
    %dma_wait3A_1103 = tpu.memref_squeeze %dma_wait3A_1102 : memref<1x32x512xf32, #tpu.memory_space<vmem>> -> memref<32x512xf32, #tpu.memory_space<vmem>>
    %dma_wait3A_1104 = arith.constant 448 : i32
    %dma_wait3A_1105 = tpu.memref_slice %arg6[%dma_wait3A_1104] : memref<1024xi32, #tpu.memory_space<vmem>> -> memref<32xi32, #tpu.memory_space<vmem>>
    %dma_wait3A_1106 = arith.constant 0 : i32
    %dma_wait3A_1107 = arith.constant 0 : i32
    %dma_wait3A_1108 = tpu.memref_slice %arg2[%select_n3A, %dma_wait3A_1106, %dma_wait3A_1107] : memref<16x512x512xf32, #tpu.memory_space<hbm>> -> memref<1x512x512xf32, #tpu.memory_space<hbm>>
    %dma_wait3A_1109 = tpu.memref_squeeze %dma_wait3A_1108 : memref<1x512x512xf32, #tpu.memory_space<hbm>> -> memref<512x512xf32, #tpu.memory_space<hbm>>
    %dma_wait3A_1110 = arith.constant 0 : i32
    %dma_wait3A_1111 = arith.constant 0 : i32
    %dma_wait3A_1112 = tpu.memref_slice %dma_wait3A_1109[%dma_wait3A_1110, %dma_wait3A_1111] : memref<512x512xf32, #tpu.memory_space<hbm>> -> memref<512x512xf32, #tpu.memory_space<hbm>>
    %dma_wait3A_1113 = tpu.memref_slice %arg9[%dma_wait3A_1099] : memref<7x!tpu.dma_semaphore, #tpu.memory_space<semaphore_mem>> -> memref<1x!tpu.dma_semaphore, #tpu.memory_space<semaphore_mem>>
    %dma_wait3A_1114 = tpu.memref_squeeze %dma_wait3A_1113 : memref<1x!tpu.dma_semaphore, #tpu.memory_space<semaphore_mem>> -> memref<!tpu.dma_semaphore, #tpu.memory_space<semaphore_mem>>
    tpu.wait_indirect_dma semaphore(%dma_wait3A_1114 : memref<!tpu.dma_semaphore, #tpu.memory_space<semaphore_mem>>) src(%dma_wait3A_1112 : memref<512x512xf32, #tpu.memory_space<hbm>>) dst(%dma_wait3A_1103 : memref<32x512xf32, #tpu.memory_space<vmem>>)
    %add3A_1115 = arith.constant 448 : i32
    %add3A_1116 = arith.addi %mul3A_2, %add3A_1115 : i32
    %dma_start3A_1117 = arith.constant 0 : i32
    %dma_start3A_1118 = arith.constant 0 : i32
    %dma_start3A_1119 = arith.constant 0 : i32
    %dma_start3A_1120 = arith.constant 0 : i32
    %dma_start3A_1121 = tpu.memref_slice %arg8[%dma_start3A_1117, %dma_start3A_1119, %dma_start3A_1120] : memref<7x32x512xf32, #tpu.memory_space<vmem>> -> memref<1x32x512xf32, #tpu.memory_space<vmem>>
    %dma_start3A_1122 = tpu.memref_squeeze %dma_start3A_1121 : memref<1x32x512xf32, #tpu.memory_space<vmem>> -> memref<32x512xf32, #tpu.memory_space<vmem>>
    %dma_start3A_1123 = arith.constant 0 : i32
    %dma_start3A_1124 = tpu.memref_slice %arg4[%add3A_1116, %dma_start3A_1123] : memref<32768x512xf32, #tpu.memory_space<hbm>> -> memref<32x512xf32, #tpu.memory_space<hbm>>
    %dma_start3A_1125 = tpu.memref_slice %arg10[%dma_start3A_1118] : memref<7x!tpu.dma_semaphore, #tpu.memory_space<semaphore_mem>> -> memref<1x!tpu.dma_semaphore, #tpu.memory_space<semaphore_mem>>
    %dma_start3A_1126 = tpu.memref_squeeze %dma_start3A_1125 : memref<1x!tpu.dma_semaphore, #tpu.memory_space<semaphore_mem>> -> memref<!tpu.dma_semaphore, #tpu.memory_space<semaphore_mem>>
    %dma_start3A_1127 = arith.constant 0 : i32
    %dma_start3A_1128 = tpu.memref_slice %arg4[%add3A_1116, %dma_start3A_1127] : memref<32768x512xf32, #tpu.memory_space<hbm>> -> memref<32x512xf32, #tpu.memory_space<hbm>>
    %dma_start3A_1129 = arith.constant 0 : i32
    %dma_start3A_1130 = arith.constant 0 : i32
    %dma_start3A_1131 = tpu.memref_slice %arg8[%dma_start3A_1117, %dma_start3A_1129, %dma_start3A_1130] : memref<7x32x512xf32, #tpu.memory_space<vmem>> -> memref<1x32x512xf32, #tpu.memory_space<vmem>>
    %dma_start3A_1132 = tpu.memref_squeeze %dma_start3A_1131 : memref<1x32x512xf32, #tpu.memory_space<vmem>> -> memref<32x512xf32, #tpu.memory_space<vmem>>
    tpu.enqueue_dma source(%dma_start3A_1132 : memref<32x512xf32, #tpu.memory_space<vmem>>) target(%dma_start3A_1128 : memref<32x512xf32, #tpu.memory_space<hbm>>) target_semaphore(%dma_start3A_1126 : memref<!tpu.dma_semaphore, #tpu.memory_space<semaphore_mem>>)
    %dma_wait3A_1133 = arith.constant 0 : i32
    %dma_wait3A_1134 = arith.constant 0 : i32
    %dma_wait3A_1135 = arith.constant 0 : i32
    %dma_wait3A_1136 = arith.constant 0 : i32
    %dma_wait3A_1137 = tpu.memref_slice %arg8[%dma_wait3A_1133, %dma_wait3A_1135, %dma_wait3A_1136] : memref<7x32x512xf32, #tpu.memory_space<vmem>> -> memref<1x32x512xf32, #tpu.memory_space<vmem>>
    %dma_wait3A_1138 = tpu.memref_squeeze %dma_wait3A_1137 : memref<1x32x512xf32, #tpu.memory_space<vmem>> -> memref<32x512xf32, #tpu.memory_space<vmem>>
    %dma_wait3A_1139 = arith.constant 0 : i32
    %dma_wait3A_1140 = tpu.memref_slice %arg4[%add3A_1116, %dma_wait3A_1139] : memref<32768x512xf32, #tpu.memory_space<hbm>> -> memref<32x512xf32, #tpu.memory_space<hbm>>
    %dma_wait3A_1141 = tpu.memref_slice %arg10[%dma_wait3A_1134] : memref<7x!tpu.dma_semaphore, #tpu.memory_space<semaphore_mem>> -> memref<1x!tpu.dma_semaphore, #tpu.memory_space<semaphore_mem>>
    %dma_wait3A_1142 = tpu.memref_squeeze %dma_wait3A_1141 : memref<1x!tpu.dma_semaphore, #tpu.memory_space<semaphore_mem>> -> memref<!tpu.dma_semaphore, #tpu.memory_space<semaphore_mem>>
    %dma_wait3A_1143 = arith.constant 0 : i32
    %dma_wait3A_1144 = tpu.memref_slice %arg4[%add3A_1116, %dma_wait3A_1143] : memref<32768x512xf32, #tpu.memory_space<hbm>> -> memref<32x512xf32, #tpu.memory_space<hbm>>
    %dma_wait3A_1145 = arith.constant 0 : i32
    %dma_wait3A_1146 = arith.constant 0 : i32
    %dma_wait3A_1147 = tpu.memref_slice %arg8[%dma_wait3A_1133, %dma_wait3A_1145, %dma_wait3A_1146] : memref<7x32x512xf32, #tpu.memory_space<vmem>> -> memref<1x32x512xf32, #tpu.memory_space<vmem>>
    %dma_wait3A_1148 = tpu.memref_squeeze %dma_wait3A_1147 : memref<1x32x512xf32, #tpu.memory_space<vmem>> -> memref<32x512xf32, #tpu.memory_space<vmem>>
    tpu.wait_dma2 semaphore(%dma_wait3A_1142 : memref<!tpu.dma_semaphore, #tpu.memory_space<semaphore_mem>>) src(%dma_wait3A_1148 : memref<32x512xf32, #tpu.memory_space<vmem>>) dst(%dma_wait3A_1144 : memref<32x512xf32, #tpu.memory_space<hbm>>)
    %dma_start3A_1149 = arith.constant 0 : i32
    %dma_start3A_1150 = arith.constant 0 : i32
    %dma_start3A_1151 = arith.constant 0 : i32
    %dma_start3A_1152 = arith.constant 0 : i32
    %dma_start3A_1153 = tpu.memref_slice %arg8[%dma_start3A_1149, %dma_start3A_1151, %dma_start3A_1152] : memref<7x32x512xf32, #tpu.memory_space<vmem>> -> memref<1x32x512xf32, #tpu.memory_space<vmem>>
    %dma_start3A_1154 = tpu.memref_squeeze %dma_start3A_1153 : memref<1x32x512xf32, #tpu.memory_space<vmem>> -> memref<32x512xf32, #tpu.memory_space<vmem>>
    %dma_start3A_1155 = arith.constant 672 : i32
    %dma_start3A_1156 = tpu.memref_slice %arg6[%dma_start3A_1155] : memref<1024xi32, #tpu.memory_space<vmem>> -> memref<32xi32, #tpu.memory_space<vmem>>
    %dma_start3A_1157 = arith.constant 0 : i32
    %dma_start3A_1158 = arith.constant 0 : i32
    %dma_start3A_1159 = tpu.memref_slice %arg2[%select_n3A, %dma_start3A_1157, %dma_start3A_1158] : memref<16x512x512xf32, #tpu.memory_space<hbm>> -> memref<1x512x512xf32, #tpu.memory_space<hbm>>
    %dma_start3A_1160 = tpu.memref_squeeze %dma_start3A_1159 : memref<1x512x512xf32, #tpu.memory_space<hbm>> -> memref<512x512xf32, #tpu.memory_space<hbm>>
    %dma_start3A_1161 = arith.constant 0 : i32
    %dma_start3A_1162 = arith.constant 0 : i32
    %dma_start3A_1163 = tpu.memref_slice %dma_start3A_1160[%dma_start3A_1161, %dma_start3A_1162] : memref<512x512xf32, #tpu.memory_space<hbm>> -> memref<512x512xf32, #tpu.memory_space<hbm>>
    %dma_start3A_1164 = tpu.memref_slice %arg9[%dma_start3A_1150] : memref<7x!tpu.dma_semaphore, #tpu.memory_space<semaphore_mem>> -> memref<1x!tpu.dma_semaphore, #tpu.memory_space<semaphore_mem>>
    %dma_start3A_1165 = tpu.memref_squeeze %dma_start3A_1164 : memref<1x!tpu.dma_semaphore, #tpu.memory_space<semaphore_mem>> -> memref<!tpu.dma_semaphore, #tpu.memory_space<semaphore_mem>>
    tpu.enqueue_indirect_dma source(%dma_start3A_1163 : memref<512x512xf32, #tpu.memory_space<hbm>>) target(%dma_start3A_1154 : memref<32x512xf32, #tpu.memory_space<vmem>>) offsets(%dma_start3A_1156 : memref<32xi32, #tpu.memory_space<vmem>>) semaphore(%dma_start3A_1165 : memref<!tpu.dma_semaphore, #tpu.memory_space<semaphore_mem>>)
    %dma_wait3A_1166 = arith.constant 1 : i32
    %dma_wait3A_1167 = arith.constant 1 : i32
    %dma_wait3A_1168 = arith.constant 0 : i32
    %dma_wait3A_1169 = arith.constant 0 : i32
    %dma_wait3A_1170 = tpu.memref_slice %arg8[%dma_wait3A_1166, %dma_wait3A_1168, %dma_wait3A_1169] : memref<7x32x512xf32, #tpu.memory_space<vmem>> -> memref<1x32x512xf32, #tpu.memory_space<vmem>>
    %dma_wait3A_1171 = tpu.memref_squeeze %dma_wait3A_1170 : memref<1x32x512xf32, #tpu.memory_space<vmem>> -> memref<32x512xf32, #tpu.memory_space<vmem>>
    %dma_wait3A_1172 = arith.constant 480 : i32
    %dma_wait3A_1173 = tpu.memref_slice %arg6[%dma_wait3A_1172] : memref<1024xi32, #tpu.memory_space<vmem>> -> memref<32xi32, #tpu.memory_space<vmem>>
    %dma_wait3A_1174 = arith.constant 0 : i32
    %dma_wait3A_1175 = arith.constant 0 : i32
    %dma_wait3A_1176 = tpu.memref_slice %arg2[%select_n3A, %dma_wait3A_1174, %dma_wait3A_1175] : memref<16x512x512xf32, #tpu.memory_space<hbm>> -> memref<1x512x512xf32, #tpu.memory_space<hbm>>
    %dma_wait3A_1177 = tpu.memref_squeeze %dma_wait3A_1176 : memref<1x512x512xf32, #tpu.memory_space<hbm>> -> memref<512x512xf32, #tpu.memory_space<hbm>>
    %dma_wait3A_1178 = arith.constant 0 : i32
    %dma_wait3A_1179 = arith.constant 0 : i32
    %dma_wait3A_1180 = tpu.memref_slice %dma_wait3A_1177[%dma_wait3A_1178, %dma_wait3A_1179] : memref<512x512xf32, #tpu.memory_space<hbm>> -> memref<512x512xf32, #tpu.memory_space<hbm>>
    %dma_wait3A_1181 = tpu.memref_slice %arg9[%dma_wait3A_1167] : memref<7x!tpu.dma_semaphore, #tpu.memory_space<semaphore_mem>> -> memref<1x!tpu.dma_semaphore, #tpu.memory_space<semaphore_mem>>
    %dma_wait3A_1182 = tpu.memref_squeeze %dma_wait3A_1181 : memref<1x!tpu.dma_semaphore, #tpu.memory_space<semaphore_mem>> -> memref<!tpu.dma_semaphore, #tpu.memory_space<semaphore_mem>>
    tpu.wait_indirect_dma semaphore(%dma_wait3A_1182 : memref<!tpu.dma_semaphore, #tpu.memory_space<semaphore_mem>>) src(%dma_wait3A_1180 : memref<512x512xf32, #tpu.memory_space<hbm>>) dst(%dma_wait3A_1171 : memref<32x512xf32, #tpu.memory_space<vmem>>)
    %add3A_1183 = arith.constant 480 : i32
    %add3A_1184 = arith.addi %mul3A_2, %add3A_1183 : i32
    %dma_start3A_1185 = arith.constant 1 : i32
    %dma_start3A_1186 = arith.constant 1 : i32
    %dma_start3A_1187 = arith.constant 0 : i32
    %dma_start3A_1188 = arith.constant 0 : i32
    %dma_start3A_1189 = tpu.memref_slice %arg8[%dma_start3A_1185, %dma_start3A_1187, %dma_start3A_1188] : memref<7x32x512xf32, #tpu.memory_space<vmem>> -> memref<1x32x512xf32, #tpu.memory_space<vmem>>
    %dma_start3A_1190 = tpu.memref_squeeze %dma_start3A_1189 : memref<1x32x512xf32, #tpu.memory_space<vmem>> -> memref<32x512xf32, #tpu.memory_space<vmem>>
    %dma_start3A_1191 = arith.constant 0 : i32
    %dma_start3A_1192 = tpu.memref_slice %arg4[%add3A_1184, %dma_start3A_1191] : memref<32768x512xf32, #tpu.memory_space<hbm>> -> memref<32x512xf32, #tpu.memory_space<hbm>>
    %dma_start3A_1193 = tpu.memref_slice %arg10[%dma_start3A_1186] : memref<7x!tpu.dma_semaphore, #tpu.memory_space<semaphore_mem>> -> memref<1x!tpu.dma_semaphore, #tpu.memory_space<semaphore_mem>>
    %dma_start3A_1194 = tpu.memref_squeeze %dma_start3A_1193 : memref<1x!tpu.dma_semaphore, #tpu.memory_space<semaphore_mem>> -> memref<!tpu.dma_semaphore, #tpu.memory_space<semaphore_mem>>
    %dma_start3A_1195 = arith.constant 0 : i32
    %dma_start3A_1196 = tpu.memref_slice %arg4[%add3A_1184, %dma_start3A_1195] : memref<32768x512xf32, #tpu.memory_space<hbm>> -> memref<32x512xf32, #tpu.memory_space<hbm>>
    %dma_start3A_1197 = arith.constant 0 : i32
    %dma_start3A_1198 = arith.constant 0 : i32
    %dma_start3A_1199 = tpu.memref_slice %arg8[%dma_start3A_1185, %dma_start3A_1197, %dma_start3A_1198] : memref<7x32x512xf32, #tpu.memory_space<vmem>> -> memref<1x32x512xf32, #tpu.memory_space<vmem>>
    %dma_start3A_1200 = tpu.memref_squeeze %dma_start3A_1199 : memref<1x32x512xf32, #tpu.memory_space<vmem>> -> memref<32x512xf32, #tpu.memory_space<vmem>>
    tpu.enqueue_dma source(%dma_start3A_1200 : memref<32x512xf32, #tpu.memory_space<vmem>>) target(%dma_start3A_1196 : memref<32x512xf32, #tpu.memory_space<hbm>>) target_semaphore(%dma_start3A_1194 : memref<!tpu.dma_semaphore, #tpu.memory_space<semaphore_mem>>)
    %dma_wait3A_1201 = arith.constant 1 : i32
    %dma_wait3A_1202 = arith.constant 1 : i32
    %dma_wait3A_1203 = arith.constant 0 : i32
    %dma_wait3A_1204 = arith.constant 0 : i32
    %dma_wait3A_1205 = tpu.memref_slice %arg8[%dma_wait3A_1201, %dma_wait3A_1203, %dma_wait3A_1204] : memref<7x32x512xf32, #tpu.memory_space<vmem>> -> memref<1x32x512xf32, #tpu.memory_space<vmem>>
    %dma_wait3A_1206 = tpu.memref_squeeze %dma_wait3A_1205 : memref<1x32x512xf32, #tpu.memory_space<vmem>> -> memref<32x512xf32, #tpu.memory_space<vmem>>
    %dma_wait3A_1207 = arith.constant 0 : i32
    %dma_wait3A_1208 = tpu.memref_slice %arg4[%add3A_1184, %dma_wait3A_1207] : memref<32768x512xf32, #tpu.memory_space<hbm>> -> memref<32x512xf32, #tpu.memory_space<hbm>>
    %dma_wait3A_1209 = tpu.memref_slice %arg10[%dma_wait3A_1202] : memref<7x!tpu.dma_semaphore, #tpu.memory_space<semaphore_mem>> -> memref<1x!tpu.dma_semaphore, #tpu.memory_space<semaphore_mem>>
    %dma_wait3A_1210 = tpu.memref_squeeze %dma_wait3A_1209 : memref<1x!tpu.dma_semaphore, #tpu.memory_space<semaphore_mem>> -> memref<!tpu.dma_semaphore, #tpu.memory_space<semaphore_mem>>
    %dma_wait3A_1211 = arith.constant 0 : i32
    %dma_wait3A_1212 = tpu.memref_slice %arg4[%add3A_1184, %dma_wait3A_1211] : memref<32768x512xf32, #tpu.memory_space<hbm>> -> memref<32x512xf32, #tpu.memory_space<hbm>>
    %dma_wait3A_1213 = arith.constant 0 : i32
    %dma_wait3A_1214 = arith.constant 0 : i32
    %dma_wait3A_1215 = tpu.memref_slice %arg8[%dma_wait3A_1201, %dma_wait3A_1213, %dma_wait3A_1214] : memref<7x32x512xf32, #tpu.memory_space<vmem>> -> memref<1x32x512xf32, #tpu.memory_space<vmem>>
    %dma_wait3A_1216 = tpu.memref_squeeze %dma_wait3A_1215 : memref<1x32x512xf32, #tpu.memory_space<vmem>> -> memref<32x512xf32, #tpu.memory_space<vmem>>
    tpu.wait_dma2 semaphore(%dma_wait3A_1210 : memref<!tpu.dma_semaphore, #tpu.memory_space<semaphore_mem>>) src(%dma_wait3A_1216 : memref<32x512xf32, #tpu.memory_space<vmem>>) dst(%dma_wait3A_1212 : memref<32x512xf32, #tpu.memory_space<hbm>>)
    %dma_start3A_1217 = arith.constant 1 : i32
    %dma_start3A_1218 = arith.constant 1 : i32
    %dma_start3A_1219 = arith.constant 0 : i32
    %dma_start3A_1220 = arith.constant 0 : i32
    %dma_start3A_1221 = tpu.memref_slice %arg8[%dma_start3A_1217, %dma_start3A_1219, %dma_start3A_1220] : memref<7x32x512xf32, #tpu.memory_space<vmem>> -> memref<1x32x512xf32, #tpu.memory_space<vmem>>
    %dma_start3A_1222 = tpu.memref_squeeze %dma_start3A_1221 : memref<1x32x512xf32, #tpu.memory_space<vmem>> -> memref<32x512xf32, #tpu.memory_space<vmem>>
    %dma_start3A_1223 = arith.constant 704 : i32
    %dma_start3A_1224 = tpu.memref_slice %arg6[%dma_start3A_1223] : memref<1024xi32, #tpu.memory_space<vmem>> -> memref<32xi32, #tpu.memory_space<vmem>>
    %dma_start3A_1225 = arith.constant 0 : i32
    %dma_start3A_1226 = arith.constant 0 : i32
    %dma_start3A_1227 = tpu.memref_slice %arg2[%select_n3A, %dma_start3A_1225, %dma_start3A_1226] : memref<16x512x512xf32, #tpu.memory_space<hbm>> -> memref<1x512x512xf32, #tpu.memory_space<hbm>>
    %dma_start3A_1228 = tpu.memref_squeeze %dma_start3A_1227 : memref<1x512x512xf32, #tpu.memory_space<hbm>> -> memref<512x512xf32, #tpu.memory_space<hbm>>
    %dma_start3A_1229 = arith.constant 0 : i32
    %dma_start3A_1230 = arith.constant 0 : i32
    %dma_start3A_1231 = tpu.memref_slice %dma_start3A_1228[%dma_start3A_1229, %dma_start3A_1230] : memref<512x512xf32, #tpu.memory_space<hbm>> -> memref<512x512xf32, #tpu.memory_space<hbm>>
    %dma_start3A_1232 = tpu.memref_slice %arg9[%dma_start3A_1218] : memref<7x!tpu.dma_semaphore, #tpu.memory_space<semaphore_mem>> -> memref<1x!tpu.dma_semaphore, #tpu.memory_space<semaphore_mem>>
    %dma_start3A_1233 = tpu.memref_squeeze %dma_start3A_1232 : memref<1x!tpu.dma_semaphore, #tpu.memory_space<semaphore_mem>> -> memref<!tpu.dma_semaphore, #tpu.memory_space<semaphore_mem>>
    tpu.enqueue_indirect_dma source(%dma_start3A_1231 : memref<512x512xf32, #tpu.memory_space<hbm>>) target(%dma_start3A_1222 : memref<32x512xf32, #tpu.memory_space<vmem>>) offsets(%dma_start3A_1224 : memref<32xi32, #tpu.memory_space<vmem>>) semaphore(%dma_start3A_1233 : memref<!tpu.dma_semaphore, #tpu.memory_space<semaphore_mem>>)
    %dma_wait3A_1234 = arith.constant 2 : i32
    %dma_wait3A_1235 = arith.constant 2 : i32
    %dma_wait3A_1236 = arith.constant 0 : i32
    %dma_wait3A_1237 = arith.constant 0 : i32
    %dma_wait3A_1238 = tpu.memref_slice %arg8[%dma_wait3A_1234, %dma_wait3A_1236, %dma_wait3A_1237] : memref<7x32x512xf32, #tpu.memory_space<vmem>> -> memref<1x32x512xf32, #tpu.memory_space<vmem>>
    %dma_wait3A_1239 = tpu.memref_squeeze %dma_wait3A_1238 : memref<1x32x512xf32, #tpu.memory_space<vmem>> -> memref<32x512xf32, #tpu.memory_space<vmem>>
    %dma_wait3A_1240 = arith.constant 512 : i32
    %dma_wait3A_1241 = tpu.memref_slice %arg6[%dma_wait3A_1240] : memref<1024xi32, #tpu.memory_space<vmem>> -> memref<32xi32, #tpu.memory_space<vmem>>
    %dma_wait3A_1242 = arith.constant 0 : i32
    %dma_wait3A_1243 = arith.constant 0 : i32
    %dma_wait3A_1244 = tpu.memref_slice %arg2[%select_n3A, %dma_wait3A_1242, %dma_wait3A_1243] : memref<16x512x512xf32, #tpu.memory_space<hbm>> -> memref<1x512x512xf32, #tpu.memory_space<hbm>>
    %dma_wait3A_1245 = tpu.memref_squeeze %dma_wait3A_1244 : memref<1x512x512xf32, #tpu.memory_space<hbm>> -> memref<512x512xf32, #tpu.memory_space<hbm>>
    %dma_wait3A_1246 = arith.constant 0 : i32
    %dma_wait3A_1247 = arith.constant 0 : i32
    %dma_wait3A_1248 = tpu.memref_slice %dma_wait3A_1245[%dma_wait3A_1246, %dma_wait3A_1247] : memref<512x512xf32, #tpu.memory_space<hbm>> -> memref<512x512xf32, #tpu.memory_space<hbm>>
    %dma_wait3A_1249 = tpu.memref_slice %arg9[%dma_wait3A_1235] : memref<7x!tpu.dma_semaphore, #tpu.memory_space<semaphore_mem>> -> memref<1x!tpu.dma_semaphore, #tpu.memory_space<semaphore_mem>>
    %dma_wait3A_1250 = tpu.memref_squeeze %dma_wait3A_1249 : memref<1x!tpu.dma_semaphore, #tpu.memory_space<semaphore_mem>> -> memref<!tpu.dma_semaphore, #tpu.memory_space<semaphore_mem>>
    tpu.wait_indirect_dma semaphore(%dma_wait3A_1250 : memref<!tpu.dma_semaphore, #tpu.memory_space<semaphore_mem>>) src(%dma_wait3A_1248 : memref<512x512xf32, #tpu.memory_space<hbm>>) dst(%dma_wait3A_1239 : memref<32x512xf32, #tpu.memory_space<vmem>>)
    %add3A_1251 = arith.constant 512 : i32
    %add3A_1252 = arith.addi %mul3A_2, %add3A_1251 : i32
    %dma_start3A_1253 = arith.constant 2 : i32
    %dma_start3A_1254 = arith.constant 2 : i32
    %dma_start3A_1255 = arith.constant 0 : i32
    %dma_start3A_1256 = arith.constant 0 : i32
    %dma_start3A_1257 = tpu.memref_slice %arg8[%dma_start3A_1253, %dma_start3A_1255, %dma_start3A_1256] : memref<7x32x512xf32, #tpu.memory_space<vmem>> -> memref<1x32x512xf32, #tpu.memory_space<vmem>>
    %dma_start3A_1258 = tpu.memref_squeeze %dma_start3A_1257 : memref<1x32x512xf32, #tpu.memory_space<vmem>> -> memref<32x512xf32, #tpu.memory_space<vmem>>
    %dma_start3A_1259 = arith.constant 0 : i32
    %dma_start3A_1260 = tpu.memref_slice %arg4[%add3A_1252, %dma_start3A_1259] : memref<32768x512xf32, #tpu.memory_space<hbm>> -> memref<32x512xf32, #tpu.memory_space<hbm>>
    %dma_start3A_1261 = tpu.memref_slice %arg10[%dma_start3A_1254] : memref<7x!tpu.dma_semaphore, #tpu.memory_space<semaphore_mem>> -> memref<1x!tpu.dma_semaphore, #tpu.memory_space<semaphore_mem>>
    %dma_start3A_1262 = tpu.memref_squeeze %dma_start3A_1261 : memref<1x!tpu.dma_semaphore, #tpu.memory_space<semaphore_mem>> -> memref<!tpu.dma_semaphore, #tpu.memory_space<semaphore_mem>>
    %dma_start3A_1263 = arith.constant 0 : i32
    %dma_start3A_1264 = tpu.memref_slice %arg4[%add3A_1252, %dma_start3A_1263] : memref<32768x512xf32, #tpu.memory_space<hbm>> -> memref<32x512xf32, #tpu.memory_space<hbm>>
    %dma_start3A_1265 = arith.constant 0 : i32
    %dma_start3A_1266 = arith.constant 0 : i32
    %dma_start3A_1267 = tpu.memref_slice %arg8[%dma_start3A_1253, %dma_start3A_1265, %dma_start3A_1266] : memref<7x32x512xf32, #tpu.memory_space<vmem>> -> memref<1x32x512xf32, #tpu.memory_space<vmem>>
    %dma_start3A_1268 = tpu.memref_squeeze %dma_start3A_1267 : memref<1x32x512xf32, #tpu.memory_space<vmem>> -> memref<32x512xf32, #tpu.memory_space<vmem>>
    tpu.enqueue_dma source(%dma_start3A_1268 : memref<32x512xf32, #tpu.memory_space<vmem>>) target(%dma_start3A_1264 : memref<32x512xf32, #tpu.memory_space<hbm>>) target_semaphore(%dma_start3A_1262 : memref<!tpu.dma_semaphore, #tpu.memory_space<semaphore_mem>>)
    %dma_wait3A_1269 = arith.constant 2 : i32
    %dma_wait3A_1270 = arith.constant 2 : i32
    %dma_wait3A_1271 = arith.constant 0 : i32
    %dma_wait3A_1272 = arith.constant 0 : i32
    %dma_wait3A_1273 = tpu.memref_slice %arg8[%dma_wait3A_1269, %dma_wait3A_1271, %dma_wait3A_1272] : memref<7x32x512xf32, #tpu.memory_space<vmem>> -> memref<1x32x512xf32, #tpu.memory_space<vmem>>
    %dma_wait3A_1274 = tpu.memref_squeeze %dma_wait3A_1273 : memref<1x32x512xf32, #tpu.memory_space<vmem>> -> memref<32x512xf32, #tpu.memory_space<vmem>>
    %dma_wait3A_1275 = arith.constant 0 : i32
    %dma_wait3A_1276 = tpu.memref_slice %arg4[%add3A_1252, %dma_wait3A_1275] : memref<32768x512xf32, #tpu.memory_space<hbm>> -> memref<32x512xf32, #tpu.memory_space<hbm>>
    %dma_wait3A_1277 = tpu.memref_slice %arg10[%dma_wait3A_1270] : memref<7x!tpu.dma_semaphore, #tpu.memory_space<semaphore_mem>> -> memref<1x!tpu.dma_semaphore, #tpu.memory_space<semaphore_mem>>
    %dma_wait3A_1278 = tpu.memref_squeeze %dma_wait3A_1277 : memref<1x!tpu.dma_semaphore, #tpu.memory_space<semaphore_mem>> -> memref<!tpu.dma_semaphore, #tpu.memory_space<semaphore_mem>>
    %dma_wait3A_1279 = arith.constant 0 : i32
    %dma_wait3A_1280 = tpu.memref_slice %arg4[%add3A_1252, %dma_wait3A_1279] : memref<32768x512xf32, #tpu.memory_space<hbm>> -> memref<32x512xf32, #tpu.memory_space<hbm>>
    %dma_wait3A_1281 = arith.constant 0 : i32
    %dma_wait3A_1282 = arith.constant 0 : i32
    %dma_wait3A_1283 = tpu.memref_slice %arg8[%dma_wait3A_1269, %dma_wait3A_1281, %dma_wait3A_1282] : memref<7x32x512xf32, #tpu.memory_space<vmem>> -> memref<1x32x512xf32, #tpu.memory_space<vmem>>
    %dma_wait3A_1284 = tpu.memref_squeeze %dma_wait3A_1283 : memref<1x32x512xf32, #tpu.memory_space<vmem>> -> memref<32x512xf32, #tpu.memory_space<vmem>>
    tpu.wait_dma2 semaphore(%dma_wait3A_1278 : memref<!tpu.dma_semaphore, #tpu.memory_space<semaphore_mem>>) src(%dma_wait3A_1284 : memref<32x512xf32, #tpu.memory_space<vmem>>) dst(%dma_wait3A_1280 : memref<32x512xf32, #tpu.memory_space<hbm>>)
    %dma_start3A_1285 = arith.constant 2 : i32
    %dma_start3A_1286 = arith.constant 2 : i32
    %dma_start3A_1287 = arith.constant 0 : i32
    %dma_start3A_1288 = arith.constant 0 : i32
    %dma_start3A_1289 = tpu.memref_slice %arg8[%dma_start3A_1285, %dma_start3A_1287, %dma_start3A_1288] : memref<7x32x512xf32, #tpu.memory_space<vmem>> -> memref<1x32x512xf32, #tpu.memory_space<vmem>>
    %dma_start3A_1290 = tpu.memref_squeeze %dma_start3A_1289 : memref<1x32x512xf32, #tpu.memory_space<vmem>> -> memref<32x512xf32, #tpu.memory_space<vmem>>
    %dma_start3A_1291 = arith.constant 736 : i32
    %dma_start3A_1292 = tpu.memref_slice %arg6[%dma_start3A_1291] : memref<1024xi32, #tpu.memory_space<vmem>> -> memref<32xi32, #tpu.memory_space<vmem>>
    %dma_start3A_1293 = arith.constant 0 : i32
    %dma_start3A_1294 = arith.constant 0 : i32
    %dma_start3A_1295 = tpu.memref_slice %arg2[%select_n3A, %dma_start3A_1293, %dma_start3A_1294] : memref<16x512x512xf32, #tpu.memory_space<hbm>> -> memref<1x512x512xf32, #tpu.memory_space<hbm>>
    %dma_start3A_1296 = tpu.memref_squeeze %dma_start3A_1295 : memref<1x512x512xf32, #tpu.memory_space<hbm>> -> memref<512x512xf32, #tpu.memory_space<hbm>>
    %dma_start3A_1297 = arith.constant 0 : i32
    %dma_start3A_1298 = arith.constant 0 : i32
    %dma_start3A_1299 = tpu.memref_slice %dma_start3A_1296[%dma_start3A_1297, %dma_start3A_1298] : memref<512x512xf32, #tpu.memory_space<hbm>> -> memref<512x512xf32, #tpu.memory_space<hbm>>
    %dma_start3A_1300 = tpu.memref_slice %arg9[%dma_start3A_1286] : memref<7x!tpu.dma_semaphore, #tpu.memory_space<semaphore_mem>> -> memref<1x!tpu.dma_semaphore, #tpu.memory_space<semaphore_mem>>
    %dma_start3A_1301 = tpu.memref_squeeze %dma_start3A_1300 : memref<1x!tpu.dma_semaphore, #tpu.memory_space<semaphore_mem>> -> memref<!tpu.dma_semaphore, #tpu.memory_space<semaphore_mem>>
    tpu.enqueue_indirect_dma source(%dma_start3A_1299 : memref<512x512xf32, #tpu.memory_space<hbm>>) target(%dma_start3A_1290 : memref<32x512xf32, #tpu.memory_space<vmem>>) offsets(%dma_start3A_1292 : memref<32xi32, #tpu.memory_space<vmem>>) semaphore(%dma_start3A_1301 : memref<!tpu.dma_semaphore, #tpu.memory_space<semaphore_mem>>)
    %dma_wait3A_1302 = arith.constant 3 : i32
    %dma_wait3A_1303 = arith.constant 3 : i32
    %dma_wait3A_1304 = arith.constant 0 : i32
    %dma_wait3A_1305 = arith.constant 0 : i32
    %dma_wait3A_1306 = tpu.memref_slice %arg8[%dma_wait3A_1302, %dma_wait3A_1304, %dma_wait3A_1305] : memref<7x32x512xf32, #tpu.memory_space<vmem>> -> memref<1x32x512xf32, #tpu.memory_space<vmem>>
    %dma_wait3A_1307 = tpu.memref_squeeze %dma_wait3A_1306 : memref<1x32x512xf32, #tpu.memory_space<vmem>> -> memref<32x512xf32, #tpu.memory_space<vmem>>
    %dma_wait3A_1308 = arith.constant 544 : i32
    %dma_wait3A_1309 = tpu.memref_slice %arg6[%dma_wait3A_1308] : memref<1024xi32, #tpu.memory_space<vmem>> -> memref<32xi32, #tpu.memory_space<vmem>>
    %dma_wait3A_1310 = arith.constant 0 : i32
    %dma_wait3A_1311 = arith.constant 0 : i32
    %dma_wait3A_1312 = tpu.memref_slice %arg2[%select_n3A, %dma_wait3A_1310, %dma_wait3A_1311] : memref<16x512x512xf32, #tpu.memory_space<hbm>> -> memref<1x512x512xf32, #tpu.memory_space<hbm>>
    %dma_wait3A_1313 = tpu.memref_squeeze %dma_wait3A_1312 : memref<1x512x512xf32, #tpu.memory_space<hbm>> -> memref<512x512xf32, #tpu.memory_space<hbm>>
    %dma_wait3A_1314 = arith.constant 0 : i32
    %dma_wait3A_1315 = arith.constant 0 : i32
    %dma_wait3A_1316 = tpu.memref_slice %dma_wait3A_1313[%dma_wait3A_1314, %dma_wait3A_1315] : memref<512x512xf32, #tpu.memory_space<hbm>> -> memref<512x512xf32, #tpu.memory_space<hbm>>
    %dma_wait3A_1317 = tpu.memref_slice %arg9[%dma_wait3A_1303] : memref<7x!tpu.dma_semaphore, #tpu.memory_space<semaphore_mem>> -> memref<1x!tpu.dma_semaphore, #tpu.memory_space<semaphore_mem>>
    %dma_wait3A_1318 = tpu.memref_squeeze %dma_wait3A_1317 : memref<1x!tpu.dma_semaphore, #tpu.memory_space<semaphore_mem>> -> memref<!tpu.dma_semaphore, #tpu.memory_space<semaphore_mem>>
    tpu.wait_indirect_dma semaphore(%dma_wait3A_1318 : memref<!tpu.dma_semaphore, #tpu.memory_space<semaphore_mem>>) src(%dma_wait3A_1316 : memref<512x512xf32, #tpu.memory_space<hbm>>) dst(%dma_wait3A_1307 : memref<32x512xf32, #tpu.memory_space<vmem>>)
    %add3A_1319 = arith.constant 544 : i32
    %add3A_1320 = arith.addi %mul3A_2, %add3A_1319 : i32
    %dma_start3A_1321 = arith.constant 3 : i32
    %dma_start3A_1322 = arith.constant 3 : i32
    %dma_start3A_1323 = arith.constant 0 : i32
    %dma_start3A_1324 = arith.constant 0 : i32
    %dma_start3A_1325 = tpu.memref_slice %arg8[%dma_start3A_1321, %dma_start3A_1323, %dma_start3A_1324] : memref<7x32x512xf32, #tpu.memory_space<vmem>> -> memref<1x32x512xf32, #tpu.memory_space<vmem>>
    %dma_start3A_1326 = tpu.memref_squeeze %dma_start3A_1325 : memref<1x32x512xf32, #tpu.memory_space<vmem>> -> memref<32x512xf32, #tpu.memory_space<vmem>>
    %dma_start3A_1327 = arith.constant 0 : i32
    %dma_start3A_1328 = tpu.memref_slice %arg4[%add3A_1320, %dma_start3A_1327] : memref<32768x512xf32, #tpu.memory_space<hbm>> -> memref<32x512xf32, #tpu.memory_space<hbm>>
    %dma_start3A_1329 = tpu.memref_slice %arg10[%dma_start3A_1322] : memref<7x!tpu.dma_semaphore, #tpu.memory_space<semaphore_mem>> -> memref<1x!tpu.dma_semaphore, #tpu.memory_space<semaphore_mem>>
    %dma_start3A_1330 = tpu.memref_squeeze %dma_start3A_1329 : memref<1x!tpu.dma_semaphore, #tpu.memory_space<semaphore_mem>> -> memref<!tpu.dma_semaphore, #tpu.memory_space<semaphore_mem>>
    %dma_start3A_1331 = arith.constant 0 : i32
    %dma_start3A_1332 = tpu.memref_slice %arg4[%add3A_1320, %dma_start3A_1331] : memref<32768x512xf32, #tpu.memory_space<hbm>> -> memref<32x512xf32, #tpu.memory_space<hbm>>
    %dma_start3A_1333 = arith.constant 0 : i32
    %dma_start3A_1334 = arith.constant 0 : i32
    %dma_start3A_1335 = tpu.memref_slice %arg8[%dma_start3A_1321, %dma_start3A_1333, %dma_start3A_1334] : memref<7x32x512xf32, #tpu.memory_space<vmem>> -> memref<1x32x512xf32, #tpu.memory_space<vmem>>
    %dma_start3A_1336 = tpu.memref_squeeze %dma_start3A_1335 : memref<1x32x512xf32, #tpu.memory_space<vmem>> -> memref<32x512xf32, #tpu.memory_space<vmem>>
    tpu.enqueue_dma source(%dma_start3A_1336 : memref<32x512xf32, #tpu.memory_space<vmem>>) target(%dma_start3A_1332 : memref<32x512xf32, #tpu.memory_space<hbm>>) target_semaphore(%dma_start3A_1330 : memref<!tpu.dma_semaphore, #tpu.memory_space<semaphore_mem>>)
    %dma_wait3A_1337 = arith.constant 3 : i32
    %dma_wait3A_1338 = arith.constant 3 : i32
    %dma_wait3A_1339 = arith.constant 0 : i32
    %dma_wait3A_1340 = arith.constant 0 : i32
    %dma_wait3A_1341 = tpu.memref_slice %arg8[%dma_wait3A_1337, %dma_wait3A_1339, %dma_wait3A_1340] : memref<7x32x512xf32, #tpu.memory_space<vmem>> -> memref<1x32x512xf32, #tpu.memory_space<vmem>>
    %dma_wait3A_1342 = tpu.memref_squeeze %dma_wait3A_1341 : memref<1x32x512xf32, #tpu.memory_space<vmem>> -> memref<32x512xf32, #tpu.memory_space<vmem>>
    %dma_wait3A_1343 = arith.constant 0 : i32
    %dma_wait3A_1344 = tpu.memref_slice %arg4[%add3A_1320, %dma_wait3A_1343] : memref<32768x512xf32, #tpu.memory_space<hbm>> -> memref<32x512xf32, #tpu.memory_space<hbm>>
    %dma_wait3A_1345 = tpu.memref_slice %arg10[%dma_wait3A_1338] : memref<7x!tpu.dma_semaphore, #tpu.memory_space<semaphore_mem>> -> memref<1x!tpu.dma_semaphore, #tpu.memory_space<semaphore_mem>>
    %dma_wait3A_1346 = tpu.memref_squeeze %dma_wait3A_1345 : memref<1x!tpu.dma_semaphore, #tpu.memory_space<semaphore_mem>> -> memref<!tpu.dma_semaphore, #tpu.memory_space<semaphore_mem>>
    %dma_wait3A_1347 = arith.constant 0 : i32
    %dma_wait3A_1348 = tpu.memref_slice %arg4[%add3A_1320, %dma_wait3A_1347] : memref<32768x512xf32, #tpu.memory_space<hbm>> -> memref<32x512xf32, #tpu.memory_space<hbm>>
    %dma_wait3A_1349 = arith.constant 0 : i32
    %dma_wait3A_1350 = arith.constant 0 : i32
    %dma_wait3A_1351 = tpu.memref_slice %arg8[%dma_wait3A_1337, %dma_wait3A_1349, %dma_wait3A_1350] : memref<7x32x512xf32, #tpu.memory_space<vmem>> -> memref<1x32x512xf32, #tpu.memory_space<vmem>>
    %dma_wait3A_1352 = tpu.memref_squeeze %dma_wait3A_1351 : memref<1x32x512xf32, #tpu.memory_space<vmem>> -> memref<32x512xf32, #tpu.memory_space<vmem>>
    tpu.wait_dma2 semaphore(%dma_wait3A_1346 : memref<!tpu.dma_semaphore, #tpu.memory_space<semaphore_mem>>) src(%dma_wait3A_1352 : memref<32x512xf32, #tpu.memory_space<vmem>>) dst(%dma_wait3A_1348 : memref<32x512xf32, #tpu.memory_space<hbm>>)
    %dma_start3A_1353 = arith.constant 3 : i32
    %dma_start3A_1354 = arith.constant 3 : i32
    %dma_start3A_1355 = arith.constant 0 : i32
    %dma_start3A_1356 = arith.constant 0 : i32
    %dma_start3A_1357 = tpu.memref_slice %arg8[%dma_start3A_1353, %dma_start3A_1355, %dma_start3A_1356] : memref<7x32x512xf32, #tpu.memory_space<vmem>> -> memref<1x32x512xf32, #tpu.memory_space<vmem>>
    %dma_start3A_1358 = tpu.memref_squeeze %dma_start3A_1357 : memref<1x32x512xf32, #tpu.memory_space<vmem>> -> memref<32x512xf32, #tpu.memory_space<vmem>>
    %dma_start3A_1359 = arith.constant 768 : i32
    %dma_start3A_1360 = tpu.memref_slice %arg6[%dma_start3A_1359] : memref<1024xi32, #tpu.memory_space<vmem>> -> memref<32xi32, #tpu.memory_space<vmem>>
    %dma_start3A_1361 = arith.constant 0 : i32
    %dma_start3A_1362 = arith.constant 0 : i32
    %dma_start3A_1363 = tpu.memref_slice %arg2[%select_n3A, %dma_start3A_1361, %dma_start3A_1362] : memref<16x512x512xf32, #tpu.memory_space<hbm>> -> memref<1x512x512xf32, #tpu.memory_space<hbm>>
    %dma_start3A_1364 = tpu.memref_squeeze %dma_start3A_1363 : memref<1x512x512xf32, #tpu.memory_space<hbm>> -> memref<512x512xf32, #tpu.memory_space<hbm>>
    %dma_start3A_1365 = arith.constant 0 : i32
    %dma_start3A_1366 = arith.constant 0 : i32
    %dma_start3A_1367 = tpu.memref_slice %dma_start3A_1364[%dma_start3A_1365, %dma_start3A_1366] : memref<512x512xf32, #tpu.memory_space<hbm>> -> memref<512x512xf32, #tpu.memory_space<hbm>>
    %dma_start3A_1368 = tpu.memref_slice %arg9[%dma_start3A_1354] : memref<7x!tpu.dma_semaphore, #tpu.memory_space<semaphore_mem>> -> memref<1x!tpu.dma_semaphore, #tpu.memory_space<semaphore_mem>>
    %dma_start3A_1369 = tpu.memref_squeeze %dma_start3A_1368 : memref<1x!tpu.dma_semaphore, #tpu.memory_space<semaphore_mem>> -> memref<!tpu.dma_semaphore, #tpu.memory_space<semaphore_mem>>
    tpu.enqueue_indirect_dma source(%dma_start3A_1367 : memref<512x512xf32, #tpu.memory_space<hbm>>) target(%dma_start3A_1358 : memref<32x512xf32, #tpu.memory_space<vmem>>) offsets(%dma_start3A_1360 : memref<32xi32, #tpu.memory_space<vmem>>) semaphore(%dma_start3A_1369 : memref<!tpu.dma_semaphore, #tpu.memory_space<semaphore_mem>>)
    %dma_wait3A_1370 = arith.constant 4 : i32
    %dma_wait3A_1371 = arith.constant 4 : i32
    %dma_wait3A_1372 = arith.constant 0 : i32
    %dma_wait3A_1373 = arith.constant 0 : i32
    %dma_wait3A_1374 = tpu.memref_slice %arg8[%dma_wait3A_1370, %dma_wait3A_1372, %dma_wait3A_1373] : memref<7x32x512xf32, #tpu.memory_space<vmem>> -> memref<1x32x512xf32, #tpu.memory_space<vmem>>
    %dma_wait3A_1375 = tpu.memref_squeeze %dma_wait3A_1374 : memref<1x32x512xf32, #tpu.memory_space<vmem>> -> memref<32x512xf32, #tpu.memory_space<vmem>>
    %dma_wait3A_1376 = arith.constant 576 : i32
    %dma_wait3A_1377 = tpu.memref_slice %arg6[%dma_wait3A_1376] : memref<1024xi32, #tpu.memory_space<vmem>> -> memref<32xi32, #tpu.memory_space<vmem>>
    %dma_wait3A_1378 = arith.constant 0 : i32
    %dma_wait3A_1379 = arith.constant 0 : i32
    %dma_wait3A_1380 = tpu.memref_slice %arg2[%select_n3A, %dma_wait3A_1378, %dma_wait3A_1379] : memref<16x512x512xf32, #tpu.memory_space<hbm>> -> memref<1x512x512xf32, #tpu.memory_space<hbm>>
    %dma_wait3A_1381 = tpu.memref_squeeze %dma_wait3A_1380 : memref<1x512x512xf32, #tpu.memory_space<hbm>> -> memref<512x512xf32, #tpu.memory_space<hbm>>
    %dma_wait3A_1382 = arith.constant 0 : i32
    %dma_wait3A_1383 = arith.constant 0 : i32
    %dma_wait3A_1384 = tpu.memref_slice %dma_wait3A_1381[%dma_wait3A_1382, %dma_wait3A_1383] : memref<512x512xf32, #tpu.memory_space<hbm>> -> memref<512x512xf32, #tpu.memory_space<hbm>>
    %dma_wait3A_1385 = tpu.memref_slice %arg9[%dma_wait3A_1371] : memref<7x!tpu.dma_semaphore, #tpu.memory_space<semaphore_mem>> -> memref<1x!tpu.dma_semaphore, #tpu.memory_space<semaphore_mem>>
    %dma_wait3A_1386 = tpu.memref_squeeze %dma_wait3A_1385 : memref<1x!tpu.dma_semaphore, #tpu.memory_space<semaphore_mem>> -> memref<!tpu.dma_semaphore, #tpu.memory_space<semaphore_mem>>
    tpu.wait_indirect_dma semaphore(%dma_wait3A_1386 : memref<!tpu.dma_semaphore, #tpu.memory_space<semaphore_mem>>) src(%dma_wait3A_1384 : memref<512x512xf32, #tpu.memory_space<hbm>>) dst(%dma_wait3A_1375 : memref<32x512xf32, #tpu.memory_space<vmem>>)
    %add3A_1387 = arith.constant 576 : i32
    %add3A_1388 = arith.addi %mul3A_2, %add3A_1387 : i32
    %dma_start3A_1389 = arith.constant 4 : i32
    %dma_start3A_1390 = arith.constant 4 : i32
    %dma_start3A_1391 = arith.constant 0 : i32
    %dma_start3A_1392 = arith.constant 0 : i32
    %dma_start3A_1393 = tpu.memref_slice %arg8[%dma_start3A_1389, %dma_start3A_1391, %dma_start3A_1392] : memref<7x32x512xf32, #tpu.memory_space<vmem>> -> memref<1x32x512xf32, #tpu.memory_space<vmem>>
    %dma_start3A_1394 = tpu.memref_squeeze %dma_start3A_1393 : memref<1x32x512xf32, #tpu.memory_space<vmem>> -> memref<32x512xf32, #tpu.memory_space<vmem>>
    %dma_start3A_1395 = arith.constant 0 : i32
    %dma_start3A_1396 = tpu.memref_slice %arg4[%add3A_1388, %dma_start3A_1395] : memref<32768x512xf32, #tpu.memory_space<hbm>> -> memref<32x512xf32, #tpu.memory_space<hbm>>
    %dma_start3A_1397 = tpu.memref_slice %arg10[%dma_start3A_1390] : memref<7x!tpu.dma_semaphore, #tpu.memory_space<semaphore_mem>> -> memref<1x!tpu.dma_semaphore, #tpu.memory_space<semaphore_mem>>
    %dma_start3A_1398 = tpu.memref_squeeze %dma_start3A_1397 : memref<1x!tpu.dma_semaphore, #tpu.memory_space<semaphore_mem>> -> memref<!tpu.dma_semaphore, #tpu.memory_space<semaphore_mem>>
    %dma_start3A_1399 = arith.constant 0 : i32
    %dma_start3A_1400 = tpu.memref_slice %arg4[%add3A_1388, %dma_start3A_1399] : memref<32768x512xf32, #tpu.memory_space<hbm>> -> memref<32x512xf32, #tpu.memory_space<hbm>>
    %dma_start3A_1401 = arith.constant 0 : i32
    %dma_start3A_1402 = arith.constant 0 : i32
    %dma_start3A_1403 = tpu.memref_slice %arg8[%dma_start3A_1389, %dma_start3A_1401, %dma_start3A_1402] : memref<7x32x512xf32, #tpu.memory_space<vmem>> -> memref<1x32x512xf32, #tpu.memory_space<vmem>>
    %dma_start3A_1404 = tpu.memref_squeeze %dma_start3A_1403 : memref<1x32x512xf32, #tpu.memory_space<vmem>> -> memref<32x512xf32, #tpu.memory_space<vmem>>
    tpu.enqueue_dma source(%dma_start3A_1404 : memref<32x512xf32, #tpu.memory_space<vmem>>) target(%dma_start3A_1400 : memref<32x512xf32, #tpu.memory_space<hbm>>) target_semaphore(%dma_start3A_1398 : memref<!tpu.dma_semaphore, #tpu.memory_space<semaphore_mem>>)
    %dma_wait3A_1405 = arith.constant 4 : i32
    %dma_wait3A_1406 = arith.constant 4 : i32
    %dma_wait3A_1407 = arith.constant 0 : i32
    %dma_wait3A_1408 = arith.constant 0 : i32
    %dma_wait3A_1409 = tpu.memref_slice %arg8[%dma_wait3A_1405, %dma_wait3A_1407, %dma_wait3A_1408] : memref<7x32x512xf32, #tpu.memory_space<vmem>> -> memref<1x32x512xf32, #tpu.memory_space<vmem>>
    %dma_wait3A_1410 = tpu.memref_squeeze %dma_wait3A_1409 : memref<1x32x512xf32, #tpu.memory_space<vmem>> -> memref<32x512xf32, #tpu.memory_space<vmem>>
    %dma_wait3A_1411 = arith.constant 0 : i32
    %dma_wait3A_1412 = tpu.memref_slice %arg4[%add3A_1388, %dma_wait3A_1411] : memref<32768x512xf32, #tpu.memory_space<hbm>> -> memref<32x512xf32, #tpu.memory_space<hbm>>
    %dma_wait3A_1413 = tpu.memref_slice %arg10[%dma_wait3A_1406] : memref<7x!tpu.dma_semaphore, #tpu.memory_space<semaphore_mem>> -> memref<1x!tpu.dma_semaphore, #tpu.memory_space<semaphore_mem>>
    %dma_wait3A_1414 = tpu.memref_squeeze %dma_wait3A_1413 : memref<1x!tpu.dma_semaphore, #tpu.memory_space<semaphore_mem>> -> memref<!tpu.dma_semaphore, #tpu.memory_space<semaphore_mem>>
    %dma_wait3A_1415 = arith.constant 0 : i32
    %dma_wait3A_1416 = tpu.memref_slice %arg4[%add3A_1388, %dma_wait3A_1415] : memref<32768x512xf32, #tpu.memory_space<hbm>> -> memref<32x512xf32, #tpu.memory_space<hbm>>
    %dma_wait3A_1417 = arith.constant 0 : i32
    %dma_wait3A_1418 = arith.constant 0 : i32
    %dma_wait3A_1419 = tpu.memref_slice %arg8[%dma_wait3A_1405, %dma_wait3A_1417, %dma_wait3A_1418] : memref<7x32x512xf32, #tpu.memory_space<vmem>> -> memref<1x32x512xf32, #tpu.memory_space<vmem>>
    %dma_wait3A_1420 = tpu.memref_squeeze %dma_wait3A_1419 : memref<1x32x512xf32, #tpu.memory_space<vmem>> -> memref<32x512xf32, #tpu.memory_space<vmem>>
    tpu.wait_dma2 semaphore(%dma_wait3A_1414 : memref<!tpu.dma_semaphore, #tpu.memory_space<semaphore_mem>>) src(%dma_wait3A_1420 : memref<32x512xf32, #tpu.memory_space<vmem>>) dst(%dma_wait3A_1416 : memref<32x512xf32, #tpu.memory_space<hbm>>)
    %dma_start3A_1421 = arith.constant 4 : i32
    %dma_start3A_1422 = arith.constant 4 : i32
    %dma_start3A_1423 = arith.constant 0 : i32
    %dma_start3A_1424 = arith.constant 0 : i32
    %dma_start3A_1425 = tpu.memref_slice %arg8[%dma_start3A_1421, %dma_start3A_1423, %dma_start3A_1424] : memref<7x32x512xf32, #tpu.memory_space<vmem>> -> memref<1x32x512xf32, #tpu.memory_space<vmem>>
    %dma_start3A_1426 = tpu.memref_squeeze %dma_start3A_1425 : memref<1x32x512xf32, #tpu.memory_space<vmem>> -> memref<32x512xf32, #tpu.memory_space<vmem>>
    %dma_start3A_1427 = arith.constant 800 : i32
    %dma_start3A_1428 = tpu.memref_slice %arg6[%dma_start3A_1427] : memref<1024xi32, #tpu.memory_space<vmem>> -> memref<32xi32, #tpu.memory_space<vmem>>
    %dma_start3A_1429 = arith.constant 0 : i32
    %dma_start3A_1430 = arith.constant 0 : i32
    %dma_start3A_1431 = tpu.memref_slice %arg2[%select_n3A, %dma_start3A_1429, %dma_start3A_1430] : memref<16x512x512xf32, #tpu.memory_space<hbm>> -> memref<1x512x512xf32, #tpu.memory_space<hbm>>
    %dma_start3A_1432 = tpu.memref_squeeze %dma_start3A_1431 : memref<1x512x512xf32, #tpu.memory_space<hbm>> -> memref<512x512xf32, #tpu.memory_space<hbm>>
    %dma_start3A_1433 = arith.constant 0 : i32
    %dma_start3A_1434 = arith.constant 0 : i32
    %dma_start3A_1435 = tpu.memref_slice %dma_start3A_1432[%dma_start3A_1433, %dma_start3A_1434] : memref<512x512xf32, #tpu.memory_space<hbm>> -> memref<512x512xf32, #tpu.memory_space<hbm>>
    %dma_start3A_1436 = tpu.memref_slice %arg9[%dma_start3A_1422] : memref<7x!tpu.dma_semaphore, #tpu.memory_space<semaphore_mem>> -> memref<1x!tpu.dma_semaphore, #tpu.memory_space<semaphore_mem>>
    %dma_start3A_1437 = tpu.memref_squeeze %dma_start3A_1436 : memref<1x!tpu.dma_semaphore, #tpu.memory_space<semaphore_mem>> -> memref<!tpu.dma_semaphore, #tpu.memory_space<semaphore_mem>>
    tpu.enqueue_indirect_dma source(%dma_start3A_1435 : memref<512x512xf32, #tpu.memory_space<hbm>>) target(%dma_start3A_1426 : memref<32x512xf32, #tpu.memory_space<vmem>>) offsets(%dma_start3A_1428 : memref<32xi32, #tpu.memory_space<vmem>>) semaphore(%dma_start3A_1437 : memref<!tpu.dma_semaphore, #tpu.memory_space<semaphore_mem>>)
    %dma_wait3A_1438 = arith.constant 5 : i32
    %dma_wait3A_1439 = arith.constant 5 : i32
    %dma_wait3A_1440 = arith.constant 0 : i32
    %dma_wait3A_1441 = arith.constant 0 : i32
    %dma_wait3A_1442 = tpu.memref_slice %arg8[%dma_wait3A_1438, %dma_wait3A_1440, %dma_wait3A_1441] : memref<7x32x512xf32, #tpu.memory_space<vmem>> -> memref<1x32x512xf32, #tpu.memory_space<vmem>>
    %dma_wait3A_1443 = tpu.memref_squeeze %dma_wait3A_1442 : memref<1x32x512xf32, #tpu.memory_space<vmem>> -> memref<32x512xf32, #tpu.memory_space<vmem>>
    %dma_wait3A_1444 = arith.constant 608 : i32
    %dma_wait3A_1445 = tpu.memref_slice %arg6[%dma_wait3A_1444] : memref<1024xi32, #tpu.memory_space<vmem>> -> memref<32xi32, #tpu.memory_space<vmem>>
    %dma_wait3A_1446 = arith.constant 0 : i32
    %dma_wait3A_1447 = arith.constant 0 : i32
    %dma_wait3A_1448 = tpu.memref_slice %arg2[%select_n3A, %dma_wait3A_1446, %dma_wait3A_1447] : memref<16x512x512xf32, #tpu.memory_space<hbm>> -> memref<1x512x512xf32, #tpu.memory_space<hbm>>
    %dma_wait3A_1449 = tpu.memref_squeeze %dma_wait3A_1448 : memref<1x512x512xf32, #tpu.memory_space<hbm>> -> memref<512x512xf32, #tpu.memory_space<hbm>>
    %dma_wait3A_1450 = arith.constant 0 : i32
    %dma_wait3A_1451 = arith.constant 0 : i32
    %dma_wait3A_1452 = tpu.memref_slice %dma_wait3A_1449[%dma_wait3A_1450, %dma_wait3A_1451] : memref<512x512xf32, #tpu.memory_space<hbm>> -> memref<512x512xf32, #tpu.memory_space<hbm>>
    %dma_wait3A_1453 = tpu.memref_slice %arg9[%dma_wait3A_1439] : memref<7x!tpu.dma_semaphore, #tpu.memory_space<semaphore_mem>> -> memref<1x!tpu.dma_semaphore, #tpu.memory_space<semaphore_mem>>
    %dma_wait3A_1454 = tpu.memref_squeeze %dma_wait3A_1453 : memref<1x!tpu.dma_semaphore, #tpu.memory_space<semaphore_mem>> -> memref<!tpu.dma_semaphore, #tpu.memory_space<semaphore_mem>>
    tpu.wait_indirect_dma semaphore(%dma_wait3A_1454 : memref<!tpu.dma_semaphore, #tpu.memory_space<semaphore_mem>>) src(%dma_wait3A_1452 : memref<512x512xf32, #tpu.memory_space<hbm>>) dst(%dma_wait3A_1443 : memref<32x512xf32, #tpu.memory_space<vmem>>)
    %add3A_1455 = arith.constant 608 : i32
    %add3A_1456 = arith.addi %mul3A_2, %add3A_1455 : i32
    %dma_start3A_1457 = arith.constant 5 : i32
    %dma_start3A_1458 = arith.constant 5 : i32
    %dma_start3A_1459 = arith.constant 0 : i32
    %dma_start3A_1460 = arith.constant 0 : i32
    %dma_start3A_1461 = tpu.memref_slice %arg8[%dma_start3A_1457, %dma_start3A_1459, %dma_start3A_1460] : memref<7x32x512xf32, #tpu.memory_space<vmem>> -> memref<1x32x512xf32, #tpu.memory_space<vmem>>
    %dma_start3A_1462 = tpu.memref_squeeze %dma_start3A_1461 : memref<1x32x512xf32, #tpu.memory_space<vmem>> -> memref<32x512xf32, #tpu.memory_space<vmem>>
    %dma_start3A_1463 = arith.constant 0 : i32
    %dma_start3A_1464 = tpu.memref_slice %arg4[%add3A_1456, %dma_start3A_1463] : memref<32768x512xf32, #tpu.memory_space<hbm>> -> memref<32x512xf32, #tpu.memory_space<hbm>>
    %dma_start3A_1465 = tpu.memref_slice %arg10[%dma_start3A_1458] : memref<7x!tpu.dma_semaphore, #tpu.memory_space<semaphore_mem>> -> memref<1x!tpu.dma_semaphore, #tpu.memory_space<semaphore_mem>>
    %dma_start3A_1466 = tpu.memref_squeeze %dma_start3A_1465 : memref<1x!tpu.dma_semaphore, #tpu.memory_space<semaphore_mem>> -> memref<!tpu.dma_semaphore, #tpu.memory_space<semaphore_mem>>
    %dma_start3A_1467 = arith.constant 0 : i32
    %dma_start3A_1468 = tpu.memref_slice %arg4[%add3A_1456, %dma_start3A_1467] : memref<32768x512xf32, #tpu.memory_space<hbm>> -> memref<32x512xf32, #tpu.memory_space<hbm>>
    %dma_start3A_1469 = arith.constant 0 : i32
    %dma_start3A_1470 = arith.constant 0 : i32
    %dma_start3A_1471 = tpu.memref_slice %arg8[%dma_start3A_1457, %dma_start3A_1469, %dma_start3A_1470] : memref<7x32x512xf32, #tpu.memory_space<vmem>> -> memref<1x32x512xf32, #tpu.memory_space<vmem>>
    %dma_start3A_1472 = tpu.memref_squeeze %dma_start3A_1471 : memref<1x32x512xf32, #tpu.memory_space<vmem>> -> memref<32x512xf32, #tpu.memory_space<vmem>>
    tpu.enqueue_dma source(%dma_start3A_1472 : memref<32x512xf32, #tpu.memory_space<vmem>>) target(%dma_start3A_1468 : memref<32x512xf32, #tpu.memory_space<hbm>>) target_semaphore(%dma_start3A_1466 : memref<!tpu.dma_semaphore, #tpu.memory_space<semaphore_mem>>)
    %dma_wait3A_1473 = arith.constant 5 : i32
    %dma_wait3A_1474 = arith.constant 5 : i32
    %dma_wait3A_1475 = arith.constant 0 : i32
    %dma_wait3A_1476 = arith.constant 0 : i32
    %dma_wait3A_1477 = tpu.memref_slice %arg8[%dma_wait3A_1473, %dma_wait3A_1475, %dma_wait3A_1476] : memref<7x32x512xf32, #tpu.memory_space<vmem>> -> memref<1x32x512xf32, #tpu.memory_space<vmem>>
    %dma_wait3A_1478 = tpu.memref_squeeze %dma_wait3A_1477 : memref<1x32x512xf32, #tpu.memory_space<vmem>> -> memref<32x512xf32, #tpu.memory_space<vmem>>
    %dma_wait3A_1479 = arith.constant 0 : i32
    %dma_wait3A_1480 = tpu.memref_slice %arg4[%add3A_1456, %dma_wait3A_1479] : memref<32768x512xf32, #tpu.memory_space<hbm>> -> memref<32x512xf32, #tpu.memory_space<hbm>>
    %dma_wait3A_1481 = tpu.memref_slice %arg10[%dma_wait3A_1474] : memref<7x!tpu.dma_semaphore, #tpu.memory_space<semaphore_mem>> -> memref<1x!tpu.dma_semaphore, #tpu.memory_space<semaphore_mem>>
    %dma_wait3A_1482 = tpu.memref_squeeze %dma_wait3A_1481 : memref<1x!tpu.dma_semaphore, #tpu.memory_space<semaphore_mem>> -> memref<!tpu.dma_semaphore, #tpu.memory_space<semaphore_mem>>
    %dma_wait3A_1483 = arith.constant 0 : i32
    %dma_wait3A_1484 = tpu.memref_slice %arg4[%add3A_1456, %dma_wait3A_1483] : memref<32768x512xf32, #tpu.memory_space<hbm>> -> memref<32x512xf32, #tpu.memory_space<hbm>>
    %dma_wait3A_1485 = arith.constant 0 : i32
    %dma_wait3A_1486 = arith.constant 0 : i32
    %dma_wait3A_1487 = tpu.memref_slice %arg8[%dma_wait3A_1473, %dma_wait3A_1485, %dma_wait3A_1486] : memref<7x32x512xf32, #tpu.memory_space<vmem>> -> memref<1x32x512xf32, #tpu.memory_space<vmem>>
    %dma_wait3A_1488 = tpu.memref_squeeze %dma_wait3A_1487 : memref<1x32x512xf32, #tpu.memory_space<vmem>> -> memref<32x512xf32, #tpu.memory_space<vmem>>
    tpu.wait_dma2 semaphore(%dma_wait3A_1482 : memref<!tpu.dma_semaphore, #tpu.memory_space<semaphore_mem>>) src(%dma_wait3A_1488 : memref<32x512xf32, #tpu.memory_space<vmem>>) dst(%dma_wait3A_1484 : memref<32x512xf32, #tpu.memory_space<hbm>>)
    %dma_start3A_1489 = arith.constant 5 : i32
    %dma_start3A_1490 = arith.constant 5 : i32
    %dma_start3A_1491 = arith.constant 0 : i32
    %dma_start3A_1492 = arith.constant 0 : i32
    %dma_start3A_1493 = tpu.memref_slice %arg8[%dma_start3A_1489, %dma_start3A_1491, %dma_start3A_1492] : memref<7x32x512xf32, #tpu.memory_space<vmem>> -> memref<1x32x512xf32, #tpu.memory_space<vmem>>
    %dma_start3A_1494 = tpu.memref_squeeze %dma_start3A_1493 : memref<1x32x512xf32, #tpu.memory_space<vmem>> -> memref<32x512xf32, #tpu.memory_space<vmem>>
    %dma_start3A_1495 = arith.constant 832 : i32
    %dma_start3A_1496 = tpu.memref_slice %arg6[%dma_start3A_1495] : memref<1024xi32, #tpu.memory_space<vmem>> -> memref<32xi32, #tpu.memory_space<vmem>>
    %dma_start3A_1497 = arith.constant 0 : i32
    %dma_start3A_1498 = arith.constant 0 : i32
    %dma_start3A_1499 = tpu.memref_slice %arg2[%select_n3A, %dma_start3A_1497, %dma_start3A_1498] : memref<16x512x512xf32, #tpu.memory_space<hbm>> -> memref<1x512x512xf32, #tpu.memory_space<hbm>>
    %dma_start3A_1500 = tpu.memref_squeeze %dma_start3A_1499 : memref<1x512x512xf32, #tpu.memory_space<hbm>> -> memref<512x512xf32, #tpu.memory_space<hbm>>
    %dma_start3A_1501 = arith.constant 0 : i32
    %dma_start3A_1502 = arith.constant 0 : i32
    %dma_start3A_1503 = tpu.memref_slice %dma_start3A_1500[%dma_start3A_1501, %dma_start3A_1502] : memref<512x512xf32, #tpu.memory_space<hbm>> -> memref<512x512xf32, #tpu.memory_space<hbm>>
    %dma_start3A_1504 = tpu.memref_slice %arg9[%dma_start3A_1490] : memref<7x!tpu.dma_semaphore, #tpu.memory_space<semaphore_mem>> -> memref<1x!tpu.dma_semaphore, #tpu.memory_space<semaphore_mem>>
    %dma_start3A_1505 = tpu.memref_squeeze %dma_start3A_1504 : memref<1x!tpu.dma_semaphore, #tpu.memory_space<semaphore_mem>> -> memref<!tpu.dma_semaphore, #tpu.memory_space<semaphore_mem>>
    tpu.enqueue_indirect_dma source(%dma_start3A_1503 : memref<512x512xf32, #tpu.memory_space<hbm>>) target(%dma_start3A_1494 : memref<32x512xf32, #tpu.memory_space<vmem>>) offsets(%dma_start3A_1496 : memref<32xi32, #tpu.memory_space<vmem>>) semaphore(%dma_start3A_1505 : memref<!tpu.dma_semaphore, #tpu.memory_space<semaphore_mem>>)
    %dma_wait3A_1506 = arith.constant 6 : i32
    %dma_wait3A_1507 = arith.constant 6 : i32
    %dma_wait3A_1508 = arith.constant 0 : i32
    %dma_wait3A_1509 = arith.constant 0 : i32
    %dma_wait3A_1510 = tpu.memref_slice %arg8[%dma_wait3A_1506, %dma_wait3A_1508, %dma_wait3A_1509] : memref<7x32x512xf32, #tpu.memory_space<vmem>> -> memref<1x32x512xf32, #tpu.memory_space<vmem>>
    %dma_wait3A_1511 = tpu.memref_squeeze %dma_wait3A_1510 : memref<1x32x512xf32, #tpu.memory_space<vmem>> -> memref<32x512xf32, #tpu.memory_space<vmem>>
    %dma_wait3A_1512 = arith.constant 640 : i32
    %dma_wait3A_1513 = tpu.memref_slice %arg6[%dma_wait3A_1512] : memref<1024xi32, #tpu.memory_space<vmem>> -> memref<32xi32, #tpu.memory_space<vmem>>
    %dma_wait3A_1514 = arith.constant 0 : i32
    %dma_wait3A_1515 = arith.constant 0 : i32
    %dma_wait3A_1516 = tpu.memref_slice %arg2[%select_n3A, %dma_wait3A_1514, %dma_wait3A_1515] : memref<16x512x512xf32, #tpu.memory_space<hbm>> -> memref<1x512x512xf32, #tpu.memory_space<hbm>>
    %dma_wait3A_1517 = tpu.memref_squeeze %dma_wait3A_1516 : memref<1x512x512xf32, #tpu.memory_space<hbm>> -> memref<512x512xf32, #tpu.memory_space<hbm>>
    %dma_wait3A_1518 = arith.constant 0 : i32
    %dma_wait3A_1519 = arith.constant 0 : i32
    %dma_wait3A_1520 = tpu.memref_slice %dma_wait3A_1517[%dma_wait3A_1518, %dma_wait3A_1519] : memref<512x512xf32, #tpu.memory_space<hbm>> -> memref<512x512xf32, #tpu.memory_space<hbm>>
    %dma_wait3A_1521 = tpu.memref_slice %arg9[%dma_wait3A_1507] : memref<7x!tpu.dma_semaphore, #tpu.memory_space<semaphore_mem>> -> memref<1x!tpu.dma_semaphore, #tpu.memory_space<semaphore_mem>>
    %dma_wait3A_1522 = tpu.memref_squeeze %dma_wait3A_1521 : memref<1x!tpu.dma_semaphore, #tpu.memory_space<semaphore_mem>> -> memref<!tpu.dma_semaphore, #tpu.memory_space<semaphore_mem>>
    tpu.wait_indirect_dma semaphore(%dma_wait3A_1522 : memref<!tpu.dma_semaphore, #tpu.memory_space<semaphore_mem>>) src(%dma_wait3A_1520 : memref<512x512xf32, #tpu.memory_space<hbm>>) dst(%dma_wait3A_1511 : memref<32x512xf32, #tpu.memory_space<vmem>>)
    %add3A_1523 = arith.constant 640 : i32
    %add3A_1524 = arith.addi %mul3A_2, %add3A_1523 : i32
    %dma_start3A_1525 = arith.constant 6 : i32
    %dma_start3A_1526 = arith.constant 6 : i32
    %dma_start3A_1527 = arith.constant 0 : i32
    %dma_start3A_1528 = arith.constant 0 : i32
    %dma_start3A_1529 = tpu.memref_slice %arg8[%dma_start3A_1525, %dma_start3A_1527, %dma_start3A_1528] : memref<7x32x512xf32, #tpu.memory_space<vmem>> -> memref<1x32x512xf32, #tpu.memory_space<vmem>>
    %dma_start3A_1530 = tpu.memref_squeeze %dma_start3A_1529 : memref<1x32x512xf32, #tpu.memory_space<vmem>> -> memref<32x512xf32, #tpu.memory_space<vmem>>
    %dma_start3A_1531 = arith.constant 0 : i32
    %dma_start3A_1532 = tpu.memref_slice %arg4[%add3A_1524, %dma_start3A_1531] : memref<32768x512xf32, #tpu.memory_space<hbm>> -> memref<32x512xf32, #tpu.memory_space<hbm>>
    %dma_start3A_1533 = tpu.memref_slice %arg10[%dma_start3A_1526] : memref<7x!tpu.dma_semaphore, #tpu.memory_space<semaphore_mem>> -> memref<1x!tpu.dma_semaphore, #tpu.memory_space<semaphore_mem>>
    %dma_start3A_1534 = tpu.memref_squeeze %dma_start3A_1533 : memref<1x!tpu.dma_semaphore, #tpu.memory_space<semaphore_mem>> -> memref<!tpu.dma_semaphore, #tpu.memory_space<semaphore_mem>>
    %dma_start3A_1535 = arith.constant 0 : i32
    %dma_start3A_1536 = tpu.memref_slice %arg4[%add3A_1524, %dma_start3A_1535] : memref<32768x512xf32, #tpu.memory_space<hbm>> -> memref<32x512xf32, #tpu.memory_space<hbm>>
    %dma_start3A_1537 = arith.constant 0 : i32
    %dma_start3A_1538 = arith.constant 0 : i32
    %dma_start3A_1539 = tpu.memref_slice %arg8[%dma_start3A_1525, %dma_start3A_1537, %dma_start3A_1538] : memref<7x32x512xf32, #tpu.memory_space<vmem>> -> memref<1x32x512xf32, #tpu.memory_space<vmem>>
    %dma_start3A_1540 = tpu.memref_squeeze %dma_start3A_1539 : memref<1x32x512xf32, #tpu.memory_space<vmem>> -> memref<32x512xf32, #tpu.memory_space<vmem>>
    tpu.enqueue_dma source(%dma_start3A_1540 : memref<32x512xf32, #tpu.memory_space<vmem>>) target(%dma_start3A_1536 : memref<32x512xf32, #tpu.memory_space<hbm>>) target_semaphore(%dma_start3A_1534 : memref<!tpu.dma_semaphore, #tpu.memory_space<semaphore_mem>>)
    %dma_wait3A_1541 = arith.constant 6 : i32
    %dma_wait3A_1542 = arith.constant 6 : i32
    %dma_wait3A_1543 = arith.constant 0 : i32
    %dma_wait3A_1544 = arith.constant 0 : i32
    %dma_wait3A_1545 = tpu.memref_slice %arg8[%dma_wait3A_1541, %dma_wait3A_1543, %dma_wait3A_1544] : memref<7x32x512xf32, #tpu.memory_space<vmem>> -> memref<1x32x512xf32, #tpu.memory_space<vmem>>
    %dma_wait3A_1546 = tpu.memref_squeeze %dma_wait3A_1545 : memref<1x32x512xf32, #tpu.memory_space<vmem>> -> memref<32x512xf32, #tpu.memory_space<vmem>>
    %dma_wait3A_1547 = arith.constant 0 : i32
    %dma_wait3A_1548 = tpu.memref_slice %arg4[%add3A_1524, %dma_wait3A_1547] : memref<32768x512xf32, #tpu.memory_space<hbm>> -> memref<32x512xf32, #tpu.memory_space<hbm>>
    %dma_wait3A_1549 = tpu.memref_slice %arg10[%dma_wait3A_1542] : memref<7x!tpu.dma_semaphore, #tpu.memory_space<semaphore_mem>> -> memref<1x!tpu.dma_semaphore, #tpu.memory_space<semaphore_mem>>
    %dma_wait3A_1550 = tpu.memref_squeeze %dma_wait3A_1549 : memref<1x!tpu.dma_semaphore, #tpu.memory_space<semaphore_mem>> -> memref<!tpu.dma_semaphore, #tpu.memory_space<semaphore_mem>>
    %dma_wait3A_1551 = arith.constant 0 : i32
    %dma_wait3A_1552 = tpu.memref_slice %arg4[%add3A_1524, %dma_wait3A_1551] : memref<32768x512xf32, #tpu.memory_space<hbm>> -> memref<32x512xf32, #tpu.memory_space<hbm>>
    %dma_wait3A_1553 = arith.constant 0 : i32
    %dma_wait3A_1554 = arith.constant 0 : i32
    %dma_wait3A_1555 = tpu.memref_slice %arg8[%dma_wait3A_1541, %dma_wait3A_1553, %dma_wait3A_1554] : memref<7x32x512xf32, #tpu.memory_space<vmem>> -> memref<1x32x512xf32, #tpu.memory_space<vmem>>
    %dma_wait3A_1556 = tpu.memref_squeeze %dma_wait3A_1555 : memref<1x32x512xf32, #tpu.memory_space<vmem>> -> memref<32x512xf32, #tpu.memory_space<vmem>>
    tpu.wait_dma2 semaphore(%dma_wait3A_1550 : memref<!tpu.dma_semaphore, #tpu.memory_space<semaphore_mem>>) src(%dma_wait3A_1556 : memref<32x512xf32, #tpu.memory_space<vmem>>) dst(%dma_wait3A_1552 : memref<32x512xf32, #tpu.memory_space<hbm>>)
    %dma_start3A_1557 = arith.constant 6 : i32
    %dma_start3A_1558 = arith.constant 6 : i32
    %dma_start3A_1559 = arith.constant 0 : i32
    %dma_start3A_1560 = arith.constant 0 : i32
    %dma_start3A_1561 = tpu.memref_slice %arg8[%dma_start3A_1557, %dma_start3A_1559, %dma_start3A_1560] : memref<7x32x512xf32, #tpu.memory_space<vmem>> -> memref<1x32x512xf32, #tpu.memory_space<vmem>>
    %dma_start3A_1562 = tpu.memref_squeeze %dma_start3A_1561 : memref<1x32x512xf32, #tpu.memory_space<vmem>> -> memref<32x512xf32, #tpu.memory_space<vmem>>
    %dma_start3A_1563 = arith.constant 864 : i32
    %dma_start3A_1564 = tpu.memref_slice %arg6[%dma_start3A_1563] : memref<1024xi32, #tpu.memory_space<vmem>> -> memref<32xi32, #tpu.memory_space<vmem>>
    %dma_start3A_1565 = arith.constant 0 : i32
    %dma_start3A_1566 = arith.constant 0 : i32
    %dma_start3A_1567 = tpu.memref_slice %arg2[%select_n3A, %dma_start3A_1565, %dma_start3A_1566] : memref<16x512x512xf32, #tpu.memory_space<hbm>> -> memref<1x512x512xf32, #tpu.memory_space<hbm>>
    %dma_start3A_1568 = tpu.memref_squeeze %dma_start3A_1567 : memref<1x512x512xf32, #tpu.memory_space<hbm>> -> memref<512x512xf32, #tpu.memory_space<hbm>>
    %dma_start3A_1569 = arith.constant 0 : i32
    %dma_start3A_1570 = arith.constant 0 : i32
    %dma_start3A_1571 = tpu.memref_slice %dma_start3A_1568[%dma_start3A_1569, %dma_start3A_1570] : memref<512x512xf32, #tpu.memory_space<hbm>> -> memref<512x512xf32, #tpu.memory_space<hbm>>
    %dma_start3A_1572 = tpu.memref_slice %arg9[%dma_start3A_1558] : memref<7x!tpu.dma_semaphore, #tpu.memory_space<semaphore_mem>> -> memref<1x!tpu.dma_semaphore, #tpu.memory_space<semaphore_mem>>
    %dma_start3A_1573 = tpu.memref_squeeze %dma_start3A_1572 : memref<1x!tpu.dma_semaphore, #tpu.memory_space<semaphore_mem>> -> memref<!tpu.dma_semaphore, #tpu.memory_space<semaphore_mem>>
    tpu.enqueue_indirect_dma source(%dma_start3A_1571 : memref<512x512xf32, #tpu.memory_space<hbm>>) target(%dma_start3A_1562 : memref<32x512xf32, #tpu.memory_space<vmem>>) offsets(%dma_start3A_1564 : memref<32xi32, #tpu.memory_space<vmem>>) semaphore(%dma_start3A_1573 : memref<!tpu.dma_semaphore, #tpu.memory_space<semaphore_mem>>)
    %dma_wait3A_1574 = arith.constant 0 : i32
    %dma_wait3A_1575 = arith.constant 0 : i32
    %dma_wait3A_1576 = arith.constant 0 : i32
    %dma_wait3A_1577 = arith.constant 0 : i32
    %dma_wait3A_1578 = tpu.memref_slice %arg8[%dma_wait3A_1574, %dma_wait3A_1576, %dma_wait3A_1577] : memref<7x32x512xf32, #tpu.memory_space<vmem>> -> memref<1x32x512xf32, #tpu.memory_space<vmem>>
    %dma_wait3A_1579 = tpu.memref_squeeze %dma_wait3A_1578 : memref<1x32x512xf32, #tpu.memory_space<vmem>> -> memref<32x512xf32, #tpu.memory_space<vmem>>
    %dma_wait3A_1580 = arith.constant 672 : i32
    %dma_wait3A_1581 = tpu.memref_slice %arg6[%dma_wait3A_1580] : memref<1024xi32, #tpu.memory_space<vmem>> -> memref<32xi32, #tpu.memory_space<vmem>>
    %dma_wait3A_1582 = arith.constant 0 : i32
    %dma_wait3A_1583 = arith.constant 0 : i32
    %dma_wait3A_1584 = tpu.memref_slice %arg2[%select_n3A, %dma_wait3A_1582, %dma_wait3A_1583] : memref<16x512x512xf32, #tpu.memory_space<hbm>> -> memref<1x512x512xf32, #tpu.memory_space<hbm>>
    %dma_wait3A_1585 = tpu.memref_squeeze %dma_wait3A_1584 : memref<1x512x512xf32, #tpu.memory_space<hbm>> -> memref<512x512xf32, #tpu.memory_space<hbm>>
    %dma_wait3A_1586 = arith.constant 0 : i32
    %dma_wait3A_1587 = arith.constant 0 : i32
    %dma_wait3A_1588 = tpu.memref_slice %dma_wait3A_1585[%dma_wait3A_1586, %dma_wait3A_1587] : memref<512x512xf32, #tpu.memory_space<hbm>> -> memref<512x512xf32, #tpu.memory_space<hbm>>
    %dma_wait3A_1589 = tpu.memref_slice %arg9[%dma_wait3A_1575] : memref<7x!tpu.dma_semaphore, #tpu.memory_space<semaphore_mem>> -> memref<1x!tpu.dma_semaphore, #tpu.memory_space<semaphore_mem>>
    %dma_wait3A_1590 = tpu.memref_squeeze %dma_wait3A_1589 : memref<1x!tpu.dma_semaphore, #tpu.memory_space<semaphore_mem>> -> memref<!tpu.dma_semaphore, #tpu.memory_space<semaphore_mem>>
    tpu.wait_indirect_dma semaphore(%dma_wait3A_1590 : memref<!tpu.dma_semaphore, #tpu.memory_space<semaphore_mem>>) src(%dma_wait3A_1588 : memref<512x512xf32, #tpu.memory_space<hbm>>) dst(%dma_wait3A_1579 : memref<32x512xf32, #tpu.memory_space<vmem>>)
    %add3A_1591 = arith.constant 672 : i32
    %add3A_1592 = arith.addi %mul3A_2, %add3A_1591 : i32
    %dma_start3A_1593 = arith.constant 0 : i32
    %dma_start3A_1594 = arith.constant 0 : i32
    %dma_start3A_1595 = arith.constant 0 : i32
    %dma_start3A_1596 = arith.constant 0 : i32
    %dma_start3A_1597 = tpu.memref_slice %arg8[%dma_start3A_1593, %dma_start3A_1595, %dma_start3A_1596] : memref<7x32x512xf32, #tpu.memory_space<vmem>> -> memref<1x32x512xf32, #tpu.memory_space<vmem>>
    %dma_start3A_1598 = tpu.memref_squeeze %dma_start3A_1597 : memref<1x32x512xf32, #tpu.memory_space<vmem>> -> memref<32x512xf32, #tpu.memory_space<vmem>>
    %dma_start3A_1599 = arith.constant 0 : i32
    %dma_start3A_1600 = tpu.memref_slice %arg4[%add3A_1592, %dma_start3A_1599] : memref<32768x512xf32, #tpu.memory_space<hbm>> -> memref<32x512xf32, #tpu.memory_space<hbm>>
    %dma_start3A_1601 = tpu.memref_slice %arg10[%dma_start3A_1594] : memref<7x!tpu.dma_semaphore, #tpu.memory_space<semaphore_mem>> -> memref<1x!tpu.dma_semaphore, #tpu.memory_space<semaphore_mem>>
    %dma_start3A_1602 = tpu.memref_squeeze %dma_start3A_1601 : memref<1x!tpu.dma_semaphore, #tpu.memory_space<semaphore_mem>> -> memref<!tpu.dma_semaphore, #tpu.memory_space<semaphore_mem>>
    %dma_start3A_1603 = arith.constant 0 : i32
    %dma_start3A_1604 = tpu.memref_slice %arg4[%add3A_1592, %dma_start3A_1603] : memref<32768x512xf32, #tpu.memory_space<hbm>> -> memref<32x512xf32, #tpu.memory_space<hbm>>
    %dma_start3A_1605 = arith.constant 0 : i32
    %dma_start3A_1606 = arith.constant 0 : i32
    %dma_start3A_1607 = tpu.memref_slice %arg8[%dma_start3A_1593, %dma_start3A_1605, %dma_start3A_1606] : memref<7x32x512xf32, #tpu.memory_space<vmem>> -> memref<1x32x512xf32, #tpu.memory_space<vmem>>
    %dma_start3A_1608 = tpu.memref_squeeze %dma_start3A_1607 : memref<1x32x512xf32, #tpu.memory_space<vmem>> -> memref<32x512xf32, #tpu.memory_space<vmem>>
    tpu.enqueue_dma source(%dma_start3A_1608 : memref<32x512xf32, #tpu.memory_space<vmem>>) target(%dma_start3A_1604 : memref<32x512xf32, #tpu.memory_space<hbm>>) target_semaphore(%dma_start3A_1602 : memref<!tpu.dma_semaphore, #tpu.memory_space<semaphore_mem>>)
    %dma_wait3A_1609 = arith.constant 0 : i32
    %dma_wait3A_1610 = arith.constant 0 : i32
    %dma_wait3A_1611 = arith.constant 0 : i32
    %dma_wait3A_1612 = arith.constant 0 : i32
    %dma_wait3A_1613 = tpu.memref_slice %arg8[%dma_wait3A_1609, %dma_wait3A_1611, %dma_wait3A_1612] : memref<7x32x512xf32, #tpu.memory_space<vmem>> -> memref<1x32x512xf32, #tpu.memory_space<vmem>>
    %dma_wait3A_1614 = tpu.memref_squeeze %dma_wait3A_1613 : memref<1x32x512xf32, #tpu.memory_space<vmem>> -> memref<32x512xf32, #tpu.memory_space<vmem>>
    %dma_wait3A_1615 = arith.constant 0 : i32
    %dma_wait3A_1616 = tpu.memref_slice %arg4[%add3A_1592, %dma_wait3A_1615] : memref<32768x512xf32, #tpu.memory_space<hbm>> -> memref<32x512xf32, #tpu.memory_space<hbm>>
    %dma_wait3A_1617 = tpu.memref_slice %arg10[%dma_wait3A_1610] : memref<7x!tpu.dma_semaphore, #tpu.memory_space<semaphore_mem>> -> memref<1x!tpu.dma_semaphore, #tpu.memory_space<semaphore_mem>>
    %dma_wait3A_1618 = tpu.memref_squeeze %dma_wait3A_1617 : memref<1x!tpu.dma_semaphore, #tpu.memory_space<semaphore_mem>> -> memref<!tpu.dma_semaphore, #tpu.memory_space<semaphore_mem>>
    %dma_wait3A_1619 = arith.constant 0 : i32
    %dma_wait3A_1620 = tpu.memref_slice %arg4[%add3A_1592, %dma_wait3A_1619] : memref<32768x512xf32, #tpu.memory_space<hbm>> -> memref<32x512xf32, #tpu.memory_space<hbm>>
    %dma_wait3A_1621 = arith.constant 0 : i32
    %dma_wait3A_1622 = arith.constant 0 : i32
    %dma_wait3A_1623 = tpu.memref_slice %arg8[%dma_wait3A_1609, %dma_wait3A_1621, %dma_wait3A_1622] : memref<7x32x512xf32, #tpu.memory_space<vmem>> -> memref<1x32x512xf32, #tpu.memory_space<vmem>>
    %dma_wait3A_1624 = tpu.memref_squeeze %dma_wait3A_1623 : memref<1x32x512xf32, #tpu.memory_space<vmem>> -> memref<32x512xf32, #tpu.memory_space<vmem>>
    tpu.wait_dma2 semaphore(%dma_wait3A_1618 : memref<!tpu.dma_semaphore, #tpu.memory_space<semaphore_mem>>) src(%dma_wait3A_1624 : memref<32x512xf32, #tpu.memory_space<vmem>>) dst(%dma_wait3A_1620 : memref<32x512xf32, #tpu.memory_space<hbm>>)
    %dma_start3A_1625 = arith.constant 0 : i32
    %dma_start3A_1626 = arith.constant 0 : i32
    %dma_start3A_1627 = arith.constant 0 : i32
    %dma_start3A_1628 = arith.constant 0 : i32
    %dma_start3A_1629 = tpu.memref_slice %arg8[%dma_start3A_1625, %dma_start3A_1627, %dma_start3A_1628] : memref<7x32x512xf32, #tpu.memory_space<vmem>> -> memref<1x32x512xf32, #tpu.memory_space<vmem>>
    %dma_start3A_1630 = tpu.memref_squeeze %dma_start3A_1629 : memref<1x32x512xf32, #tpu.memory_space<vmem>> -> memref<32x512xf32, #tpu.memory_space<vmem>>
    %dma_start3A_1631 = arith.constant 896 : i32
    %dma_start3A_1632 = tpu.memref_slice %arg6[%dma_start3A_1631] : memref<1024xi32, #tpu.memory_space<vmem>> -> memref<32xi32, #tpu.memory_space<vmem>>
    %dma_start3A_1633 = arith.constant 0 : i32
    %dma_start3A_1634 = arith.constant 0 : i32
    %dma_start3A_1635 = tpu.memref_slice %arg2[%select_n3A, %dma_start3A_1633, %dma_start3A_1634] : memref<16x512x512xf32, #tpu.memory_space<hbm>> -> memref<1x512x512xf32, #tpu.memory_space<hbm>>
    %dma_start3A_1636 = tpu.memref_squeeze %dma_start3A_1635 : memref<1x512x512xf32, #tpu.memory_space<hbm>> -> memref<512x512xf32, #tpu.memory_space<hbm>>
    %dma_start3A_1637 = arith.constant 0 : i32
    %dma_start3A_1638 = arith.constant 0 : i32
    %dma_start3A_1639 = tpu.memref_slice %dma_start3A_1636[%dma_start3A_1637, %dma_start3A_1638] : memref<512x512xf32, #tpu.memory_space<hbm>> -> memref<512x512xf32, #tpu.memory_space<hbm>>
    %dma_start3A_1640 = tpu.memref_slice %arg9[%dma_start3A_1626] : memref<7x!tpu.dma_semaphore, #tpu.memory_space<semaphore_mem>> -> memref<1x!tpu.dma_semaphore, #tpu.memory_space<semaphore_mem>>
    %dma_start3A_1641 = tpu.memref_squeeze %dma_start3A_1640 : memref<1x!tpu.dma_semaphore, #tpu.memory_space<semaphore_mem>> -> memref<!tpu.dma_semaphore, #tpu.memory_space<semaphore_mem>>
    tpu.enqueue_indirect_dma source(%dma_start3A_1639 : memref<512x512xf32, #tpu.memory_space<hbm>>) target(%dma_start3A_1630 : memref<32x512xf32, #tpu.memory_space<vmem>>) offsets(%dma_start3A_1632 : memref<32xi32, #tpu.memory_space<vmem>>) semaphore(%dma_start3A_1641 : memref<!tpu.dma_semaphore, #tpu.memory_space<semaphore_mem>>)
    %dma_wait3A_1642 = arith.constant 1 : i32
    %dma_wait3A_1643 = arith.constant 1 : i32
    %dma_wait3A_1644 = arith.constant 0 : i32
    %dma_wait3A_1645 = arith.constant 0 : i32
    %dma_wait3A_1646 = tpu.memref_slice %arg8[%dma_wait3A_1642, %dma_wait3A_1644, %dma_wait3A_1645] : memref<7x32x512xf32, #tpu.memory_space<vmem>> -> memref<1x32x512xf32, #tpu.memory_space<vmem>>
    %dma_wait3A_1647 = tpu.memref_squeeze %dma_wait3A_1646 : memref<1x32x512xf32, #tpu.memory_space<vmem>> -> memref<32x512xf32, #tpu.memory_space<vmem>>
    %dma_wait3A_1648 = arith.constant 704 : i32
    %dma_wait3A_1649 = tpu.memref_slice %arg6[%dma_wait3A_1648] : memref<1024xi32, #tpu.memory_space<vmem>> -> memref<32xi32, #tpu.memory_space<vmem>>
    %dma_wait3A_1650 = arith.constant 0 : i32
    %dma_wait3A_1651 = arith.constant 0 : i32
    %dma_wait3A_1652 = tpu.memref_slice %arg2[%select_n3A, %dma_wait3A_1650, %dma_wait3A_1651] : memref<16x512x512xf32, #tpu.memory_space<hbm>> -> memref<1x512x512xf32, #tpu.memory_space<hbm>>
    %dma_wait3A_1653 = tpu.memref_squeeze %dma_wait3A_1652 : memref<1x512x512xf32, #tpu.memory_space<hbm>> -> memref<512x512xf32, #tpu.memory_space<hbm>>
    %dma_wait3A_1654 = arith.constant 0 : i32
    %dma_wait3A_1655 = arith.constant 0 : i32
    %dma_wait3A_1656 = tpu.memref_slice %dma_wait3A_1653[%dma_wait3A_1654, %dma_wait3A_1655] : memref<512x512xf32, #tpu.memory_space<hbm>> -> memref<512x512xf32, #tpu.memory_space<hbm>>
    %dma_wait3A_1657 = tpu.memref_slice %arg9[%dma_wait3A_1643] : memref<7x!tpu.dma_semaphore, #tpu.memory_space<semaphore_mem>> -> memref<1x!tpu.dma_semaphore, #tpu.memory_space<semaphore_mem>>
    %dma_wait3A_1658 = tpu.memref_squeeze %dma_wait3A_1657 : memref<1x!tpu.dma_semaphore, #tpu.memory_space<semaphore_mem>> -> memref<!tpu.dma_semaphore, #tpu.memory_space<semaphore_mem>>
    tpu.wait_indirect_dma semaphore(%dma_wait3A_1658 : memref<!tpu.dma_semaphore, #tpu.memory_space<semaphore_mem>>) src(%dma_wait3A_1656 : memref<512x512xf32, #tpu.memory_space<hbm>>) dst(%dma_wait3A_1647 : memref<32x512xf32, #tpu.memory_space<vmem>>)
    %add3A_1659 = arith.constant 704 : i32
    %add3A_1660 = arith.addi %mul3A_2, %add3A_1659 : i32
    %dma_start3A_1661 = arith.constant 1 : i32
    %dma_start3A_1662 = arith.constant 1 : i32
    %dma_start3A_1663 = arith.constant 0 : i32
    %dma_start3A_1664 = arith.constant 0 : i32
    %dma_start3A_1665 = tpu.memref_slice %arg8[%dma_start3A_1661, %dma_start3A_1663, %dma_start3A_1664] : memref<7x32x512xf32, #tpu.memory_space<vmem>> -> memref<1x32x512xf32, #tpu.memory_space<vmem>>
    %dma_start3A_1666 = tpu.memref_squeeze %dma_start3A_1665 : memref<1x32x512xf32, #tpu.memory_space<vmem>> -> memref<32x512xf32, #tpu.memory_space<vmem>>
    %dma_start3A_1667 = arith.constant 0 : i32
    %dma_start3A_1668 = tpu.memref_slice %arg4[%add3A_1660, %dma_start3A_1667] : memref<32768x512xf32, #tpu.memory_space<hbm>> -> memref<32x512xf32, #tpu.memory_space<hbm>>
    %dma_start3A_1669 = tpu.memref_slice %arg10[%dma_start3A_1662] : memref<7x!tpu.dma_semaphore, #tpu.memory_space<semaphore_mem>> -> memref<1x!tpu.dma_semaphore, #tpu.memory_space<semaphore_mem>>
    %dma_start3A_1670 = tpu.memref_squeeze %dma_start3A_1669 : memref<1x!tpu.dma_semaphore, #tpu.memory_space<semaphore_mem>> -> memref<!tpu.dma_semaphore, #tpu.memory_space<semaphore_mem>>
    %dma_start3A_1671 = arith.constant 0 : i32
    %dma_start3A_1672 = tpu.memref_slice %arg4[%add3A_1660, %dma_start3A_1671] : memref<32768x512xf32, #tpu.memory_space<hbm>> -> memref<32x512xf32, #tpu.memory_space<hbm>>
    %dma_start3A_1673 = arith.constant 0 : i32
    %dma_start3A_1674 = arith.constant 0 : i32
    %dma_start3A_1675 = tpu.memref_slice %arg8[%dma_start3A_1661, %dma_start3A_1673, %dma_start3A_1674] : memref<7x32x512xf32, #tpu.memory_space<vmem>> -> memref<1x32x512xf32, #tpu.memory_space<vmem>>
    %dma_start3A_1676 = tpu.memref_squeeze %dma_start3A_1675 : memref<1x32x512xf32, #tpu.memory_space<vmem>> -> memref<32x512xf32, #tpu.memory_space<vmem>>
    tpu.enqueue_dma source(%dma_start3A_1676 : memref<32x512xf32, #tpu.memory_space<vmem>>) target(%dma_start3A_1672 : memref<32x512xf32, #tpu.memory_space<hbm>>) target_semaphore(%dma_start3A_1670 : memref<!tpu.dma_semaphore, #tpu.memory_space<semaphore_mem>>)
    %dma_wait3A_1677 = arith.constant 1 : i32
    %dma_wait3A_1678 = arith.constant 1 : i32
    %dma_wait3A_1679 = arith.constant 0 : i32
    %dma_wait3A_1680 = arith.constant 0 : i32
    %dma_wait3A_1681 = tpu.memref_slice %arg8[%dma_wait3A_1677, %dma_wait3A_1679, %dma_wait3A_1680] : memref<7x32x512xf32, #tpu.memory_space<vmem>> -> memref<1x32x512xf32, #tpu.memory_space<vmem>>
    %dma_wait3A_1682 = tpu.memref_squeeze %dma_wait3A_1681 : memref<1x32x512xf32, #tpu.memory_space<vmem>> -> memref<32x512xf32, #tpu.memory_space<vmem>>
    %dma_wait3A_1683 = arith.constant 0 : i32
    %dma_wait3A_1684 = tpu.memref_slice %arg4[%add3A_1660, %dma_wait3A_1683] : memref<32768x512xf32, #tpu.memory_space<hbm>> -> memref<32x512xf32, #tpu.memory_space<hbm>>
    %dma_wait3A_1685 = tpu.memref_slice %arg10[%dma_wait3A_1678] : memref<7x!tpu.dma_semaphore, #tpu.memory_space<semaphore_mem>> -> memref<1x!tpu.dma_semaphore, #tpu.memory_space<semaphore_mem>>
    %dma_wait3A_1686 = tpu.memref_squeeze %dma_wait3A_1685 : memref<1x!tpu.dma_semaphore, #tpu.memory_space<semaphore_mem>> -> memref<!tpu.dma_semaphore, #tpu.memory_space<semaphore_mem>>
    %dma_wait3A_1687 = arith.constant 0 : i32
    %dma_wait3A_1688 = tpu.memref_slice %arg4[%add3A_1660, %dma_wait3A_1687] : memref<32768x512xf32, #tpu.memory_space<hbm>> -> memref<32x512xf32, #tpu.memory_space<hbm>>
    %dma_wait3A_1689 = arith.constant 0 : i32
    %dma_wait3A_1690 = arith.constant 0 : i32
    %dma_wait3A_1691 = tpu.memref_slice %arg8[%dma_wait3A_1677, %dma_wait3A_1689, %dma_wait3A_1690] : memref<7x32x512xf32, #tpu.memory_space<vmem>> -> memref<1x32x512xf32, #tpu.memory_space<vmem>>
    %dma_wait3A_1692 = tpu.memref_squeeze %dma_wait3A_1691 : memref<1x32x512xf32, #tpu.memory_space<vmem>> -> memref<32x512xf32, #tpu.memory_space<vmem>>
    tpu.wait_dma2 semaphore(%dma_wait3A_1686 : memref<!tpu.dma_semaphore, #tpu.memory_space<semaphore_mem>>) src(%dma_wait3A_1692 : memref<32x512xf32, #tpu.memory_space<vmem>>) dst(%dma_wait3A_1688 : memref<32x512xf32, #tpu.memory_space<hbm>>)
    %dma_start3A_1693 = arith.constant 1 : i32
    %dma_start3A_1694 = arith.constant 1 : i32
    %dma_start3A_1695 = arith.constant 0 : i32
    %dma_start3A_1696 = arith.constant 0 : i32
    %dma_start3A_1697 = tpu.memref_slice %arg8[%dma_start3A_1693, %dma_start3A_1695, %dma_start3A_1696] : memref<7x32x512xf32, #tpu.memory_space<vmem>> -> memref<1x32x512xf32, #tpu.memory_space<vmem>>
    %dma_start3A_1698 = tpu.memref_squeeze %dma_start3A_1697 : memref<1x32x512xf32, #tpu.memory_space<vmem>> -> memref<32x512xf32, #tpu.memory_space<vmem>>
    %dma_start3A_1699 = arith.constant 928 : i32
    %dma_start3A_1700 = tpu.memref_slice %arg6[%dma_start3A_1699] : memref<1024xi32, #tpu.memory_space<vmem>> -> memref<32xi32, #tpu.memory_space<vmem>>
    %dma_start3A_1701 = arith.constant 0 : i32
    %dma_start3A_1702 = arith.constant 0 : i32
    %dma_start3A_1703 = tpu.memref_slice %arg2[%select_n3A, %dma_start3A_1701, %dma_start3A_1702] : memref<16x512x512xf32, #tpu.memory_space<hbm>> -> memref<1x512x512xf32, #tpu.memory_space<hbm>>
    %dma_start3A_1704 = tpu.memref_squeeze %dma_start3A_1703 : memref<1x512x512xf32, #tpu.memory_space<hbm>> -> memref<512x512xf32, #tpu.memory_space<hbm>>
    %dma_start3A_1705 = arith.constant 0 : i32
    %dma_start3A_1706 = arith.constant 0 : i32
    %dma_start3A_1707 = tpu.memref_slice %dma_start3A_1704[%dma_start3A_1705, %dma_start3A_1706] : memref<512x512xf32, #tpu.memory_space<hbm>> -> memref<512x512xf32, #tpu.memory_space<hbm>>
    %dma_start3A_1708 = tpu.memref_slice %arg9[%dma_start3A_1694] : memref<7x!tpu.dma_semaphore, #tpu.memory_space<semaphore_mem>> -> memref<1x!tpu.dma_semaphore, #tpu.memory_space<semaphore_mem>>
    %dma_start3A_1709 = tpu.memref_squeeze %dma_start3A_1708 : memref<1x!tpu.dma_semaphore, #tpu.memory_space<semaphore_mem>> -> memref<!tpu.dma_semaphore, #tpu.memory_space<semaphore_mem>>
    tpu.enqueue_indirect_dma source(%dma_start3A_1707 : memref<512x512xf32, #tpu.memory_space<hbm>>) target(%dma_start3A_1698 : memref<32x512xf32, #tpu.memory_space<vmem>>) offsets(%dma_start3A_1700 : memref<32xi32, #tpu.memory_space<vmem>>) semaphore(%dma_start3A_1709 : memref<!tpu.dma_semaphore, #tpu.memory_space<semaphore_mem>>)
    %dma_wait3A_1710 = arith.constant 2 : i32
    %dma_wait3A_1711 = arith.constant 2 : i32
    %dma_wait3A_1712 = arith.constant 0 : i32
    %dma_wait3A_1713 = arith.constant 0 : i32
    %dma_wait3A_1714 = tpu.memref_slice %arg8[%dma_wait3A_1710, %dma_wait3A_1712, %dma_wait3A_1713] : memref<7x32x512xf32, #tpu.memory_space<vmem>> -> memref<1x32x512xf32, #tpu.memory_space<vmem>>
    %dma_wait3A_1715 = tpu.memref_squeeze %dma_wait3A_1714 : memref<1x32x512xf32, #tpu.memory_space<vmem>> -> memref<32x512xf32, #tpu.memory_space<vmem>>
    %dma_wait3A_1716 = arith.constant 736 : i32
    %dma_wait3A_1717 = tpu.memref_slice %arg6[%dma_wait3A_1716] : memref<1024xi32, #tpu.memory_space<vmem>> -> memref<32xi32, #tpu.memory_space<vmem>>
    %dma_wait3A_1718 = arith.constant 0 : i32
    %dma_wait3A_1719 = arith.constant 0 : i32
    %dma_wait3A_1720 = tpu.memref_slice %arg2[%select_n3A, %dma_wait3A_1718, %dma_wait3A_1719] : memref<16x512x512xf32, #tpu.memory_space<hbm>> -> memref<1x512x512xf32, #tpu.memory_space<hbm>>
    %dma_wait3A_1721 = tpu.memref_squeeze %dma_wait3A_1720 : memref<1x512x512xf32, #tpu.memory_space<hbm>> -> memref<512x512xf32, #tpu.memory_space<hbm>>
    %dma_wait3A_1722 = arith.constant 0 : i32
    %dma_wait3A_1723 = arith.constant 0 : i32
    %dma_wait3A_1724 = tpu.memref_slice %dma_wait3A_1721[%dma_wait3A_1722, %dma_wait3A_1723] : memref<512x512xf32, #tpu.memory_space<hbm>> -> memref<512x512xf32, #tpu.memory_space<hbm>>
    %dma_wait3A_1725 = tpu.memref_slice %arg9[%dma_wait3A_1711] : memref<7x!tpu.dma_semaphore, #tpu.memory_space<semaphore_mem>> -> memref<1x!tpu.dma_semaphore, #tpu.memory_space<semaphore_mem>>
    %dma_wait3A_1726 = tpu.memref_squeeze %dma_wait3A_1725 : memref<1x!tpu.dma_semaphore, #tpu.memory_space<semaphore_mem>> -> memref<!tpu.dma_semaphore, #tpu.memory_space<semaphore_mem>>
    tpu.wait_indirect_dma semaphore(%dma_wait3A_1726 : memref<!tpu.dma_semaphore, #tpu.memory_space<semaphore_mem>>) src(%dma_wait3A_1724 : memref<512x512xf32, #tpu.memory_space<hbm>>) dst(%dma_wait3A_1715 : memref<32x512xf32, #tpu.memory_space<vmem>>)
    %add3A_1727 = arith.constant 736 : i32
    %add3A_1728 = arith.addi %mul3A_2, %add3A_1727 : i32
    %dma_start3A_1729 = arith.constant 2 : i32
    %dma_start3A_1730 = arith.constant 2 : i32
    %dma_start3A_1731 = arith.constant 0 : i32
    %dma_start3A_1732 = arith.constant 0 : i32
    %dma_start3A_1733 = tpu.memref_slice %arg8[%dma_start3A_1729, %dma_start3A_1731, %dma_start3A_1732] : memref<7x32x512xf32, #tpu.memory_space<vmem>> -> memref<1x32x512xf32, #tpu.memory_space<vmem>>
    %dma_start3A_1734 = tpu.memref_squeeze %dma_start3A_1733 : memref<1x32x512xf32, #tpu.memory_space<vmem>> -> memref<32x512xf32, #tpu.memory_space<vmem>>
    %dma_start3A_1735 = arith.constant 0 : i32
    %dma_start3A_1736 = tpu.memref_slice %arg4[%add3A_1728, %dma_start3A_1735] : memref<32768x512xf32, #tpu.memory_space<hbm>> -> memref<32x512xf32, #tpu.memory_space<hbm>>
    %dma_start3A_1737 = tpu.memref_slice %arg10[%dma_start3A_1730] : memref<7x!tpu.dma_semaphore, #tpu.memory_space<semaphore_mem>> -> memref<1x!tpu.dma_semaphore, #tpu.memory_space<semaphore_mem>>
    %dma_start3A_1738 = tpu.memref_squeeze %dma_start3A_1737 : memref<1x!tpu.dma_semaphore, #tpu.memory_space<semaphore_mem>> -> memref<!tpu.dma_semaphore, #tpu.memory_space<semaphore_mem>>
    %dma_start3A_1739 = arith.constant 0 : i32
    %dma_start3A_1740 = tpu.memref_slice %arg4[%add3A_1728, %dma_start3A_1739] : memref<32768x512xf32, #tpu.memory_space<hbm>> -> memref<32x512xf32, #tpu.memory_space<hbm>>
    %dma_start3A_1741 = arith.constant 0 : i32
    %dma_start3A_1742 = arith.constant 0 : i32
    %dma_start3A_1743 = tpu.memref_slice %arg8[%dma_start3A_1729, %dma_start3A_1741, %dma_start3A_1742] : memref<7x32x512xf32, #tpu.memory_space<vmem>> -> memref<1x32x512xf32, #tpu.memory_space<vmem>>
    %dma_start3A_1744 = tpu.memref_squeeze %dma_start3A_1743 : memref<1x32x512xf32, #tpu.memory_space<vmem>> -> memref<32x512xf32, #tpu.memory_space<vmem>>
    tpu.enqueue_dma source(%dma_start3A_1744 : memref<32x512xf32, #tpu.memory_space<vmem>>) target(%dma_start3A_1740 : memref<32x512xf32, #tpu.memory_space<hbm>>) target_semaphore(%dma_start3A_1738 : memref<!tpu.dma_semaphore, #tpu.memory_space<semaphore_mem>>)
    %dma_wait3A_1745 = arith.constant 2 : i32
    %dma_wait3A_1746 = arith.constant 2 : i32
    %dma_wait3A_1747 = arith.constant 0 : i32
    %dma_wait3A_1748 = arith.constant 0 : i32
    %dma_wait3A_1749 = tpu.memref_slice %arg8[%dma_wait3A_1745, %dma_wait3A_1747, %dma_wait3A_1748] : memref<7x32x512xf32, #tpu.memory_space<vmem>> -> memref<1x32x512xf32, #tpu.memory_space<vmem>>
    %dma_wait3A_1750 = tpu.memref_squeeze %dma_wait3A_1749 : memref<1x32x512xf32, #tpu.memory_space<vmem>> -> memref<32x512xf32, #tpu.memory_space<vmem>>
    %dma_wait3A_1751 = arith.constant 0 : i32
    %dma_wait3A_1752 = tpu.memref_slice %arg4[%add3A_1728, %dma_wait3A_1751] : memref<32768x512xf32, #tpu.memory_space<hbm>> -> memref<32x512xf32, #tpu.memory_space<hbm>>
    %dma_wait3A_1753 = tpu.memref_slice %arg10[%dma_wait3A_1746] : memref<7x!tpu.dma_semaphore, #tpu.memory_space<semaphore_mem>> -> memref<1x!tpu.dma_semaphore, #tpu.memory_space<semaphore_mem>>
    %dma_wait3A_1754 = tpu.memref_squeeze %dma_wait3A_1753 : memref<1x!tpu.dma_semaphore, #tpu.memory_space<semaphore_mem>> -> memref<!tpu.dma_semaphore, #tpu.memory_space<semaphore_mem>>
    %dma_wait3A_1755 = arith.constant 0 : i32
    %dma_wait3A_1756 = tpu.memref_slice %arg4[%add3A_1728, %dma_wait3A_1755] : memref<32768x512xf32, #tpu.memory_space<hbm>> -> memref<32x512xf32, #tpu.memory_space<hbm>>
    %dma_wait3A_1757 = arith.constant 0 : i32
    %dma_wait3A_1758 = arith.constant 0 : i32
    %dma_wait3A_1759 = tpu.memref_slice %arg8[%dma_wait3A_1745, %dma_wait3A_1757, %dma_wait3A_1758] : memref<7x32x512xf32, #tpu.memory_space<vmem>> -> memref<1x32x512xf32, #tpu.memory_space<vmem>>
    %dma_wait3A_1760 = tpu.memref_squeeze %dma_wait3A_1759 : memref<1x32x512xf32, #tpu.memory_space<vmem>> -> memref<32x512xf32, #tpu.memory_space<vmem>>
    tpu.wait_dma2 semaphore(%dma_wait3A_1754 : memref<!tpu.dma_semaphore, #tpu.memory_space<semaphore_mem>>) src(%dma_wait3A_1760 : memref<32x512xf32, #tpu.memory_space<vmem>>) dst(%dma_wait3A_1756 : memref<32x512xf32, #tpu.memory_space<hbm>>)
    %dma_start3A_1761 = arith.constant 2 : i32
    %dma_start3A_1762 = arith.constant 2 : i32
    %dma_start3A_1763 = arith.constant 0 : i32
    %dma_start3A_1764 = arith.constant 0 : i32
    %dma_start3A_1765 = tpu.memref_slice %arg8[%dma_start3A_1761, %dma_start3A_1763, %dma_start3A_1764] : memref<7x32x512xf32, #tpu.memory_space<vmem>> -> memref<1x32x512xf32, #tpu.memory_space<vmem>>
    %dma_start3A_1766 = tpu.memref_squeeze %dma_start3A_1765 : memref<1x32x512xf32, #tpu.memory_space<vmem>> -> memref<32x512xf32, #tpu.memory_space<vmem>>
    %dma_start3A_1767 = arith.constant 960 : i32
    %dma_start3A_1768 = tpu.memref_slice %arg6[%dma_start3A_1767] : memref<1024xi32, #tpu.memory_space<vmem>> -> memref<32xi32, #tpu.memory_space<vmem>>
    %dma_start3A_1769 = arith.constant 0 : i32
    %dma_start3A_1770 = arith.constant 0 : i32
    %dma_start3A_1771 = tpu.memref_slice %arg2[%select_n3A, %dma_start3A_1769, %dma_start3A_1770] : memref<16x512x512xf32, #tpu.memory_space<hbm>> -> memref<1x512x512xf32, #tpu.memory_space<hbm>>
    %dma_start3A_1772 = tpu.memref_squeeze %dma_start3A_1771 : memref<1x512x512xf32, #tpu.memory_space<hbm>> -> memref<512x512xf32, #tpu.memory_space<hbm>>
    %dma_start3A_1773 = arith.constant 0 : i32
    %dma_start3A_1774 = arith.constant 0 : i32
    %dma_start3A_1775 = tpu.memref_slice %dma_start3A_1772[%dma_start3A_1773, %dma_start3A_1774] : memref<512x512xf32, #tpu.memory_space<hbm>> -> memref<512x512xf32, #tpu.memory_space<hbm>>
    %dma_start3A_1776 = tpu.memref_slice %arg9[%dma_start3A_1762] : memref<7x!tpu.dma_semaphore, #tpu.memory_space<semaphore_mem>> -> memref<1x!tpu.dma_semaphore, #tpu.memory_space<semaphore_mem>>
    %dma_start3A_1777 = tpu.memref_squeeze %dma_start3A_1776 : memref<1x!tpu.dma_semaphore, #tpu.memory_space<semaphore_mem>> -> memref<!tpu.dma_semaphore, #tpu.memory_space<semaphore_mem>>
    tpu.enqueue_indirect_dma source(%dma_start3A_1775 : memref<512x512xf32, #tpu.memory_space<hbm>>) target(%dma_start3A_1766 : memref<32x512xf32, #tpu.memory_space<vmem>>) offsets(%dma_start3A_1768 : memref<32xi32, #tpu.memory_space<vmem>>) semaphore(%dma_start3A_1777 : memref<!tpu.dma_semaphore, #tpu.memory_space<semaphore_mem>>)
    %dma_wait3A_1778 = arith.constant 3 : i32
    %dma_wait3A_1779 = arith.constant 3 : i32
    %dma_wait3A_1780 = arith.constant 0 : i32
    %dma_wait3A_1781 = arith.constant 0 : i32
    %dma_wait3A_1782 = tpu.memref_slice %arg8[%dma_wait3A_1778, %dma_wait3A_1780, %dma_wait3A_1781] : memref<7x32x512xf32, #tpu.memory_space<vmem>> -> memref<1x32x512xf32, #tpu.memory_space<vmem>>
    %dma_wait3A_1783 = tpu.memref_squeeze %dma_wait3A_1782 : memref<1x32x512xf32, #tpu.memory_space<vmem>> -> memref<32x512xf32, #tpu.memory_space<vmem>>
    %dma_wait3A_1784 = arith.constant 768 : i32
    %dma_wait3A_1785 = tpu.memref_slice %arg6[%dma_wait3A_1784] : memref<1024xi32, #tpu.memory_space<vmem>> -> memref<32xi32, #tpu.memory_space<vmem>>
    %dma_wait3A_1786 = arith.constant 0 : i32
    %dma_wait3A_1787 = arith.constant 0 : i32
    %dma_wait3A_1788 = tpu.memref_slice %arg2[%select_n3A, %dma_wait3A_1786, %dma_wait3A_1787] : memref<16x512x512xf32, #tpu.memory_space<hbm>> -> memref<1x512x512xf32, #tpu.memory_space<hbm>>
    %dma_wait3A_1789 = tpu.memref_squeeze %dma_wait3A_1788 : memref<1x512x512xf32, #tpu.memory_space<hbm>> -> memref<512x512xf32, #tpu.memory_space<hbm>>
    %dma_wait3A_1790 = arith.constant 0 : i32
    %dma_wait3A_1791 = arith.constant 0 : i32
    %dma_wait3A_1792 = tpu.memref_slice %dma_wait3A_1789[%dma_wait3A_1790, %dma_wait3A_1791] : memref<512x512xf32, #tpu.memory_space<hbm>> -> memref<512x512xf32, #tpu.memory_space<hbm>>
    %dma_wait3A_1793 = tpu.memref_slice %arg9[%dma_wait3A_1779] : memref<7x!tpu.dma_semaphore, #tpu.memory_space<semaphore_mem>> -> memref<1x!tpu.dma_semaphore, #tpu.memory_space<semaphore_mem>>
    %dma_wait3A_1794 = tpu.memref_squeeze %dma_wait3A_1793 : memref<1x!tpu.dma_semaphore, #tpu.memory_space<semaphore_mem>> -> memref<!tpu.dma_semaphore, #tpu.memory_space<semaphore_mem>>
    tpu.wait_indirect_dma semaphore(%dma_wait3A_1794 : memref<!tpu.dma_semaphore, #tpu.memory_space<semaphore_mem>>) src(%dma_wait3A_1792 : memref<512x512xf32, #tpu.memory_space<hbm>>) dst(%dma_wait3A_1783 : memref<32x512xf32, #tpu.memory_space<vmem>>)
    %add3A_1795 = arith.constant 768 : i32
    %add3A_1796 = arith.addi %mul3A_2, %add3A_1795 : i32
    %dma_start3A_1797 = arith.constant 3 : i32
    %dma_start3A_1798 = arith.constant 3 : i32
    %dma_start3A_1799 = arith.constant 0 : i32
    %dma_start3A_1800 = arith.constant 0 : i32
    %dma_start3A_1801 = tpu.memref_slice %arg8[%dma_start3A_1797, %dma_start3A_1799, %dma_start3A_1800] : memref<7x32x512xf32, #tpu.memory_space<vmem>> -> memref<1x32x512xf32, #tpu.memory_space<vmem>>
    %dma_start3A_1802 = tpu.memref_squeeze %dma_start3A_1801 : memref<1x32x512xf32, #tpu.memory_space<vmem>> -> memref<32x512xf32, #tpu.memory_space<vmem>>
    %dma_start3A_1803 = arith.constant 0 : i32
    %dma_start3A_1804 = tpu.memref_slice %arg4[%add3A_1796, %dma_start3A_1803] : memref<32768x512xf32, #tpu.memory_space<hbm>> -> memref<32x512xf32, #tpu.memory_space<hbm>>
    %dma_start3A_1805 = tpu.memref_slice %arg10[%dma_start3A_1798] : memref<7x!tpu.dma_semaphore, #tpu.memory_space<semaphore_mem>> -> memref<1x!tpu.dma_semaphore, #tpu.memory_space<semaphore_mem>>
    %dma_start3A_1806 = tpu.memref_squeeze %dma_start3A_1805 : memref<1x!tpu.dma_semaphore, #tpu.memory_space<semaphore_mem>> -> memref<!tpu.dma_semaphore, #tpu.memory_space<semaphore_mem>>
    %dma_start3A_1807 = arith.constant 0 : i32
    %dma_start3A_1808 = tpu.memref_slice %arg4[%add3A_1796, %dma_start3A_1807] : memref<32768x512xf32, #tpu.memory_space<hbm>> -> memref<32x512xf32, #tpu.memory_space<hbm>>
    %dma_start3A_1809 = arith.constant 0 : i32
    %dma_start3A_1810 = arith.constant 0 : i32
    %dma_start3A_1811 = tpu.memref_slice %arg8[%dma_start3A_1797, %dma_start3A_1809, %dma_start3A_1810] : memref<7x32x512xf32, #tpu.memory_space<vmem>> -> memref<1x32x512xf32, #tpu.memory_space<vmem>>
    %dma_start3A_1812 = tpu.memref_squeeze %dma_start3A_1811 : memref<1x32x512xf32, #tpu.memory_space<vmem>> -> memref<32x512xf32, #tpu.memory_space<vmem>>
    tpu.enqueue_dma source(%dma_start3A_1812 : memref<32x512xf32, #tpu.memory_space<vmem>>) target(%dma_start3A_1808 : memref<32x512xf32, #tpu.memory_space<hbm>>) target_semaphore(%dma_start3A_1806 : memref<!tpu.dma_semaphore, #tpu.memory_space<semaphore_mem>>)
    %dma_wait3A_1813 = arith.constant 3 : i32
    %dma_wait3A_1814 = arith.constant 3 : i32
    %dma_wait3A_1815 = arith.constant 0 : i32
    %dma_wait3A_1816 = arith.constant 0 : i32
    %dma_wait3A_1817 = tpu.memref_slice %arg8[%dma_wait3A_1813, %dma_wait3A_1815, %dma_wait3A_1816] : memref<7x32x512xf32, #tpu.memory_space<vmem>> -> memref<1x32x512xf32, #tpu.memory_space<vmem>>
    %dma_wait3A_1818 = tpu.memref_squeeze %dma_wait3A_1817 : memref<1x32x512xf32, #tpu.memory_space<vmem>> -> memref<32x512xf32, #tpu.memory_space<vmem>>
    %dma_wait3A_1819 = arith.constant 0 : i32
    %dma_wait3A_1820 = tpu.memref_slice %arg4[%add3A_1796, %dma_wait3A_1819] : memref<32768x512xf32, #tpu.memory_space<hbm>> -> memref<32x512xf32, #tpu.memory_space<hbm>>
    %dma_wait3A_1821 = tpu.memref_slice %arg10[%dma_wait3A_1814] : memref<7x!tpu.dma_semaphore, #tpu.memory_space<semaphore_mem>> -> memref<1x!tpu.dma_semaphore, #tpu.memory_space<semaphore_mem>>
    %dma_wait3A_1822 = tpu.memref_squeeze %dma_wait3A_1821 : memref<1x!tpu.dma_semaphore, #tpu.memory_space<semaphore_mem>> -> memref<!tpu.dma_semaphore, #tpu.memory_space<semaphore_mem>>
    %dma_wait3A_1823 = arith.constant 0 : i32
    %dma_wait3A_1824 = tpu.memref_slice %arg4[%add3A_1796, %dma_wait3A_1823] : memref<32768x512xf32, #tpu.memory_space<hbm>> -> memref<32x512xf32, #tpu.memory_space<hbm>>
    %dma_wait3A_1825 = arith.constant 0 : i32
    %dma_wait3A_1826 = arith.constant 0 : i32
    %dma_wait3A_1827 = tpu.memref_slice %arg8[%dma_wait3A_1813, %dma_wait3A_1825, %dma_wait3A_1826] : memref<7x32x512xf32, #tpu.memory_space<vmem>> -> memref<1x32x512xf32, #tpu.memory_space<vmem>>
    %dma_wait3A_1828 = tpu.memref_squeeze %dma_wait3A_1827 : memref<1x32x512xf32, #tpu.memory_space<vmem>> -> memref<32x512xf32, #tpu.memory_space<vmem>>
    tpu.wait_dma2 semaphore(%dma_wait3A_1822 : memref<!tpu.dma_semaphore, #tpu.memory_space<semaphore_mem>>) src(%dma_wait3A_1828 : memref<32x512xf32, #tpu.memory_space<vmem>>) dst(%dma_wait3A_1824 : memref<32x512xf32, #tpu.memory_space<hbm>>)
    %dma_start3A_1829 = arith.constant 3 : i32
    %dma_start3A_1830 = arith.constant 3 : i32
    %dma_start3A_1831 = arith.constant 0 : i32
    %dma_start3A_1832 = arith.constant 0 : i32
    %dma_start3A_1833 = tpu.memref_slice %arg8[%dma_start3A_1829, %dma_start3A_1831, %dma_start3A_1832] : memref<7x32x512xf32, #tpu.memory_space<vmem>> -> memref<1x32x512xf32, #tpu.memory_space<vmem>>
    %dma_start3A_1834 = tpu.memref_squeeze %dma_start3A_1833 : memref<1x32x512xf32, #tpu.memory_space<vmem>> -> memref<32x512xf32, #tpu.memory_space<vmem>>
    %dma_start3A_1835 = arith.constant 992 : i32
    %dma_start3A_1836 = tpu.memref_slice %arg6[%dma_start3A_1835] : memref<1024xi32, #tpu.memory_space<vmem>> -> memref<32xi32, #tpu.memory_space<vmem>>
    %dma_start3A_1837 = arith.constant 0 : i32
    %dma_start3A_1838 = arith.constant 0 : i32
    %dma_start3A_1839 = tpu.memref_slice %arg2[%select_n3A, %dma_start3A_1837, %dma_start3A_1838] : memref<16x512x512xf32, #tpu.memory_space<hbm>> -> memref<1x512x512xf32, #tpu.memory_space<hbm>>
    %dma_start3A_1840 = tpu.memref_squeeze %dma_start3A_1839 : memref<1x512x512xf32, #tpu.memory_space<hbm>> -> memref<512x512xf32, #tpu.memory_space<hbm>>
    %dma_start3A_1841 = arith.constant 0 : i32
    %dma_start3A_1842 = arith.constant 0 : i32
    %dma_start3A_1843 = tpu.memref_slice %dma_start3A_1840[%dma_start3A_1841, %dma_start3A_1842] : memref<512x512xf32, #tpu.memory_space<hbm>> -> memref<512x512xf32, #tpu.memory_space<hbm>>
    %dma_start3A_1844 = tpu.memref_slice %arg9[%dma_start3A_1830] : memref<7x!tpu.dma_semaphore, #tpu.memory_space<semaphore_mem>> -> memref<1x!tpu.dma_semaphore, #tpu.memory_space<semaphore_mem>>
    %dma_start3A_1845 = tpu.memref_squeeze %dma_start3A_1844 : memref<1x!tpu.dma_semaphore, #tpu.memory_space<semaphore_mem>> -> memref<!tpu.dma_semaphore, #tpu.memory_space<semaphore_mem>>
    tpu.enqueue_indirect_dma source(%dma_start3A_1843 : memref<512x512xf32, #tpu.memory_space<hbm>>) target(%dma_start3A_1834 : memref<32x512xf32, #tpu.memory_space<vmem>>) offsets(%dma_start3A_1836 : memref<32xi32, #tpu.memory_space<vmem>>) semaphore(%dma_start3A_1845 : memref<!tpu.dma_semaphore, #tpu.memory_space<semaphore_mem>>)
    %dma_wait3A_1846 = arith.constant 4 : i32
    %dma_wait3A_1847 = arith.constant 4 : i32
    %dma_wait3A_1848 = arith.constant 0 : i32
    %dma_wait3A_1849 = arith.constant 0 : i32
    %dma_wait3A_1850 = tpu.memref_slice %arg8[%dma_wait3A_1846, %dma_wait3A_1848, %dma_wait3A_1849] : memref<7x32x512xf32, #tpu.memory_space<vmem>> -> memref<1x32x512xf32, #tpu.memory_space<vmem>>
    %dma_wait3A_1851 = tpu.memref_squeeze %dma_wait3A_1850 : memref<1x32x512xf32, #tpu.memory_space<vmem>> -> memref<32x512xf32, #tpu.memory_space<vmem>>
    %dma_wait3A_1852 = arith.constant 800 : i32
    %dma_wait3A_1853 = tpu.memref_slice %arg6[%dma_wait3A_1852] : memref<1024xi32, #tpu.memory_space<vmem>> -> memref<32xi32, #tpu.memory_space<vmem>>
    %dma_wait3A_1854 = arith.constant 0 : i32
    %dma_wait3A_1855 = arith.constant 0 : i32
    %dma_wait3A_1856 = tpu.memref_slice %arg2[%select_n3A, %dma_wait3A_1854, %dma_wait3A_1855] : memref<16x512x512xf32, #tpu.memory_space<hbm>> -> memref<1x512x512xf32, #tpu.memory_space<hbm>>
    %dma_wait3A_1857 = tpu.memref_squeeze %dma_wait3A_1856 : memref<1x512x512xf32, #tpu.memory_space<hbm>> -> memref<512x512xf32, #tpu.memory_space<hbm>>
    %dma_wait3A_1858 = arith.constant 0 : i32
    %dma_wait3A_1859 = arith.constant 0 : i32
    %dma_wait3A_1860 = tpu.memref_slice %dma_wait3A_1857[%dma_wait3A_1858, %dma_wait3A_1859] : memref<512x512xf32, #tpu.memory_space<hbm>> -> memref<512x512xf32, #tpu.memory_space<hbm>>
    %dma_wait3A_1861 = tpu.memref_slice %arg9[%dma_wait3A_1847] : memref<7x!tpu.dma_semaphore, #tpu.memory_space<semaphore_mem>> -> memref<1x!tpu.dma_semaphore, #tpu.memory_space<semaphore_mem>>
    %dma_wait3A_1862 = tpu.memref_squeeze %dma_wait3A_1861 : memref<1x!tpu.dma_semaphore, #tpu.memory_space<semaphore_mem>> -> memref<!tpu.dma_semaphore, #tpu.memory_space<semaphore_mem>>
    tpu.wait_indirect_dma semaphore(%dma_wait3A_1862 : memref<!tpu.dma_semaphore, #tpu.memory_space<semaphore_mem>>) src(%dma_wait3A_1860 : memref<512x512xf32, #tpu.memory_space<hbm>>) dst(%dma_wait3A_1851 : memref<32x512xf32, #tpu.memory_space<vmem>>)
    %add3A_1863 = arith.constant 800 : i32
    %add3A_1864 = arith.addi %mul3A_2, %add3A_1863 : i32
    %dma_start3A_1865 = arith.constant 4 : i32
    %dma_start3A_1866 = arith.constant 4 : i32
    %dma_start3A_1867 = arith.constant 0 : i32
    %dma_start3A_1868 = arith.constant 0 : i32
    %dma_start3A_1869 = tpu.memref_slice %arg8[%dma_start3A_1865, %dma_start3A_1867, %dma_start3A_1868] : memref<7x32x512xf32, #tpu.memory_space<vmem>> -> memref<1x32x512xf32, #tpu.memory_space<vmem>>
    %dma_start3A_1870 = tpu.memref_squeeze %dma_start3A_1869 : memref<1x32x512xf32, #tpu.memory_space<vmem>> -> memref<32x512xf32, #tpu.memory_space<vmem>>
    %dma_start3A_1871 = arith.constant 0 : i32
    %dma_start3A_1872 = tpu.memref_slice %arg4[%add3A_1864, %dma_start3A_1871] : memref<32768x512xf32, #tpu.memory_space<hbm>> -> memref<32x512xf32, #tpu.memory_space<hbm>>
    %dma_start3A_1873 = tpu.memref_slice %arg10[%dma_start3A_1866] : memref<7x!tpu.dma_semaphore, #tpu.memory_space<semaphore_mem>> -> memref<1x!tpu.dma_semaphore, #tpu.memory_space<semaphore_mem>>
    %dma_start3A_1874 = tpu.memref_squeeze %dma_start3A_1873 : memref<1x!tpu.dma_semaphore, #tpu.memory_space<semaphore_mem>> -> memref<!tpu.dma_semaphore, #tpu.memory_space<semaphore_mem>>
    %dma_start3A_1875 = arith.constant 0 : i32
    %dma_start3A_1876 = tpu.memref_slice %arg4[%add3A_1864, %dma_start3A_1875] : memref<32768x512xf32, #tpu.memory_space<hbm>> -> memref<32x512xf32, #tpu.memory_space<hbm>>
    %dma_start3A_1877 = arith.constant 0 : i32
    %dma_start3A_1878 = arith.constant 0 : i32
    %dma_start3A_1879 = tpu.memref_slice %arg8[%dma_start3A_1865, %dma_start3A_1877, %dma_start3A_1878] : memref<7x32x512xf32, #tpu.memory_space<vmem>> -> memref<1x32x512xf32, #tpu.memory_space<vmem>>
    %dma_start3A_1880 = tpu.memref_squeeze %dma_start3A_1879 : memref<1x32x512xf32, #tpu.memory_space<vmem>> -> memref<32x512xf32, #tpu.memory_space<vmem>>
    tpu.enqueue_dma source(%dma_start3A_1880 : memref<32x512xf32, #tpu.memory_space<vmem>>) target(%dma_start3A_1876 : memref<32x512xf32, #tpu.memory_space<hbm>>) target_semaphore(%dma_start3A_1874 : memref<!tpu.dma_semaphore, #tpu.memory_space<semaphore_mem>>)
    %dma_wait3A_1881 = arith.constant 5 : i32
    %dma_wait3A_1882 = arith.constant 5 : i32
    %dma_wait3A_1883 = arith.constant 0 : i32
    %dma_wait3A_1884 = arith.constant 0 : i32
    %dma_wait3A_1885 = tpu.memref_slice %arg8[%dma_wait3A_1881, %dma_wait3A_1883, %dma_wait3A_1884] : memref<7x32x512xf32, #tpu.memory_space<vmem>> -> memref<1x32x512xf32, #tpu.memory_space<vmem>>
    %dma_wait3A_1886 = tpu.memref_squeeze %dma_wait3A_1885 : memref<1x32x512xf32, #tpu.memory_space<vmem>> -> memref<32x512xf32, #tpu.memory_space<vmem>>
    %dma_wait3A_1887 = arith.constant 832 : i32
    %dma_wait3A_1888 = tpu.memref_slice %arg6[%dma_wait3A_1887] : memref<1024xi32, #tpu.memory_space<vmem>> -> memref<32xi32, #tpu.memory_space<vmem>>
    %dma_wait3A_1889 = arith.constant 0 : i32
    %dma_wait3A_1890 = arith.constant 0 : i32
    %dma_wait3A_1891 = tpu.memref_slice %arg2[%select_n3A, %dma_wait3A_1889, %dma_wait3A_1890] : memref<16x512x512xf32, #tpu.memory_space<hbm>> -> memref<1x512x512xf32, #tpu.memory_space<hbm>>
    %dma_wait3A_1892 = tpu.memref_squeeze %dma_wait3A_1891 : memref<1x512x512xf32, #tpu.memory_space<hbm>> -> memref<512x512xf32, #tpu.memory_space<hbm>>
    %dma_wait3A_1893 = arith.constant 0 : i32
    %dma_wait3A_1894 = arith.constant 0 : i32
    %dma_wait3A_1895 = tpu.memref_slice %dma_wait3A_1892[%dma_wait3A_1893, %dma_wait3A_1894] : memref<512x512xf32, #tpu.memory_space<hbm>> -> memref<512x512xf32, #tpu.memory_space<hbm>>
    %dma_wait3A_1896 = tpu.memref_slice %arg9[%dma_wait3A_1882] : memref<7x!tpu.dma_semaphore, #tpu.memory_space<semaphore_mem>> -> memref<1x!tpu.dma_semaphore, #tpu.memory_space<semaphore_mem>>
    %dma_wait3A_1897 = tpu.memref_squeeze %dma_wait3A_1896 : memref<1x!tpu.dma_semaphore, #tpu.memory_space<semaphore_mem>> -> memref<!tpu.dma_semaphore, #tpu.memory_space<semaphore_mem>>
    tpu.wait_indirect_dma semaphore(%dma_wait3A_1897 : memref<!tpu.dma_semaphore, #tpu.memory_space<semaphore_mem>>) src(%dma_wait3A_1895 : memref<512x512xf32, #tpu.memory_space<hbm>>) dst(%dma_wait3A_1886 : memref<32x512xf32, #tpu.memory_space<vmem>>)
    %add3A_1898 = arith.constant 832 : i32
    %add3A_1899 = arith.addi %mul3A_2, %add3A_1898 : i32
    %dma_start3A_1900 = arith.constant 5 : i32
    %dma_start3A_1901 = arith.constant 5 : i32
    %dma_start3A_1902 = arith.constant 0 : i32
    %dma_start3A_1903 = arith.constant 0 : i32
    %dma_start3A_1904 = tpu.memref_slice %arg8[%dma_start3A_1900, %dma_start3A_1902, %dma_start3A_1903] : memref<7x32x512xf32, #tpu.memory_space<vmem>> -> memref<1x32x512xf32, #tpu.memory_space<vmem>>
    %dma_start3A_1905 = tpu.memref_squeeze %dma_start3A_1904 : memref<1x32x512xf32, #tpu.memory_space<vmem>> -> memref<32x512xf32, #tpu.memory_space<vmem>>
    %dma_start3A_1906 = arith.constant 0 : i32
    %dma_start3A_1907 = tpu.memref_slice %arg4[%add3A_1899, %dma_start3A_1906] : memref<32768x512xf32, #tpu.memory_space<hbm>> -> memref<32x512xf32, #tpu.memory_space<hbm>>
    %dma_start3A_1908 = tpu.memref_slice %arg10[%dma_start3A_1901] : memref<7x!tpu.dma_semaphore, #tpu.memory_space<semaphore_mem>> -> memref<1x!tpu.dma_semaphore, #tpu.memory_space<semaphore_mem>>
    %dma_start3A_1909 = tpu.memref_squeeze %dma_start3A_1908 : memref<1x!tpu.dma_semaphore, #tpu.memory_space<semaphore_mem>> -> memref<!tpu.dma_semaphore, #tpu.memory_space<semaphore_mem>>
    %dma_start3A_1910 = arith.constant 0 : i32
    %dma_start3A_1911 = tpu.memref_slice %arg4[%add3A_1899, %dma_start3A_1910] : memref<32768x512xf32, #tpu.memory_space<hbm>> -> memref<32x512xf32, #tpu.memory_space<hbm>>
    %dma_start3A_1912 = arith.constant 0 : i32
    %dma_start3A_1913 = arith.constant 0 : i32
    %dma_start3A_1914 = tpu.memref_slice %arg8[%dma_start3A_1900, %dma_start3A_1912, %dma_start3A_1913] : memref<7x32x512xf32, #tpu.memory_space<vmem>> -> memref<1x32x512xf32, #tpu.memory_space<vmem>>
    %dma_start3A_1915 = tpu.memref_squeeze %dma_start3A_1914 : memref<1x32x512xf32, #tpu.memory_space<vmem>> -> memref<32x512xf32, #tpu.memory_space<vmem>>
    tpu.enqueue_dma source(%dma_start3A_1915 : memref<32x512xf32, #tpu.memory_space<vmem>>) target(%dma_start3A_1911 : memref<32x512xf32, #tpu.memory_space<hbm>>) target_semaphore(%dma_start3A_1909 : memref<!tpu.dma_semaphore, #tpu.memory_space<semaphore_mem>>)
    %dma_wait3A_1916 = arith.constant 6 : i32
    %dma_wait3A_1917 = arith.constant 6 : i32
    %dma_wait3A_1918 = arith.constant 0 : i32
    %dma_wait3A_1919 = arith.constant 0 : i32
    %dma_wait3A_1920 = tpu.memref_slice %arg8[%dma_wait3A_1916, %dma_wait3A_1918, %dma_wait3A_1919] : memref<7x32x512xf32, #tpu.memory_space<vmem>> -> memref<1x32x512xf32, #tpu.memory_space<vmem>>
    %dma_wait3A_1921 = tpu.memref_squeeze %dma_wait3A_1920 : memref<1x32x512xf32, #tpu.memory_space<vmem>> -> memref<32x512xf32, #tpu.memory_space<vmem>>
    %dma_wait3A_1922 = arith.constant 864 : i32
    %dma_wait3A_1923 = tpu.memref_slice %arg6[%dma_wait3A_1922] : memref<1024xi32, #tpu.memory_space<vmem>> -> memref<32xi32, #tpu.memory_space<vmem>>
    %dma_wait3A_1924 = arith.constant 0 : i32
    %dma_wait3A_1925 = arith.constant 0 : i32
    %dma_wait3A_1926 = tpu.memref_slice %arg2[%select_n3A, %dma_wait3A_1924, %dma_wait3A_1925] : memref<16x512x512xf32, #tpu.memory_space<hbm>> -> memref<1x512x512xf32, #tpu.memory_space<hbm>>
    %dma_wait3A_1927 = tpu.memref_squeeze %dma_wait3A_1926 : memref<1x512x512xf32, #tpu.memory_space<hbm>> -> memref<512x512xf32, #tpu.memory_space<hbm>>
    %dma_wait3A_1928 = arith.constant 0 : i32
    %dma_wait3A_1929 = arith.constant 0 : i32
    %dma_wait3A_1930 = tpu.memref_slice %dma_wait3A_1927[%dma_wait3A_1928, %dma_wait3A_1929] : memref<512x512xf32, #tpu.memory_space<hbm>> -> memref<512x512xf32, #tpu.memory_space<hbm>>
    %dma_wait3A_1931 = tpu.memref_slice %arg9[%dma_wait3A_1917] : memref<7x!tpu.dma_semaphore, #tpu.memory_space<semaphore_mem>> -> memref<1x!tpu.dma_semaphore, #tpu.memory_space<semaphore_mem>>
    %dma_wait3A_1932 = tpu.memref_squeeze %dma_wait3A_1931 : memref<1x!tpu.dma_semaphore, #tpu.memory_space<semaphore_mem>> -> memref<!tpu.dma_semaphore, #tpu.memory_space<semaphore_mem>>
    tpu.wait_indirect_dma semaphore(%dma_wait3A_1932 : memref<!tpu.dma_semaphore, #tpu.memory_space<semaphore_mem>>) src(%dma_wait3A_1930 : memref<512x512xf32, #tpu.memory_space<hbm>>) dst(%dma_wait3A_1921 : memref<32x512xf32, #tpu.memory_space<vmem>>)
    %add3A_1933 = arith.constant 864 : i32
    %add3A_1934 = arith.addi %mul3A_2, %add3A_1933 : i32
    %dma_start3A_1935 = arith.constant 6 : i32
    %dma_start3A_1936 = arith.constant 6 : i32
    %dma_start3A_1937 = arith.constant 0 : i32
    %dma_start3A_1938 = arith.constant 0 : i32
    %dma_start3A_1939 = tpu.memref_slice %arg8[%dma_start3A_1935, %dma_start3A_1937, %dma_start3A_1938] : memref<7x32x512xf32, #tpu.memory_space<vmem>> -> memref<1x32x512xf32, #tpu.memory_space<vmem>>
    %dma_start3A_1940 = tpu.memref_squeeze %dma_start3A_1939 : memref<1x32x512xf32, #tpu.memory_space<vmem>> -> memref<32x512xf32, #tpu.memory_space<vmem>>
    %dma_start3A_1941 = arith.constant 0 : i32
    %dma_start3A_1942 = tpu.memref_slice %arg4[%add3A_1934, %dma_start3A_1941] : memref<32768x512xf32, #tpu.memory_space<hbm>> -> memref<32x512xf32, #tpu.memory_space<hbm>>
    %dma_start3A_1943 = tpu.memref_slice %arg10[%dma_start3A_1936] : memref<7x!tpu.dma_semaphore, #tpu.memory_space<semaphore_mem>> -> memref<1x!tpu.dma_semaphore, #tpu.memory_space<semaphore_mem>>
    %dma_start3A_1944 = tpu.memref_squeeze %dma_start3A_1943 : memref<1x!tpu.dma_semaphore, #tpu.memory_space<semaphore_mem>> -> memref<!tpu.dma_semaphore, #tpu.memory_space<semaphore_mem>>
    %dma_start3A_1945 = arith.constant 0 : i32
    %dma_start3A_1946 = tpu.memref_slice %arg4[%add3A_1934, %dma_start3A_1945] : memref<32768x512xf32, #tpu.memory_space<hbm>> -> memref<32x512xf32, #tpu.memory_space<hbm>>
    %dma_start3A_1947 = arith.constant 0 : i32
    %dma_start3A_1948 = arith.constant 0 : i32
    %dma_start3A_1949 = tpu.memref_slice %arg8[%dma_start3A_1935, %dma_start3A_1947, %dma_start3A_1948] : memref<7x32x512xf32, #tpu.memory_space<vmem>> -> memref<1x32x512xf32, #tpu.memory_space<vmem>>
    %dma_start3A_1950 = tpu.memref_squeeze %dma_start3A_1949 : memref<1x32x512xf32, #tpu.memory_space<vmem>> -> memref<32x512xf32, #tpu.memory_space<vmem>>
    tpu.enqueue_dma source(%dma_start3A_1950 : memref<32x512xf32, #tpu.memory_space<vmem>>) target(%dma_start3A_1946 : memref<32x512xf32, #tpu.memory_space<hbm>>) target_semaphore(%dma_start3A_1944 : memref<!tpu.dma_semaphore, #tpu.memory_space<semaphore_mem>>)
    %dma_wait3A_1951 = arith.constant 0 : i32
    %dma_wait3A_1952 = arith.constant 0 : i32
    %dma_wait3A_1953 = arith.constant 0 : i32
    %dma_wait3A_1954 = arith.constant 0 : i32
    %dma_wait3A_1955 = tpu.memref_slice %arg8[%dma_wait3A_1951, %dma_wait3A_1953, %dma_wait3A_1954] : memref<7x32x512xf32, #tpu.memory_space<vmem>> -> memref<1x32x512xf32, #tpu.memory_space<vmem>>
    %dma_wait3A_1956 = tpu.memref_squeeze %dma_wait3A_1955 : memref<1x32x512xf32, #tpu.memory_space<vmem>> -> memref<32x512xf32, #tpu.memory_space<vmem>>
    %dma_wait3A_1957 = arith.constant 896 : i32
    %dma_wait3A_1958 = tpu.memref_slice %arg6[%dma_wait3A_1957] : memref<1024xi32, #tpu.memory_space<vmem>> -> memref<32xi32, #tpu.memory_space<vmem>>
    %dma_wait3A_1959 = arith.constant 0 : i32
    %dma_wait3A_1960 = arith.constant 0 : i32
    %dma_wait3A_1961 = tpu.memref_slice %arg2[%select_n3A, %dma_wait3A_1959, %dma_wait3A_1960] : memref<16x512x512xf32, #tpu.memory_space<hbm>> -> memref<1x512x512xf32, #tpu.memory_space<hbm>>
    %dma_wait3A_1962 = tpu.memref_squeeze %dma_wait3A_1961 : memref<1x512x512xf32, #tpu.memory_space<hbm>> -> memref<512x512xf32, #tpu.memory_space<hbm>>
    %dma_wait3A_1963 = arith.constant 0 : i32
    %dma_wait3A_1964 = arith.constant 0 : i32
    %dma_wait3A_1965 = tpu.memref_slice %dma_wait3A_1962[%dma_wait3A_1963, %dma_wait3A_1964] : memref<512x512xf32, #tpu.memory_space<hbm>> -> memref<512x512xf32, #tpu.memory_space<hbm>>
    %dma_wait3A_1966 = tpu.memref_slice %arg9[%dma_wait3A_1952] : memref<7x!tpu.dma_semaphore, #tpu.memory_space<semaphore_mem>> -> memref<1x!tpu.dma_semaphore, #tpu.memory_space<semaphore_mem>>
    %dma_wait3A_1967 = tpu.memref_squeeze %dma_wait3A_1966 : memref<1x!tpu.dma_semaphore, #tpu.memory_space<semaphore_mem>> -> memref<!tpu.dma_semaphore, #tpu.memory_space<semaphore_mem>>
    tpu.wait_indirect_dma semaphore(%dma_wait3A_1967 : memref<!tpu.dma_semaphore, #tpu.memory_space<semaphore_mem>>) src(%dma_wait3A_1965 : memref<512x512xf32, #tpu.memory_space<hbm>>) dst(%dma_wait3A_1956 : memref<32x512xf32, #tpu.memory_space<vmem>>)
    %add3A_1968 = arith.constant 896 : i32
    %add3A_1969 = arith.addi %mul3A_2, %add3A_1968 : i32
    %dma_start3A_1970 = arith.constant 0 : i32
    %dma_start3A_1971 = arith.constant 0 : i32
    %dma_start3A_1972 = arith.constant 0 : i32
    %dma_start3A_1973 = arith.constant 0 : i32
    %dma_start3A_1974 = tpu.memref_slice %arg8[%dma_start3A_1970, %dma_start3A_1972, %dma_start3A_1973] : memref<7x32x512xf32, #tpu.memory_space<vmem>> -> memref<1x32x512xf32, #tpu.memory_space<vmem>>
    %dma_start3A_1975 = tpu.memref_squeeze %dma_start3A_1974 : memref<1x32x512xf32, #tpu.memory_space<vmem>> -> memref<32x512xf32, #tpu.memory_space<vmem>>
    %dma_start3A_1976 = arith.constant 0 : i32
    %dma_start3A_1977 = tpu.memref_slice %arg4[%add3A_1969, %dma_start3A_1976] : memref<32768x512xf32, #tpu.memory_space<hbm>> -> memref<32x512xf32, #tpu.memory_space<hbm>>
    %dma_start3A_1978 = tpu.memref_slice %arg10[%dma_start3A_1971] : memref<7x!tpu.dma_semaphore, #tpu.memory_space<semaphore_mem>> -> memref<1x!tpu.dma_semaphore, #tpu.memory_space<semaphore_mem>>
    %dma_start3A_1979 = tpu.memref_squeeze %dma_start3A_1978 : memref<1x!tpu.dma_semaphore, #tpu.memory_space<semaphore_mem>> -> memref<!tpu.dma_semaphore, #tpu.memory_space<semaphore_mem>>
    %dma_start3A_1980 = arith.constant 0 : i32
    %dma_start3A_1981 = tpu.memref_slice %arg4[%add3A_1969, %dma_start3A_1980] : memref<32768x512xf32, #tpu.memory_space<hbm>> -> memref<32x512xf32, #tpu.memory_space<hbm>>
    %dma_start3A_1982 = arith.constant 0 : i32
    %dma_start3A_1983 = arith.constant 0 : i32
    %dma_start3A_1984 = tpu.memref_slice %arg8[%dma_start3A_1970, %dma_start3A_1982, %dma_start3A_1983] : memref<7x32x512xf32, #tpu.memory_space<vmem>> -> memref<1x32x512xf32, #tpu.memory_space<vmem>>
    %dma_start3A_1985 = tpu.memref_squeeze %dma_start3A_1984 : memref<1x32x512xf32, #tpu.memory_space<vmem>> -> memref<32x512xf32, #tpu.memory_space<vmem>>
    tpu.enqueue_dma source(%dma_start3A_1985 : memref<32x512xf32, #tpu.memory_space<vmem>>) target(%dma_start3A_1981 : memref<32x512xf32, #tpu.memory_space<hbm>>) target_semaphore(%dma_start3A_1979 : memref<!tpu.dma_semaphore, #tpu.memory_space<semaphore_mem>>)
    %dma_wait3A_1986 = arith.constant 1 : i32
    %dma_wait3A_1987 = arith.constant 1 : i32
    %dma_wait3A_1988 = arith.constant 0 : i32
    %dma_wait3A_1989 = arith.constant 0 : i32
    %dma_wait3A_1990 = tpu.memref_slice %arg8[%dma_wait3A_1986, %dma_wait3A_1988, %dma_wait3A_1989] : memref<7x32x512xf32, #tpu.memory_space<vmem>> -> memref<1x32x512xf32, #tpu.memory_space<vmem>>
    %dma_wait3A_1991 = tpu.memref_squeeze %dma_wait3A_1990 : memref<1x32x512xf32, #tpu.memory_space<vmem>> -> memref<32x512xf32, #tpu.memory_space<vmem>>
    %dma_wait3A_1992 = arith.constant 928 : i32
    %dma_wait3A_1993 = tpu.memref_slice %arg6[%dma_wait3A_1992] : memref<1024xi32, #tpu.memory_space<vmem>> -> memref<32xi32, #tpu.memory_space<vmem>>
    %dma_wait3A_1994 = arith.constant 0 : i32
    %dma_wait3A_1995 = arith.constant 0 : i32
    %dma_wait3A_1996 = tpu.memref_slice %arg2[%select_n3A, %dma_wait3A_1994, %dma_wait3A_1995] : memref<16x512x512xf32, #tpu.memory_space<hbm>> -> memref<1x512x512xf32, #tpu.memory_space<hbm>>
    %dma_wait3A_1997 = tpu.memref_squeeze %dma_wait3A_1996 : memref<1x512x512xf32, #tpu.memory_space<hbm>> -> memref<512x512xf32, #tpu.memory_space<hbm>>
    %dma_wait3A_1998 = arith.constant 0 : i32
    %dma_wait3A_1999 = arith.constant 0 : i32
    %dma_wait3A_2000 = tpu.memref_slice %dma_wait3A_1997[%dma_wait3A_1998, %dma_wait3A_1999] : memref<512x512xf32, #tpu.memory_space<hbm>> -> memref<512x512xf32, #tpu.memory_space<hbm>>
    %dma_wait3A_2001 = tpu.memref_slice %arg9[%dma_wait3A_1987] : memref<7x!tpu.dma_semaphore, #tpu.memory_space<semaphore_mem>> -> memref<1x!tpu.dma_semaphore, #tpu.memory_space<semaphore_mem>>
    %dma_wait3A_2002 = tpu.memref_squeeze %dma_wait3A_2001 : memref<1x!tpu.dma_semaphore, #tpu.memory_space<semaphore_mem>> -> memref<!tpu.dma_semaphore, #tpu.memory_space<semaphore_mem>>
    tpu.wait_indirect_dma semaphore(%dma_wait3A_2002 : memref<!tpu.dma_semaphore, #tpu.memory_space<semaphore_mem>>) src(%dma_wait3A_2000 : memref<512x512xf32, #tpu.memory_space<hbm>>) dst(%dma_wait3A_1991 : memref<32x512xf32, #tpu.memory_space<vmem>>)
    %add3A_2003 = arith.constant 928 : i32
    %add3A_2004 = arith.addi %mul3A_2, %add3A_2003 : i32
    %dma_start3A_2005 = arith.constant 1 : i32
    %dma_start3A_2006 = arith.constant 1 : i32
    %dma_start3A_2007 = arith.constant 0 : i32
    %dma_start3A_2008 = arith.constant 0 : i32
    %dma_start3A_2009 = tpu.memref_slice %arg8[%dma_start3A_2005, %dma_start3A_2007, %dma_start3A_2008] : memref<7x32x512xf32, #tpu.memory_space<vmem>> -> memref<1x32x512xf32, #tpu.memory_space<vmem>>
    %dma_start3A_2010 = tpu.memref_squeeze %dma_start3A_2009 : memref<1x32x512xf32, #tpu.memory_space<vmem>> -> memref<32x512xf32, #tpu.memory_space<vmem>>
    %dma_start3A_2011 = arith.constant 0 : i32
    %dma_start3A_2012 = tpu.memref_slice %arg4[%add3A_2004, %dma_start3A_2011] : memref<32768x512xf32, #tpu.memory_space<hbm>> -> memref<32x512xf32, #tpu.memory_space<hbm>>
    %dma_start3A_2013 = tpu.memref_slice %arg10[%dma_start3A_2006] : memref<7x!tpu.dma_semaphore, #tpu.memory_space<semaphore_mem>> -> memref<1x!tpu.dma_semaphore, #tpu.memory_space<semaphore_mem>>
    %dma_start3A_2014 = tpu.memref_squeeze %dma_start3A_2013 : memref<1x!tpu.dma_semaphore, #tpu.memory_space<semaphore_mem>> -> memref<!tpu.dma_semaphore, #tpu.memory_space<semaphore_mem>>
    %dma_start3A_2015 = arith.constant 0 : i32
    %dma_start3A_2016 = tpu.memref_slice %arg4[%add3A_2004, %dma_start3A_2015] : memref<32768x512xf32, #tpu.memory_space<hbm>> -> memref<32x512xf32, #tpu.memory_space<hbm>>
    %dma_start3A_2017 = arith.constant 0 : i32
    %dma_start3A_2018 = arith.constant 0 : i32
    %dma_start3A_2019 = tpu.memref_slice %arg8[%dma_start3A_2005, %dma_start3A_2017, %dma_start3A_2018] : memref<7x32x512xf32, #tpu.memory_space<vmem>> -> memref<1x32x512xf32, #tpu.memory_space<vmem>>
    %dma_start3A_2020 = tpu.memref_squeeze %dma_start3A_2019 : memref<1x32x512xf32, #tpu.memory_space<vmem>> -> memref<32x512xf32, #tpu.memory_space<vmem>>
    tpu.enqueue_dma source(%dma_start3A_2020 : memref<32x512xf32, #tpu.memory_space<vmem>>) target(%dma_start3A_2016 : memref<32x512xf32, #tpu.memory_space<hbm>>) target_semaphore(%dma_start3A_2014 : memref<!tpu.dma_semaphore, #tpu.memory_space<semaphore_mem>>)
    %dma_wait3A_2021 = arith.constant 2 : i32
    %dma_wait3A_2022 = arith.constant 2 : i32
    %dma_wait3A_2023 = arith.constant 0 : i32
    %dma_wait3A_2024 = arith.constant 0 : i32
    %dma_wait3A_2025 = tpu.memref_slice %arg8[%dma_wait3A_2021, %dma_wait3A_2023, %dma_wait3A_2024] : memref<7x32x512xf32, #tpu.memory_space<vmem>> -> memref<1x32x512xf32, #tpu.memory_space<vmem>>
    %dma_wait3A_2026 = tpu.memref_squeeze %dma_wait3A_2025 : memref<1x32x512xf32, #tpu.memory_space<vmem>> -> memref<32x512xf32, #tpu.memory_space<vmem>>
    %dma_wait3A_2027 = arith.constant 960 : i32
    %dma_wait3A_2028 = tpu.memref_slice %arg6[%dma_wait3A_2027] : memref<1024xi32, #tpu.memory_space<vmem>> -> memref<32xi32, #tpu.memory_space<vmem>>
    %dma_wait3A_2029 = arith.constant 0 : i32
    %dma_wait3A_2030 = arith.constant 0 : i32
    %dma_wait3A_2031 = tpu.memref_slice %arg2[%select_n3A, %dma_wait3A_2029, %dma_wait3A_2030] : memref<16x512x512xf32, #tpu.memory_space<hbm>> -> memref<1x512x512xf32, #tpu.memory_space<hbm>>
    %dma_wait3A_2032 = tpu.memref_squeeze %dma_wait3A_2031 : memref<1x512x512xf32, #tpu.memory_space<hbm>> -> memref<512x512xf32, #tpu.memory_space<hbm>>
    %dma_wait3A_2033 = arith.constant 0 : i32
    %dma_wait3A_2034 = arith.constant 0 : i32
    %dma_wait3A_2035 = tpu.memref_slice %dma_wait3A_2032[%dma_wait3A_2033, %dma_wait3A_2034] : memref<512x512xf32, #tpu.memory_space<hbm>> -> memref<512x512xf32, #tpu.memory_space<hbm>>
    %dma_wait3A_2036 = tpu.memref_slice %arg9[%dma_wait3A_2022] : memref<7x!tpu.dma_semaphore, #tpu.memory_space<semaphore_mem>> -> memref<1x!tpu.dma_semaphore, #tpu.memory_space<semaphore_mem>>
    %dma_wait3A_2037 = tpu.memref_squeeze %dma_wait3A_2036 : memref<1x!tpu.dma_semaphore, #tpu.memory_space<semaphore_mem>> -> memref<!tpu.dma_semaphore, #tpu.memory_space<semaphore_mem>>
    tpu.wait_indirect_dma semaphore(%dma_wait3A_2037 : memref<!tpu.dma_semaphore, #tpu.memory_space<semaphore_mem>>) src(%dma_wait3A_2035 : memref<512x512xf32, #tpu.memory_space<hbm>>) dst(%dma_wait3A_2026 : memref<32x512xf32, #tpu.memory_space<vmem>>)
    %add3A_2038 = arith.constant 960 : i32
    %add3A_2039 = arith.addi %mul3A_2, %add3A_2038 : i32
    %dma_start3A_2040 = arith.constant 2 : i32
    %dma_start3A_2041 = arith.constant 2 : i32
    %dma_start3A_2042 = arith.constant 0 : i32
    %dma_start3A_2043 = arith.constant 0 : i32
    %dma_start3A_2044 = tpu.memref_slice %arg8[%dma_start3A_2040, %dma_start3A_2042, %dma_start3A_2043] : memref<7x32x512xf32, #tpu.memory_space<vmem>> -> memref<1x32x512xf32, #tpu.memory_space<vmem>>
    %dma_start3A_2045 = tpu.memref_squeeze %dma_start3A_2044 : memref<1x32x512xf32, #tpu.memory_space<vmem>> -> memref<32x512xf32, #tpu.memory_space<vmem>>
    %dma_start3A_2046 = arith.constant 0 : i32
    %dma_start3A_2047 = tpu.memref_slice %arg4[%add3A_2039, %dma_start3A_2046] : memref<32768x512xf32, #tpu.memory_space<hbm>> -> memref<32x512xf32, #tpu.memory_space<hbm>>
    %dma_start3A_2048 = tpu.memref_slice %arg10[%dma_start3A_2041] : memref<7x!tpu.dma_semaphore, #tpu.memory_space<semaphore_mem>> -> memref<1x!tpu.dma_semaphore, #tpu.memory_space<semaphore_mem>>
    %dma_start3A_2049 = tpu.memref_squeeze %dma_start3A_2048 : memref<1x!tpu.dma_semaphore, #tpu.memory_space<semaphore_mem>> -> memref<!tpu.dma_semaphore, #tpu.memory_space<semaphore_mem>>
    %dma_start3A_2050 = arith.constant 0 : i32
    %dma_start3A_2051 = tpu.memref_slice %arg4[%add3A_2039, %dma_start3A_2050] : memref<32768x512xf32, #tpu.memory_space<hbm>> -> memref<32x512xf32, #tpu.memory_space<hbm>>
    %dma_start3A_2052 = arith.constant 0 : i32
    %dma_start3A_2053 = arith.constant 0 : i32
    %dma_start3A_2054 = tpu.memref_slice %arg8[%dma_start3A_2040, %dma_start3A_2052, %dma_start3A_2053] : memref<7x32x512xf32, #tpu.memory_space<vmem>> -> memref<1x32x512xf32, #tpu.memory_space<vmem>>
    %dma_start3A_2055 = tpu.memref_squeeze %dma_start3A_2054 : memref<1x32x512xf32, #tpu.memory_space<vmem>> -> memref<32x512xf32, #tpu.memory_space<vmem>>
    tpu.enqueue_dma source(%dma_start3A_2055 : memref<32x512xf32, #tpu.memory_space<vmem>>) target(%dma_start3A_2051 : memref<32x512xf32, #tpu.memory_space<hbm>>) target_semaphore(%dma_start3A_2049 : memref<!tpu.dma_semaphore, #tpu.memory_space<semaphore_mem>>)
    %dma_wait3A_2056 = arith.constant 3 : i32
    %dma_wait3A_2057 = arith.constant 3 : i32
    %dma_wait3A_2058 = arith.constant 0 : i32
    %dma_wait3A_2059 = arith.constant 0 : i32
    %dma_wait3A_2060 = tpu.memref_slice %arg8[%dma_wait3A_2056, %dma_wait3A_2058, %dma_wait3A_2059] : memref<7x32x512xf32, #tpu.memory_space<vmem>> -> memref<1x32x512xf32, #tpu.memory_space<vmem>>
    %dma_wait3A_2061 = tpu.memref_squeeze %dma_wait3A_2060 : memref<1x32x512xf32, #tpu.memory_space<vmem>> -> memref<32x512xf32, #tpu.memory_space<vmem>>
    %dma_wait3A_2062 = arith.constant 992 : i32
    %dma_wait3A_2063 = tpu.memref_slice %arg6[%dma_wait3A_2062] : memref<1024xi32, #tpu.memory_space<vmem>> -> memref<32xi32, #tpu.memory_space<vmem>>
    %dma_wait3A_2064 = arith.constant 0 : i32
    %dma_wait3A_2065 = arith.constant 0 : i32
    %dma_wait3A_2066 = tpu.memref_slice %arg2[%select_n3A, %dma_wait3A_2064, %dma_wait3A_2065] : memref<16x512x512xf32, #tpu.memory_space<hbm>> -> memref<1x512x512xf32, #tpu.memory_space<hbm>>
    %dma_wait3A_2067 = tpu.memref_squeeze %dma_wait3A_2066 : memref<1x512x512xf32, #tpu.memory_space<hbm>> -> memref<512x512xf32, #tpu.memory_space<hbm>>
    %dma_wait3A_2068 = arith.constant 0 : i32
    %dma_wait3A_2069 = arith.constant 0 : i32
    %dma_wait3A_2070 = tpu.memref_slice %dma_wait3A_2067[%dma_wait3A_2068, %dma_wait3A_2069] : memref<512x512xf32, #tpu.memory_space<hbm>> -> memref<512x512xf32, #tpu.memory_space<hbm>>
    %dma_wait3A_2071 = tpu.memref_slice %arg9[%dma_wait3A_2057] : memref<7x!tpu.dma_semaphore, #tpu.memory_space<semaphore_mem>> -> memref<1x!tpu.dma_semaphore, #tpu.memory_space<semaphore_mem>>
    %dma_wait3A_2072 = tpu.memref_squeeze %dma_wait3A_2071 : memref<1x!tpu.dma_semaphore, #tpu.memory_space<semaphore_mem>> -> memref<!tpu.dma_semaphore, #tpu.memory_space<semaphore_mem>>
    tpu.wait_indirect_dma semaphore(%dma_wait3A_2072 : memref<!tpu.dma_semaphore, #tpu.memory_space<semaphore_mem>>) src(%dma_wait3A_2070 : memref<512x512xf32, #tpu.memory_space<hbm>>) dst(%dma_wait3A_2061 : memref<32x512xf32, #tpu.memory_space<vmem>>)
    %add3A_2073 = arith.constant 992 : i32
    %add3A_2074 = arith.addi %mul3A_2, %add3A_2073 : i32
    %dma_start3A_2075 = arith.constant 3 : i32
    %dma_start3A_2076 = arith.constant 3 : i32
    %dma_start3A_2077 = arith.constant 0 : i32
    %dma_start3A_2078 = arith.constant 0 : i32
    %dma_start3A_2079 = tpu.memref_slice %arg8[%dma_start3A_2075, %dma_start3A_2077, %dma_start3A_2078] : memref<7x32x512xf32, #tpu.memory_space<vmem>> -> memref<1x32x512xf32, #tpu.memory_space<vmem>>
    %dma_start3A_2080 = tpu.memref_squeeze %dma_start3A_2079 : memref<1x32x512xf32, #tpu.memory_space<vmem>> -> memref<32x512xf32, #tpu.memory_space<vmem>>
    %dma_start3A_2081 = arith.constant 0 : i32
    %dma_start3A_2082 = tpu.memref_slice %arg4[%add3A_2074, %dma_start3A_2081] : memref<32768x512xf32, #tpu.memory_space<hbm>> -> memref<32x512xf32, #tpu.memory_space<hbm>>
    %dma_start3A_2083 = tpu.memref_slice %arg10[%dma_start3A_2076] : memref<7x!tpu.dma_semaphore, #tpu.memory_space<semaphore_mem>> -> memref<1x!tpu.dma_semaphore, #tpu.memory_space<semaphore_mem>>
    %dma_start3A_2084 = tpu.memref_squeeze %dma_start3A_2083 : memref<1x!tpu.dma_semaphore, #tpu.memory_space<semaphore_mem>> -> memref<!tpu.dma_semaphore, #tpu.memory_space<semaphore_mem>>
    %dma_start3A_2085 = arith.constant 0 : i32
    %dma_start3A_2086 = tpu.memref_slice %arg4[%add3A_2074, %dma_start3A_2085] : memref<32768x512xf32, #tpu.memory_space<hbm>> -> memref<32x512xf32, #tpu.memory_space<hbm>>
    %dma_start3A_2087 = arith.constant 0 : i32
    %dma_start3A_2088 = arith.constant 0 : i32
    %dma_start3A_2089 = tpu.memref_slice %arg8[%dma_start3A_2075, %dma_start3A_2087, %dma_start3A_2088] : memref<7x32x512xf32, #tpu.memory_space<vmem>> -> memref<1x32x512xf32, #tpu.memory_space<vmem>>
    %dma_start3A_2090 = tpu.memref_squeeze %dma_start3A_2089 : memref<1x32x512xf32, #tpu.memory_space<vmem>> -> memref<32x512xf32, #tpu.memory_space<vmem>>
    tpu.enqueue_dma source(%dma_start3A_2090 : memref<32x512xf32, #tpu.memory_space<vmem>>) target(%dma_start3A_2086 : memref<32x512xf32, #tpu.memory_space<hbm>>) target_semaphore(%dma_start3A_2084 : memref<!tpu.dma_semaphore, #tpu.memory_space<semaphore_mem>>)
    "tpu.region"() ({
      %run_scoped3A = tpu.sem_alloc : memref<!tpu.dma_semaphore, #tpu.memory_space<semaphore_mem>>
      %dma_start3A_2203 = tpu.memref_slice %arg5[%mul3A_2] : memref<32768xi32, #tpu.memory_space<hbm>> -> memref<1024xi32, #tpu.memory_space<hbm>>
      %dma_start3A_2204 = tpu.memref_slice %arg5[%mul3A_2] : memref<32768xi32, #tpu.memory_space<hbm>> -> memref<1024xi32, #tpu.memory_space<hbm>>
      tpu.enqueue_dma source(%arg7 : memref<1024xi32, #tpu.memory_space<vmem>>) target(%dma_start3A_2204 : memref<1024xi32, #tpu.memory_space<hbm>>) target_semaphore(%run_scoped3A : memref<!tpu.dma_semaphore, #tpu.memory_space<semaphore_mem>>)
      %dma_wait3A_2205 = tpu.memref_slice %arg5[%mul3A_2] : memref<32768xi32, #tpu.memory_space<hbm>> -> memref<1024xi32, #tpu.memory_space<hbm>>
      %dma_wait3A_2206 = tpu.memref_slice %arg5[%mul3A_2] : memref<32768xi32, #tpu.memory_space<hbm>> -> memref<1024xi32, #tpu.memory_space<hbm>>
      tpu.wait_dma2 semaphore(%run_scoped3A : memref<!tpu.dma_semaphore, #tpu.memory_space<semaphore_mem>>) src(%arg7 : memref<1024xi32, #tpu.memory_space<vmem>>) dst(%dma_wait3A_2206 : memref<1024xi32, #tpu.memory_space<hbm>>)
      tpu.yield
    }) : () -> ()
    %dma_wait3A_2091 = arith.constant 0 : i32
    %dma_wait3A_2092 = arith.constant 0 : i32
    %dma_wait3A_2093 = arith.constant 0 : i32
    %dma_wait3A_2094 = arith.constant 0 : i32
    %dma_wait3A_2095 = tpu.memref_slice %arg8[%dma_wait3A_2091, %dma_wait3A_2093, %dma_wait3A_2094] : memref<7x32x512xf32, #tpu.memory_space<vmem>> -> memref<1x32x512xf32, #tpu.memory_space<vmem>>
    %dma_wait3A_2096 = tpu.memref_squeeze %dma_wait3A_2095 : memref<1x32x512xf32, #tpu.memory_space<vmem>> -> memref<32x512xf32, #tpu.memory_space<vmem>>
    %dma_wait3A_2097 = arith.constant 0 : i32
    %dma_wait3A_2098 = tpu.memref_slice %arg4[%add3A_1969, %dma_wait3A_2097] : memref<32768x512xf32, #tpu.memory_space<hbm>> -> memref<32x512xf32, #tpu.memory_space<hbm>>
    %dma_wait3A_2099 = tpu.memref_slice %arg10[%dma_wait3A_2092] : memref<7x!tpu.dma_semaphore, #tpu.memory_space<semaphore_mem>> -> memref<1x!tpu.dma_semaphore, #tpu.memory_space<semaphore_mem>>
    %dma_wait3A_2100 = tpu.memref_squeeze %dma_wait3A_2099 : memref<1x!tpu.dma_semaphore, #tpu.memory_space<semaphore_mem>> -> memref<!tpu.dma_semaphore, #tpu.memory_space<semaphore_mem>>
    %dma_wait3A_2101 = arith.constant 0 : i32
    %dma_wait3A_2102 = tpu.memref_slice %arg4[%add3A_1969, %dma_wait3A_2101] : memref<32768x512xf32, #tpu.memory_space<hbm>> -> memref<32x512xf32, #tpu.memory_space<hbm>>
    %dma_wait3A_2103 = arith.constant 0 : i32
    %dma_wait3A_2104 = arith.constant 0 : i32
    %dma_wait3A_2105 = tpu.memref_slice %arg8[%dma_wait3A_2091, %dma_wait3A_2103, %dma_wait3A_2104] : memref<7x32x512xf32, #tpu.memory_space<vmem>> -> memref<1x32x512xf32, #tpu.memory_space<vmem>>
    %dma_wait3A_2106 = tpu.memref_squeeze %dma_wait3A_2105 : memref<1x32x512xf32, #tpu.memory_space<vmem>> -> memref<32x512xf32, #tpu.memory_space<vmem>>
    tpu.wait_dma2 semaphore(%dma_wait3A_2100 : memref<!tpu.dma_semaphore, #tpu.memory_space<semaphore_mem>>) src(%dma_wait3A_2106 : memref<32x512xf32, #tpu.memory_space<vmem>>) dst(%dma_wait3A_2102 : memref<32x512xf32, #tpu.memory_space<hbm>>)
    %dma_wait3A_2107 = arith.constant 1 : i32
    %dma_wait3A_2108 = arith.constant 1 : i32
    %dma_wait3A_2109 = arith.constant 0 : i32
    %dma_wait3A_2110 = arith.constant 0 : i32
    %dma_wait3A_2111 = tpu.memref_slice %arg8[%dma_wait3A_2107, %dma_wait3A_2109, %dma_wait3A_2110] : memref<7x32x512xf32, #tpu.memory_space<vmem>> -> memref<1x32x512xf32, #tpu.memory_space<vmem>>
    %dma_wait3A_2112 = tpu.memref_squeeze %dma_wait3A_2111 : memref<1x32x512xf32, #tpu.memory_space<vmem>> -> memref<32x512xf32, #tpu.memory_space<vmem>>
    %dma_wait3A_2113 = arith.constant 0 : i32
    %dma_wait3A_2114 = tpu.memref_slice %arg4[%add3A_2004, %dma_wait3A_2113] : memref<32768x512xf32, #tpu.memory_space<hbm>> -> memref<32x512xf32, #tpu.memory_space<hbm>>
    %dma_wait3A_2115 = tpu.memref_slice %arg10[%dma_wait3A_2108] : memref<7x!tpu.dma_semaphore, #tpu.memory_space<semaphore_mem>> -> memref<1x!tpu.dma_semaphore, #tpu.memory_space<semaphore_mem>>
    %dma_wait3A_2116 = tpu.memref_squeeze %dma_wait3A_2115 : memref<1x!tpu.dma_semaphore, #tpu.memory_space<semaphore_mem>> -> memref<!tpu.dma_semaphore, #tpu.memory_space<semaphore_mem>>
    %dma_wait3A_2117 = arith.constant 0 : i32
    %dma_wait3A_2118 = tpu.memref_slice %arg4[%add3A_2004, %dma_wait3A_2117] : memref<32768x512xf32, #tpu.memory_space<hbm>> -> memref<32x512xf32, #tpu.memory_space<hbm>>
    %dma_wait3A_2119 = arith.constant 0 : i32
    %dma_wait3A_2120 = arith.constant 0 : i32
    %dma_wait3A_2121 = tpu.memref_slice %arg8[%dma_wait3A_2107, %dma_wait3A_2119, %dma_wait3A_2120] : memref<7x32x512xf32, #tpu.memory_space<vmem>> -> memref<1x32x512xf32, #tpu.memory_space<vmem>>
    %dma_wait3A_2122 = tpu.memref_squeeze %dma_wait3A_2121 : memref<1x32x512xf32, #tpu.memory_space<vmem>> -> memref<32x512xf32, #tpu.memory_space<vmem>>
    tpu.wait_dma2 semaphore(%dma_wait3A_2116 : memref<!tpu.dma_semaphore, #tpu.memory_space<semaphore_mem>>) src(%dma_wait3A_2122 : memref<32x512xf32, #tpu.memory_space<vmem>>) dst(%dma_wait3A_2118 : memref<32x512xf32, #tpu.memory_space<hbm>>)
    %dma_wait3A_2123 = arith.constant 2 : i32
    %dma_wait3A_2124 = arith.constant 2 : i32
    %dma_wait3A_2125 = arith.constant 0 : i32
    %dma_wait3A_2126 = arith.constant 0 : i32
    %dma_wait3A_2127 = tpu.memref_slice %arg8[%dma_wait3A_2123, %dma_wait3A_2125, %dma_wait3A_2126] : memref<7x32x512xf32, #tpu.memory_space<vmem>> -> memref<1x32x512xf32, #tpu.memory_space<vmem>>
    %dma_wait3A_2128 = tpu.memref_squeeze %dma_wait3A_2127 : memref<1x32x512xf32, #tpu.memory_space<vmem>> -> memref<32x512xf32, #tpu.memory_space<vmem>>
    %dma_wait3A_2129 = arith.constant 0 : i32
    %dma_wait3A_2130 = tpu.memref_slice %arg4[%add3A_2039, %dma_wait3A_2129] : memref<32768x512xf32, #tpu.memory_space<hbm>> -> memref<32x512xf32, #tpu.memory_space<hbm>>
    %dma_wait3A_2131 = tpu.memref_slice %arg10[%dma_wait3A_2124] : memref<7x!tpu.dma_semaphore, #tpu.memory_space<semaphore_mem>> -> memref<1x!tpu.dma_semaphore, #tpu.memory_space<semaphore_mem>>
    %dma_wait3A_2132 = tpu.memref_squeeze %dma_wait3A_2131 : memref<1x!tpu.dma_semaphore, #tpu.memory_space<semaphore_mem>> -> memref<!tpu.dma_semaphore, #tpu.memory_space<semaphore_mem>>
    %dma_wait3A_2133 = arith.constant 0 : i32
    %dma_wait3A_2134 = tpu.memref_slice %arg4[%add3A_2039, %dma_wait3A_2133] : memref<32768x512xf32, #tpu.memory_space<hbm>> -> memref<32x512xf32, #tpu.memory_space<hbm>>
    %dma_wait3A_2135 = arith.constant 0 : i32
    %dma_wait3A_2136 = arith.constant 0 : i32
    %dma_wait3A_2137 = tpu.memref_slice %arg8[%dma_wait3A_2123, %dma_wait3A_2135, %dma_wait3A_2136] : memref<7x32x512xf32, #tpu.memory_space<vmem>> -> memref<1x32x512xf32, #tpu.memory_space<vmem>>
    %dma_wait3A_2138 = tpu.memref_squeeze %dma_wait3A_2137 : memref<1x32x512xf32, #tpu.memory_space<vmem>> -> memref<32x512xf32, #tpu.memory_space<vmem>>
    tpu.wait_dma2 semaphore(%dma_wait3A_2132 : memref<!tpu.dma_semaphore, #tpu.memory_space<semaphore_mem>>) src(%dma_wait3A_2138 : memref<32x512xf32, #tpu.memory_space<vmem>>) dst(%dma_wait3A_2134 : memref<32x512xf32, #tpu.memory_space<hbm>>)
    %dma_wait3A_2139 = arith.constant 3 : i32
    %dma_wait3A_2140 = arith.constant 3 : i32
    %dma_wait3A_2141 = arith.constant 0 : i32
    %dma_wait3A_2142 = arith.constant 0 : i32
    %dma_wait3A_2143 = tpu.memref_slice %arg8[%dma_wait3A_2139, %dma_wait3A_2141, %dma_wait3A_2142] : memref<7x32x512xf32, #tpu.memory_space<vmem>> -> memref<1x32x512xf32, #tpu.memory_space<vmem>>
    %dma_wait3A_2144 = tpu.memref_squeeze %dma_wait3A_2143 : memref<1x32x512xf32, #tpu.memory_space<vmem>> -> memref<32x512xf32, #tpu.memory_space<vmem>>
    %dma_wait3A_2145 = arith.constant 0 : i32
    %dma_wait3A_2146 = tpu.memref_slice %arg4[%add3A_2074, %dma_wait3A_2145] : memref<32768x512xf32, #tpu.memory_space<hbm>> -> memref<32x512xf32, #tpu.memory_space<hbm>>
    %dma_wait3A_2147 = tpu.memref_slice %arg10[%dma_wait3A_2140] : memref<7x!tpu.dma_semaphore, #tpu.memory_space<semaphore_mem>> -> memref<1x!tpu.dma_semaphore, #tpu.memory_space<semaphore_mem>>
    %dma_wait3A_2148 = tpu.memref_squeeze %dma_wait3A_2147 : memref<1x!tpu.dma_semaphore, #tpu.memory_space<semaphore_mem>> -> memref<!tpu.dma_semaphore, #tpu.memory_space<semaphore_mem>>
    %dma_wait3A_2149 = arith.constant 0 : i32
    %dma_wait3A_2150 = tpu.memref_slice %arg4[%add3A_2074, %dma_wait3A_2149] : memref<32768x512xf32, #tpu.memory_space<hbm>> -> memref<32x512xf32, #tpu.memory_space<hbm>>
    %dma_wait3A_2151 = arith.constant 0 : i32
    %dma_wait3A_2152 = arith.constant 0 : i32
    %dma_wait3A_2153 = tpu.memref_slice %arg8[%dma_wait3A_2139, %dma_wait3A_2151, %dma_wait3A_2152] : memref<7x32x512xf32, #tpu.memory_space<vmem>> -> memref<1x32x512xf32, #tpu.memory_space<vmem>>
    %dma_wait3A_2154 = tpu.memref_squeeze %dma_wait3A_2153 : memref<1x32x512xf32, #tpu.memory_space<vmem>> -> memref<32x512xf32, #tpu.memory_space<vmem>>
    tpu.wait_dma2 semaphore(%dma_wait3A_2148 : memref<!tpu.dma_semaphore, #tpu.memory_space<semaphore_mem>>) src(%dma_wait3A_2154 : memref<32x512xf32, #tpu.memory_space<vmem>>) dst(%dma_wait3A_2150 : memref<32x512xf32, #tpu.memory_space<hbm>>)
    %dma_wait3A_2155 = arith.constant 4 : i32
    %dma_wait3A_2156 = arith.constant 4 : i32
    %dma_wait3A_2157 = arith.constant 0 : i32
    %dma_wait3A_2158 = arith.constant 0 : i32
    %dma_wait3A_2159 = tpu.memref_slice %arg8[%dma_wait3A_2155, %dma_wait3A_2157, %dma_wait3A_2158] : memref<7x32x512xf32, #tpu.memory_space<vmem>> -> memref<1x32x512xf32, #tpu.memory_space<vmem>>
    %dma_wait3A_2160 = tpu.memref_squeeze %dma_wait3A_2159 : memref<1x32x512xf32, #tpu.memory_space<vmem>> -> memref<32x512xf32, #tpu.memory_space<vmem>>
    %dma_wait3A_2161 = arith.constant 0 : i32
    %dma_wait3A_2162 = tpu.memref_slice %arg4[%add3A_1864, %dma_wait3A_2161] : memref<32768x512xf32, #tpu.memory_space<hbm>> -> memref<32x512xf32, #tpu.memory_space<hbm>>
    %dma_wait3A_2163 = tpu.memref_slice %arg10[%dma_wait3A_2156] : memref<7x!tpu.dma_semaphore, #tpu.memory_space<semaphore_mem>> -> memref<1x!tpu.dma_semaphore, #tpu.memory_space<semaphore_mem>>
    %dma_wait3A_2164 = tpu.memref_squeeze %dma_wait3A_2163 : memref<1x!tpu.dma_semaphore, #tpu.memory_space<semaphore_mem>> -> memref<!tpu.dma_semaphore, #tpu.memory_space<semaphore_mem>>
    %dma_wait3A_2165 = arith.constant 0 : i32
    %dma_wait3A_2166 = tpu.memref_slice %arg4[%add3A_1864, %dma_wait3A_2165] : memref<32768x512xf32, #tpu.memory_space<hbm>> -> memref<32x512xf32, #tpu.memory_space<hbm>>
    %dma_wait3A_2167 = arith.constant 0 : i32
    %dma_wait3A_2168 = arith.constant 0 : i32
    %dma_wait3A_2169 = tpu.memref_slice %arg8[%dma_wait3A_2155, %dma_wait3A_2167, %dma_wait3A_2168] : memref<7x32x512xf32, #tpu.memory_space<vmem>> -> memref<1x32x512xf32, #tpu.memory_space<vmem>>
    %dma_wait3A_2170 = tpu.memref_squeeze %dma_wait3A_2169 : memref<1x32x512xf32, #tpu.memory_space<vmem>> -> memref<32x512xf32, #tpu.memory_space<vmem>>
    tpu.wait_dma2 semaphore(%dma_wait3A_2164 : memref<!tpu.dma_semaphore, #tpu.memory_space<semaphore_mem>>) src(%dma_wait3A_2170 : memref<32x512xf32, #tpu.memory_space<vmem>>) dst(%dma_wait3A_2166 : memref<32x512xf32, #tpu.memory_space<hbm>>)
    %dma_wait3A_2171 = arith.constant 5 : i32
    %dma_wait3A_2172 = arith.constant 5 : i32
    %dma_wait3A_2173 = arith.constant 0 : i32
    %dma_wait3A_2174 = arith.constant 0 : i32
    %dma_wait3A_2175 = tpu.memref_slice %arg8[%dma_wait3A_2171, %dma_wait3A_2173, %dma_wait3A_2174] : memref<7x32x512xf32, #tpu.memory_space<vmem>> -> memref<1x32x512xf32, #tpu.memory_space<vmem>>
    %dma_wait3A_2176 = tpu.memref_squeeze %dma_wait3A_2175 : memref<1x32x512xf32, #tpu.memory_space<vmem>> -> memref<32x512xf32, #tpu.memory_space<vmem>>
    %dma_wait3A_2177 = arith.constant 0 : i32
    %dma_wait3A_2178 = tpu.memref_slice %arg4[%add3A_1899, %dma_wait3A_2177] : memref<32768x512xf32, #tpu.memory_space<hbm>> -> memref<32x512xf32, #tpu.memory_space<hbm>>
    %dma_wait3A_2179 = tpu.memref_slice %arg10[%dma_wait3A_2172] : memref<7x!tpu.dma_semaphore, #tpu.memory_space<semaphore_mem>> -> memref<1x!tpu.dma_semaphore, #tpu.memory_space<semaphore_mem>>
    %dma_wait3A_2180 = tpu.memref_squeeze %dma_wait3A_2179 : memref<1x!tpu.dma_semaphore, #tpu.memory_space<semaphore_mem>> -> memref<!tpu.dma_semaphore, #tpu.memory_space<semaphore_mem>>
    %dma_wait3A_2181 = arith.constant 0 : i32
    %dma_wait3A_2182 = tpu.memref_slice %arg4[%add3A_1899, %dma_wait3A_2181] : memref<32768x512xf32, #tpu.memory_space<hbm>> -> memref<32x512xf32, #tpu.memory_space<hbm>>
    %dma_wait3A_2183 = arith.constant 0 : i32
    %dma_wait3A_2184 = arith.constant 0 : i32
    %dma_wait3A_2185 = tpu.memref_slice %arg8[%dma_wait3A_2171, %dma_wait3A_2183, %dma_wait3A_2184] : memref<7x32x512xf32, #tpu.memory_space<vmem>> -> memref<1x32x512xf32, #tpu.memory_space<vmem>>
    %dma_wait3A_2186 = tpu.memref_squeeze %dma_wait3A_2185 : memref<1x32x512xf32, #tpu.memory_space<vmem>> -> memref<32x512xf32, #tpu.memory_space<vmem>>
    tpu.wait_dma2 semaphore(%dma_wait3A_2180 : memref<!tpu.dma_semaphore, #tpu.memory_space<semaphore_mem>>) src(%dma_wait3A_2186 : memref<32x512xf32, #tpu.memory_space<vmem>>) dst(%dma_wait3A_2182 : memref<32x512xf32, #tpu.memory_space<hbm>>)
    %dma_wait3A_2187 = arith.constant 6 : i32
    %dma_wait3A_2188 = arith.constant 6 : i32
    %dma_wait3A_2189 = arith.constant 0 : i32
    %dma_wait3A_2190 = arith.constant 0 : i32
    %dma_wait3A_2191 = tpu.memref_slice %arg8[%dma_wait3A_2187, %dma_wait3A_2189, %dma_wait3A_2190] : memref<7x32x512xf32, #tpu.memory_space<vmem>> -> memref<1x32x512xf32, #tpu.memory_space<vmem>>
    %dma_wait3A_2192 = tpu.memref_squeeze %dma_wait3A_2191 : memref<1x32x512xf32, #tpu.memory_space<vmem>> -> memref<32x512xf32, #tpu.memory_space<vmem>>
    %dma_wait3A_2193 = arith.constant 0 : i32
    %dma_wait3A_2194 = tpu.memref_slice %arg4[%add3A_1934, %dma_wait3A_2193] : memref<32768x512xf32, #tpu.memory_space<hbm>> -> memref<32x512xf32, #tpu.memory_space<hbm>>
    %dma_wait3A_2195 = tpu.memref_slice %arg10[%dma_wait3A_2188] : memref<7x!tpu.dma_semaphore, #tpu.memory_space<semaphore_mem>> -> memref<1x!tpu.dma_semaphore, #tpu.memory_space<semaphore_mem>>
    %dma_wait3A_2196 = tpu.memref_squeeze %dma_wait3A_2195 : memref<1x!tpu.dma_semaphore, #tpu.memory_space<semaphore_mem>> -> memref<!tpu.dma_semaphore, #tpu.memory_space<semaphore_mem>>
    %dma_wait3A_2197 = arith.constant 0 : i32
    %dma_wait3A_2198 = tpu.memref_slice %arg4[%add3A_1934, %dma_wait3A_2197] : memref<32768x512xf32, #tpu.memory_space<hbm>> -> memref<32x512xf32, #tpu.memory_space<hbm>>
    %dma_wait3A_2199 = arith.constant 0 : i32
    %dma_wait3A_2200 = arith.constant 0 : i32
    %dma_wait3A_2201 = tpu.memref_slice %arg8[%dma_wait3A_2187, %dma_wait3A_2199, %dma_wait3A_2200] : memref<7x32x512xf32, #tpu.memory_space<vmem>> -> memref<1x32x512xf32, #tpu.memory_space<vmem>>
    %dma_wait3A_2202 = tpu.memref_squeeze %dma_wait3A_2201 : memref<1x32x512xf32, #tpu.memory_space<vmem>> -> memref<32x512xf32, #tpu.memory_space<vmem>>
    tpu.wait_dma2 semaphore(%dma_wait3A_2196 : memref<!tpu.dma_semaphore, #tpu.memory_space<semaphore_mem>>) src(%dma_wait3A_2202 : memref<32x512xf32, #tpu.memory_space<vmem>>) dst(%dma_wait3A_2198 : memref<32x512xf32, #tpu.memory_space<hbm>>)
    return
  }
}

</mosaic_0001>

<sc_bundles>
// kernel: kernel.3.cloned.1.call-start
scs
__scs_entry_jumppad:
0x0: {  	(pc) =	sbr.rel $0x88, $3  }
0x1: {  	(tag) =	ssettag $0x0;
	lr =	simm.s32 $0x1  }
0x2: {  	[smem:$0x3F9F] =	sst lr;
	_ =	strace $0xD0000000  }
0x3: {  	_ = 	snop  }
0x4: {  	_ = 	snop  }
0x5: {  	_ = 	snop  }
0x6: {  	_ = 	snop  }
0x7: {  	_ = 	snop  }
__scs_overlays_trampoline_lowered:
0x8: {  	[smem:$0x3FAE] =	sst s0  }
0x9: {  	[smem:$0x3FAF] =	sst s1  }
0xa: {  	[smem:$0x3FB0] =	sst s2  }
0xb: {  	[smem:$0x3FB1] =	sst s3  }
0xc: {  	[smem:$0x3FB2] =	sst s4  }
0xd: {  	[smem:$0x3FB3] =	sst s5  }
0xe: {  	[smem:$0x3FB4] =	sst s6  }
0xf: {  	[smem:$0x3FB5] =	sst s7  }
0x10: {  	[smem:$0x3FB6] =	sst s8  }
0x11: {  	[smem:$0x3FB7] =	sst s9;
	s0 =	simm.s32 @!p0 $0x0  }
0x12: {  	s1 =	sld [smem:$0x3F9D];
	s0 =	simm.s32 @p0 $0x1  }
0x13: {  	[smem:$0x3FB8] =	sst s0;
	s0 =	simm.s32 @!p1 $0x0  }
0x14: {  	s2 =	sld [smem:$0x3F9C];
	s0 =	simm.s32 @p1 $0x1  }
0x15: {  	[smem:$0x3FB9] =	sst s0;
	s0 =	simm.s32 @!p2 $0x0  }
0x16: {  	s3 =	sld [smem:$0x3FDB];
	s0 =	simm.s32 @p2 $0x1  }
0x17: {  	s4 =	simm.s32 $0x1BF5;
	[smem:$0x3FBB] =	sst s0  }
0x18: {  	s0 =	sld [smem:$0x3F9E];
	_ =	swait.ge [sflag:s4], $0x0  }
0x19: {  	s7 =	sld [smem:$0x3F9F]  }
0x1a: {  	s8 =	sadd.s32 $0xFFFFE003, lr  }
0x1b: {  	s9 =	sadd.s32 $0xFFFFFEF7, lr;
	s5 =	simm.s32 $0xFFFFFFFF;
	p2 =	slt.u32 s8, $0xFFFFF086  }
0x1c: {  	p1 =	slt.u32 s9, $0xF7A;
	s5 =	simm.s32 @!p2 $0x0  }
0x1d: {  	s5 =	simm.s32 @p1 $0x1;
	p0 =	seq.s32 s7, s2  }
0x1e: {  	s7 =	smul.u32 @!p0 $0xF7A, s2;
	p2 =	seq.s32 @!p0 s5, $0x0  }
0x1f: {  	s9 =	smul.u32 $0xF7A, s1;
	s8 =	simm.s32 @!p0 $0x1BF5;
	p2 =	por !p2, p0  }
0x20: {  	[sflag:s8] =	ssyncset.s32 @!p0 $0xFFFFF086;
	s6 =	sadd.s32 @!p0 s3, s7;
	s7 =	simm.s32 @!p0 $0x108  }
0x21: {  	s3 =	sadd.s32 s3, s9;
	s6 =	sadd.s32 @!p0 $0x88, s6;
	s7 =	simm.s32 @p2 $0x1082  }
0x22: {  	[simem:s7], [sflag:s8] =	dma.local @!p0 [hbm:s6], $0xF7A  }
0x23: {  	s9 =	sor.u32 $0xD0000000, s2;
	s6 =	simm.s32 $0x108;
	_ =	swait.ge @!p0 [sflag:s8], $0x0  }
0x24: {  	s3 =	sadd.s32 $0x88, s3;
	s6 =	simm.s32 @!p1 $0x1082;
	[sflag:s4] =	ssyncset.s32 $0xFFFFF086  }
0x25: {  	[simem:s6], [sflag:s4] =	dma.local [hbm:s3], $0xF7A  }
0x26: {  	[smem:$0x3F9F] =	sst s1;
	(tag) =	ssettag s2;
	_ =	strace s9  }
0x27: {  	s1 =	sld [smem:$0x3FAF]  }
0x28: {  	s2 =	sld [smem:$0x3FB0]  }
0x29: {  	s4 =	sld [smem:$0x3FB2]  }
0x2a: {  	p0 =	seq.s32 s5, $0x0;
	s5 =	sld [smem:$0x3FB3]  }
0x2b: {  	s6 =	sld [smem:$0x3FB4]  }
0x2c: {  	s7 =	sld [smem:$0x3FB5]  }
0x2d: {  	s3 =	simm.s32 $0x108;
	s8 =	sld [smem:$0x3FB6]  }
0x2e: {  	s3 =	simm.s32 @!p0 $0x1082;
	s9 =	sld [smem:$0x3FB7]  }
0x2f: {  	lr =	sadd.s32 s0, s3;
	s0 =	sld [smem:$0x3FAE]  }
0x30: {  	s3 =	sld [smem:$0x3FB1]  }
0x31: {  	[smem:$0x3FBA] =	sst s10  }
0x32: {  	s10 =	sld [smem:$0x3FB8];
	_ =	sdelay $0x3  }
0x33: {  	p0 =	seq.s32 s10, $0x1;
	s10 =	sld [smem:$0x3FBA];
	_ =	sdelay $0x3  }
0x34: {  	[smem:$0x3FBA] =	sst s10  }
0x35: {  	s10 =	sld [smem:$0x3FB9];
	_ =	sdelay $0x3  }
0x36: {  	p1 =	seq.s32 s10, $0x1;
	s10 =	sld [smem:$0x3FBA];
	_ =	sdelay $0x3  }
0x37: {  	[smem:$0x3FBA] =	sst s10  }
0x38: {  	s10 =	sld [smem:$0x3FBB]  }
0x39: {  	_ = 	snop;
	(pc) =	sbr.ind lr, $3  }
0x3a: {  	_ = 	snop  }
0x3b: {  	_ = 	snop  }
0x3c: {  	p2 =	seq.s32 s10, $0x1;
	s10 =	sld [smem:$0x3FBA]  }
0x3d: {  	_ =	shalt  }
0x3e: {  	_ =	shalt  }
0x3f: {  	_ =	shalt  }
0x40: {  	_ =	shalt  }
0x41: {  	_ =	shalt  }
0x42: {  	_ =	shalt  }
0x43: {  	_ =	shalt  }
0x44: {  	_ =	shalt  }
0x45: {  	_ =	shalt  }
0x46: {  	_ =	shalt  }
0x47: {  	_ =	shalt  }
0x48: {  	_ =	shalt  }
0x49: {  	_ =	shalt  }
0x4a: {  	_ =	shalt  }
0x4b: {  	_ =	shalt  }
0x4c: {  	_ =	shalt  }
0x4d: {  	_ =	shalt  }
0x4e: {  	_ =	shalt  }
0x4f: {  	_ =	shalt  }
0x50: {  	_ =	shalt  }
0x51: {  	_ =	shalt  }
0x52: {  	_ =	shalt  }
0x53: {  	_ =	shalt  }
0x54: {  	_ =	shalt  }
0x55: {  	_ =	shalt  }
0x56: {  	_ =	shalt  }
0x57: {  	_ =	shalt  }
0x58: {  	_ =	shalt  }
0x59: {  	_ =	shalt  }
0x5a: {  	_ =	shalt  }
0x5b: {  	_ =	shalt  }
0x5c: {  	_ =	shalt  }
0x5d: {  	_ =	shalt  }
0x5e: {  	_ =	shalt  }
0x5f: {  	_ =	shalt  }
0x60: {  	_ =	shalt  }
0x61: {  	_ =	shalt  }
0x62: {  	_ =	shalt  }
0x63: {  	_ =	shalt  }
0x64: {  	_ =	shalt  }
0x65: {  	_ =	shalt  }
0x66: {  	_ =	shalt  }
0x67: {  	_ =	shalt  }
0x68: {  	_ =	shalt  }
0x69: {  	_ =	shalt  }
0x6a: {  	_ =	shalt  }
0x6b: {  	_ =	shalt  }
0x6c: {  	_ =	shalt  }
0x6d: {  	_ =	shalt  }
0x6e: {  	_ =	shalt  }
0x6f: {  	_ =	shalt  }
0x70: {  	_ =	shalt  }
0x71: {  	_ =	shalt  }
0x72: {  	_ =	shalt  }
0x73: {  	_ =	shalt  }
0x74: {  	_ =	shalt  }
0x75: {  	_ =	shalt  }
0x76: {  	_ =	shalt  }
0x77: {  	_ =	shalt  }
0x78: {  	_ =	shalt  }
0x79: {  	_ =	shalt  }
0x7a: {  	_ =	shalt  }
0x7b: {  	_ =	shalt  }
0x7c: {  	_ =	shalt  }
0x7d: {  	_ =	shalt  }
0x7e: {  	_ =	shalt  }
0x7f: {  	_ =	shalt  }
0x80: {  	_ =	shalt  }
0x81: {  	_ =	shalt  }
0x82: {  	_ =	shalt  }
0x83: {  	_ =	shalt  }
0x84: {  	_ =	shalt  }
0x85: {  	_ =	shalt  }
0x86: {  	_ =	shalt  }
0x87: {  	_ =	shalt  }
.Lfunc_end0:
.L_simem_size_0:
called_computation_lowered:
.L_overlay_start_0:
0x88: {  	s2 =	sld [smem:$0x3FD9]  }
0x89: {  	s3 =	sld [smem:$0x3FFE];
	_ =	sdelay $0x1  }
0x8a: {  	s1 =	srdreg.scid  }
0x8b: {  	s0 =	sand.u32 $0x1, s1  }
0x8c: {  	s14 =	sshll.u32 s0, $0xA;
	s2 =	sadd.s32 s3, s2  }
0x8d: {  	s2 =	sadd.s32 s2, s14  }
0x8e: {  	[smem:$0x3FC6] =	sst s2  }
0x8f: {  	_ = 	snop  }
0x90: {  	s2 =	sld [smem:$0x3FD0];
	_ =	sdelay $0x2  }
0x91: {  	s4 =	simm.s32 $0xA;
	s5 =	simm.s32 $0x10;
	s15 =	sld [smem:$0x3FC9]  }
0x92: {  	[smem:s5], [sflag:s4] =	dma.local [hbm:s2], $0x1  }
0x93: {  	_ =	swait.eq [sflag:s4], $0x1  }
0x94: {  	[sflag:s4] =	ssyncset.done $0x0  }
0x95: {  	[sflag:s4] =	ssyncadd.s32 $0xFFFFFFFF  }
0x96: {  	s16 =	sld [smem:$0x10];
	(tm) =	ssettm $0x1  }
0x97: {  	s17 =	sld [smem:$0x3FFB];
	_ =	sdelay $0x3  }
0x98: {  	_ =	strace s17  }
0x99: {  	s4 =	sld [smem:$0x3FFC];
	_ =	sdelay $0x3  }
0x9a: {  	_ =	strace s4  }
0x9b: {  	s4 =	sld [smem:$0x3FFD];
	_ =	sdelay $0x3  }
0x9c: {  	_ =	strace s4  }
0x9d: {  	_ =	strace $0x8FFFFFFF  }
0x9e: {  	s18 =	sld [smem:$0x3FDB];
	_ =	sdelay $0x1  }
0x9f: {  	s19 =	simm.s32 $_scs_section_size  }
0xa0: {  	s6 =	simm.s32 $_size__tile_overlayer_lowered;
	s7 =	simm.s32 $_tile_overlayer_lowered  }
0xa1: {  	s22 =	simm.s32 $0x1BFF;
	s21 =	sshll.u32 s7, $0x1;
	s4 =	sadd.s32 s19, s18  }
0xa2: {  	s8 =	simm.s32 $0x0;
	s20 =	sshll.u32 s6, $0x1;
	s6 =	sadd.s32 s21, s4  }
0xa3: {  	[timem:s8], [sflag:s22] =	dma.local [hbm:s6], s20  }
0xa4: {  	_ =	swait.ge [sflag:s22], s20  }
0xa5: {  	s5 =	ssub.s32 $0x0, s20;
	[sflag:s22] =	ssyncset.done $0x0  }
0xa6: {  	[sflag:s22] =	ssyncadd.s32 s5;
	_ =	sdelay $0x1  }
0xa7: {  	s23 =	simm.s32 $0x1B8B  }
0xa8: {  	_ =	swait.ge [sflag:s23], $0x1  }
0xa9: {  	[sflag:s23] =	ssyncset.done $0x0  }
0xaa: {  	s25 =	simm.s32 $0x1B8E;
	s24 =	sld [smem:$0x3FFE];
	[sflag:s23] =	ssyncadd.s32 $0xFFFFFFFF  }
0xab: {  	s26 =	simm.s32 $execute0_lowered;
	[smem:$0x3FD2] =	sst s25  }
0xac: {  	s6 =	sshll.u32 s26, $0x1;
	_ =	strace $0x80000046;
	[dreg:$0x1] =	wrdreg $0xFFFFFFFF  }
0xad: {  	s28 =	simm.s32 $_size_execute0_lowered;
	s4 =	sadd.s32 s4, s6;
	[dreg:$0x0] =	wrdreg $0x0  }
0xae: {  	s6 =	sshll.u32 s28, $0x1;
	[dreg:$0x2] =	wrdreg s4  }
0xaf: {  	[dreg:$0x3] =	wrdreg s6  }
0xb0: {  	[dreg:$0x4] =	wrdreg $0xC0  }
0xb1: {  	_ =	task [dreg:s8], $0x5FFFF  }
0xb2: {  	[dreg:$0x1] =	wrdreg $0xFFFFFFFF  }
0xb3: {  	[dreg:$0x0] =	wrdreg $0x60  }
0xb4: {  	[dreg:$0x2] =	wrdreg s15  }
0xb5: {  	[dreg:$0x3] =	wrdreg s24  }
0xb6: {  	[dreg:$0x4] =	wrdreg s16  }
0xb7: {  	[dreg:$0x5] =	wrdreg $0x9  }
0xb8: {  	_ =	task.clear_ibuf [dreg:s8], $0x6FFFF;
	_ =	strace $0x90000046  }
0xb9: {  	s29 =	simm.s32 $0x9;
	_ =	strace $0x80000048  }
0xba: {  	_ =	swait.ge [sflag:s29], $0x1  }
0xbb: {  	[sflag:s29] =	ssyncadd.s32 $0xFFFFFFFF  }
0xbc: {  	_ =	strace $0x90000048  }
0xbd: {  	_ =	sfence  }
0xbe: {  	s30 =	sld [smem:$0x0];
	_ =	sdelay $0x2  }
0xbf: {  	s31 =	sshll.u32 s1, $0xD;
	s1 =	sshrl.u32 s1, $0x2  }
0xc0: {  	s3 =	sand.u32 $0x4000, s31;
	s1 =	sadd.s32 s1, s30  }
0xc1: {  	s0 =	sor.u32 s3, s0;
	s1 =	sshll.u32 s1, $0x11  }
0xc2: {  	s0 =	sor.u32 s1, s0  }
0xc3: {  	s0 =	sadd.s32 $0x8F2B, s0  }
0xc4: {  	[sflag:s0] =	ssyncadd.remote.s32 $0x1  }
0xc5: {  	_ =	sfence.sel $0xFFFF  }
0xc6: {  	[dreg:$0x0] =	wrdreg $0xFFFFFFFF;
	(pc) =	sbr.abs _section_cstart, $3  }
0xc7: {  	[dreg:$0x1] =	wrdreg $0xFFFFFFFF  }
0xc8: {  	_ =	task.clear_ibuf [dreg:s8], $0x2FFFF;
	_ =	strace $0x9FFFFFFF  }
0xc9: {  	(tm) =	ssettm $0x7FFFFFFF  }
tec
execute0_lowered:
.L_overlay_start_1:
0x0: {  	(tag) =	ssettag $0x1  }
0x1: {  	s0 =	srdreg.scid;
	s1 =	rddreg [dreg:$0x0]  }
0x2: {  	s9 =	stileid.u32;
	s4 =	rddreg [dreg:$0x1];
	s0 =	sand.u32 $0x1, s0  }
0x3: {  	s6 =	rddreg [dreg:$0x2];
	s2 =	sshll.u32 s9, $0xB;
	s3 =	sshll.u32 s0, $0xA  }
0x4: {  	p1 =	seq.s32 s0, $0x1;
	s0 =	ssub.s32 $0x2, s0;
	s5 =	sor.u32 s3, s2  }
0x5: {  	s2 =	simm.s32 $0x0;
	s3 =	simm.s32 $0x1;
	p0 =	seq.s32 s5, $0x0  }
0x6: {  	s8 =	sshrl.u32 s0, $0x1;
	[smem:$0x7FF] =	sst s2;
	p0 =	por !p0, !p1  }
0x7: {  	s7 =	sshrl.u32 s5, $0x3;
	s0 =	ssub.s32 s0, s8;
	p0 =	por !p0, !p0  }
0x8: {  	s16 =	sshll.u32 s5, $0x6;
	_ =	strace $0x80000047;
	s3 =	simm.s32 @!p0 $0x0  }
0x9: {  	s4 =	sadd.s32 s7, s4;
	s0 =	smax.u32 s0, $0x1;
	s3 =	ssub.s32 s9, s3  }
0xa: {  	s17 =	sadd.s32 $0x800, s4;
	[dreg:$0x18] =	wrdreg s0;
	s15 =	sshll.u32 s3, $0xF  }
0xb: {  	s4 =	sadd.s32 $0x1800, s4;
	[dreg:$0x4] =	wrdreg s17;
	s7 =	sand.u32 $0x1FFF8000, s15  }
0xc: {  	[dreg:$0x17] =	wrdreg s4;
	s5 =	sadd.s32 s1, s7;
	s1 =	sadd.s32 s6, s16  }
0xd: {  	s6 =	sadd.s32 $0x800, s1;
	[dreg:$0x5] =	wrdreg s1  }
0xe: {  	s18 =	sadd.s32 $0x1000, s1;
	[dreg:$0x6] =	wrdreg s6  }
0xf: {  	s19 =	sadd.s32 $0x1800, s1;
	[dreg:$0x7] =	wrdreg s18  }
0x10: {  	s20 =	sadd.s32 $0x2000, s1;
	[dreg:$0x8] =	wrdreg s19  }
0x11: {  	s21 =	sadd.s32 $0x2800, s1;
	[dreg:$0x9] =	wrdreg s20  }
0x12: {  	s22 =	sadd.s32 $0x3000, s1;
	[dreg:$0xa] =	wrdreg s21  }
0x13: {  	s23 =	sadd.s32 $0x3800, s1;
	[dreg:$0xb] =	wrdreg s22  }
0x14: {  	s24 =	sadd.s32 $0x4000, s1;
	[dreg:$0xc] =	wrdreg s23  }
0x15: {  	s25 =	sadd.s32 $0x4800, s1;
	[dreg:$0xd] =	wrdreg s24  }
0x16: {  	s26 =	sadd.s32 $0x5000, s1;
	[dreg:$0xe] =	wrdreg s25  }
0x17: {  	s3 =	sadd.s32 $0x5800, s1;
	[dreg:$0xf] =	wrdreg s26  }
0x18: {  	s7 =	sadd.s32 $0x6000, s1;
	[dreg:$0x10] =	wrdreg s3  }
0x19: {  	s8 =	sadd.s32 $0x6800, s1;
	[dreg:$0x11] =	wrdreg s7  }
0x1a: {  	s9 =	sadd.s32 $0x7000, s1;
	[dreg:$0x12] =	wrdreg s8  }
0x1b: {  	s10 =	sadd.s32 $0x7800, s1;
	[dreg:$0x13] =	wrdreg s9  }
0x1c: {  	s11 =	sadd.s32 $0x8000, s1;
	[dreg:$0x14] =	wrdreg s10  }
0x1d: {  	s12 =	sadd.s32 $0x8800, s1;
	[dreg:$0x15] =	wrdreg s11  }
0x1e: {  	s28 =	simm.s32 $0x7800;
	s13 =	sadd.s32 $0x9000, s1;
	[dreg:$0x16] =	wrdreg s12  }
0x1f: {  	s30 =	simm.s32 $0x8000;
	s14 =	sadd.s32 $0x9800, s1;
	[dreg:$0x19] =	wrdreg s13  }
0x20: {  	s29 =	simm.s32 $0x8800;
	s15 =	sadd.s32 $0xA000, s1;
	[dreg:$0x1a] =	wrdreg s14  }
0x21: {  	s31 =	simm.s32 $0x10800;
	s16 =	sadd.s32 $0xA800, s1;
	[dreg:$0x1b] =	wrdreg s15  }
0x22: {  	s0 =	simm.s32 $0x0;
	s17 =	sadd.s32 $0xB000, s1;
	[dreg:$0x1c] =	wrdreg s16  }
0x23: {  	s4 =	simm.s32 $0x3800;
	[dreg:$0x1d] =	wrdreg s17;
	s18 =	sadd.s32 $0xB800, s1  }
0x24: {  	s19 =	sadd.s32 $0xC000, s1;
	s20 =	sadd.s32 $0xC800, s1;
	s21 =	sadd.s32 $0xD000, s1  }
0x25: {  	s22 =	sadd.s32 $0xD800, s1;
	s23 =	sadd.s32 $0xE000, s1;
	[dreg:$0x1e] =	wrdreg s18  }
0x26: {  	s24 =	sadd.s32 $0xE800, s1;
	s25 =	sadd.s32 $0xF000, s1;
	[dreg:$0x1f] =	wrdreg s19  }
0x27: {  	s26 =	sadd.s32 $0xF800, s1;
	s13 =	simm.s32 $0xF;
	[smem:$0x7F7] =	sst s20  }
0x28: {  	s1 =	simm.s32 $0x1000;
	s3 =	simm.s32 $0x1800;
	[smem:$0x7F8] =	sst s21  }
0x29: {  	s15 =	simm.s32 $0x2000;
	s7 =	simm.s32 $0x4000;
	[smem:$0x7F9] =	sst s22  }
0x2a: {  	s9 =	simm.s32 $0x4800;
	s8 =	simm.s32 $0x5000;
	[smem:$0x7FA] =	sst s23  }
0x2b: {  	s10 =	simm.s32 $0x5800;
	s12 =	simm.s32 $0xA000;
	[smem:$0x7FB] =	sst s24  }
0x2c: {  	s16 =	simm.s32 $0xC800;
	s14 =	simm.s32 $0xD000;
	[smem:$0x7FC] =	sst s25  }
0x2d: {  	s11 =	simm.s32 $0xD800;
	s17 =	simm.s32 $0xE000;
	[smem:$0x7FD] =	sst s26  }
0x2e: {  	v2 =	vlaneseq.u32;
	s19 =	simm.s32 $0x800;
	s18 =	simm.s32 $0x2800;
	s24 =	simm.s32 $0x6000  }
0x2f: {  	vm0 =	vmmov $0xffff;
	v3 =	vimm.s32 $0x0;
	v1 =	vshrl.u32 v2, $0x3;
	s25 =	simm.s32 $0x6800;
	s26 =	simm.s32 $0x7000;
	s20 =	simm.s32 $0xE800  }
0x30: {  	v0 =	vand.u32 $0x7, v2;
	v2 =	vor.u32 $0x8, v2;
	v1 =	vmul.u32 $0x8, v1;
	s21 =	simm.s32 $0xF000;
	s23 =	simm.s32 $0xF800;
	s22 =	simm.s32 $0x10000  }
.LBB2_1:
0x31: {  	[smem:$0x7F6] =	sst s0  }
0x32: {  	s6 =	rddreg [dreg:$0x4]  }
0x33: {  	[tilespmem:s2], [sflag:$0xF] =	stream.linear.gather [hbm4b:s6+s2], $0x400, $0x38;
	[tilespmem:$0x1C800] =	vst v63  }
0x34: {  	_ =	swait.ge [sflag:s13], $0x400  }
0x35: {  	[sflag:s13] =	ssyncset.done $0x0  }
0x36: {  	[sflag:s13] =	ssyncadd.s32 $0xFFFFFC00  }
0x37: {  	v4 =	vld [tilespmem:$0x0];
	_ =	sdelay $0x4  }
0x38: {  	v5 =	vshll.u32 v4, $0x2  }
0x39: {  	v4 =	vand.u32 $0x7, v4;
	v5 =	vand.u32 $0xFFFFFFE0, v5  }
0x3a: {  	v4 =	vor.u32 v4, v5  }
0x3b: {  	v5 =	vperm.xlane v4, v0;
	_ =	sdelay $0x1  }
0x3c: {  	v5 =	vadd.s32 v1, v5;
	_ =	sdelay $0x1  }
0x3d: {  	v4 =	vperm.xlane v4, v2;
	_ =	sdelay $0x1  }
0x3e: {  	v4 =	vadd.s32 v1, v4  }
0x3f: {  	[tilespmem:s19], [sflag:$0x1] =	stream.indirect_vreg.gather [hbm4b:s5+s2], $0x80, v5, vm0, $0xb8;
	[tilespmem:$0x1C800] =	vst v63  }
0x40: {  	s6 =	sadd.s32 $0x100, s5  }
0x41: {  	[tilespmem:s1], [sflag:$0x1] =	stream.indirect_vreg.gather [hbm4b:s6+s2], $0x80, v5, vm0, $0xb8;
	[tilespmem:$0x1C800] =	vst v63  }
0x42: {  	_ = 	snop  }
0x43: {  	[tilespmem:s3], [sflag:$0x1] =	stream.indirect_vreg.gather [hbm4b:s5+s2], $0x80, v4, vm0, $0xb8;
	[tilespmem:$0x1C800] =	vst v63  }
0x44: {  	_ = 	snop  }
0x45: {  	[tilespmem:s15], [sflag:$0x1] =	stream.indirect_vreg.gather [hbm4b:s6+s2], $0x80, v4, vm0, $0xb8;
	[tilespmem:$0x1C800] =	vst v63  }
0x46: {  	v4 =	vld [tilespmem:$0x10];
	_ =	sdelay $0x4  }
0x47: {  	v5 =	vshll.u32 v4, $0x2  }
0x48: {  	v4 =	vand.u32 $0x7, v4;
	v5 =	vand.u32 $0xFFFFFFE0, v5  }
0x49: {  	v4 =	vor.u32 v4, v5  }
0x4a: {  	v5 =	vperm.xlane v4, v0;
	_ =	sdelay $0x1  }
0x4b: {  	v5 =	vadd.s32 v1, v5;
	_ =	sdelay $0x1  }
0x4c: {  	v4 =	vperm.xlane v4, v2;
	_ =	sdelay $0x1  }
0x4d: {  	v4 =	vadd.s32 v1, v4  }
0x4e: {  	[tilespmem:s18], [sflag:$0x1] =	stream.indirect_vreg.gather [hbm4b:s5+s2], $0x80, v5, vm0, $0xb8;
	[tilespmem:$0x1C800] =	vst v63  }
0x4f: {  	s3 =	simm.s32 $0x3000  }
0x50: {  	[tilespmem:s3], [sflag:$0x1] =	stream.indirect_vreg.gather [hbm4b:s6+s2], $0x80, v5, vm0, $0xb8;
	[tilespmem:$0x1C800] =	vst v63  }
0x51: {  	_ = 	snop  }
0x52: {  	[tilespmem:s4], [sflag:$0x1] =	stream.indirect_vreg.gather [hbm4b:s5+s2], $0x80, v4, vm0, $0xb8;
	[tilespmem:$0x1C800] =	vst v63  }
0x53: {  	_ = 	snop  }
0x54: {  	[tilespmem:s7], [sflag:$0x1] =	stream.indirect_vreg.gather [hbm4b:s6+s2], $0x80, v4, vm0, $0xb8;
	[tilespmem:$0x1C800] =	vst v63  }
0x55: {  	v4 =	vld [tilespmem:$0x20];
	_ =	sdelay $0x4  }
0x56: {  	v5 =	vshll.u32 v4, $0x2  }
0x57: {  	v4 =	vand.u32 $0x7, v4;
	v5 =	vand.u32 $0xFFFFFFE0, v5  }
0x58: {  	v4 =	vor.u32 v4, v5  }
0x59: {  	v5 =	vperm.xlane v4, v0;
	_ =	sdelay $0x1  }
0x5a: {  	v5 =	vadd.s32 v1, v5;
	_ =	sdelay $0x1  }
0x5b: {  	v4 =	vperm.xlane v4, v2;
	_ =	sdelay $0x1  }
0x5c: {  	v4 =	vadd.s32 v1, v4  }
0x5d: {  	[tilespmem:s9], [sflag:$0x2] =	stream.indirect_vreg.gather [hbm4b:s5+s2], $0x80, v5, vm0, $0xb8;
	[tilespmem:$0x1C800] =	vst v63  }
0x5e: {  	_ = 	snop  }
0x5f: {  	[tilespmem:s8], [sflag:$0x2] =	stream.indirect_vreg.gather [hbm4b:s6+s2], $0x80, v5, vm0, $0xb8;
	[tilespmem:$0x1C800] =	vst v63  }
0x60: {  	_ = 	snop  }
0x61: {  	[tilespmem:s10], [sflag:$0x2] =	stream.indirect_vreg.gather [hbm4b:s5+s2], $0x80, v4, vm0, $0xb8;
	[tilespmem:$0x1C800] =	vst v63  }
0x62: {  	_ = 	snop  }
0x63: {  	[tilespmem:s24], [sflag:$0x2] =	stream.indirect_vreg.gather [hbm4b:s6+s2], $0x80, v4, vm0, $0xb8;
	[tilespmem:$0x1C800] =	vst v63  }
0x64: {  	v4 =	vld [tilespmem:$0x30];
	_ =	sdelay $0x4  }
0x65: {  	v5 =	vshll.u32 v4, $0x2  }
0x66: {  	v4 =	vand.u32 $0x7, v4;
	v5 =	vand.u32 $0xFFFFFFE0, v5  }
0x67: {  	v4 =	vor.u32 v4, v5  }
0x68: {  	v5 =	vperm.xlane v4, v0;
	_ =	sdelay $0x1  }
0x69: {  	v5 =	vadd.s32 v1, v5;
	_ =	sdelay $0x1  }
0x6a: {  	v4 =	vperm.xlane v4, v2;
	_ =	sdelay $0x1  }
0x6b: {  	v4 =	vadd.s32 v1, v4  }
0x6c: {  	[tilespmem:s25], [sflag:$0x2] =	stream.indirect_vreg.gather [hbm4b:s5+s2], $0x80, v5, vm0, $0xb8;
	[tilespmem:$0x1C800] =	vst v63  }
0x6d: {  	_ = 	snop  }
0x6e: {  	[tilespmem:s26], [sflag:$0x2] =	stream.indirect_vreg.gather [hbm4b:s6+s2], $0x80, v5, vm0, $0xb8;
	[tilespmem:$0x1C800] =	vst v63  }
0x6f: {  	_ = 	snop  }
0x70: {  	[tilespmem:s28], [sflag:$0x2] =	stream.indirect_vreg.gather [hbm4b:s5+s2], $0x80, v4, vm0, $0xb8;
	[tilespmem:$0x1C800] =	vst v63  }
0x71: {  	_ = 	snop  }
0x72: {  	[tilespmem:s30], [sflag:$0x2] =	stream.indirect_vreg.gather [hbm4b:s6+s2], $0x80, v4, vm0, $0xb8;
	[tilespmem:$0x1C800] =	vst v63  }
0x73: {  	v4 =	vld [tilespmem:$0x40];
	_ =	sdelay $0x4  }
0x74: {  	v5 =	vshll.u32 v4, $0x2  }
0x75: {  	v4 =	vand.u32 $0x7, v4;
	v5 =	vand.u32 $0xFFFFFFE0, v5  }
0x76: {  	v4 =	vor.u32 v4, v5  }
0x77: {  	v5 =	vperm.xlane v4, v0;
	_ =	sdelay $0x1  }
0x78: {  	v5 =	vadd.s32 v1, v5;
	_ =	sdelay $0x1  }
0x79: {  	v4 =	vperm.xlane v4, v2;
	_ =	sdelay $0x1  }
0x7a: {  	v4 =	vadd.s32 v1, v4  }
0x7b: {  	[tilespmem:s29], [sflag:$0x3] =	stream.indirect_vreg.gather [hbm4b:s5+s2], $0x80, v5, vm0, $0xb8;
	[tilespmem:$0x1C800] =	vst v63  }
0x7c: {  	s8 =	simm.s32 $0x9000  }
0x7d: {  	[tilespmem:s8], [sflag:$0x3] =	stream.indirect_vreg.gather [hbm4b:s6+s2], $0x80, v5, vm0, $0xb8;
	[tilespmem:$0x1C800] =	vst v63  }
0x7e: {  	s9 =	simm.s32 $0x9800  }
0x7f: {  	[tilespmem:s9], [sflag:$0x3] =	stream.indirect_vreg.gather [hbm4b:s5+s2], $0x80, v4, vm0, $0xb8;
	[tilespmem:$0x1C800] =	vst v63  }
0x80: {  	_ = 	snop  }
0x81: {  	[tilespmem:s12], [sflag:$0x3] =	stream.indirect_vreg.gather [hbm4b:s6+s2], $0x80, v4, vm0, $0xb8;
	[tilespmem:$0x1C800] =	vst v63  }
0x82: {  	v4 =	vld [tilespmem:$0x50];
	_ =	sdelay $0x4  }
0x83: {  	v5 =	vshll.u32 v4, $0x2  }
0x84: {  	v4 =	vand.u32 $0x7, v4;
	v5 =	vand.u32 $0xFFFFFFE0, v5  }
0x85: {  	v4 =	vor.u32 v4, v5  }
0x86: {  	v5 =	vperm.xlane v4, v0;
	_ =	sdelay $0x1  }
0x87: {  	v5 =	vadd.s32 v1, v5;
	_ =	sdelay $0x1  }
0x88: {  	v4 =	vperm.xlane v4, v2;
	_ =	sdelay $0x1  }
0x89: {  	s10 =	simm.s32 $0xA800;
	v4 =	vadd.s32 v1, v4  }
0x8a: {  	[tilespmem:s10], [sflag:$0x3] =	stream.indirect_vreg.gather [hbm4b:s5+s2], $0x80, v5, vm0, $0xb8;
	[tilespmem:$0x1C800] =	vst v63  }
0x8b: {  	s12 =	simm.s32 $0xB000  }
0x8c: {  	[tilespmem:s12], [sflag:$0x3] =	stream.indirect_vreg.gather [hbm4b:s6+s2], $0x80, v5, vm0, $0xb8;
	[tilespmem:$0x1C800] =	vst v63  }
0x8d: {  	s13 =	simm.s32 $0xB800  }
0x8e: {  	[tilespmem:s13], [sflag:$0x3] =	stream.indirect_vreg.gather [hbm4b:s5+s2], $0x80, v4, vm0, $0xb8;
	[tilespmem:$0x1C800] =	vst v63  }
0x8f: {  	s15 =	simm.s32 $0xC000  }
0x90: {  	[tilespmem:s15], [sflag:$0x3] =	stream.indirect_vreg.gather [hbm4b:s6+s2], $0x80, v4, vm0, $0xb8;
	[tilespmem:$0x1C800] =	vst v63  }
0x91: {  	v4 =	vld [tilespmem:$0x60];
	_ =	sdelay $0x4  }
0x92: {  	v5 =	vshll.u32 v4, $0x2  }
0x93: {  	v4 =	vand.u32 $0x7, v4;
	v5 =	vand.u32 $0xFFFFFFE0, v5  }
0x94: {  	v4 =	vor.u32 v4, v5  }
0x95: {  	v5 =	vperm.xlane v4, v0;
	_ =	sdelay $0x1  }
0x96: {  	v5 =	vadd.s32 v1, v5;
	_ =	sdelay $0x1  }
0x97: {  	v4 =	vperm.xlane v4, v2;
	_ =	sdelay $0x1  }
0x98: {  	v4 =	vadd.s32 v1, v4  }
0x99: {  	[tilespmem:s16], [sflag:$0x4] =	stream.indirect_vreg.gather [hbm4b:s5+s2], $0x80, v5, vm0, $0xb8;
	[tilespmem:$0x1C800] =	vst v63  }
0x9a: {  	_ = 	snop  }
0x9b: {  	[tilespmem:s14], [sflag:$0x4] =	stream.indirect_vreg.gather [hbm4b:s6+s2], $0x80, v5, vm0, $0xb8;
	[tilespmem:$0x1C800] =	vst v63  }
0x9c: {  	_ = 	snop  }
0x9d: {  	[tilespmem:s11], [sflag:$0x4] =	stream.indirect_vreg.gather [hbm4b:s5+s2], $0x80, v4, vm0, $0xb8;
	[tilespmem:$0x1C800] =	vst v63  }
0x9e: {  	_ = 	snop  }
0x9f: {  	[tilespmem:s17], [sflag:$0x4] =	stream.indirect_vreg.gather [hbm4b:s6+s2], $0x80, v4, vm0, $0xb8;
	[tilespmem:$0x1C800] =	vst v63  }
0xa0: {  	v4 =	vld [tilespmem:$0x70];
	_ =	sdelay $0x4  }
0xa1: {  	v5 =	vshll.u32 v4, $0x2  }
0xa2: {  	v4 =	vand.u32 $0x7, v4;
	v5 =	vand.u32 $0xFFFFFFE0, v5  }
0xa3: {  	v4 =	vor.u32 v4, v5  }
0xa4: {  	v5 =	vperm.xlane v4, v0;
	_ =	sdelay $0x1  }
0xa5: {  	v5 =	vadd.s32 v1, v5;
	_ =	sdelay $0x1  }
0xa6: {  	v4 =	vperm.xlane v4, v2;
	_ =	sdelay $0x1  }
0xa7: {  	v4 =	vadd.s32 v1, v4  }
0xa8: {  	[tilespmem:s20], [sflag:$0x4] =	stream.indirect_vreg.gather [hbm4b:s5+s2], $0x80, v5, vm0, $0xb8;
	[tilespmem:$0x1C800] =	vst v63  }
0xa9: {  	_ = 	snop  }
0xaa: {  	[tilespmem:s21], [sflag:$0x4] =	stream.indirect_vreg.gather [hbm4b:s6+s2], $0x80, v5, vm0, $0xb8;
	[tilespmem:$0x1C800] =	vst v63  }
0xab: {  	_ = 	snop  }
0xac: {  	[tilespmem:s23], [sflag:$0x4] =	stream.indirect_vreg.gather [hbm4b:s5+s2], $0x80, v4, vm0, $0xb8;
	[tilespmem:$0x1C800] =	vst v63  }
0xad: {  	_ = 	snop  }
0xae: {  	[tilespmem:s22], [sflag:$0x4] =	stream.indirect_vreg.gather [hbm4b:s6+s2], $0x80, v4, vm0, $0xb8;
	[tilespmem:$0x1C800] =	vst v63  }
0xaf: {  	v4 =	vld [tilespmem:$0x80];
	_ =	sdelay $0x4  }
0xb0: {  	v5 =	vshll.u32 v4, $0x2  }
0xb1: {  	v4 =	vand.u32 $0x7, v4;
	v5 =	vand.u32 $0xFFFFFFE0, v5  }
0xb2: {  	v4 =	vor.u32 v4, v5  }
0xb3: {  	v5 =	vperm.xlane v4, v0;
	_ =	sdelay $0x1  }
0xb4: {  	v5 =	vadd.s32 v1, v5;
	_ =	sdelay $0x1  }
0xb5: {  	v4 =	vperm.xlane v4, v2;
	_ =	sdelay $0x1  }
0xb6: {  	v4 =	vadd.s32 v1, v4  }
0xb7: {  	[tilespmem:s31], [sflag:$0x5] =	stream.indirect_vreg.gather [hbm4b:s5+s2], $0x80, v5, vm0, $0xb8;
	[tilespmem:$0x1C800] =	vst v63  }
0xb8: {  	s16 =	simm.s32 $0x11000  }
0xb9: {  	[tilespmem:s16], [sflag:$0x5] =	stream.indirect_vreg.gather [hbm4b:s6+s2], $0x80, v5, vm0, $0xb8;
	[tilespmem:$0x1C800] =	vst v63  }
0xba: {  	s17 =	simm.s32 $0x11800  }
0xbb: {  	[tilespmem:s17], [sflag:$0x5] =	stream.indirect_vreg.gather [hbm4b:s5+s2], $0x80, v4, vm0, $0xb8;
	[tilespmem:$0x1C800] =	vst v63  }
0xbc: {  	s18 =	simm.s32 $0x12000  }
0xbd: {  	[tilespmem:s18], [sflag:$0x5] =	stream.indirect_vreg.gather [hbm4b:s6+s2], $0x80, v4, vm0, $0xb8;
	[tilespmem:$0x1C800] =	vst v63  }
0xbe: {  	v4 =	vld [tilespmem:$0x90];
	_ =	sdelay $0x4  }
0xbf: {  	v5 =	vshll.u32 v4, $0x2  }
0xc0: {  	v4 =	vand.u32 $0x7, v4;
	v5 =	vand.u32 $0xFFFFFFE0, v5  }
0xc1: {  	v4 =	vor.u32 v4, v5  }
0xc2: {  	v5 =	vperm.xlane v4, v0;
	_ =	sdelay $0x1  }
0xc3: {  	v5 =	vadd.s32 v1, v5;
	_ =	sdelay $0x1  }
0xc4: {  	v4 =	vperm.xlane v4, v2;
	_ =	sdelay $0x1  }
0xc5: {  	s19 =	simm.s32 $0x12800;
	v4 =	vadd.s32 v1, v4  }
0xc6: {  	[tilespmem:s19], [sflag:$0x5] =	stream.indirect_vreg.gather [hbm4b:s5+s2], $0x80, v5, vm0, $0xb8;
	[tilespmem:$0x1C800] =	vst v63  }
0xc7: {  	s20 =	simm.s32 $0x13000  }
0xc8: {  	[tilespmem:s20], [sflag:$0x5] =	stream.indirect_vreg.gather [hbm4b:s6+s2], $0x80, v5, vm0, $0xb8;
	[tilespmem:$0x1C800] =	vst v63  }
0xc9: {  	s21 =	simm.s32 $0x13800  }
0xca: {  	[tilespmem:s21], [sflag:$0x5] =	stream.indirect_vreg.gather [hbm4b:s5+s2], $0x80, v4, vm0, $0xb8;
	[tilespmem:$0x1C800] =	vst v63  }
0xcb: {  	s22 =	simm.s32 $0x14000  }
0xcc: {  	[tilespmem:s22], [sflag:$0x5] =	stream.indirect_vreg.gather [hbm4b:s6+s2], $0x80, v4, vm0, $0xb8;
	[tilespmem:$0x1C800] =	vst v63  }
0xcd: {  	v4 =	vld [tilespmem:$0xA0];
	_ =	sdelay $0x4  }
0xce: {  	v5 =	vshll.u32 v4, $0x2  }
0xcf: {  	v4 =	vand.u32 $0x7, v4;
	v5 =	vand.u32 $0xFFFFFFE0, v5  }
0xd0: {  	v4 =	vor.u32 v4, v5  }
0xd1: {  	v5 =	vperm.xlane v4, v0;
	_ =	sdelay $0x1  }
0xd2: {  	v5 =	vadd.s32 v1, v5;
	_ =	sdelay $0x1  }
0xd3: {  	v4 =	vperm.xlane v4, v2;
	_ =	sdelay $0x1  }
0xd4: {  	s23 =	simm.s32 $0x14800;
	v4 =	vadd.s32 v1, v4  }
0xd5: {  	[tilespmem:s23], [sflag:$0x6] =	stream.indirect_vreg.gather [hbm4b:s5+s2], $0x80, v5, vm0, $0xb8;
	[tilespmem:$0x1C800] =	vst v63  }
0xd6: {  	s24 =	simm.s32 $0x15000  }
0xd7: {  	[tilespmem:s24], [sflag:$0x6] =	stream.indirect_vreg.gather [hbm4b:s6+s2], $0x80, v5, vm0, $0xb8;
	[tilespmem:$0x1C800] =	vst v63  }
0xd8: {  	s25 =	simm.s32 $0x15800  }
0xd9: {  	[tilespmem:s25], [sflag:$0x6] =	stream.indirect_vreg.gather [hbm4b:s5+s2], $0x80, v4, vm0, $0xb8;
	[tilespmem:$0x1C800] =	vst v63  }
0xda: {  	s26 =	simm.s32 $0x16000  }
0xdb: {  	[tilespmem:s26], [sflag:$0x6] =	stream.indirect_vreg.gather [hbm4b:s6+s2], $0x80, v4, vm0, $0xb8;
	[tilespmem:$0x1C800] =	vst v63  }
0xdc: {  	v4 =	vld [tilespmem:$0xB0];
	_ =	sdelay $0x4  }
0xdd: {  	v5 =	vshll.u32 v4, $0x2  }
0xde: {  	v4 =	vand.u32 $0x7, v4;
	v5 =	vand.u32 $0xFFFFFFE0, v5  }
0xdf: {  	v4 =	vor.u32 v4, v5  }
0xe0: {  	v5 =	vperm.xlane v4, v0;
	_ =	sdelay $0x1  }
0xe1: {  	v5 =	vadd.s32 v1, v5;
	_ =	sdelay $0x1  }
0xe2: {  	v4 =	vperm.xlane v4, v2;
	_ =	sdelay $0x1  }
0xe3: {  	s28 =	simm.s32 $0x16800;
	v4 =	vadd.s32 v1, v4  }
0xe4: {  	[tilespmem:s28], [sflag:$0x6] =	stream.indirect_vreg.gather [hbm4b:s5+s2], $0x80, v5, vm0, $0xb8;
	[tilespmem:$0x1C800] =	vst v63  }
0xe5: {  	s29 =	simm.s32 $0x17000  }
0xe6: {  	[tilespmem:s29], [sflag:$0x6] =	stream.indirect_vreg.gather [hbm4b:s6+s2], $0x80, v5, vm0, $0xb8;
	[tilespmem:$0x1C800] =	vst v63  }
0xe7: {  	s30 =	simm.s32 $0x17800  }
0xe8: {  	[tilespmem:s30], [sflag:$0x6] =	stream.indirect_vreg.gather [hbm4b:s5+s2], $0x80, v4, vm0, $0xb8;
	[tilespmem:$0x1C800] =	vst v63  }
0xe9: {  	s15 =	simm.s32 $0x0;
	s31 =	simm.s32 $0x18000  }
0xea: {  	[tilespmem:s31], [sflag:$0x6] =	stream.indirect_vreg.gather [hbm4b:s6+s2], $0x80, v4, vm0, $0xb8;
	[tilespmem:$0x1C800] =	vst v63  }
0xeb: {  	v4 =	vld [tilespmem:s15+$0x0]  }
0xec: {  	s13 =	simm.s32 $0x800;
	s16 =	simm.s32 $0x40  }
.LBB2_2:
0xed: {  	p0 =	sne.s32 s16, $0xFC0  }
.Ltmp0:
0xee: {  	_ = 	snop;
	(pc) =	sbr.rel @p0 .LBB2_2-.Ltmp0, $4  }
0xef: {  	_ = 	snop  }
0xf0: {  	s17 =	sshra.s32 s16, $0x2;
	s16 =	sadd.s32 $0x40, s16;
	vm1 =	vne.s32 v4, $0x1FF  }
0xf1: {  	v4 =	vld [tilespmem:s17+$0x0];
	v5 =	vsel vm1, $0x1, v3  }
0xf2: {  	[tilespmem:s15+$0x400] =	vst v5;
	s15 =	smov.u32 s17  }
0xf3: {  	_ =	sdelay $0x2  }
0xf4: {  	vm1 =	vne.s32 v4, $0x1FF  }
0xf5: {  	v4 =	vsel vm1, $0x1, v3  }
0xf6: {  	[tilespmem:s15+$0x400] =	vst v4  }
0xf7: {  	v4 =	vld [tilespmem:$0xC0];
	_ =	sdelay $0x4  }
0xf8: {  	v5 =	vshll.u32 v4, $0x2  }
0xf9: {  	v4 =	vand.u32 $0x7, v4;
	v5 =	vand.u32 $0xFFFFFFE0, v5  }
0xfa: {  	v4 =	vor.u32 v4, v5  }
0xfb: {  	v5 =	vperm.xlane v4, v0;
	_ =	sdelay $0x1  }
0xfc: {  	v5 =	vadd.s32 v1, v5;
	_ =	sdelay $0x1  }
0xfd: {  	v4 =	vperm.xlane v4, v2;
	_ =	sdelay $0x1  }
0xfe: {  	s0 =	simm.s32 $0x18800;
	v4 =	vadd.s32 v1, v4  }
0xff: {  	[tilespmem:s0], [sflag:$0x7] =	stream.indirect_vreg.gather [hbm4b:s5+s2], $0x80, v5, vm0, $0xb8;
	[tilespmem:$0x1C800] =	vst v63  }
0x100: {  	s24 =	simm.s32 $0x19000  }
0x101: {  	[tilespmem:s24], [sflag:$0x7] =	stream.indirect_vreg.gather [hbm4b:s6+s2], $0x80, v5, vm0, $0xb8;
	[tilespmem:$0x1C800] =	vst v63  }
0x102: {  	s25 =	simm.s32 $0x19800  }
0x103: {  	[tilespmem:s25], [sflag:$0x7] =	stream.indirect_vreg.gather [hbm4b:s5+s2], $0x80, v4, vm0, $0xb8;
	[tilespmem:$0x1C800] =	vst v63  }
0x104: {  	s26 =	simm.s32 $0x1A000  }
0x105: {  	[tilespmem:s26], [sflag:$0x7] =	stream.indirect_vreg.gather [hbm4b:s6+s2], $0x80, v4, vm0, $0xb8;
	[tilespmem:$0x1C800] =	vst v63  }
0x106: {  	v4 =	vld [tilespmem:$0xD0];
	_ =	sdelay $0x4  }
0x107: {  	v5 =	vshll.u32 v4, $0x2  }
0x108: {  	v4 =	vand.u32 $0x7, v4;
	v5 =	vand.u32 $0xFFFFFFE0, v5  }
0x109: {  	v4 =	vor.u32 v4, v5  }
0x10a: {  	v5 =	vperm.xlane v4, v0;
	_ =	sdelay $0x1  }
0x10b: {  	v5 =	vadd.s32 v1, v5;
	_ =	sdelay $0x1  }
0x10c: {  	v4 =	vperm.xlane v4, v2;
	_ =	sdelay $0x1  }
0x10d: {  	s1 =	simm.s32 $0x1A800;
	v4 =	vadd.s32 v1, v4  }
0x10e: {  	[tilespmem:s1], [sflag:$0x7] =	stream.indirect_vreg.gather [hbm4b:s5+s2], $0x80, v5, vm0, $0xb8;
	[tilespmem:$0x1C800] =	vst v63  }
0x10f: {  	s3 =	simm.s32 $0x1B000  }
0x110: {  	[tilespmem:s3], [sflag:$0x7] =	stream.indirect_vreg.gather [hbm4b:s6+s2], $0x80, v5, vm0, $0xb8;
	[tilespmem:$0x1C800] =	vst v63  }
0x111: {  	s4 =	simm.s32 $0x1B800  }
0x112: {  	[tilespmem:s4], [sflag:$0x7] =	stream.indirect_vreg.gather [hbm4b:s5+s2], $0x80, v4, vm0, $0xb8;
	[tilespmem:$0x1C800] =	vst v63  }
0x113: {  	s7 =	simm.s32 $0x1C000;
	s12 =	simm.s32 $0x1  }
0x114: {  	[tilespmem:s7], [sflag:$0x7] =	stream.indirect_vreg.gather [hbm4b:s6+s2], $0x80, v4, vm0, $0xb8;
	[tilespmem:$0x1C800] =	vst v63  }
0x115: {  	_ =	swait.ge [sflag:s12], $0x4000  }
0x116: {  	[sflag:s12] =	ssyncset.done $0x0  }
0x117: {  	s30 =	simm.s32 $0x8;
	s8 =	rddreg [dreg:$0x5];
	[sflag:s12] =	ssyncadd.s32 $0xFFFFC000  }
0x118: {  	[hbm4b:s8+s2] =	stream.linear.scatter [tilespmem:s13], [sflag:$0x8], $0x4000, $0x38;
	[tilespmem:$0x1C800] =	vst v63  }
0x119: {  	_ =	swait.ge [sflag:s30], $0x4000  }
0x11a: {  	[sflag:s30] =	ssyncset.done $0x0  }
0x11b: {  	[sflag:s30] =	ssyncadd.s32 $0xFFFFC000  }
0x11c: {  	v4 =	vld [tilespmem:$0xE0];
	_ =	sdelay $0x4  }
0x11d: {  	v5 =	vshll.u32 v4, $0x2  }
0x11e: {  	v4 =	vand.u32 $0x7, v4;
	v5 =	vand.u32 $0xFFFFFFE0, v5  }
0x11f: {  	v4 =	vor.u32 v4, v5  }
0x120: {  	v5 =	vperm.xlane v4, v0;
	_ =	sdelay $0x1  }
0x121: {  	v5 =	vadd.s32 v1, v5;
	_ =	sdelay $0x1  }
0x122: {  	v4 =	vperm.xlane v4, v2;
	_ =	sdelay $0x1  }
0x123: {  	v4 =	vadd.s32 v1, v4  }
0x124: {  	[tilespmem:s13], [sflag:$0x1] =	stream.indirect_vreg.gather [hbm4b:s5+s2], $0x80, v5, vm0, $0xb8;
	[tilespmem:$0x1C800] =	vst v63  }
0x125: {  	s9 =	simm.s32 $0x1000  }
0x126: {  	[tilespmem:s9], [sflag:$0x1] =	stream.indirect_vreg.gather [hbm4b:s6+s2], $0x80, v5, vm0, $0xb8;
	[tilespmem:$0x1C800] =	vst v63  }
0x127: {  	s10 =	simm.s32 $0x1800  }
0x128: {  	[tilespmem:s10], [sflag:$0x1] =	stream.indirect_vreg.gather [hbm4b:s5+s2], $0x80, v4, vm0, $0xb8;
	[tilespmem:$0x1C800] =	vst v63  }
0x129: {  	s11 =	simm.s32 $0x2000  }
0x12a: {  	[tilespmem:s11], [sflag:$0x1] =	stream.indirect_vreg.gather [hbm4b:s6+s2], $0x80, v4, vm0, $0xb8;
	[tilespmem:$0x1C800] =	vst v63  }
0x12b: {  	v4 =	vld [tilespmem:$0xF0];
	_ =	sdelay $0x4  }
0x12c: {  	v5 =	vshll.u32 v4, $0x2  }
0x12d: {  	v4 =	vand.u32 $0x7, v4;
	v5 =	vand.u32 $0xFFFFFFE0, v5  }
0x12e: {  	v4 =	vor.u32 v4, v5  }
0x12f: {  	v5 =	vperm.xlane v4, v0;
	_ =	sdelay $0x1  }
0x130: {  	v5 =	vadd.s32 v1, v5;
	_ =	sdelay $0x1  }
0x131: {  	v4 =	vperm.xlane v4, v2;
	_ =	sdelay $0x1  }
0x132: {  	s13 =	simm.s32 $0x2800;
	v4 =	vadd.s32 v1, v4  }
0x133: {  	[tilespmem:s13], [sflag:$0x1] =	stream.indirect_vreg.gather [hbm4b:s5+s2], $0x80, v5, vm0, $0xb8;
	[tilespmem:$0x1C800] =	vst v63  }
0x134: {  	s18 =	simm.s32 $0x3000  }
0x135: {  	[tilespmem:s18], [sflag:$0x1] =	stream.indirect_vreg.gather [hbm4b:s6+s2], $0x80, v5, vm0, $0xb8;
	[tilespmem:$0x1C800] =	vst v63  }
0x136: {  	s14 =	simm.s32 $0x3800  }
0x137: {  	[tilespmem:s14], [sflag:$0x1] =	stream.indirect_vreg.gather [hbm4b:s5+s2], $0x80, v4, vm0, $0xb8;
	[tilespmem:$0x1C800] =	vst v63  }
0x138: {  	s15 =	simm.s32 $0x4000;
	s4 =	simm.s32 $0x2  }
0x139: {  	[tilespmem:s15], [sflag:$0x1] =	stream.indirect_vreg.gather [hbm4b:s6+s2], $0x80, v4, vm0, $0xb8;
	[tilespmem:$0x1C800] =	vst v63  }
0x13a: {  	_ =	swait.ge [sflag:s4], $0x4000  }
0x13b: {  	s1 =	simm.s32 $0x4800;
	[sflag:s4] =	ssyncset.done $0x0  }
0x13c: {  	s7 =	simm.s32 $0x9;
	s17 =	rddreg [dreg:$0x6];
	[sflag:s4] =	ssyncadd.s32 $0xFFFFC000  }
0x13d: {  	[hbm4b:s17+s2] =	stream.linear.scatter [tilespmem:s1], [sflag:$0x9], $0x4000, $0x38;
	[tilespmem:$0x1C800] =	vst v63  }
0x13e: {  	_ =	swait.ge [sflag:s7], $0x4000  }
0x13f: {  	[sflag:s7] =	ssyncset.done $0x0  }
0x140: {  	[sflag:s7] =	ssyncadd.s32 $0xFFFFC000  }
0x141: {  	v4 =	vld [tilespmem:$0x100];
	_ =	sdelay $0x4  }
0x142: {  	v5 =	vshll.u32 v4, $0x2  }
0x143: {  	v4 =	vand.u32 $0x7, v4;
	v5 =	vand.u32 $0xFFFFFFE0, v5  }
0x144: {  	v4 =	vor.u32 v4, v5  }
0x145: {  	v5 =	vperm.xlane v4, v0;
	_ =	sdelay $0x1  }
0x146: {  	v5 =	vadd.s32 v1, v5;
	_ =	sdelay $0x1  }
0x147: {  	v4 =	vperm.xlane v4, v2;
	_ =	sdelay $0x1  }
0x148: {  	s13 =	simm.s32 $0x4800;
	v4 =	vadd.s32 v1, v4  }
0x149: {  	[tilespmem:s13], [sflag:$0x2] =	stream.indirect_vreg.gather [hbm4b:s5+s2], $0x80, v5, vm0, $0xb8;
	[tilespmem:$0x1C800] =	vst v63  }
0x14a: {  	s19 =	simm.s32 $0x5000  }
0x14b: {  	[tilespmem:s19], [sflag:$0x2] =	stream.indirect_vreg.gather [hbm4b:s6+s2], $0x80, v5, vm0, $0xb8;
	[tilespmem:$0x1C800] =	vst v63  }
0x14c: {  	s21 =	simm.s32 $0x5800  }
0x14d: {  	[tilespmem:s21], [sflag:$0x2] =	stream.indirect_vreg.gather [hbm4b:s5+s2], $0x80, v4, vm0, $0xb8;
	[tilespmem:$0x1C800] =	vst v63  }
0x14e: {  	s22 =	simm.s32 $0x6000  }
0x14f: {  	[tilespmem:s22], [sflag:$0x2] =	stream.indirect_vreg.gather [hbm4b:s6+s2], $0x80, v4, vm0, $0xb8;
	[tilespmem:$0x1C800] =	vst v63  }
0x150: {  	v4 =	vld [tilespmem:$0x110];
	_ =	sdelay $0x4  }
0x151: {  	v5 =	vshll.u32 v4, $0x2  }
0x152: {  	v4 =	vand.u32 $0x7, v4;
	v5 =	vand.u32 $0xFFFFFFE0, v5  }
0x153: {  	v4 =	vor.u32 v4, v5  }
0x154: {  	v5 =	vperm.xlane v4, v0;
	_ =	sdelay $0x1  }
0x155: {  	v5 =	vadd.s32 v1, v5;
	_ =	sdelay $0x1  }
0x156: {  	v4 =	vperm.xlane v4, v2;
	_ =	sdelay $0x1  }
0x157: {  	s23 =	simm.s32 $0x6800;
	v4 =	vadd.s32 v1, v4  }
0x158: {  	[tilespmem:s23], [sflag:$0x2] =	stream.indirect_vreg.gather [hbm4b:s5+s2], $0x80, v5, vm0, $0xb8;
	[tilespmem:$0x1C800] =	vst v63  }
0x159: {  	s24 =	simm.s32 $0x7000  }
0x15a: {  	[tilespmem:s24], [sflag:$0x2] =	stream.indirect_vreg.gather [hbm4b:s6+s2], $0x80, v5, vm0, $0xb8;
	[tilespmem:$0x1C800] =	vst v63  }
0x15b: {  	s25 =	simm.s32 $0x7800  }
0x15c: {  	[tilespmem:s25], [sflag:$0x2] =	stream.indirect_vreg.gather [hbm4b:s5+s2], $0x80, v4, vm0, $0xb8;
	[tilespmem:$0x1C800] =	vst v63  }
0x15d: {  	s26 =	simm.s32 $0x8000;
	s8 =	simm.s32 $0x3  }
0x15e: {  	[tilespmem:s26], [sflag:$0x2] =	stream.indirect_vreg.gather [hbm4b:s6+s2], $0x80, v4, vm0, $0xb8;
	[tilespmem:$0x1C800] =	vst v63  }
0x15f: {  	_ =	swait.ge [sflag:s8], $0x4000  }
0x160: {  	s3 =	simm.s32 $0x8800;
	[sflag:s8] =	ssyncset.done $0x0  }
0x161: {  	s10 =	simm.s32 $0xA;
	s1 =	rddreg [dreg:$0x7];
	[sflag:s8] =	ssyncadd.s32 $0xFFFFC000  }
0x162: {  	[hbm4b:s1+s2] =	stream.linear.scatter [tilespmem:s3], [sflag:$0xA], $0x4000, $0x38;
	[tilespmem:$0x1C800] =	vst v63  }
0x163: {  	_ =	swait.ge [sflag:s10], $0x4000  }
0x164: {  	[sflag:s10] =	ssyncset.done $0x0  }
0x165: {  	[sflag:s10] =	ssyncadd.s32 $0xFFFFC000  }
0x166: {  	v4 =	vld [tilespmem:$0x120];
	_ =	sdelay $0x4  }
0x167: {  	v5 =	vshll.u32 v4, $0x2  }
0x168: {  	v4 =	vand.u32 $0x7, v4;
	v5 =	vand.u32 $0xFFFFFFE0, v5  }
0x169: {  	v4 =	vor.u32 v4, v5  }
0x16a: {  	v5 =	vperm.xlane v4, v0;
	_ =	sdelay $0x1  }
0x16b: {  	v5 =	vadd.s32 v1, v5;
	_ =	sdelay $0x1  }
0x16c: {  	v4 =	vperm.xlane v4, v2;
	_ =	sdelay $0x1  }
0x16d: {  	s9 =	simm.s32 $0x8800;
	v4 =	vadd.s32 v1, v4  }
0x16e: {  	[tilespmem:s9], [sflag:$0x3] =	stream.indirect_vreg.gather [hbm4b:s5+s2], $0x80, v5, vm0, $0xb8;
	[tilespmem:$0x1C800] =	vst v63  }
0x16f: {  	s11 =	simm.s32 $0x9000  }
0x170: {  	[tilespmem:s11], [sflag:$0x3] =	stream.indirect_vreg.gather [hbm4b:s6+s2], $0x80, v5, vm0, $0xb8;
	[tilespmem:$0x1C800] =	vst v63  }
0x171: {  	s14 =	simm.s32 $0x9800  }
0x172: {  	[tilespmem:s14], [sflag:$0x3] =	stream.indirect_vreg.gather [hbm4b:s5+s2], $0x80, v4, vm0, $0xb8;
	[tilespmem:$0x1C800] =	vst v63  }
0x173: {  	s15 =	simm.s32 $0xA000  }
0x174: {  	[tilespmem:s15], [sflag:$0x3] =	stream.indirect_vreg.gather [hbm4b:s6+s2], $0x80, v4, vm0, $0xb8;
	[tilespmem:$0x1C800] =	vst v63  }
0x175: {  	v4 =	vld [tilespmem:$0x130];
	_ =	sdelay $0x4  }
0x176: {  	v5 =	vshll.u32 v4, $0x2  }
0x177: {  	v4 =	vand.u32 $0x7, v4;
	v5 =	vand.u32 $0xFFFFFFE0, v5  }
0x178: {  	v4 =	vor.u32 v4, v5  }
0x179: {  	v5 =	vperm.xlane v4, v0;
	_ =	sdelay $0x1  }
0x17a: {  	v5 =	vadd.s32 v1, v5;
	_ =	sdelay $0x1  }
0x17b: {  	v4 =	vperm.xlane v4, v2;
	_ =	sdelay $0x1  }
0x17c: {  	s17 =	simm.s32 $0xA800;
	v4 =	vadd.s32 v1, v4  }
0x17d: {  	[tilespmem:s17], [sflag:$0x3] =	stream.indirect_vreg.gather [hbm4b:s5+s2], $0x80, v5, vm0, $0xb8;
	[tilespmem:$0x1C800] =	vst v63  }
0x17e: {  	s19 =	simm.s32 $0xB000  }
0x17f: {  	[tilespmem:s19], [sflag:$0x3] =	stream.indirect_vreg.gather [hbm4b:s6+s2], $0x80, v5, vm0, $0xb8;
	[tilespmem:$0x1C800] =	vst v63  }
0x180: {  	s21 =	simm.s32 $0xB800  }
0x181: {  	[tilespmem:s21], [sflag:$0x3] =	stream.indirect_vreg.gather [hbm4b:s5+s2], $0x80, v4, vm0, $0xb8;
	[tilespmem:$0x1C800] =	vst v63  }
0x182: {  	s22 =	simm.s32 $0xC000;
	s3 =	simm.s32 $0x4  }
0x183: {  	[tilespmem:s22], [sflag:$0x3] =	stream.indirect_vreg.gather [hbm4b:s6+s2], $0x80, v4, vm0, $0xb8;
	[tilespmem:$0x1C800] =	vst v63  }
0x184: {  	_ =	swait.ge [sflag:s3], $0x4000  }
0x185: {  	[sflag:s3] =	ssyncset.done $0x0  }
0x186: {  	s24 =	simm.s32 $0xC800;
	s23 =	rddreg [dreg:$0x8];
	[sflag:s3] =	ssyncadd.s32 $0xFFFFC000  }
0x187: {  	[hbm4b:s23+s2] =	stream.linear.scatter [tilespmem:s24], [sflag:$0xB], $0x4000, $0x38;
	[tilespmem:$0x1C800] =	vst v63  }
0x188: {  	s24 =	simm.s32 $0xB  }
0x189: {  	_ =	swait.ge [sflag:s24], $0x4000  }
0x18a: {  	[sflag:s24] =	ssyncset.done $0x0  }
0x18b: {  	[sflag:s24] =	ssyncadd.s32 $0xFFFFC000  }
0x18c: {  	v4 =	vld [tilespmem:$0x140];
	_ =	sdelay $0x4  }
0x18d: {  	v5 =	vshll.u32 v4, $0x2  }
0x18e: {  	v4 =	vand.u32 $0x7, v4;
	v5 =	vand.u32 $0xFFFFFFE0, v5  }
0x18f: {  	v4 =	vor.u32 v4, v5  }
0x190: {  	v5 =	vperm.xlane v4, v0;
	_ =	sdelay $0x1  }
0x191: {  	v5 =	vadd.s32 v1, v5;
	_ =	sdelay $0x1  }
0x192: {  	v4 =	vperm.xlane v4, v2;
	_ =	sdelay $0x1  }
0x193: {  	s14 =	simm.s32 $0xC800;
	v4 =	vadd.s32 v1, v4  }
0x194: {  	[tilespmem:s14], [sflag:$0x4] =	stream.indirect_vreg.gather [hbm4b:s5+s2], $0x80, v5, vm0, $0xb8;
	[tilespmem:$0x1C800] =	vst v63  }
0x195: {  	s25 =	simm.s32 $0xD000  }
0x196: {  	[tilespmem:s25], [sflag:$0x4] =	stream.indirect_vreg.gather [hbm4b:s6+s2], $0x80, v5, vm0, $0xb8;
	[tilespmem:$0x1C800] =	vst v63  }
0x197: {  	s26 =	simm.s32 $0xD800  }
0x198: {  	[tilespmem:s26], [sflag:$0x4] =	stream.indirect_vreg.gather [hbm4b:s5+s2], $0x80, v4, vm0, $0xb8;
	[tilespmem:$0x1C800] =	vst v63  }
0x199: {  	s1 =	simm.s32 $0xE000  }
0x19a: {  	[tilespmem:s1], [sflag:$0x4] =	stream.indirect_vreg.gather [hbm4b:s6+s2], $0x80, v4, vm0, $0xb8;
	[tilespmem:$0x1C800] =	vst v63  }
0x19b: {  	v4 =	vld [tilespmem:$0x150];
	_ =	sdelay $0x4  }
0x19c: {  	v5 =	vshll.u32 v4, $0x2  }
0x19d: {  	v4 =	vand.u32 $0x7, v4;
	v5 =	vand.u32 $0xFFFFFFE0, v5  }
0x19e: {  	v4 =	vor.u32 v4, v5  }
0x19f: {  	v5 =	vperm.xlane v4, v0;
	_ =	sdelay $0x1  }
0x1a0: {  	v5 =	vadd.s32 v1, v5;
	_ =	sdelay $0x1  }
0x1a1: {  	v4 =	vperm.xlane v4, v2;
	_ =	sdelay $0x1  }
0x1a2: {  	s9 =	simm.s32 $0xE800;
	v4 =	vadd.s32 v1, v4  }
0x1a3: {  	[tilespmem:s9], [sflag:$0x4] =	stream.indirect_vreg.gather [hbm4b:s5+s2], $0x80, v5, vm0, $0xb8;
	[tilespmem:$0x1C800] =	vst v63  }
0x1a4: {  	s11 =	simm.s32 $0xF000  }
0x1a5: {  	[tilespmem:s11], [sflag:$0x4] =	stream.indirect_vreg.gather [hbm4b:s6+s2], $0x80, v5, vm0, $0xb8;
	[tilespmem:$0x1C800] =	vst v63  }
0x1a6: {  	s15 =	simm.s32 $0xF800  }
0x1a7: {  	[tilespmem:s15], [sflag:$0x4] =	stream.indirect_vreg.gather [hbm4b:s5+s2], $0x80, v4, vm0, $0xb8;
	[tilespmem:$0x1C800] =	vst v63  }
0x1a8: {  	s17 =	simm.s32 $0x10000;
	s25 =	simm.s32 $0x5  }
0x1a9: {  	[tilespmem:s17], [sflag:$0x4] =	stream.indirect_vreg.gather [hbm4b:s6+s2], $0x80, v4, vm0, $0xb8;
	[tilespmem:$0x1C800] =	vst v63  }
0x1aa: {  	_ =	swait.ge [sflag:s25], $0x4000  }
0x1ab: {  	s21 =	simm.s32 $0x10800;
	[sflag:s25] =	ssyncset.done $0x0  }
0x1ac: {  	s23 =	simm.s32 $0xC;
	s19 =	rddreg [dreg:$0x9];
	[sflag:s25] =	ssyncadd.s32 $0xFFFFC000  }
0x1ad: {  	[hbm4b:s19+s2] =	stream.linear.scatter [tilespmem:s21], [sflag:$0xC], $0x4000, $0x38;
	[tilespmem:$0x1C800] =	vst v63  }
0x1ae: {  	_ =	swait.ge [sflag:s23], $0x4000  }
0x1af: {  	[sflag:s23] =	ssyncset.done $0x0  }
0x1b0: {  	[sflag:s23] =	ssyncadd.s32 $0xFFFFC000  }
0x1b1: {  	v4 =	vld [tilespmem:$0x160];
	_ =	sdelay $0x4  }
0x1b2: {  	v5 =	vshll.u32 v4, $0x2  }
0x1b3: {  	v4 =	vand.u32 $0x7, v4;
	v5 =	vand.u32 $0xFFFFFFE0, v5  }
0x1b4: {  	v4 =	vor.u32 v4, v5  }
0x1b5: {  	v5 =	vperm.xlane v4, v0;
	_ =	sdelay $0x1  }
0x1b6: {  	v5 =	vadd.s32 v1, v5;
	_ =	sdelay $0x1  }
0x1b7: {  	v4 =	vperm.xlane v4, v2;
	_ =	sdelay $0x1  }
0x1b8: {  	s22 =	simm.s32 $0x10800;
	v4 =	vadd.s32 v1, v4  }
0x1b9: {  	[tilespmem:s22], [sflag:$0x5] =	stream.indirect_vreg.gather [hbm4b:s5+s2], $0x80, v5, vm0, $0xb8;
	[tilespmem:$0x1C800] =	vst v63  }
0x1ba: {  	s26 =	simm.s32 $0x11000  }
0x1bb: {  	[tilespmem:s26], [sflag:$0x5] =	stream.indirect_vreg.gather [hbm4b:s6+s2], $0x80, v5, vm0, $0xb8;
	[tilespmem:$0x1C800] =	vst v63  }
0x1bc: {  	s1 =	simm.s32 $0x11800  }
0x1bd: {  	[tilespmem:s1], [sflag:$0x5] =	stream.indirect_vreg.gather [hbm4b:s5+s2], $0x80, v4, vm0, $0xb8;
	[tilespmem:$0x1C800] =	vst v63  }
0x1be: {  	s11 =	simm.s32 $0x12000  }
0x1bf: {  	[tilespmem:s11], [sflag:$0x5] =	stream.indirect_vreg.gather [hbm4b:s6+s2], $0x80, v4, vm0, $0xb8;
	[tilespmem:$0x1C800] =	vst v63  }
0x1c0: {  	v4 =	vld [tilespmem:$0x170];
	_ =	sdelay $0x4  }
0x1c1: {  	v5 =	vshll.u32 v4, $0x2  }
0x1c2: {  	v4 =	vand.u32 $0x7, v4;
	v5 =	vand.u32 $0xFFFFFFE0, v5  }
0x1c3: {  	v4 =	vor.u32 v4, v5  }
0x1c4: {  	v5 =	vperm.xlane v4, v0;
	_ =	sdelay $0x1  }
0x1c5: {  	v5 =	vadd.s32 v1, v5;
	_ =	sdelay $0x1  }
0x1c6: {  	v4 =	vperm.xlane v4, v2;
	_ =	sdelay $0x1  }
0x1c7: {  	s15 =	simm.s32 $0x12800;
	v4 =	vadd.s32 v1, v4  }
0x1c8: {  	[tilespmem:s15], [sflag:$0x5] =	stream.indirect_vreg.gather [hbm4b:s5+s2], $0x80, v5, vm0, $0xb8;
	[tilespmem:$0x1C800] =	vst v63  }
0x1c9: {  	s17 =	simm.s32 $0x13000  }
0x1ca: {  	[tilespmem:s17], [sflag:$0x5] =	stream.indirect_vreg.gather [hbm4b:s6+s2], $0x80, v5, vm0, $0xb8;
	[tilespmem:$0x1C800] =	vst v63  }
0x1cb: {  	s19 =	simm.s32 $0x13800  }
0x1cc: {  	[tilespmem:s19], [sflag:$0x5] =	stream.indirect_vreg.gather [hbm4b:s5+s2], $0x80, v4, vm0, $0xb8;
	[tilespmem:$0x1C800] =	vst v63  }
0x1cd: {  	s28 =	simm.s32 $0x6;
	s21 =	simm.s32 $0x14000  }
0x1ce: {  	[tilespmem:s21], [sflag:$0x5] =	stream.indirect_vreg.gather [hbm4b:s6+s2], $0x80, v4, vm0, $0xb8;
	[tilespmem:$0x1C800] =	vst v63  }
0x1cf: {  	_ =	swait.ge [sflag:s28], $0x4000  }
0x1d0: {  	s29 =	simm.s32 $0x14800;
	[sflag:s28] =	ssyncset.done $0x0  }
0x1d1: {  	s23 =	simm.s32 $0xD;
	s22 =	rddreg [dreg:$0xa];
	[sflag:s28] =	ssyncadd.s32 $0xFFFFC000  }
0x1d2: {  	[hbm4b:s22+s2] =	stream.linear.scatter [tilespmem:s29], [sflag:$0xD], $0x4000, $0x38;
	[tilespmem:$0x1C800] =	vst v63  }
0x1d3: {  	_ =	swait.ge [sflag:s23], $0x4000  }
0x1d4: {  	[sflag:s23] =	ssyncset.done $0x0  }
0x1d5: {  	[sflag:s23] =	ssyncadd.s32 $0xFFFFC000  }
0x1d6: {  	v4 =	vld [tilespmem:$0x180];
	_ =	sdelay $0x4  }
0x1d7: {  	v5 =	vshll.u32 v4, $0x2  }
0x1d8: {  	v4 =	vand.u32 $0x7, v4;
	v5 =	vand.u32 $0xFFFFFFE0, v5  }
0x1d9: {  	v4 =	vor.u32 v4, v5  }
0x1da: {  	v5 =	vperm.xlane v4, v0;
	_ =	sdelay $0x1  }
0x1db: {  	v5 =	vadd.s32 v1, v5;
	_ =	sdelay $0x1  }
0x1dc: {  	v4 =	vperm.xlane v4, v2;
	_ =	sdelay $0x1  }
0x1dd: {  	v4 =	vadd.s32 v1, v4  }
0x1de: {  	[tilespmem:s29], [sflag:$0x6] =	stream.indirect_vreg.gather [hbm4b:s5+s2], $0x80, v5, vm0, $0xb8;
	[tilespmem:$0x1C800] =	vst v63  }
0x1df: {  	s26 =	simm.s32 $0x15000  }
0x1e0: {  	[tilespmem:s26], [sflag:$0x6] =	stream.indirect_vreg.gather [hbm4b:s6+s2], $0x80, v5, vm0, $0xb8;
	[tilespmem:$0x1C800] =	vst v63  }
0x1e1: {  	s31 =	simm.s32 $0x15800  }
0x1e2: {  	[tilespmem:s31], [sflag:$0x6] =	stream.indirect_vreg.gather [hbm4b:s5+s2], $0x80, v4, vm0, $0xb8;
	[tilespmem:$0x1C800] =	vst v63  }
0x1e3: {  	s1 =	simm.s32 $0x16000  }
0x1e4: {  	[tilespmem:s1], [sflag:$0x6] =	stream.indirect_vreg.gather [hbm4b:s6+s2], $0x80, v4, vm0, $0xb8;
	[tilespmem:$0x1C800] =	vst v63  }
0x1e5: {  	v4 =	vld [tilespmem:$0x190];
	_ =	sdelay $0x4  }
0x1e6: {  	v5 =	vshll.u32 v4, $0x2  }
0x1e7: {  	v4 =	vand.u32 $0x7, v4;
	v5 =	vand.u32 $0xFFFFFFE0, v5  }
0x1e8: {  	v4 =	vor.u32 v4, v5  }
0x1e9: {  	v5 =	vperm.xlane v4, v0;
	_ =	sdelay $0x1  }
0x1ea: {  	v5 =	vadd.s32 v1, v5;
	_ =	sdelay $0x1  }
0x1eb: {  	v4 =	vperm.xlane v4, v2;
	_ =	sdelay $0x1  }
0x1ec: {  	s15 =	simm.s32 $0x16800;
	v4 =	vadd.s32 v1, v4  }
0x1ed: {  	[tilespmem:s15], [sflag:$0x6] =	stream.indirect_vreg.gather [hbm4b:s5+s2], $0x80, v5, vm0, $0xb8;
	[tilespmem:$0x1C800] =	vst v63  }
0x1ee: {  	s17 =	simm.s32 $0x17000  }
0x1ef: {  	[tilespmem:s17], [sflag:$0x6] =	stream.indirect_vreg.gather [hbm4b:s6+s2], $0x80, v5, vm0, $0xb8;
	[tilespmem:$0x1C800] =	vst v63  }
0x1f0: {  	s19 =	simm.s32 $0x17800  }
0x1f1: {  	[tilespmem:s19], [sflag:$0x6] =	stream.indirect_vreg.gather [hbm4b:s5+s2], $0x80, v4, vm0, $0xb8;
	[tilespmem:$0x1C800] =	vst v63  }
0x1f2: {  	s21 =	simm.s32 $0x18000;
	s26 =	simm.s32 $0x7  }
0x1f3: {  	[tilespmem:s21], [sflag:$0x6] =	stream.indirect_vreg.gather [hbm4b:s6+s2], $0x80, v4, vm0, $0xb8;
	[tilespmem:$0x1C800] =	vst v63  }
0x1f4: {  	_ =	swait.ge [sflag:s26], $0x4000  }
0x1f5: {  	s23 =	simm.s32 $0x18800;
	[sflag:s26] =	ssyncset.done $0x0  }
0x1f6: {  	s1 =	simm.s32 $0xE;
	s22 =	rddreg [dreg:$0xb];
	[sflag:s26] =	ssyncadd.s32 $0xFFFFC000  }
0x1f7: {  	[hbm4b:s22+s2] =	stream.linear.scatter [tilespmem:s23], [sflag:$0xE], $0x4000, $0x38;
	[tilespmem:$0x1C800] =	vst v63  }
0x1f8: {  	_ =	swait.ge [sflag:s1], $0x4000  }
0x1f9: {  	[sflag:s1] =	ssyncset.done $0x0  }
0x1fa: {  	[sflag:s1] =	ssyncadd.s32 $0xFFFFC000  }
0x1fb: {  	v4 =	vld [tilespmem:$0x1A0];
	_ =	sdelay $0x4  }
0x1fc: {  	v5 =	vshll.u32 v4, $0x2  }
0x1fd: {  	v4 =	vand.u32 $0x7, v4;
	v5 =	vand.u32 $0xFFFFFFE0, v5  }
0x1fe: {  	v4 =	vor.u32 v4, v5  }
0x1ff: {  	v5 =	vperm.xlane v4, v0;
	_ =	sdelay $0x1  }
0x200: {  	v5 =	vadd.s32 v1, v5;
	_ =	sdelay $0x1  }
0x201: {  	v4 =	vperm.xlane v4, v2;
	_ =	sdelay $0x1  }
0x202: {  	v4 =	vadd.s32 v1, v4  }
0x203: {  	[tilespmem:s23], [sflag:$0x7] =	stream.indirect_vreg.gather [hbm4b:s5+s2], $0x80, v5, vm0, $0xb8;
	[tilespmem:$0x1C800] =	vst v63  }
0x204: {  	s17 =	simm.s32 $0x19000  }
0x205: {  	[tilespmem:s17], [sflag:$0x7] =	stream.indirect_vreg.gather [hbm4b:s6+s2], $0x80, v5, vm0, $0xb8;
	[tilespmem:$0x1C800] =	vst v63  }
0x206: {  	s19 =	simm.s32 $0x19800  }
0x207: {  	[tilespmem:s19], [sflag:$0x7] =	stream.indirect_vreg.gather [hbm4b:s5+s2], $0x80, v4, vm0, $0xb8;
	[tilespmem:$0x1C800] =	vst v63  }
0x208: {  	s20 =	simm.s32 $0x1A000  }
0x209: {  	[tilespmem:s20], [sflag:$0x7] =	stream.indirect_vreg.gather [hbm4b:s6+s2], $0x80, v4, vm0, $0xb8;
	[tilespmem:$0x1C800] =	vst v63  }
0x20a: {  	v4 =	vld [tilespmem:$0x1B0];
	_ =	sdelay $0x4  }
0x20b: {  	v5 =	vshll.u32 v4, $0x2  }
0x20c: {  	v4 =	vand.u32 $0x7, v4;
	v5 =	vand.u32 $0xFFFFFFE0, v5  }
0x20d: {  	v4 =	vor.u32 v4, v5  }
0x20e: {  	v5 =	vperm.xlane v4, v0;
	_ =	sdelay $0x1  }
0x20f: {  	v5 =	vadd.s32 v1, v5;
	_ =	sdelay $0x1  }
0x210: {  	v4 =	vperm.xlane v4, v2;
	_ =	sdelay $0x1  }
0x211: {  	s20 =	simm.s32 $0x1A800;
	v4 =	vadd.s32 v1, v4  }
0x212: {  	[tilespmem:s20], [sflag:$0x7] =	stream.indirect_vreg.gather [hbm4b:s5+s2], $0x80, v5, vm0, $0xb8;
	[tilespmem:$0x1C800] =	vst v63  }
0x213: {  	s21 =	simm.s32 $0x1B000  }
0x214: {  	[tilespmem:s21], [sflag:$0x7] =	stream.indirect_vreg.gather [hbm4b:s6+s2], $0x80, v5, vm0, $0xb8;
	[tilespmem:$0x1C800] =	vst v63  }
0x215: {  	s22 =	simm.s32 $0x1B800  }
0x216: {  	[tilespmem:s22], [sflag:$0x7] =	stream.indirect_vreg.gather [hbm4b:s5+s2], $0x80, v4, vm0, $0xb8;
	[tilespmem:$0x1C800] =	vst v63  }
0x217: {  	s23 =	simm.s32 $0x1C000  }
0x218: {  	[tilespmem:s23], [sflag:$0x7] =	stream.indirect_vreg.gather [hbm4b:s6+s2], $0x80, v4, vm0, $0xb8;
	[tilespmem:$0x1C800] =	vst v63  }
0x219: {  	_ =	swait.ge [sflag:s12], $0x4000  }
0x21a: {  	[sflag:s12] =	ssyncset.done $0x0  }
0x21b: {  	s16 =	simm.s32 $0x800;
	s0 =	rddreg [dreg:$0xc];
	[sflag:s12] =	ssyncadd.s32 $0xFFFFC000  }
0x21c: {  	[hbm4b:s0+s2] =	stream.linear.scatter [tilespmem:s16], [sflag:$0x8], $0x4000, $0x38;
	[tilespmem:$0x1C800] =	vst v63  }
0x21d: {  	_ =	swait.ge [sflag:s30], $0x4000  }
0x21e: {  	[sflag:s30] =	ssyncset.done $0x0  }
0x21f: {  	[sflag:s30] =	ssyncadd.s32 $0xFFFFC000  }
0x220: {  	v4 =	vld [tilespmem:$0x1C0];
	_ =	sdelay $0x4  }
0x221: {  	v5 =	vshll.u32 v4, $0x2  }
0x222: {  	v4 =	vand.u32 $0x7, v4;
	v5 =	vand.u32 $0xFFFFFFE0, v5  }
0x223: {  	v4 =	vor.u32 v4, v5  }
0x224: {  	v5 =	vperm.xlane v4, v0;
	_ =	sdelay $0x1  }
0x225: {  	v5 =	vadd.s32 v1, v5;
	_ =	sdelay $0x1  }
0x226: {  	v4 =	vperm.xlane v4, v2;
	_ =	sdelay $0x1  }
0x227: {  	v4 =	vadd.s32 v1, v4  }
0x228: {  	[tilespmem:s16], [sflag:$0x1] =	stream.indirect_vreg.gather [hbm4b:s5+s2], $0x80, v5, vm0, $0xb8;
	[tilespmem:$0x1C800] =	vst v63  }
0x229: {  	s16 =	simm.s32 $0x1000  }
0x22a: {  	[tilespmem:s16], [sflag:$0x1] =	stream.indirect_vreg.gather [hbm4b:s6+s2], $0x80, v5, vm0, $0xb8;
	[tilespmem:$0x1C800] =	vst v63  }
0x22b: {  	s15 =	simm.s32 $0x1800  }
0x22c: {  	[tilespmem:s15], [sflag:$0x1] =	stream.indirect_vreg.gather [hbm4b:s5+s2], $0x80, v4, vm0, $0xb8;
	[tilespmem:$0x1C800] =	vst v63  }
0x22d: {  	s15 =	simm.s32 $0x2000  }
0x22e: {  	[tilespmem:s15], [sflag:$0x1] =	stream.indirect_vreg.gather [hbm4b:s6+s2], $0x80, v4, vm0, $0xb8;
	[tilespmem:$0x1C800] =	vst v63  }
0x22f: {  	v4 =	vld [tilespmem:$0x1D0];
	_ =	sdelay $0x4  }
0x230: {  	v5 =	vshll.u32 v4, $0x2  }
0x231: {  	v4 =	vand.u32 $0x7, v4;
	v5 =	vand.u32 $0xFFFFFFE0, v5  }
0x232: {  	v4 =	vor.u32 v4, v5  }
0x233: {  	v5 =	vperm.xlane v4, v0;
	_ =	sdelay $0x1  }
0x234: {  	v5 =	vadd.s32 v1, v5;
	_ =	sdelay $0x1  }
0x235: {  	v4 =	vperm.xlane v4, v2;
	_ =	sdelay $0x1  }
0x236: {  	s15 =	simm.s32 $0x2800;
	v4 =	vadd.s32 v1, v4  }
0x237: {  	[tilespmem:s15], [sflag:$0x1] =	stream.indirect_vreg.gather [hbm4b:s5+s2], $0x80, v5, vm0, $0xb8;
	[tilespmem:$0x1C800] =	vst v63  }
0x238: {  	_ = 	snop  }
0x239: {  	[tilespmem:s18], [sflag:$0x1] =	stream.indirect_vreg.gather [hbm4b:s6+s2], $0x80, v5, vm0, $0xb8;
	[tilespmem:$0x1C800] =	vst v63  }
0x23a: {  	s15 =	simm.s32 $0x3800  }
0x23b: {  	[tilespmem:s15], [sflag:$0x1] =	stream.indirect_vreg.gather [hbm4b:s5+s2], $0x80, v4, vm0, $0xb8;
	[tilespmem:$0x1C800] =	vst v63  }
0x23c: {  	s18 =	simm.s32 $0x4000  }
0x23d: {  	[tilespmem:s18], [sflag:$0x1] =	stream.indirect_vreg.gather [hbm4b:s6+s2], $0x80, v4, vm0, $0xb8;
	[tilespmem:$0x1C800] =	vst v63  }
0x23e: {  	_ =	swait.ge [sflag:s4], $0x4000  }
0x23f: {  	[sflag:s4] =	ssyncset.done $0x0  }
0x240: {  	s0 =	rddreg [dreg:$0xd];
	[sflag:s4] =	ssyncadd.s32 $0xFFFFC000  }
0x241: {  	[hbm4b:s0+s2] =	stream.linear.scatter [tilespmem:s13], [sflag:$0x9], $0x4000, $0x38;
	[tilespmem:$0x1C800] =	vst v63  }
0x242: {  	_ =	swait.ge [sflag:s7], $0x4000  }
0x243: {  	[sflag:s7] =	ssyncset.done $0x0  }
0x244: {  	[sflag:s7] =	ssyncadd.s32 $0xFFFFC000  }
0x245: {  	v4 =	vld [tilespmem:$0x1E0];
	_ =	sdelay $0x4  }
0x246: {  	v5 =	vshll.u32 v4, $0x2  }
0x247: {  	v4 =	vand.u32 $0x7, v4;
	v5 =	vand.u32 $0xFFFFFFE0, v5  }
0x248: {  	v4 =	vor.u32 v4, v5  }
0x249: {  	v5 =	vperm.xlane v4, v0;
	_ =	sdelay $0x1  }
0x24a: {  	v5 =	vadd.s32 v1, v5;
	_ =	sdelay $0x1  }
0x24b: {  	v4 =	vperm.xlane v4, v2;
	_ =	sdelay $0x1  }
0x24c: {  	v4 =	vadd.s32 v1, v4  }
0x24d: {  	[tilespmem:s13], [sflag:$0x2] =	stream.indirect_vreg.gather [hbm4b:s5+s2], $0x80, v5, vm0, $0xb8;
	[tilespmem:$0x1C800] =	vst v63  }
0x24e: {  	s13 =	simm.s32 $0x5000  }
0x24f: {  	[tilespmem:s13], [sflag:$0x2] =	stream.indirect_vreg.gather [hbm4b:s6+s2], $0x80, v5, vm0, $0xb8;
	[tilespmem:$0x1C800] =	vst v63  }
0x250: {  	s15 =	simm.s32 $0x5800  }
0x251: {  	[tilespmem:s15], [sflag:$0x2] =	stream.indirect_vreg.gather [hbm4b:s5+s2], $0x80, v4, vm0, $0xb8;
	[tilespmem:$0x1C800] =	vst v63  }
0x252: {  	s18 =	simm.s32 $0x6000  }
0x253: {  	[tilespmem:s18], [sflag:$0x2] =	stream.indirect_vreg.gather [hbm4b:s6+s2], $0x80, v4, vm0, $0xb8;
	[tilespmem:$0x1C800] =	vst v63  }
0x254: {  	v4 =	vld [tilespmem:$0x1F0];
	_ =	sdelay $0x4  }
0x255: {  	v5 =	vshll.u32 v4, $0x2  }
0x256: {  	v4 =	vand.u32 $0x7, v4;
	v5 =	vand.u32 $0xFFFFFFE0, v5  }
0x257: {  	v4 =	vor.u32 v4, v5  }
0x258: {  	v5 =	vperm.xlane v4, v0;
	_ =	sdelay $0x1  }
0x259: {  	v5 =	vadd.s32 v1, v5;
	_ =	sdelay $0x1  }
0x25a: {  	v4 =	vperm.xlane v4, v2;
	_ =	sdelay $0x1  }
0x25b: {  	s15 =	simm.s32 $0x6800;
	v4 =	vadd.s32 v1, v4  }
0x25c: {  	[tilespmem:s15], [sflag:$0x2] =	stream.indirect_vreg.gather [hbm4b:s5+s2], $0x80, v5, vm0, $0xb8;
	[tilespmem:$0x1C800] =	vst v63  }
0x25d: {  	s18 =	simm.s32 $0x7000  }
0x25e: {  	[tilespmem:s18], [sflag:$0x2] =	stream.indirect_vreg.gather [hbm4b:s6+s2], $0x80, v5, vm0, $0xb8;
	[tilespmem:$0x1C800] =	vst v63  }
0x25f: {  	s15 =	simm.s32 $0x7800  }
0x260: {  	[tilespmem:s15], [sflag:$0x2] =	stream.indirect_vreg.gather [hbm4b:s5+s2], $0x80, v4, vm0, $0xb8;
	[tilespmem:$0x1C800] =	vst v63  }
0x261: {  	s18 =	simm.s32 $0x8000  }
0x262: {  	[tilespmem:s18], [sflag:$0x2] =	stream.indirect_vreg.gather [hbm4b:s6+s2], $0x80, v4, vm0, $0xb8;
	[tilespmem:$0x1C800] =	vst v63  }
0x263: {  	_ =	swait.ge [sflag:s8], $0x4000  }
0x264: {  	[sflag:s8] =	ssyncset.done $0x0  }
0x265: {  	s18 =	simm.s32 $0x8800;
	s0 =	rddreg [dreg:$0xe];
	[sflag:s8] =	ssyncadd.s32 $0xFFFFC000  }
0x266: {  	[hbm4b:s0+s2] =	stream.linear.scatter [tilespmem:s18], [sflag:$0xA], $0x4000, $0x38;
	[tilespmem:$0x1C800] =	vst v63  }
0x267: {  	_ =	swait.ge [sflag:s10], $0x4000  }
0x268: {  	[sflag:s10] =	ssyncset.done $0x0  }
0x269: {  	[sflag:s10] =	ssyncadd.s32 $0xFFFFC000  }
0x26a: {  	v4 =	vld [tilespmem:$0x200];
	_ =	sdelay $0x4  }
0x26b: {  	v5 =	vshll.u32 v4, $0x2  }
0x26c: {  	v4 =	vand.u32 $0x7, v4;
	v5 =	vand.u32 $0xFFFFFFE0, v5  }
0x26d: {  	v4 =	vor.u32 v4, v5  }
0x26e: {  	v5 =	vperm.xlane v4, v0;
	_ =	sdelay $0x1  }
0x26f: {  	v5 =	vadd.s32 v1, v5;
	_ =	sdelay $0x1  }
0x270: {  	v4 =	vperm.xlane v4, v2;
	_ =	sdelay $0x1  }
0x271: {  	v4 =	vadd.s32 v1, v4  }
0x272: {  	[tilespmem:s18], [sflag:$0x3] =	stream.indirect_vreg.gather [hbm4b:s5+s2], $0x80, v5, vm0, $0xb8;
	[tilespmem:$0x1C800] =	vst v63  }
0x273: {  	s18 =	simm.s32 $0x9000  }
0x274: {  	[tilespmem:s18], [sflag:$0x3] =	stream.indirect_vreg.gather [hbm4b:s6+s2], $0x80, v5, vm0, $0xb8;
	[tilespmem:$0x1C800] =	vst v63  }
0x275: {  	s15 =	simm.s32 $0x9800  }
0x276: {  	[tilespmem:s15], [sflag:$0x3] =	stream.indirect_vreg.gather [hbm4b:s5+s2], $0x80, v4, vm0, $0xb8;
	[tilespmem:$0x1C800] =	vst v63  }
0x277: {  	s18 =	simm.s32 $0xA000  }
0x278: {  	[tilespmem:s18], [sflag:$0x3] =	stream.indirect_vreg.gather [hbm4b:s6+s2], $0x80, v4, vm0, $0xb8;
	[tilespmem:$0x1C800] =	vst v63  }
0x279: {  	v4 =	vld [tilespmem:$0x210];
	_ =	sdelay $0x4  }
0x27a: {  	v5 =	vshll.u32 v4, $0x2  }
0x27b: {  	v4 =	vand.u32 $0x7, v4;
	v5 =	vand.u32 $0xFFFFFFE0, v5  }
0x27c: {  	v4 =	vor.u32 v4, v5  }
0x27d: {  	v5 =	vperm.xlane v4, v0;
	_ =	sdelay $0x1  }
0x27e: {  	v5 =	vadd.s32 v1, v5;
	_ =	sdelay $0x1  }
0x27f: {  	v4 =	vperm.xlane v4, v2;
	_ =	sdelay $0x1  }
0x280: {  	s15 =	simm.s32 $0xA800;
	v4 =	vadd.s32 v1, v4  }
0x281: {  	[tilespmem:s15], [sflag:$0x3] =	stream.indirect_vreg.gather [hbm4b:s5+s2], $0x80, v5, vm0, $0xb8;
	[tilespmem:$0x1C800] =	vst v63  }
0x282: {  	s18 =	simm.s32 $0xB000  }
0x283: {  	[tilespmem:s18], [sflag:$0x3] =	stream.indirect_vreg.gather [hbm4b:s6+s2], $0x80, v5, vm0, $0xb8;
	[tilespmem:$0x1C800] =	vst v63  }
0x284: {  	s15 =	simm.s32 $0xB800  }
0x285: {  	[tilespmem:s15], [sflag:$0x3] =	stream.indirect_vreg.gather [hbm4b:s5+s2], $0x80, v4, vm0, $0xb8;
	[tilespmem:$0x1C800] =	vst v63  }
0x286: {  	s18 =	simm.s32 $0xC000  }
0x287: {  	[tilespmem:s18], [sflag:$0x3] =	stream.indirect_vreg.gather [hbm4b:s6+s2], $0x80, v4, vm0, $0xb8;
	[tilespmem:$0x1C800] =	vst v63  }
0x288: {  	_ =	swait.ge [sflag:s3], $0x4000  }
0x289: {  	[sflag:s3] =	ssyncset.done $0x0  }
0x28a: {  	s0 =	rddreg [dreg:$0xf];
	[sflag:s3] =	ssyncadd.s32 $0xFFFFC000  }
0x28b: {  	[hbm4b:s0+s2] =	stream.linear.scatter [tilespmem:s14], [sflag:$0xB], $0x4000, $0x38;
	[tilespmem:$0x1C800] =	vst v63  }
0x28c: {  	_ =	swait.ge [sflag:s24], $0x4000  }
0x28d: {  	[sflag:s24] =	ssyncset.done $0x0  }
0x28e: {  	[sflag:s24] =	ssyncadd.s32 $0xFFFFC000  }
0x28f: {  	v4 =	vld [tilespmem:$0x220];
	_ =	sdelay $0x4  }
0x290: {  	v5 =	vshll.u32 v4, $0x2  }
0x291: {  	v4 =	vand.u32 $0x7, v4;
	v5 =	vand.u32 $0xFFFFFFE0, v5  }
0x292: {  	v4 =	vor.u32 v4, v5  }
0x293: {  	v5 =	vperm.xlane v4, v0;
	_ =	sdelay $0x1  }
0x294: {  	v5 =	vadd.s32 v1, v5;
	_ =	sdelay $0x1  }
0x295: {  	v4 =	vperm.xlane v4, v2;
	_ =	sdelay $0x1  }
0x296: {  	v4 =	vadd.s32 v1, v4  }
0x297: {  	[tilespmem:s14], [sflag:$0x4] =	stream.indirect_vreg.gather [hbm4b:s5+s2], $0x80, v5, vm0, $0xb8;
	[tilespmem:$0x1C800] =	vst v63  }
0x298: {  	s18 =	simm.s32 $0xD000  }
0x299: {  	[tilespmem:s18], [sflag:$0x4] =	stream.indirect_vreg.gather [hbm4b:s6+s2], $0x80, v5, vm0, $0xb8;
	[tilespmem:$0x1C800] =	vst v63  }
0x29a: {  	s14 =	simm.s32 $0xD800  }
0x29b: {  	[tilespmem:s14], [sflag:$0x4] =	stream.indirect_vreg.gather [hbm4b:s5+s2], $0x80, v4, vm0, $0xb8;
	[tilespmem:$0x1C800] =	vst v63  }
0x29c: {  	s15 =	simm.s32 $0xE000  }
0x29d: {  	[tilespmem:s15], [sflag:$0x4] =	stream.indirect_vreg.gather [hbm4b:s6+s2], $0x80, v4, vm0, $0xb8;
	[tilespmem:$0x1C800] =	vst v63  }
0x29e: {  	v4 =	vld [tilespmem:$0x230];
	_ =	sdelay $0x4  }
0x29f: {  	v5 =	vshll.u32 v4, $0x2  }
0x2a0: {  	v4 =	vand.u32 $0x7, v4;
	v5 =	vand.u32 $0xFFFFFFE0, v5  }
0x2a1: {  	v4 =	vor.u32 v4, v5  }
0x2a2: {  	v5 =	vperm.xlane v4, v0;
	_ =	sdelay $0x1  }
0x2a3: {  	v5 =	vadd.s32 v1, v5;
	_ =	sdelay $0x1  }
0x2a4: {  	v4 =	vperm.xlane v4, v2;
	_ =	sdelay $0x1  }
0x2a5: {  	s18 =	simm.s32 $0xE800;
	v4 =	vadd.s32 v1, v4  }
0x2a6: {  	[tilespmem:s18], [sflag:$0x4] =	stream.indirect_vreg.gather [hbm4b:s5+s2], $0x80, v5, vm0, $0xb8;
	[tilespmem:$0x1C800] =	vst v63  }
0x2a7: {  	s14 =	simm.s32 $0xF000  }
0x2a8: {  	[tilespmem:s14], [sflag:$0x4] =	stream.indirect_vreg.gather [hbm4b:s6+s2], $0x80, v5, vm0, $0xb8;
	[tilespmem:$0x1C800] =	vst v63  }
0x2a9: {  	s15 =	simm.s32 $0xF800  }
0x2aa: {  	[tilespmem:s15], [sflag:$0x4] =	stream.indirect_vreg.gather [hbm4b:s5+s2], $0x80, v4, vm0, $0xb8;
	[tilespmem:$0x1C800] =	vst v63  }
0x2ab: {  	s18 =	simm.s32 $0x10000  }
0x2ac: {  	[tilespmem:s18], [sflag:$0x4] =	stream.indirect_vreg.gather [hbm4b:s6+s2], $0x80, v4, vm0, $0xb8;
	[tilespmem:$0x1C800] =	vst v63  }
0x2ad: {  	_ =	swait.ge [sflag:s25], $0x4000  }
0x2ae: {  	s9 =	simm.s32 $0xC;
	[sflag:s25] =	ssyncset.done $0x0  }
0x2af: {  	s18 =	simm.s32 $0x10800;
	s14 =	rddreg [dreg:$0x10];
	[sflag:s25] =	ssyncadd.s32 $0xFFFFC000  }
0x2b0: {  	[hbm4b:s14+s2] =	stream.linear.scatter [tilespmem:s18], [sflag:$0xC], $0x4000, $0x38;
	[tilespmem:$0x1C800] =	vst v63  }
0x2b1: {  	_ =	swait.ge [sflag:s9], $0x4000  }
0x2b2: {  	[sflag:s9] =	ssyncset.done $0x0  }
0x2b3: {  	[sflag:s9] =	ssyncadd.s32 $0xFFFFC000  }
0x2b4: {  	v4 =	vld [tilespmem:$0x240];
	_ =	sdelay $0x4  }
0x2b5: {  	v5 =	vshll.u32 v4, $0x2  }
0x2b6: {  	v4 =	vand.u32 $0x7, v4;
	v5 =	vand.u32 $0xFFFFFFE0, v5  }
0x2b7: {  	v4 =	vor.u32 v4, v5  }
0x2b8: {  	v5 =	vperm.xlane v4, v0;
	_ =	sdelay $0x1  }
0x2b9: {  	v5 =	vadd.s32 v1, v5;
	_ =	sdelay $0x1  }
0x2ba: {  	v4 =	vperm.xlane v4, v2;
	_ =	sdelay $0x1  }
0x2bb: {  	v4 =	vadd.s32 v1, v4  }
0x2bc: {  	[tilespmem:s18], [sflag:$0x5] =	stream.indirect_vreg.gather [hbm4b:s5+s2], $0x80, v5, vm0, $0xb8;
	[tilespmem:$0x1C800] =	vst v63  }
0x2bd: {  	s9 =	simm.s32 $0x11000  }
0x2be: {  	[tilespmem:s9], [sflag:$0x5] =	stream.indirect_vreg.gather [hbm4b:s6+s2], $0x80, v5, vm0, $0xb8;
	[tilespmem:$0x1C800] =	vst v63  }
0x2bf: {  	s14 =	simm.s32 $0x11800  }
0x2c0: {  	[tilespmem:s14], [sflag:$0x5] =	stream.indirect_vreg.gather [hbm4b:s5+s2], $0x80, v4, vm0, $0xb8;
	[tilespmem:$0x1C800] =	vst v63  }
0x2c1: {  	s15 =	simm.s32 $0x12000  }
0x2c2: {  	[tilespmem:s15], [sflag:$0x5] =	stream.indirect_vreg.gather [hbm4b:s6+s2], $0x80, v4, vm0, $0xb8;
	[tilespmem:$0x1C800] =	vst v63  }
0x2c3: {  	v4 =	vld [tilespmem:$0x250];
	_ =	sdelay $0x4  }
0x2c4: {  	v5 =	vshll.u32 v4, $0x2  }
0x2c5: {  	v4 =	vand.u32 $0x7, v4;
	v5 =	vand.u32 $0xFFFFFFE0, v5  }
0x2c6: {  	v4 =	vor.u32 v4, v5  }
0x2c7: {  	v5 =	vperm.xlane v4, v0;
	_ =	sdelay $0x1  }
0x2c8: {  	v5 =	vadd.s32 v1, v5;
	_ =	sdelay $0x1  }
0x2c9: {  	v4 =	vperm.xlane v4, v2;
	_ =	sdelay $0x1  }
0x2ca: {  	s18 =	simm.s32 $0x12800;
	v4 =	vadd.s32 v1, v4  }
0x2cb: {  	[tilespmem:s18], [sflag:$0x5] =	stream.indirect_vreg.gather [hbm4b:s5+s2], $0x80, v5, vm0, $0xb8;
	[tilespmem:$0x1C800] =	vst v63  }
0x2cc: {  	s14 =	simm.s32 $0x13000  }
0x2cd: {  	[tilespmem:s14], [sflag:$0x5] =	stream.indirect_vreg.gather [hbm4b:s6+s2], $0x80, v5, vm0, $0xb8;
	[tilespmem:$0x1C800] =	vst v63  }
0x2ce: {  	s15 =	simm.s32 $0x13800  }
0x2cf: {  	[tilespmem:s15], [sflag:$0x5] =	stream.indirect_vreg.gather [hbm4b:s5+s2], $0x80, v4, vm0, $0xb8;
	[tilespmem:$0x1C800] =	vst v63  }
0x2d0: {  	s18 =	simm.s32 $0x14000  }
0x2d1: {  	[tilespmem:s18], [sflag:$0x5] =	stream.indirect_vreg.gather [hbm4b:s6+s2], $0x80, v4, vm0, $0xb8;
	[tilespmem:$0x1C800] =	vst v63  }
0x2d2: {  	_ =	swait.ge [sflag:s28], $0x4000  }
0x2d3: {  	[sflag:s28] =	ssyncset.done $0x0  }
0x2d4: {  	s11 =	simm.s32 $0xD;
	s14 =	rddreg [dreg:$0x11];
	[sflag:s28] =	ssyncadd.s32 $0xFFFFC000  }
0x2d5: {  	[hbm4b:s14+s2] =	stream.linear.scatter [tilespmem:s29], [sflag:$0xD], $0x4000, $0x38;
	[tilespmem:$0x1C800] =	vst v63  }
0x2d6: {  	_ =	swait.ge [sflag:s11], $0x4000  }
0x2d7: {  	[sflag:s11] =	ssyncset.done $0x0  }
0x2d8: {  	[sflag:s11] =	ssyncadd.s32 $0xFFFFC000  }
0x2d9: {  	v4 =	vld [tilespmem:$0x260];
	_ =	sdelay $0x4  }
0x2da: {  	v5 =	vshll.u32 v4, $0x2  }
0x2db: {  	v4 =	vand.u32 $0x7, v4;
	v5 =	vand.u32 $0xFFFFFFE0, v5  }
0x2dc: {  	v4 =	vor.u32 v4, v5  }
0x2dd: {  	v5 =	vperm.xlane v4, v0;
	_ =	sdelay $0x1  }
0x2de: {  	v5 =	vadd.s32 v1, v5;
	_ =	sdelay $0x1  }
0x2df: {  	v4 =	vperm.xlane v4, v2;
	_ =	sdelay $0x1  }
0x2e0: {  	v4 =	vadd.s32 v1, v4  }
0x2e1: {  	[tilespmem:s29], [sflag:$0x6] =	stream.indirect_vreg.gather [hbm4b:s5+s2], $0x80, v5, vm0, $0xb8;
	[tilespmem:$0x1C800] =	vst v63  }
0x2e2: {  	s18 =	simm.s32 $0x15000  }
0x2e3: {  	[tilespmem:s18], [sflag:$0x6] =	stream.indirect_vreg.gather [hbm4b:s6+s2], $0x80, v5, vm0, $0xb8;
	[tilespmem:$0x1C800] =	vst v63  }
0x2e4: {  	_ = 	snop  }
0x2e5: {  	[tilespmem:s31], [sflag:$0x6] =	stream.indirect_vreg.gather [hbm4b:s5+s2], $0x80, v4, vm0, $0xb8;
	[tilespmem:$0x1C800] =	vst v63  }
0x2e6: {  	s11 =	simm.s32 $0x16000  }
0x2e7: {  	[tilespmem:s11], [sflag:$0x6] =	stream.indirect_vreg.gather [hbm4b:s6+s2], $0x80, v4, vm0, $0xb8;
	[tilespmem:$0x1C800] =	vst v63  }
0x2e8: {  	v4 =	vld [tilespmem:$0x270];
	_ =	sdelay $0x4  }
0x2e9: {  	v5 =	vshll.u32 v4, $0x2  }
0x2ea: {  	v4 =	vand.u32 $0x7, v4;
	v5 =	vand.u32 $0xFFFFFFE0, v5  }
0x2eb: {  	v4 =	vor.u32 v4, v5  }
0x2ec: {  	v5 =	vperm.xlane v4, v0;
	_ =	sdelay $0x1  }
0x2ed: {  	v5 =	vadd.s32 v1, v5;
	_ =	sdelay $0x1  }
0x2ee: {  	v4 =	vperm.xlane v4, v2;
	_ =	sdelay $0x1  }
0x2ef: {  	s14 =	simm.s32 $0x16800;
	v4 =	vadd.s32 v1, v4  }
0x2f0: {  	[tilespmem:s14], [sflag:$0x6] =	stream.indirect_vreg.gather [hbm4b:s5+s2], $0x80, v5, vm0, $0xb8;
	[tilespmem:$0x1C800] =	vst v63  }
0x2f1: {  	s15 =	simm.s32 $0x17000  }
0x2f2: {  	[tilespmem:s15], [sflag:$0x6] =	stream.indirect_vreg.gather [hbm4b:s6+s2], $0x80, v5, vm0, $0xb8;
	[tilespmem:$0x1C800] =	vst v63  }
0x2f3: {  	s18 =	simm.s32 $0x17800  }
0x2f4: {  	[tilespmem:s18], [sflag:$0x6] =	stream.indirect_vreg.gather [hbm4b:s5+s2], $0x80, v4, vm0, $0xb8;
	[tilespmem:$0x1C800] =	vst v63  }
0x2f5: {  	s11 =	simm.s32 $0x18000  }
0x2f6: {  	[tilespmem:s11], [sflag:$0x6] =	stream.indirect_vreg.gather [hbm4b:s6+s2], $0x80, v4, vm0, $0xb8;
	[tilespmem:$0x1C800] =	vst v63  }
0x2f7: {  	_ =	swait.ge [sflag:s26], $0x4000  }
0x2f8: {  	[sflag:s26] =	ssyncset.done $0x0  }
0x2f9: {  	s18 =	simm.s32 $0x18800;
	s14 =	rddreg [dreg:$0x12];
	[sflag:s26] =	ssyncadd.s32 $0xFFFFC000  }
0x2fa: {  	[hbm4b:s14+s2] =	stream.linear.scatter [tilespmem:s18], [sflag:$0xE], $0x4000, $0x38;
	[tilespmem:$0x1C800] =	vst v63  }
0x2fb: {  	_ =	swait.ge [sflag:s1], $0x4000  }
0x2fc: {  	[sflag:s1] =	ssyncset.done $0x0  }
0x2fd: {  	[sflag:s1] =	ssyncadd.s32 $0xFFFFC000  }
0x2fe: {  	v4 =	vld [tilespmem:$0x280];
	_ =	sdelay $0x4  }
0x2ff: {  	v5 =	vshll.u32 v4, $0x2  }
0x300: {  	v4 =	vand.u32 $0x7, v4;
	v5 =	vand.u32 $0xFFFFFFE0, v5  }
0x301: {  	v4 =	vor.u32 v4, v5  }
0x302: {  	v5 =	vperm.xlane v4, v0;
	_ =	sdelay $0x1  }
0x303: {  	v5 =	vadd.s32 v1, v5;
	_ =	sdelay $0x1  }
0x304: {  	v4 =	vperm.xlane v4, v2;
	_ =	sdelay $0x1  }
0x305: {  	v4 =	vadd.s32 v1, v4  }
0x306: {  	[tilespmem:s18], [sflag:$0x7] =	stream.indirect_vreg.gather [hbm4b:s5+s2], $0x80, v5, vm0, $0xb8;
	[tilespmem:$0x1C800] =	vst v63  }
0x307: {  	_ = 	snop  }
0x308: {  	[tilespmem:s17], [sflag:$0x7] =	stream.indirect_vreg.gather [hbm4b:s6+s2], $0x80, v5, vm0, $0xb8;
	[tilespmem:$0x1C800] =	vst v63  }
0x309: {  	_ = 	snop  }
0x30a: {  	[tilespmem:s19], [sflag:$0x7] =	stream.indirect_vreg.gather [hbm4b:s5+s2], $0x80, v4, vm0, $0xb8;
	[tilespmem:$0x1C800] =	vst v63  }
0x30b: {  	s19 =	simm.s32 $0x1A000  }
0x30c: {  	[tilespmem:s19], [sflag:$0x7] =	stream.indirect_vreg.gather [hbm4b:s6+s2], $0x80, v4, vm0, $0xb8;
	[tilespmem:$0x1C800] =	vst v63  }
0x30d: {  	v4 =	vld [tilespmem:$0x290];
	_ =	sdelay $0x4  }
0x30e: {  	v5 =	vshll.u32 v4, $0x2  }
0x30f: {  	v4 =	vand.u32 $0x7, v4;
	v5 =	vand.u32 $0xFFFFFFE0, v5  }
0x310: {  	v4 =	vor.u32 v4, v5  }
0x311: {  	v5 =	vperm.xlane v4, v0;
	_ =	sdelay $0x1  }
0x312: {  	v5 =	vadd.s32 v1, v5;
	_ =	sdelay $0x1  }
0x313: {  	v4 =	vperm.xlane v4, v2;
	_ =	sdelay $0x1  }
0x314: {  	v4 =	vadd.s32 v1, v4  }
0x315: {  	[tilespmem:s20], [sflag:$0x7] =	stream.indirect_vreg.gather [hbm4b:s5+s2], $0x80, v5, vm0, $0xb8;
	[tilespmem:$0x1C800] =	vst v63  }
0x316: {  	_ = 	snop  }
0x317: {  	[tilespmem:s21], [sflag:$0x7] =	stream.indirect_vreg.gather [hbm4b:s6+s2], $0x80, v5, vm0, $0xb8;
	[tilespmem:$0x1C800] =	vst v63  }
0x318: {  	_ = 	snop  }
0x319: {  	[tilespmem:s22], [sflag:$0x7] =	stream.indirect_vreg.gather [hbm4b:s5+s2], $0x80, v4, vm0, $0xb8;
	[tilespmem:$0x1C800] =	vst v63  }
0x31a: {  	_ = 	snop  }
0x31b: {  	[tilespmem:s23], [sflag:$0x7] =	stream.indirect_vreg.gather [hbm4b:s6+s2], $0x80, v4, vm0, $0xb8;
	[tilespmem:$0x1C800] =	vst v63  }
0x31c: {  	_ =	swait.ge [sflag:s12], $0x4000  }
0x31d: {  	[sflag:s12] =	ssyncset.done $0x0  }
0x31e: {  	s23 =	simm.s32 $0x800;
	s22 =	rddreg [dreg:$0x13];
	[sflag:s12] =	ssyncadd.s32 $0xFFFFC000  }
0x31f: {  	[hbm4b:s22+s2] =	stream.linear.scatter [tilespmem:s23], [sflag:$0x8], $0x4000, $0x38;
	[tilespmem:$0x1C800] =	vst v63  }
0x320: {  	_ =	swait.ge [sflag:s30], $0x4000  }
0x321: {  	[sflag:s30] =	ssyncset.done $0x0  }
0x322: {  	[sflag:s30] =	ssyncadd.s32 $0xFFFFC000  }
0x323: {  	v4 =	vld [tilespmem:$0x2A0];
	_ =	sdelay $0x4  }
0x324: {  	v5 =	vshll.u32 v4, $0x2  }
0x325: {  	v4 =	vand.u32 $0x7, v4;
	v5 =	vand.u32 $0xFFFFFFE0, v5  }
0x326: {  	v4 =	vor.u32 v4, v5  }
0x327: {  	v5 =	vperm.xlane v4, v0;
	_ =	sdelay $0x1  }
0x328: {  	v5 =	vadd.s32 v1, v5;
	_ =	sdelay $0x1  }
0x329: {  	v4 =	vperm.xlane v4, v2;
	_ =	sdelay $0x1  }
0x32a: {  	v4 =	vadd.s32 v1, v4  }
0x32b: {  	[tilespmem:s23], [sflag:$0x1] =	stream.indirect_vreg.gather [hbm4b:s5+s2], $0x80, v5, vm0, $0xb8;
	[tilespmem:$0x1C800] =	vst v63  }
0x32c: {  	s16 =	simm.s32 $0x1000  }
0x32d: {  	[tilespmem:s16], [sflag:$0x1] =	stream.indirect_vreg.gather [hbm4b:s6+s2], $0x80, v5, vm0, $0xb8;
	[tilespmem:$0x1C800] =	vst v63  }
0x32e: {  	s16 =	simm.s32 $0x1800  }
0x32f: {  	[tilespmem:s16], [sflag:$0x1] =	stream.indirect_vreg.gather [hbm4b:s5+s2], $0x80, v4, vm0, $0xb8;
	[tilespmem:$0x1C800] =	vst v63  }
0x330: {  	s19 =	simm.s32 $0x2000  }
0x331: {  	[tilespmem:s19], [sflag:$0x1] =	stream.indirect_vreg.gather [hbm4b:s6+s2], $0x80, v4, vm0, $0xb8;
	[tilespmem:$0x1C800] =	vst v63  }
0x332: {  	v4 =	vld [tilespmem:$0x2B0];
	_ =	sdelay $0x4  }
0x333: {  	v5 =	vshll.u32 v4, $0x2  }
0x334: {  	v4 =	vand.u32 $0x7, v4;
	v5 =	vand.u32 $0xFFFFFFE0, v5  }
0x335: {  	v4 =	vor.u32 v4, v5  }
0x336: {  	v5 =	vperm.xlane v4, v0;
	_ =	sdelay $0x1  }
0x337: {  	v5 =	vadd.s32 v1, v5;
	_ =	sdelay $0x1  }
0x338: {  	v4 =	vperm.xlane v4, v2;
	_ =	sdelay $0x1  }
0x339: {  	s20 =	simm.s32 $0x2800;
	v4 =	vadd.s32 v1, v4  }
0x33a: {  	[tilespmem:s20], [sflag:$0x1] =	stream.indirect_vreg.gather [hbm4b:s5+s2], $0x80, v5, vm0, $0xb8;
	[tilespmem:$0x1C800] =	vst v63  }
0x33b: {  	s20 =	simm.s32 $0x3000  }
0x33c: {  	[tilespmem:s20], [sflag:$0x1] =	stream.indirect_vreg.gather [hbm4b:s6+s2], $0x80, v5, vm0, $0xb8;
	[tilespmem:$0x1C800] =	vst v63  }
0x33d: {  	s23 =	simm.s32 $0x3800  }
0x33e: {  	[tilespmem:s23], [sflag:$0x1] =	stream.indirect_vreg.gather [hbm4b:s5+s2], $0x80, v4, vm0, $0xb8;
	[tilespmem:$0x1C800] =	vst v63  }
0x33f: {  	s15 =	simm.s32 $0x4000  }
0x340: {  	[tilespmem:s15], [sflag:$0x1] =	stream.indirect_vreg.gather [hbm4b:s6+s2], $0x80, v4, vm0, $0xb8;
	[tilespmem:$0x1C800] =	vst v63  }
0x341: {  	_ =	swait.ge [sflag:s4], $0x4000  }
0x342: {  	[sflag:s4] =	ssyncset.done $0x0  }
0x343: {  	s19 =	simm.s32 $0x4800;
	s16 =	rddreg [dreg:$0x14];
	[sflag:s4] =	ssyncadd.s32 $0xFFFFC000  }
0x344: {  	[hbm4b:s16+s2] =	stream.linear.scatter [tilespmem:s19], [sflag:$0x9], $0x4000, $0x38;
	[tilespmem:$0x1C800] =	vst v63  }
0x345: {  	_ =	swait.ge [sflag:s7], $0x4000  }
0x346: {  	[sflag:s7] =	ssyncset.done $0x0  }
0x347: {  	[sflag:s7] =	ssyncadd.s32 $0xFFFFC000  }
0x348: {  	v4 =	vld [tilespmem:$0x2C0];
	_ =	sdelay $0x4  }
0x349: {  	v5 =	vshll.u32 v4, $0x2  }
0x34a: {  	v4 =	vand.u32 $0x7, v4;
	v5 =	vand.u32 $0xFFFFFFE0, v5  }
0x34b: {  	v4 =	vor.u32 v4, v5  }
0x34c: {  	v5 =	vperm.xlane v4, v0;
	_ =	sdelay $0x1  }
0x34d: {  	v5 =	vadd.s32 v1, v5;
	_ =	sdelay $0x1  }
0x34e: {  	v4 =	vperm.xlane v4, v2;
	_ =	sdelay $0x1  }
0x34f: {  	v4 =	vadd.s32 v1, v4  }
0x350: {  	[tilespmem:s19], [sflag:$0x2] =	stream.indirect_vreg.gather [hbm4b:s5+s2], $0x80, v5, vm0, $0xb8;
	[tilespmem:$0x1C800] =	vst v63  }
0x351: {  	s13 =	simm.s32 $0x5000  }
0x352: {  	[tilespmem:s13], [sflag:$0x2] =	stream.indirect_vreg.gather [hbm4b:s6+s2], $0x80, v5, vm0, $0xb8;
	[tilespmem:$0x1C800] =	vst v63  }
0x353: {  	s16 =	simm.s32 $0x5800  }
0x354: {  	[tilespmem:s16], [sflag:$0x2] =	stream.indirect_vreg.gather [hbm4b:s5+s2], $0x80, v4, vm0, $0xb8;
	[tilespmem:$0x1C800] =	vst v63  }
0x355: {  	s19 =	simm.s32 $0x6000  }
0x356: {  	[tilespmem:s19], [sflag:$0x2] =	stream.indirect_vreg.gather [hbm4b:s6+s2], $0x80, v4, vm0, $0xb8;
	[tilespmem:$0x1C800] =	vst v63  }
0x357: {  	v4 =	vld [tilespmem:$0x2D0];
	_ =	sdelay $0x4  }
0x358: {  	v5 =	vshll.u32 v4, $0x2  }
0x359: {  	v4 =	vand.u32 $0x7, v4;
	v5 =	vand.u32 $0xFFFFFFE0, v5  }
0x35a: {  	v4 =	vor.u32 v4, v5  }
0x35b: {  	v5 =	vperm.xlane v4, v0;
	_ =	sdelay $0x1  }
0x35c: {  	v5 =	vadd.s32 v1, v5;
	_ =	sdelay $0x1  }
0x35d: {  	v4 =	vperm.xlane v4, v2;
	_ =	sdelay $0x1  }
0x35e: {  	s13 =	simm.s32 $0x6800;
	v4 =	vadd.s32 v1, v4  }
0x35f: {  	[tilespmem:s13], [sflag:$0x2] =	stream.indirect_vreg.gather [hbm4b:s5+s2], $0x80, v5, vm0, $0xb8;
	[tilespmem:$0x1C800] =	vst v63  }
0x360: {  	s15 =	simm.s32 $0x7000  }
0x361: {  	[tilespmem:s15], [sflag:$0x2] =	stream.indirect_vreg.gather [hbm4b:s6+s2], $0x80, v5, vm0, $0xb8;
	[tilespmem:$0x1C800] =	vst v63  }
0x362: {  	s16 =	simm.s32 $0x7800  }
0x363: {  	[tilespmem:s16], [sflag:$0x2] =	stream.indirect_vreg.gather [hbm4b:s5+s2], $0x80, v4, vm0, $0xb8;
	[tilespmem:$0x1C800] =	vst v63  }
0x364: {  	s19 =	simm.s32 $0x8000  }
0x365: {  	[tilespmem:s19], [sflag:$0x2] =	stream.indirect_vreg.gather [hbm4b:s6+s2], $0x80, v4, vm0, $0xb8;
	[tilespmem:$0x1C800] =	vst v63  }
0x366: {  	_ =	swait.ge [sflag:s8], $0x4000  }
0x367: {  	[sflag:s8] =	ssyncset.done $0x0  }
0x368: {  	s16 =	simm.s32 $0x8800;
	s13 =	rddreg [dreg:$0x15];
	[sflag:s8] =	ssyncadd.s32 $0xFFFFC000  }
0x369: {  	[hbm4b:s13+s2] =	stream.linear.scatter [tilespmem:s16], [sflag:$0xA], $0x4000, $0x38;
	[tilespmem:$0x1C800] =	vst v63  }
0x36a: {  	_ =	swait.ge [sflag:s10], $0x4000  }
0x36b: {  	[sflag:s10] =	ssyncset.done $0x0  }
0x36c: {  	[sflag:s10] =	ssyncadd.s32 $0xFFFFC000  }
0x36d: {  	v4 =	vld [tilespmem:$0x2E0];
	_ =	sdelay $0x4  }
0x36e: {  	v5 =	vshll.u32 v4, $0x2  }
0x36f: {  	v4 =	vand.u32 $0x7, v4;
	v5 =	vand.u32 $0xFFFFFFE0, v5  }
0x370: {  	v4 =	vor.u32 v4, v5  }
0x371: {  	v5 =	vperm.xlane v4, v0;
	_ =	sdelay $0x1  }
0x372: {  	v5 =	vadd.s32 v1, v5;
	_ =	sdelay $0x1  }
0x373: {  	v4 =	vperm.xlane v4, v2;
	_ =	sdelay $0x1  }
0x374: {  	v4 =	vadd.s32 v1, v4  }
0x375: {  	[tilespmem:s16], [sflag:$0x3] =	stream.indirect_vreg.gather [hbm4b:s5+s2], $0x80, v5, vm0, $0xb8;
	[tilespmem:$0x1C800] =	vst v63  }
0x376: {  	s19 =	simm.s32 $0x9000  }
0x377: {  	[tilespmem:s19], [sflag:$0x3] =	stream.indirect_vreg.gather [hbm4b:s6+s2], $0x80, v5, vm0, $0xb8;
	[tilespmem:$0x1C800] =	vst v63  }
0x378: {  	s13 =	simm.s32 $0x9800  }
0x379: {  	[tilespmem:s13], [sflag:$0x3] =	stream.indirect_vreg.gather [hbm4b:s5+s2], $0x80, v4, vm0, $0xb8;
	[tilespmem:$0x1C800] =	vst v63  }
0x37a: {  	s15 =	simm.s32 $0xA000  }
0x37b: {  	[tilespmem:s15], [sflag:$0x3] =	stream.indirect_vreg.gather [hbm4b:s6+s2], $0x80, v4, vm0, $0xb8;
	[tilespmem:$0x1C800] =	vst v63  }
0x37c: {  	v4 =	vld [tilespmem:$0x2F0];
	_ =	sdelay $0x4  }
0x37d: {  	v5 =	vshll.u32 v4, $0x2  }
0x37e: {  	v4 =	vand.u32 $0x7, v4;
	v5 =	vand.u32 $0xFFFFFFE0, v5  }
0x37f: {  	v4 =	vor.u32 v4, v5  }
0x380: {  	v5 =	vperm.xlane v4, v0;
	_ =	sdelay $0x1  }
0x381: {  	v5 =	vadd.s32 v1, v5;
	_ =	sdelay $0x1  }
0x382: {  	v4 =	vperm.xlane v4, v2;
	_ =	sdelay $0x1  }
0x383: {  	s19 =	simm.s32 $0xA800;
	v4 =	vadd.s32 v1, v4  }
0x384: {  	[tilespmem:s19], [sflag:$0x3] =	stream.indirect_vreg.gather [hbm4b:s5+s2], $0x80, v5, vm0, $0xb8;
	[tilespmem:$0x1C800] =	vst v63  }
0x385: {  	s13 =	simm.s32 $0xB000  }
0x386: {  	[tilespmem:s13], [sflag:$0x3] =	stream.indirect_vreg.gather [hbm4b:s6+s2], $0x80, v5, vm0, $0xb8;
	[tilespmem:$0x1C800] =	vst v63  }
0x387: {  	s15 =	simm.s32 $0xB800  }
0x388: {  	[tilespmem:s15], [sflag:$0x3] =	stream.indirect_vreg.gather [hbm4b:s5+s2], $0x80, v4, vm0, $0xb8;
	[tilespmem:$0x1C800] =	vst v63  }
0x389: {  	s19 =	simm.s32 $0xC000  }
0x38a: {  	[tilespmem:s19], [sflag:$0x3] =	stream.indirect_vreg.gather [hbm4b:s6+s2], $0x80, v4, vm0, $0xb8;
	[tilespmem:$0x1C800] =	vst v63  }
0x38b: {  	_ =	swait.ge [sflag:s3], $0x4000  }
0x38c: {  	[sflag:s3] =	ssyncset.done $0x0  }
0x38d: {  	s13 =	simm.s32 $0xC800;
	s0 =	rddreg [dreg:$0x16];
	[sflag:s3] =	ssyncadd.s32 $0xFFFFC000  }
0x38e: {  	[hbm4b:s0+s2] =	stream.linear.scatter [tilespmem:s13], [sflag:$0xB], $0x4000, $0x38;
	[tilespmem:$0x1C800] =	vst v63  }
0x38f: {  	_ =	swait.ge [sflag:s24], $0x4000  }
0x390: {  	[sflag:s24] =	ssyncset.done $0x0  }
0x391: {  	[sflag:s24] =	ssyncadd.s32 $0xFFFFC000  }
0x392: {  	v4 =	vld [tilespmem:$0x300];
	_ =	sdelay $0x4  }
0x393: {  	v5 =	vshll.u32 v4, $0x2  }
0x394: {  	v4 =	vand.u32 $0x7, v4;
	v5 =	vand.u32 $0xFFFFFFE0, v5  }
0x395: {  	v4 =	vor.u32 v4, v5  }
0x396: {  	v5 =	vperm.xlane v4, v0;
	_ =	sdelay $0x1  }
0x397: {  	v5 =	vadd.s32 v1, v5;
	_ =	sdelay $0x1  }
0x398: {  	v4 =	vperm.xlane v4, v2;
	_ =	sdelay $0x1  }
0x399: {  	v4 =	vadd.s32 v1, v4  }
0x39a: {  	[tilespmem:s13], [sflag:$0x4] =	stream.indirect_vreg.gather [hbm4b:s5+s2], $0x80, v5, vm0, $0xb8;
	[tilespmem:$0x1C800] =	vst v63  }
0x39b: {  	s19 =	simm.s32 $0xD000  }
0x39c: {  	[tilespmem:s19], [sflag:$0x4] =	stream.indirect_vreg.gather [hbm4b:s6+s2], $0x80, v5, vm0, $0xb8;
	[tilespmem:$0x1C800] =	vst v63  }
0x39d: {  	s15 =	simm.s32 $0xD800  }
0x39e: {  	[tilespmem:s15], [sflag:$0x4] =	stream.indirect_vreg.gather [hbm4b:s5+s2], $0x80, v4, vm0, $0xb8;
	[tilespmem:$0x1C800] =	vst v63  }
0x39f: {  	s19 =	simm.s32 $0xE000  }
0x3a0: {  	[tilespmem:s19], [sflag:$0x4] =	stream.indirect_vreg.gather [hbm4b:s6+s2], $0x80, v4, vm0, $0xb8;
	[tilespmem:$0x1C800] =	vst v63  }
0x3a1: {  	v4 =	vld [tilespmem:$0x310];
	_ =	sdelay $0x4  }
0x3a2: {  	v5 =	vshll.u32 v4, $0x2  }
0x3a3: {  	v4 =	vand.u32 $0x7, v4;
	v5 =	vand.u32 $0xFFFFFFE0, v5  }
0x3a4: {  	v4 =	vor.u32 v4, v5  }
0x3a5: {  	v5 =	vperm.xlane v4, v0;
	_ =	sdelay $0x1  }
0x3a6: {  	v5 =	vadd.s32 v1, v5;
	_ =	sdelay $0x1  }
0x3a7: {  	v4 =	vperm.xlane v4, v2;
	_ =	sdelay $0x1  }
0x3a8: {  	s15 =	simm.s32 $0xE800;
	v4 =	vadd.s32 v1, v4  }
0x3a9: {  	[tilespmem:s15], [sflag:$0x4] =	stream.indirect_vreg.gather [hbm4b:s5+s2], $0x80, v5, vm0, $0xb8;
	[tilespmem:$0x1C800] =	vst v63  }
0x3aa: {  	s19 =	simm.s32 $0xF000  }
0x3ab: {  	[tilespmem:s19], [sflag:$0x4] =	stream.indirect_vreg.gather [hbm4b:s6+s2], $0x80, v5, vm0, $0xb8;
	[tilespmem:$0x1C800] =	vst v63  }
0x3ac: {  	s15 =	simm.s32 $0xF800  }
0x3ad: {  	[tilespmem:s15], [sflag:$0x4] =	stream.indirect_vreg.gather [hbm4b:s5+s2], $0x80, v4, vm0, $0xb8;
	[tilespmem:$0x1C800] =	vst v63  }
0x3ae: {  	s19 =	simm.s32 $0x10000  }
0x3af: {  	[tilespmem:s19], [sflag:$0x4] =	stream.indirect_vreg.gather [hbm4b:s6+s2], $0x80, v4, vm0, $0xb8;
	[tilespmem:$0x1C800] =	vst v63  }
0x3b0: {  	_ =	swait.ge [sflag:s25], $0x4000  }
0x3b1: {  	s15 =	simm.s32 $0xC;
	[sflag:s25] =	ssyncset.done $0x0  }
0x3b2: {  	s19 =	simm.s32 $0x10800;
	s0 =	rddreg [dreg:$0x19];
	[sflag:s25] =	ssyncadd.s32 $0xFFFFC000  }
0x3b3: {  	[hbm4b:s0+s2] =	stream.linear.scatter [tilespmem:s19], [sflag:$0xC], $0x4000, $0x38;
	[tilespmem:$0x1C800] =	vst v63  }
0x3b4: {  	_ =	swait.ge [sflag:s15], $0x4000  }
0x3b5: {  	[sflag:s15] =	ssyncset.done $0x0  }
0x3b6: {  	[sflag:s15] =	ssyncadd.s32 $0xFFFFC000  }
0x3b7: {  	v4 =	vld [tilespmem:$0x320];
	_ =	sdelay $0x4  }
0x3b8: {  	v5 =	vshll.u32 v4, $0x2  }
0x3b9: {  	v4 =	vand.u32 $0x7, v4;
	v5 =	vand.u32 $0xFFFFFFE0, v5  }
0x3ba: {  	v4 =	vor.u32 v4, v5  }
0x3bb: {  	v5 =	vperm.xlane v4, v0;
	_ =	sdelay $0x1  }
0x3bc: {  	v5 =	vadd.s32 v1, v5;
	_ =	sdelay $0x1  }
0x3bd: {  	v4 =	vperm.xlane v4, v2;
	_ =	sdelay $0x1  }
0x3be: {  	v4 =	vadd.s32 v1, v4  }
0x3bf: {  	[tilespmem:s19], [sflag:$0x5] =	stream.indirect_vreg.gather [hbm4b:s5+s2], $0x80, v5, vm0, $0xb8;
	[tilespmem:$0x1C800] =	vst v63  }
0x3c0: {  	s9 =	simm.s32 $0x11000  }
0x3c1: {  	[tilespmem:s9], [sflag:$0x5] =	stream.indirect_vreg.gather [hbm4b:s6+s2], $0x80, v5, vm0, $0xb8;
	[tilespmem:$0x1C800] =	vst v63  }
0x3c2: {  	s9 =	simm.s32 $0x11800  }
0x3c3: {  	[tilespmem:s9], [sflag:$0x5] =	stream.indirect_vreg.gather [hbm4b:s5+s2], $0x80, v4, vm0, $0xb8;
	[tilespmem:$0x1C800] =	vst v63  }
0x3c4: {  	s15 =	simm.s32 $0x12000  }
0x3c5: {  	[tilespmem:s15], [sflag:$0x5] =	stream.indirect_vreg.gather [hbm4b:s6+s2], $0x80, v4, vm0, $0xb8;
	[tilespmem:$0x1C800] =	vst v63  }
0x3c6: {  	v4 =	vld [tilespmem:$0x330];
	_ =	sdelay $0x4  }
0x3c7: {  	v5 =	vshll.u32 v4, $0x2  }
0x3c8: {  	v4 =	vand.u32 $0x7, v4;
	v5 =	vand.u32 $0xFFFFFFE0, v5  }
0x3c9: {  	v4 =	vor.u32 v4, v5  }
0x3ca: {  	v5 =	vperm.xlane v4, v0;
	_ =	sdelay $0x1  }
0x3cb: {  	v5 =	vadd.s32 v1, v5;
	_ =	sdelay $0x1  }
0x3cc: {  	v4 =	vperm.xlane v4, v2;
	_ =	sdelay $0x1  }
0x3cd: {  	s19 =	simm.s32 $0x12800;
	v4 =	vadd.s32 v1, v4  }
0x3ce: {  	[tilespmem:s19], [sflag:$0x5] =	stream.indirect_vreg.gather [hbm4b:s5+s2], $0x80, v5, vm0, $0xb8;
	[tilespmem:$0x1C800] =	vst v63  }
0x3cf: {  	s9 =	simm.s32 $0x13000  }
0x3d0: {  	[tilespmem:s9], [sflag:$0x5] =	stream.indirect_vreg.gather [hbm4b:s6+s2], $0x80, v5, vm0, $0xb8;
	[tilespmem:$0x1C800] =	vst v63  }
0x3d1: {  	s15 =	simm.s32 $0x13800  }
0x3d2: {  	[tilespmem:s15], [sflag:$0x5] =	stream.indirect_vreg.gather [hbm4b:s5+s2], $0x80, v4, vm0, $0xb8;
	[tilespmem:$0x1C800] =	vst v63  }
0x3d3: {  	s19 =	simm.s32 $0x14000  }
0x3d4: {  	[tilespmem:s19], [sflag:$0x5] =	stream.indirect_vreg.gather [hbm4b:s6+s2], $0x80, v4, vm0, $0xb8;
	[tilespmem:$0x1C800] =	vst v63  }
0x3d5: {  	_ =	swait.ge [sflag:s28], $0x4000  }
0x3d6: {  	[sflag:s28] =	ssyncset.done $0x0  }
0x3d7: {  	s15 =	simm.s32 $0xD;
	s9 =	rddreg [dreg:$0x1a];
	[sflag:s28] =	ssyncadd.s32 $0xFFFFC000  }
0x3d8: {  	[hbm4b:s9+s2] =	stream.linear.scatter [tilespmem:s29], [sflag:$0xD], $0x4000, $0x38;
	[tilespmem:$0x1C800] =	vst v63  }
0x3d9: {  	_ =	swait.ge [sflag:s15], $0x4000  }
0x3da: {  	[sflag:s15] =	ssyncset.done $0x0  }
0x3db: {  	[sflag:s15] =	ssyncadd.s32 $0xFFFFC000  }
0x3dc: {  	v4 =	vld [tilespmem:$0x340];
	_ =	sdelay $0x4  }
0x3dd: {  	v5 =	vshll.u32 v4, $0x2  }
0x3de: {  	v4 =	vand.u32 $0x7, v4;
	v5 =	vand.u32 $0xFFFFFFE0, v5  }
0x3df: {  	v4 =	vor.u32 v4, v5  }
0x3e0: {  	v5 =	vperm.xlane v4, v0;
	_ =	sdelay $0x1  }
0x3e1: {  	v5 =	vadd.s32 v1, v5;
	_ =	sdelay $0x1  }
0x3e2: {  	v4 =	vperm.xlane v4, v2;
	_ =	sdelay $0x1  }
0x3e3: {  	v4 =	vadd.s32 v1, v4  }
0x3e4: {  	[tilespmem:s29], [sflag:$0x6] =	stream.indirect_vreg.gather [hbm4b:s5+s2], $0x80, v5, vm0, $0xb8;
	[tilespmem:$0x1C800] =	vst v63  }
0x3e5: {  	s19 =	simm.s32 $0x15000  }
0x3e6: {  	[tilespmem:s19], [sflag:$0x6] =	stream.indirect_vreg.gather [hbm4b:s6+s2], $0x80, v5, vm0, $0xb8;
	[tilespmem:$0x1C800] =	vst v63  }
0x3e7: {  	_ = 	snop  }
0x3e8: {  	[tilespmem:s31], [sflag:$0x6] =	stream.indirect_vreg.gather [hbm4b:s5+s2], $0x80, v4, vm0, $0xb8;
	[tilespmem:$0x1C800] =	vst v63  }
0x3e9: {  	s9 =	simm.s32 $0x16000  }
0x3ea: {  	[tilespmem:s9], [sflag:$0x6] =	stream.indirect_vreg.gather [hbm4b:s6+s2], $0x80, v4, vm0, $0xb8;
	[tilespmem:$0x1C800] =	vst v63  }
0x3eb: {  	v4 =	vld [tilespmem:$0x350];
	_ =	sdelay $0x4  }
0x3ec: {  	v5 =	vshll.u32 v4, $0x2  }
0x3ed: {  	v4 =	vand.u32 $0x7, v4;
	v5 =	vand.u32 $0xFFFFFFE0, v5  }
0x3ee: {  	v4 =	vor.u32 v4, v5  }
0x3ef: {  	v5 =	vperm.xlane v4, v0;
	_ =	sdelay $0x1  }
0x3f0: {  	v5 =	vadd.s32 v1, v5;
	_ =	sdelay $0x1  }
0x3f1: {  	v4 =	vperm.xlane v4, v2;
	_ =	sdelay $0x1  }
0x3f2: {  	s15 =	simm.s32 $0x16800;
	v4 =	vadd.s32 v1, v4  }
0x3f3: {  	[tilespmem:s15], [sflag:$0x6] =	stream.indirect_vreg.gather [hbm4b:s5+s2], $0x80, v5, vm0, $0xb8;
	[tilespmem:$0x1C800] =	vst v63  }
0x3f4: {  	s19 =	simm.s32 $0x17000  }
0x3f5: {  	[tilespmem:s19], [sflag:$0x6] =	stream.indirect_vreg.gather [hbm4b:s6+s2], $0x80, v5, vm0, $0xb8;
	[tilespmem:$0x1C800] =	vst v63  }
0x3f6: {  	s9 =	simm.s32 $0x17800  }
0x3f7: {  	[tilespmem:s9], [sflag:$0x6] =	stream.indirect_vreg.gather [hbm4b:s5+s2], $0x80, v4, vm0, $0xb8;
	[tilespmem:$0x1C800] =	vst v63  }
0x3f8: {  	s15 =	simm.s32 $0x18000  }
0x3f9: {  	[tilespmem:s15], [sflag:$0x6] =	stream.indirect_vreg.gather [hbm4b:s6+s2], $0x80, v4, vm0, $0xb8;
	[tilespmem:$0x1C800] =	vst v63  }
0x3fa: {  	_ =	swait.ge [sflag:s26], $0x4000  }
0x3fb: {  	[sflag:s26] =	ssyncset.done $0x0  }
0x3fc: {  	s0 =	simm.s32 $0x18800;
	s19 =	rddreg [dreg:$0x1b];
	[sflag:s26] =	ssyncadd.s32 $0xFFFFC000  }
0x3fd: {  	[hbm4b:s19+s2] =	stream.linear.scatter [tilespmem:s0], [sflag:$0xE], $0x4000, $0x38;
	[tilespmem:$0x1C800] =	vst v63  }
0x3fe: {  	_ =	swait.ge [sflag:s1], $0x4000  }
0x3ff: {  	[sflag:s1] =	ssyncset.done $0x0  }
0x400: {  	[sflag:s1] =	ssyncadd.s32 $0xFFFFC000  }
0x401: {  	v4 =	vld [tilespmem:$0x360];
	_ =	sdelay $0x4  }
0x402: {  	v5 =	vshll.u32 v4, $0x2  }
0x403: {  	v4 =	vand.u32 $0x7, v4;
	v5 =	vand.u32 $0xFFFFFFE0, v5  }
0x404: {  	v4 =	vor.u32 v4, v5  }
0x405: {  	v5 =	vperm.xlane v4, v0;
	_ =	sdelay $0x1  }
0x406: {  	v5 =	vadd.s32 v1, v5;
	_ =	sdelay $0x1  }
0x407: {  	v4 =	vperm.xlane v4, v2;
	_ =	sdelay $0x1  }
0x408: {  	v4 =	vadd.s32 v1, v4  }
0x409: {  	[tilespmem:s0], [sflag:$0x7] =	stream.indirect_vreg.gather [hbm4b:s5+s2], $0x80, v5, vm0, $0xb8;
	[tilespmem:$0x1C800] =	vst v63  }
0x40a: {  	s9 =	simm.s32 $0x19000  }
0x40b: {  	[tilespmem:s9], [sflag:$0x7] =	stream.indirect_vreg.gather [hbm4b:s6+s2], $0x80, v5, vm0, $0xb8;
	[tilespmem:$0x1C800] =	vst v63  }
0x40c: {  	s11 =	simm.s32 $0x19800  }
0x40d: {  	[tilespmem:s11], [sflag:$0x7] =	stream.indirect_vreg.gather [hbm4b:s5+s2], $0x80, v4, vm0, $0xb8;
	[tilespmem:$0x1C800] =	vst v63  }
0x40e: {  	s15 =	simm.s32 $0x1A000  }
0x40f: {  	[tilespmem:s15], [sflag:$0x7] =	stream.indirect_vreg.gather [hbm4b:s6+s2], $0x80, v4, vm0, $0xb8;
	[tilespmem:$0x1C800] =	vst v63  }
0x410: {  	v4 =	vld [tilespmem:$0x370];
	_ =	sdelay $0x4  }
0x411: {  	v5 =	vshll.u32 v4, $0x2  }
0x412: {  	v4 =	vand.u32 $0x7, v4;
	v5 =	vand.u32 $0xFFFFFFE0, v5  }
0x413: {  	v4 =	vor.u32 v4, v5  }
0x414: {  	v5 =	vperm.xlane v4, v0;
	_ =	sdelay $0x1  }
0x415: {  	v5 =	vadd.s32 v1, v5;
	_ =	sdelay $0x1  }
0x416: {  	v4 =	vperm.xlane v4, v2;
	_ =	sdelay $0x1  }
0x417: {  	s14 =	simm.s32 $0x1A800;
	v4 =	vadd.s32 v1, v4  }
0x418: {  	[tilespmem:s14], [sflag:$0x7] =	stream.indirect_vreg.gather [hbm4b:s5+s2], $0x80, v5, vm0, $0xb8;
	[tilespmem:$0x1C800] =	vst v63  }
0x419: {  	s17 =	simm.s32 $0x1B000  }
0x41a: {  	[tilespmem:s17], [sflag:$0x7] =	stream.indirect_vreg.gather [hbm4b:s6+s2], $0x80, v5, vm0, $0xb8;
	[tilespmem:$0x1C800] =	vst v63  }
0x41b: {  	s18 =	simm.s32 $0x1B800  }
0x41c: {  	[tilespmem:s18], [sflag:$0x7] =	stream.indirect_vreg.gather [hbm4b:s5+s2], $0x80, v4, vm0, $0xb8;
	[tilespmem:$0x1C800] =	vst v63  }
0x41d: {  	s17 =	simm.s32 $0x1C000  }
0x41e: {  	[tilespmem:s17], [sflag:$0x7] =	stream.indirect_vreg.gather [hbm4b:s6+s2], $0x80, v4, vm0, $0xb8;
	[tilespmem:$0x1C800] =	vst v63  }
0x41f: {  	_ =	swait.ge [sflag:s12], $0x4000  }
0x420: {  	[sflag:s12] =	ssyncset.done $0x0  }
0x421: {  	s19 =	simm.s32 $0x800;
	s18 =	rddreg [dreg:$0x1c];
	[sflag:s12] =	ssyncadd.s32 $0xFFFFC000  }
0x422: {  	[hbm4b:s18+s2] =	stream.linear.scatter [tilespmem:s19], [sflag:$0x8], $0x4000, $0x38;
	[tilespmem:$0x1C800] =	vst v63  }
0x423: {  	_ =	swait.ge [sflag:s30], $0x4000  }
0x424: {  	[sflag:s30] =	ssyncset.done $0x0  }
0x425: {  	[sflag:s30] =	ssyncadd.s32 $0xFFFFC000  }
0x426: {  	v4 =	vld [tilespmem:$0x380];
	_ =	sdelay $0x4  }
0x427: {  	v5 =	vshll.u32 v4, $0x2  }
0x428: {  	v4 =	vand.u32 $0x7, v4;
	v5 =	vand.u32 $0xFFFFFFE0, v5  }
0x429: {  	v4 =	vor.u32 v4, v5  }
0x42a: {  	v5 =	vperm.xlane v4, v0;
	_ =	sdelay $0x1  }
0x42b: {  	v5 =	vadd.s32 v1, v5;
	_ =	sdelay $0x1  }
0x42c: {  	v4 =	vperm.xlane v4, v2;
	_ =	sdelay $0x1  }
0x42d: {  	v4 =	vadd.s32 v1, v4  }
0x42e: {  	[tilespmem:s19], [sflag:$0x1] =	stream.indirect_vreg.gather [hbm4b:s5+s2], $0x80, v5, vm0, $0xb8;
	[tilespmem:$0x1C800] =	vst v63  }
0x42f: {  	s21 =	simm.s32 $0x1000  }
0x430: {  	[tilespmem:s21], [sflag:$0x1] =	stream.indirect_vreg.gather [hbm4b:s6+s2], $0x80, v5, vm0, $0xb8;
	[tilespmem:$0x1C800] =	vst v63  }
0x431: {  	s22 =	simm.s32 $0x1800  }
0x432: {  	[tilespmem:s22], [sflag:$0x1] =	stream.indirect_vreg.gather [hbm4b:s5+s2], $0x80, v4, vm0, $0xb8;
	[tilespmem:$0x1C800] =	vst v63  }
0x433: {  	s22 =	simm.s32 $0x2000  }
0x434: {  	[tilespmem:s22], [sflag:$0x1] =	stream.indirect_vreg.gather [hbm4b:s6+s2], $0x80, v4, vm0, $0xb8;
	[tilespmem:$0x1C800] =	vst v63  }
0x435: {  	v4 =	vld [tilespmem:$0x390];
	_ =	sdelay $0x4  }
0x436: {  	v5 =	vshll.u32 v4, $0x2  }
0x437: {  	v4 =	vand.u32 $0x7, v4;
	v5 =	vand.u32 $0xFFFFFFE0, v5  }
0x438: {  	v4 =	vor.u32 v4, v5  }
0x439: {  	v5 =	vperm.xlane v4, v0;
	_ =	sdelay $0x1  }
0x43a: {  	v5 =	vadd.s32 v1, v5;
	_ =	sdelay $0x1  }
0x43b: {  	v4 =	vperm.xlane v4, v2;
	_ =	sdelay $0x1  }
0x43c: {  	s18 =	simm.s32 $0x2800;
	v4 =	vadd.s32 v1, v4  }
0x43d: {  	[tilespmem:s18], [sflag:$0x1] =	stream.indirect_vreg.gather [hbm4b:s5+s2], $0x80, v5, vm0, $0xb8;
	[tilespmem:$0x1C800] =	vst v63  }
0x43e: {  	_ = 	snop  }
0x43f: {  	[tilespmem:s20], [sflag:$0x1] =	stream.indirect_vreg.gather [hbm4b:s6+s2], $0x80, v5, vm0, $0xb8;
	[tilespmem:$0x1C800] =	vst v63  }
0x440: {  	s23 =	simm.s32 $0x3800  }
0x441: {  	[tilespmem:s23], [sflag:$0x1] =	stream.indirect_vreg.gather [hbm4b:s5+s2], $0x80, v4, vm0, $0xb8;
	[tilespmem:$0x1C800] =	vst v63  }
0x442: {  	s11 =	simm.s32 $0x4000  }
0x443: {  	[tilespmem:s11], [sflag:$0x1] =	stream.indirect_vreg.gather [hbm4b:s6+s2], $0x80, v4, vm0, $0xb8;
	[tilespmem:$0x1C800] =	vst v63  }
0x444: {  	_ =	swait.ge [sflag:s4], $0x4000  }
0x445: {  	[sflag:s4] =	ssyncset.done $0x0  }
0x446: {  	s17 =	simm.s32 $0x4800;
	s14 =	rddreg [dreg:$0x1d];
	[sflag:s4] =	ssyncadd.s32 $0xFFFFC000  }
0x447: {  	[hbm4b:s14+s2] =	stream.linear.scatter [tilespmem:s17], [sflag:$0x9], $0x4000, $0x38;
	[tilespmem:$0x1C800] =	vst v63  }
0x448: {  	_ =	swait.ge [sflag:s7], $0x4000  }
0x449: {  	[sflag:s7] =	ssyncset.done $0x0  }
0x44a: {  	[sflag:s7] =	ssyncadd.s32 $0xFFFFC000  }
0x44b: {  	v4 =	vld [tilespmem:$0x3A0];
	_ =	sdelay $0x4  }
0x44c: {  	v5 =	vshll.u32 v4, $0x2  }
0x44d: {  	v4 =	vand.u32 $0x7, v4;
	v5 =	vand.u32 $0xFFFFFFE0, v5  }
0x44e: {  	v4 =	vor.u32 v4, v5  }
0x44f: {  	v5 =	vperm.xlane v4, v0;
	_ =	sdelay $0x1  }
0x450: {  	v5 =	vadd.s32 v1, v5;
	_ =	sdelay $0x1  }
0x451: {  	v4 =	vperm.xlane v4, v2;
	_ =	sdelay $0x1  }
0x452: {  	v4 =	vadd.s32 v1, v4  }
0x453: {  	[tilespmem:s17], [sflag:$0x2] =	stream.indirect_vreg.gather [hbm4b:s5+s2], $0x80, v5, vm0, $0xb8;
	[tilespmem:$0x1C800] =	vst v63  }
0x454: {  	s19 =	simm.s32 $0x5000  }
0x455: {  	[tilespmem:s19], [sflag:$0x2] =	stream.indirect_vreg.gather [hbm4b:s6+s2], $0x80, v5, vm0, $0xb8;
	[tilespmem:$0x1C800] =	vst v63  }
0x456: {  	s20 =	simm.s32 $0x5800  }
0x457: {  	[tilespmem:s20], [sflag:$0x2] =	stream.indirect_vreg.gather [hbm4b:s5+s2], $0x80, v4, vm0, $0xb8;
	[tilespmem:$0x1C800] =	vst v63  }
0x458: {  	s21 =	simm.s32 $0x6000  }
0x459: {  	[tilespmem:s21], [sflag:$0x2] =	stream.indirect_vreg.gather [hbm4b:s6+s2], $0x80, v4, vm0, $0xb8;
	[tilespmem:$0x1C800] =	vst v63  }
0x45a: {  	v4 =	vld [tilespmem:$0x3B0];
	_ =	sdelay $0x4  }
0x45b: {  	v5 =	vshll.u32 v4, $0x2  }
0x45c: {  	v4 =	vand.u32 $0x7, v4;
	v5 =	vand.u32 $0xFFFFFFE0, v5  }
0x45d: {  	v4 =	vor.u32 v4, v5  }
0x45e: {  	v5 =	vperm.xlane v4, v0;
	_ =	sdelay $0x1  }
0x45f: {  	v5 =	vadd.s32 v1, v5;
	_ =	sdelay $0x1  }
0x460: {  	v4 =	vperm.xlane v4, v2;
	_ =	sdelay $0x1  }
0x461: {  	s22 =	simm.s32 $0x6800;
	v4 =	vadd.s32 v1, v4  }
0x462: {  	[tilespmem:s22], [sflag:$0x2] =	stream.indirect_vreg.gather [hbm4b:s5+s2], $0x80, v5, vm0, $0xb8;
	[tilespmem:$0x1C800] =	vst v63  }
0x463: {  	s23 =	simm.s32 $0x7000  }
0x464: {  	[tilespmem:s23], [sflag:$0x2] =	stream.indirect_vreg.gather [hbm4b:s6+s2], $0x80, v5, vm0, $0xb8;
	[tilespmem:$0x1C800] =	vst v63  }
0x465: {  	s14 =	simm.s32 $0x7800  }
0x466: {  	[tilespmem:s14], [sflag:$0x2] =	stream.indirect_vreg.gather [hbm4b:s5+s2], $0x80, v4, vm0, $0xb8;
	[tilespmem:$0x1C800] =	vst v63  }
0x467: {  	s15 =	simm.s32 $0x8000  }
0x468: {  	[tilespmem:s15], [sflag:$0x2] =	stream.indirect_vreg.gather [hbm4b:s6+s2], $0x80, v4, vm0, $0xb8;
	[tilespmem:$0x1C800] =	vst v63  }
0x469: {  	_ =	swait.ge [sflag:s8], $0x4000  }
0x46a: {  	[sflag:s8] =	ssyncset.done $0x0  }
0x46b: {  	s16 =	simm.s32 $0x8800;
	s17 =	rddreg [dreg:$0x1e];
	[sflag:s8] =	ssyncadd.s32 $0xFFFFC000  }
0x46c: {  	[hbm4b:s17+s2] =	stream.linear.scatter [tilespmem:s16], [sflag:$0xA], $0x4000, $0x38;
	[tilespmem:$0x1C800] =	vst v63  }
0x46d: {  	_ =	swait.ge [sflag:s10], $0x4000  }
0x46e: {  	[sflag:s10] =	ssyncset.done $0x0  }
0x46f: {  	[sflag:s10] =	ssyncadd.s32 $0xFFFFC000  }
0x470: {  	v4 =	vld [tilespmem:$0x3C0];
	_ =	sdelay $0x4  }
0x471: {  	v5 =	vshll.u32 v4, $0x2  }
0x472: {  	v4 =	vand.u32 $0x7, v4;
	v5 =	vand.u32 $0xFFFFFFE0, v5  }
0x473: {  	v4 =	vor.u32 v4, v5  }
0x474: {  	v5 =	vperm.xlane v4, v0;
	_ =	sdelay $0x1  }
0x475: {  	v5 =	vadd.s32 v1, v5;
	_ =	sdelay $0x1  }
0x476: {  	v4 =	vperm.xlane v4, v2;
	_ =	sdelay $0x1  }
0x477: {  	v4 =	vadd.s32 v1, v4  }
0x478: {  	[tilespmem:s16], [sflag:$0x3] =	stream.indirect_vreg.gather [hbm4b:s5+s2], $0x80, v5, vm0, $0xb8;
	[tilespmem:$0x1C800] =	vst v63  }
0x479: {  	s19 =	simm.s32 $0x9000  }
0x47a: {  	[tilespmem:s19], [sflag:$0x3] =	stream.indirect_vreg.gather [hbm4b:s6+s2], $0x80, v5, vm0, $0xb8;
	[tilespmem:$0x1C800] =	vst v63  }
0x47b: {  	s20 =	simm.s32 $0x9800  }
0x47c: {  	[tilespmem:s20], [sflag:$0x3] =	stream.indirect_vreg.gather [hbm4b:s5+s2], $0x80, v4, vm0, $0xb8;
	[tilespmem:$0x1C800] =	vst v63  }
0x47d: {  	s21 =	simm.s32 $0xA000  }
0x47e: {  	[tilespmem:s21], [sflag:$0x3] =	stream.indirect_vreg.gather [hbm4b:s6+s2], $0x80, v4, vm0, $0xb8;
	[tilespmem:$0x1C800] =	vst v63  }
0x47f: {  	v4 =	vld [tilespmem:$0x3D0];
	_ =	sdelay $0x4  }
0x480: {  	v5 =	vshll.u32 v4, $0x2  }
0x481: {  	v4 =	vand.u32 $0x7, v4;
	v5 =	vand.u32 $0xFFFFFFE0, v5  }
0x482: {  	v4 =	vor.u32 v4, v5  }
0x483: {  	v5 =	vperm.xlane v4, v0;
	_ =	sdelay $0x1  }
0x484: {  	v5 =	vadd.s32 v1, v5;
	_ =	sdelay $0x1  }
0x485: {  	v4 =	vperm.xlane v4, v2;
	_ =	sdelay $0x1  }
0x486: {  	s22 =	simm.s32 $0xA800;
	v4 =	vadd.s32 v1, v4  }
0x487: {  	[tilespmem:s22], [sflag:$0x3] =	stream.indirect_vreg.gather [hbm4b:s5+s2], $0x80, v5, vm0, $0xb8;
	[tilespmem:$0x1C800] =	vst v63  }
0x488: {  	s23 =	simm.s32 $0xB000  }
0x489: {  	[tilespmem:s23], [sflag:$0x3] =	stream.indirect_vreg.gather [hbm4b:s6+s2], $0x80, v5, vm0, $0xb8;
	[tilespmem:$0x1C800] =	vst v63  }
0x48a: {  	s14 =	simm.s32 $0xB800  }
0x48b: {  	[tilespmem:s14], [sflag:$0x3] =	stream.indirect_vreg.gather [hbm4b:s5+s2], $0x80, v4, vm0, $0xb8;
	[tilespmem:$0x1C800] =	vst v63  }
0x48c: {  	s15 =	simm.s32 $0xC000  }
0x48d: {  	[tilespmem:s15], [sflag:$0x3] =	stream.indirect_vreg.gather [hbm4b:s6+s2], $0x80, v4, vm0, $0xb8;
	[tilespmem:$0x1C800] =	vst v63  }
0x48e: {  	_ =	swait.ge [sflag:s3], $0x4000  }
0x48f: {  	[sflag:s3] =	ssyncset.done $0x0  }
0x490: {  	s13 =	simm.s32 $0xC800;
	s17 =	rddreg [dreg:$0x1f];
	[sflag:s3] =	ssyncadd.s32 $0xFFFFC000  }
0x491: {  	[hbm4b:s17+s2] =	stream.linear.scatter [tilespmem:s13], [sflag:$0xB], $0x4000, $0x38;
	[tilespmem:$0x1C800] =	vst v63  }
0x492: {  	_ =	swait.ge [sflag:s24], $0x4000  }
0x493: {  	[sflag:s24] =	ssyncset.done $0x0  }
0x494: {  	[sflag:s24] =	ssyncadd.s32 $0xFFFFC000  }
0x495: {  	v4 =	vld [tilespmem:$0x3E0];
	_ =	sdelay $0x4  }
0x496: {  	v5 =	vshll.u32 v4, $0x2  }
0x497: {  	v4 =	vand.u32 $0x7, v4;
	v5 =	vand.u32 $0xFFFFFFE0, v5  }
0x498: {  	v4 =	vor.u32 v4, v5  }
0x499: {  	v5 =	vperm.xlane v4, v0;
	_ =	sdelay $0x1  }
0x49a: {  	v5 =	vadd.s32 v1, v5;
	_ =	sdelay $0x1  }
0x49b: {  	v4 =	vperm.xlane v4, v2;
	_ =	sdelay $0x1  }
0x49c: {  	v4 =	vadd.s32 v1, v4  }
0x49d: {  	[tilespmem:s13], [sflag:$0x4] =	stream.indirect_vreg.gather [hbm4b:s5+s2], $0x80, v5, vm0, $0xb8;
	[tilespmem:$0x1C800] =	vst v63  }
0x49e: {  	s19 =	simm.s32 $0xD000  }
0x49f: {  	[tilespmem:s19], [sflag:$0x4] =	stream.indirect_vreg.gather [hbm4b:s6+s2], $0x80, v5, vm0, $0xb8;
	[tilespmem:$0x1C800] =	vst v63  }
0x4a0: {  	s20 =	simm.s32 $0xD800  }
0x4a1: {  	[tilespmem:s20], [sflag:$0x4] =	stream.indirect_vreg.gather [hbm4b:s5+s2], $0x80, v4, vm0, $0xb8;
	[tilespmem:$0x1C800] =	vst v63  }
0x4a2: {  	s21 =	simm.s32 $0xE000  }
0x4a3: {  	[tilespmem:s21], [sflag:$0x4] =	stream.indirect_vreg.gather [hbm4b:s6+s2], $0x80, v4, vm0, $0xb8;
	[tilespmem:$0x1C800] =	vst v63  }
0x4a4: {  	v4 =	vld [tilespmem:$0x3F0];
	_ =	sdelay $0x4  }
0x4a5: {  	v5 =	vshll.u32 v4, $0x2  }
0x4a6: {  	v4 =	vand.u32 $0x7, v4;
	v5 =	vand.u32 $0xFFFFFFE0, v5  }
0x4a7: {  	v4 =	vor.u32 v4, v5  }
0x4a8: {  	v5 =	vperm.xlane v4, v0;
	_ =	sdelay $0x1  }
0x4a9: {  	v5 =	vadd.s32 v1, v5;
	_ =	sdelay $0x1  }
0x4aa: {  	v4 =	vperm.xlane v4, v2;
	_ =	sdelay $0x1  }
0x4ab: {  	s22 =	simm.s32 $0xE800;
	v4 =	vadd.s32 v1, v4  }
0x4ac: {  	[tilespmem:s22], [sflag:$0x4] =	stream.indirect_vreg.gather [hbm4b:s5+s2], $0x80, v5, vm0, $0xb8;
	[tilespmem:$0x1C800] =	vst v63  }
0x4ad: {  	s23 =	simm.s32 $0xF000  }
0x4ae: {  	[tilespmem:s23], [sflag:$0x4] =	stream.indirect_vreg.gather [hbm4b:s6+s2], $0x80, v5, vm0, $0xb8;
	[tilespmem:$0x1C800] =	vst v63  }
0x4af: {  	s19 =	simm.s32 $0xF800  }
0x4b0: {  	[tilespmem:s19], [sflag:$0x4] =	stream.indirect_vreg.gather [hbm4b:s5+s2], $0x80, v4, vm0, $0xb8;
	[tilespmem:$0x1C800] =	vst v63  }
0x4b1: {  	s31 =	simm.s32 $0x10000  }
0x4b2: {  	[tilespmem:s31], [sflag:$0x4] =	stream.indirect_vreg.gather [hbm4b:s6+s2], $0x80, v4, vm0, $0xb8;
	[tilespmem:$0x1C800] =	vst v63  }
0x4b3: {  	_ =	swait.ge [sflag:s25], $0x4000  }
0x4b4: {  	s6 =	sld [smem:$0x7F7]  }
0x4b5: {  	[sflag:s25] =	ssyncset.done $0x0  }
0x4b6: {  	s19 =	simm.s32 $0x10800;
	[sflag:s25] =	ssyncadd.s32 $0xFFFFC000  }
0x4b7: {  	[hbm4b:s6+s2] =	stream.linear.scatter [tilespmem:s19], [sflag:$0xC], $0x4000, $0x38;
	[tilespmem:$0x1C800] =	vst v63  }
0x4b8: {  	_ =	swait.ge [sflag:s28], $0x4000  }
0x4b9: {  	s19 =	sld [smem:$0x7F8]  }
0x4ba: {  	[sflag:s28] =	ssyncset.done $0x0  }
0x4bb: {  	[sflag:s28] =	ssyncadd.s32 $0xFFFFC000  }
0x4bc: {  	[hbm4b:s19+s2] =	stream.linear.scatter [tilespmem:s29], [sflag:$0xD], $0x4000, $0x38;
	[tilespmem:$0x1C800] =	vst v63  }
0x4bd: {  	_ =	swait.ge [sflag:s26], $0x4000  }
0x4be: {  	s6 =	sld [smem:$0x7F9]  }
0x4bf: {  	[sflag:s26] =	ssyncset.done $0x0  }
0x4c0: {  	s19 =	simm.s32 $0x18800;
	[sflag:s26] =	ssyncadd.s32 $0xFFFFC000  }
0x4c1: {  	[hbm4b:s6+s2] =	stream.linear.scatter [tilespmem:s19], [sflag:$0xE], $0x4000, $0x38;
	[tilespmem:$0x1C800] =	vst v63  }
0x4c2: {  	_ =	swait.ge [sflag:s12], $0x4000  }
0x4c3: {  	s6 =	sld [smem:$0x7FA]  }
0x4c4: {  	[sflag:s12] =	ssyncset.done $0x0  }
0x4c5: {  	s9 =	simm.s32 $0x800;
	[sflag:s12] =	ssyncadd.s32 $0xFFFFC000  }
0x4c6: {  	[hbm4b:s6+s2] =	stream.linear.scatter [tilespmem:s9], [sflag:$0x8], $0x4000, $0x38;
	[tilespmem:$0x1C800] =	vst v63  }
0x4c7: {  	_ =	swait.ge [sflag:s4], $0x4000  }
0x4c8: {  	s6 =	sld [smem:$0x7FB]  }
0x4c9: {  	[sflag:s4] =	ssyncset.done $0x0  }
0x4ca: {  	s0 =	simm.s32 $0x4800;
	[sflag:s4] =	ssyncadd.s32 $0xFFFFC000  }
0x4cb: {  	[hbm4b:s6+s2] =	stream.linear.scatter [tilespmem:s0], [sflag:$0x9], $0x4000, $0x38;
	[tilespmem:$0x1C800] =	vst v63  }
0x4cc: {  	_ =	swait.ge [sflag:s8], $0x4000  }
0x4cd: {  	s0 =	sld [smem:$0x7FC]  }
0x4ce: {  	[sflag:s8] =	ssyncset.done $0x0  }
0x4cf: {  	[sflag:s8] =	ssyncadd.s32 $0xFFFFC000  }
0x4d0: {  	[hbm4b:s0+s2] =	stream.linear.scatter [tilespmem:s16], [sflag:$0xA], $0x4000, $0x38;
	[tilespmem:$0x1C800] =	vst v63  }
0x4d1: {  	_ =	swait.ge [sflag:s3], $0x4000  }
0x4d2: {  	[sflag:s3] =	ssyncset.done $0x0  }
0x4d3: {  	[sflag:s3] =	ssyncadd.s32 $0xFFFFC000;
	s3 =	sld [smem:$0x7FD];
	_ =	sdelay $0x2  }
0x4d4: {  	[hbm4b:s3+s2] =	stream.linear.scatter [tilespmem:s13], [sflag:$0xB], $0x4000, $0x38;
	[tilespmem:$0x1C800] =	vst v63  }
0x4d5: {  	s0 =	simm.s32 $0x400;
	s13 =	rddreg [dreg:$0x17]  }
0x4d6: {  	[hbm4b:s13+s2] =	stream.linear.scatter [tilespmem:s0], [sflag:$0xF], $0x400, $0x38;
	[tilespmem:$0x1C800] =	vst v63  }
0x4d7: {  	s13 =	simm.s32 $0xF  }
0x4d8: {  	_ =	swait.ge [sflag:s13], $0x400  }
0x4d9: {  	[sflag:s13] =	ssyncset.done $0x0  }
0x4da: {  	[sflag:s13] =	ssyncadd.s32 $0xFFFFFC00  }
0x4db: {  	_ =	swait.ge [sflag:s30], $0x4000  }
0x4dc: {  	[sflag:s30] =	ssyncset.done $0x0  }
0x4dd: {  	[sflag:s30] =	ssyncadd.s32 $0xFFFFC000  }
0x4de: {  	_ =	swait.ge [sflag:s7], $0x4000  }
0x4df: {  	[sflag:s7] =	ssyncset.done $0x0  }
0x4e0: {  	[sflag:s7] =	ssyncadd.s32 $0xFFFFC000  }
0x4e1: {  	_ =	swait.ge [sflag:s10], $0x4000  }
0x4e2: {  	[sflag:s10] =	ssyncset.done $0x0  }
0x4e3: {  	[sflag:s10] =	ssyncadd.s32 $0xFFFFC000  }
0x4e4: {  	_ =	swait.ge [sflag:s24], $0x4000  }
0x4e5: {  	[sflag:s24] =	ssyncset.done $0x0  }
0x4e6: {  	s6 =	simm.s32 $0xC;
	[sflag:s24] =	ssyncadd.s32 $0xFFFFC000  }
0x4e7: {  	_ =	swait.ge [sflag:s6], $0x4000  }
0x4e8: {  	[sflag:s6] =	ssyncset.done $0x0  }
0x4e9: {  	[sflag:s6] =	ssyncadd.s32 $0xFFFFC000;
	s6 =	simm.s32 $0xD  }
0x4ea: {  	_ =	swait.ge [sflag:s6], $0x4000  }
0x4eb: {  	[sflag:s6] =	ssyncset.done $0x0  }
0x4ec: {  	[sflag:s6] =	ssyncadd.s32 $0xFFFFC000  }
0x4ed: {  	s11 =	simm.s32 $0xD800;
	s14 =	simm.s32 $0xD000;
	_ =	swait.ge [sflag:s1], $0x4000  }
0x4ee: {  	s15 =	simm.s32 $0x2000;
	s17 =	simm.s32 $0xE000;
	s6 =	sld [smem:$0x7F6]  }
0x4ef: {  	s20 =	simm.s32 $0xE800;
	s21 =	simm.s32 $0xF000;
	s22 =	simm.s32 $0x10000  }
0x4f0: {  	s23 =	simm.s32 $0xF800;
	s31 =	simm.s32 $0x10800;
	s25 =	simm.s32 $0x6800  }
0x4f1: {  	s28 =	simm.s32 $0x7800;
	s0 =	sadd.s32 $0x1, s6;
	s6 =	rddreg [dreg:$0x18]  }
0x4f2: {  	s29 =	simm.s32 $0x8800;
	s26 =	simm.s32 $0x7000;
	p0 =	sne.s32 s0, s6  }
.Ltmp1:
0x4f3: {  	s19 =	simm.s32 $0x800;
	s12 =	simm.s32 $0xA000;
	(pc) =	sbr.rel @p0 .LBB2_1-.Ltmp1, $4  }
0x4f4: {  	s9 =	simm.s32 $0x4800;
	s4 =	simm.s32 $0x3800;
	s8 =	simm.s32 $0x5000  }
0x4f5: {  	s16 =	simm.s32 $0xC800;
	s3 =	simm.s32 $0x1800;
	s30 =	simm.s32 $0x8000  }
0x4f6: {  	s7 =	simm.s32 $0x4000;
	s10 =	simm.s32 $0x5800;
	[sflag:s1] =	ssyncset.done $0x0  }
0x4f7: {  	s24 =	simm.s32 $0x6000;
	[sflag:s1] =	ssyncadd.s32 $0xFFFFC000;
	s1 =	simm.s32 $0x1000  }
0x4f8: {  	_ =	sfence.sel $0x180000  }
0x4f9: {  	[bflag:$0x0] =	sbarrier.arrive $0xFFFF  }
0x4fa: {  	_ =	strace $0x90000047  }
0x4fb: {  	s0 =	stileid.u32;
	[bflag:$0x2] =	sbarrier.arrive $0xFFFF  }
0x4fc: {  	p0 =	sne.s32 s0, $0x0;
	s0 =	rddreg [dreg:$0x3]  }
0x4fd: {  	s0 =	sadd.s32 @!p0 $0x100000, s0  }
0x4fe: {  	[sflag:s0] =	ssyncadd.tile.s32 @!p0 $0x1;
	_ =	shalt  }
.Lfunc_end2:
_tile_overlayer_lowered:
.L_overlay_start_2:
0x4ff: {  	(tag) =	ssettag $0x2  }
0x500: {  	s0 =	rddreg [dreg:$0x0];
	s2 =	stileid.u32  }
0x501: {  	s1 =	rddreg [dreg:$0x1];
	p0 =	sne.s32 s2, $0x0  }
0x502: {  	s3 =	rddreg [dreg:$0x2];
	[bflag:$0x3] =	sbarrier.arrive $0xFFFF;
	s2 =	simm.s32 @!p0 $0x1C0F  }
0x503: {  	[timem:s3], [sflag:s2] =	dma.local @!p0 [hbm:s0], s1  }
0x504: {  	s0 =	simm.s32 @!p0 $0xF  }
0x505: {  	_ =	swait.ge @!p0 [sflag:s0], s1  }
0x506: {  	s1 =	ssub.s32 @!p0 $0x0, s1;
	[sflag:s0] =	ssyncset.done @!p0 $0x0  }
0x507: {  	[sflag:s0] =	ssyncadd.s32 @!p0 s1  }
0x508: {  	[bflag:$0x3] =	sbarrier.arrive $0xFFFF  }
0x509: {  	_ =	shalt  }

</sc_bundles>
